<compile_context>
chip_gen: v7x
topology: tpu7x:2x2x1
jax: 0.10.2.dev20260603
libtpu: 0.0.44.dev20260713+nightly
codegen_flags: <defaults>
</compile_context>

<pallas_src>
import functools

import jax
import jax.numpy as jnp
from jax import lax
from jax.experimental import pallas as pl
from jax.experimental.pallas import tpu as pltpu
from jax.experimental.pallas import tpu_sc as plsc

N_ATOMS = 1024
R_MAX2 = 100.0


_PB = N_ATOMS
_PI = 256
_PS = 512
_PBB = 256
_OFF_B0 = 0
_OFF_B1 = _OFF_B0 + _PB
_OFF_BT = _OFF_B1 + _PB
_OFF_A0 = _OFF_BT + _PB
_OFF_A1 = _OFF_A0 + _PB
_OFF_A2 = _OFF_A1 + _PB
_OFF_AT = _OFF_A2 + _PB
_OFF_I0 = _OFF_AT + _PB
_OFF_I1 = _OFF_I0 + _PI
_OFF_I2 = _OFF_I1 + _PI
_OFF_I3 = _OFF_I2 + _PI
_OFF_IT = _OFF_I3 + _PI
_OFF_S0 = _OFF_IT + _PI
_OFF_S1 = _OFF_S0 + _PS
_OFF_S2 = _OFF_S1 + _PS
_OFF_S3 = _OFF_S2 + _PS
_OFF_G0 = _OFF_S3 + _PS
_OFF_G1 = _OFF_G0 + _PBB
_OFF_G2 = _OFF_G1 + _PBB
_OFF_G3 = _OFF_G2 + _PBB
_IDX_LEN = _OFF_G3 + _PBB

_OFF_TBK = 0
_OFF_TBE = 16
_OFF_TAK = 32
_OFF_TAE = 48
_OFF_TDK = 64
_OFF_TDE = 80
_OFF_SC = 96
_OFF_SP = _OFF_SC + _PS
_OFF_SM = _OFF_SP + _PS
_OFF_GC = _OFF_SM + _PS
_OFF_GP = _OFF_GC + _PBB
_OFF_GM = _OFF_GP + _PBB
_FLT_LEN = _OFF_GM + _PBB

_PI_F = 3.14159265358979323846


def _rsqrt16(s):
    s = jnp.maximum(s, 1e-30)
    i = lax.bitcast_convert_type(s, jnp.int32)
    i = 0x5F3759DF - lax.shift_right_logical(i, 1)
    y = lax.bitcast_convert_type(i, jnp.float32)
    for _ in range(3):
        y = y * (1.5 - 0.5 * s * y * y)
    return y


def _sqrt16(s):
    return s * _rsqrt16(s)


def _atan16(a):
    s = a * a
    p = jnp.float32(0.0028662257)
    p = p * s + jnp.float32(-0.0161657367)
    p = p * s + jnp.float32(0.0429096138)
    p = p * s + jnp.float32(-0.0752896400)
    p = p * s + jnp.float32(0.1065626393)
    p = p * s + jnp.float32(-0.1420889944)
    p = p * s + jnp.float32(0.1999355085)
    p = p * s + jnp.float32(-0.3333314528)
    p = p * s + jnp.float32(1.0)
    return a * p


def _atan2_16(y, x):
    ax = jnp.abs(x)
    ay = jnp.abs(y)
    mx = jnp.maximum(ax, ay)
    mn = jnp.minimum(ax, ay)
    a = mn / jnp.maximum(mx, 1e-30)
    r = _atan16(a)
    r = jnp.where(ay > ax, _PI_F / 2.0 - r, r)
    r = jnp.where(x < 0.0, _PI_F - r, r)
    return jnp.where(y < 0.0, -r, r)


def _cos16(t):
    q = t * jnp.float32(1.0 / (2.0 * _PI_F))
    q = q + jnp.where(q >= 0.0, 0.5, -0.5)
    k = q.astype(jnp.int32).astype(jnp.float32)
    t = t - k * jnp.float32(2.0 * _PI_F)
    s = t * t
    p = jnp.float32(1.0 / 479001600.0)
    p = p * s + jnp.float32(-1.0 / 3628800.0)
    p = p * s + jnp.float32(1.0 / 40320.0)
    p = p * s + jnp.float32(-1.0 / 720.0)
    p = p * s + jnp.float32(1.0 / 24.0)
    p = p * s + jnp.float32(-0.5)
    p = p * s + jnp.float32(1.0)
    return p


def _gather3(pos_v, idx):
    base = idx * 3
    return (plsc.load_gather(pos_v, [base]),
            plsc.load_gather(pos_v, [base + 1]),
            plsc.load_gather(pos_v, [base + 2]))


def _dih16(p0, p1, p2, p3):
    b0 = tuple(p0[c] - p1[c] for c in range(3))
    b1 = tuple(p2[c] - p1[c] for c in range(3))
    b2 = tuple(p3[c] - p2[c] for c in range(3))
    s1 = b1[0] * b1[0] + b1[1] * b1[1] + b1[2] * b1[2]
    n1 = _sqrt16(s1)
    m = 1.0 / (n1 + 1e-9)
    b1n = tuple(b1[c] * m for c in range(3))
    d0 = b0[0] * b1n[0] + b0[1] * b1n[1] + b0[2] * b1n[2]
    d2 = b2[0] * b1n[0] + b2[1] * b1n[1] + b2[2] * b1n[2]
    v = tuple(b0[c] - d0 * b1n[c] for c in range(3))
    w = tuple(b2[c] - d2 * b1n[c] for c in range(3))
    xx = v[0] * w[0] + v[1] * w[1] + v[2] * w[2]
    c0 = b1n[1] * v[2] - b1n[2] * v[1]
    c1 = b1n[2] * v[0] - b1n[0] * v[2]
    c2 = b1n[0] * v[1] - b1n[1] * v[0]
    yy = c0 * w[0] + c1 * w[1] + c2 * w[2]
    return _atan2_16(yy, xx)


def _sc_body(pos_hbm, idx_hbm, flt_hbm, out_hbm, pos_v, idx_v, flt_v, acc_v):
    nc = 2
    wid = lax.axis_index("s") * nc + lax.axis_index("c")
    frame = wid // 2
    half = wid % 2
    pltpu.sync_copy(pos_hbm.at[frame], pos_v)
    pltpu.sync_copy(idx_hbm, idx_v)
    pltpu.sync_copy(flt_hbm, flt_v)
    iota = lax.iota(jnp.int32, 16)

    def bonds(i, acc):
        t = half * (_PB // 2) + i * 16 + iota
        ia = plsc.load_gather(idx_v, [t + _OFF_B0])
        ib = plsc.load_gather(idx_v, [t + _OFF_B1])
        ty = plsc.load_gather(idx_v, [t + _OFF_BT])
        k = plsc.load_gather(flt_v, [ty + _OFF_TBK])
        e = plsc.load_gather(flt_v, [ty + _OFF_TBE])
        pa = _gather3(pos_v, ia)
        pb = _gather3(pos_v, ib)
        dx, dy, dz = (pa[c] - pb[c] for c in range(3))
        d = _sqrt16(dx * dx + dy * dy + dz * dz)
        return acc + 0.5 * k * (d - e) * (d - e)

    def angles(i, acc):
        t = half * (_PB // 2) + i * 16 + iota
        i0 = plsc.load_gather(idx_v, [t + _OFF_A0])
        i1 = plsc.load_gather(idx_v, [t + _OFF_A1])
        i2 = plsc.load_gather(idx_v, [t + _OFF_A2])
        ty = plsc.load_gather(idx_v, [t + _OFF_AT])
        k = plsc.load_gather(flt_v, [ty + _OFF_TAK])
        e = plsc.load_gather(flt_v, [ty + _OFF_TAE])
        p0 = _gather3(pos_v, i0)
        p1 = _gather3(pos_v, i1)
        p2 = _gather3(pos_v, i2)
        v1 = tuple(p0[c] - p1[c] for c in range(3))
        v2 = tuple(p2[c] - p1[c] for c in range(3))
        s1 = v1[0] * v1[0] + v1[1] * v1[1] + v1[2] * v1[2]
        s2 = v2[0] * v2[0] + v2[1] * v2[1] + v2[2] * v2[2]
        n1 = _sqrt16(s1) + 1e-9
        n2 = _sqrt16(s2) + 1e-9
        dot = v1[0] * v2[0] + v1[1] * v2[1] + v1[2] * v2[2]
        c = jnp.clip(dot / (n1 * n2), -1.0 + 1e-7, 1.0 - 1e-7)
        ang = _atan2_16(_sqrt16((1.0 - c) * (1.0 + c)), c)
        return acc + 0.5 * k * (ang - e) * (ang - e)

    def improper(i, acc):
        t = half * (_PI // 2) + i * 16 + iota
        p0 = _gather3(pos_v, plsc.load_gather(idx_v, [t + _OFF_I0]))
        p1 = _gather3(pos_v, plsc.load_gather(idx_v, [t + _OFF_I1]))
        p2 = _gather3(pos_v, plsc.load_gather(idx_v, [t + _OFF_I2]))
        p3 = _gather3(pos_v, plsc.load_gather(idx_v, [t + _OFF_I3]))
        ty = plsc.load_gather(idx_v, [t + _OFF_IT])
        k = plsc.load_gather(flt_v, [ty + _OFF_TDK])
        e = plsc.load_gather(flt_v, [ty + _OFF_TDE])
        phi = _dih16(p0, p1, p2, p3)
        return acc + 0.5 * k * (phi - e) * (phi - e)

    def sbbs(i, acc):
        t = half * (_PS // 2) + i * 16 + iota
        p0 = _gather3(pos_v, plsc.load_gather(idx_v, [t + _OFF_S0]))
        p1 = _gather3(pos_v, plsc.load_gather(idx_v, [t + _OFF_S1]))
        p2 = _gather3(pos_v, plsc.load_gather(idx_v, [t + _OFF_S2]))
        p3 = _gather3(pos_v, plsc.load_gather(idx_v, [t + _OFF_S3]))
        const = plsc.load_gather(flt_v, [t + _OFF_SC])
        phase = plsc.load_gather(flt_v, [t + _OFF_SP])
        mul = plsc.load_gather(flt_v, [t + _OFF_SM])
        phi = _dih16(p0, p1, p2, p3)
        return acc + const * (1.0 + _cos16(mul * phi - phase))

    def bbbb(i, acc):
        t = half * (_PBB // 2) + i * 16 + iota
        p0 = _gather3(pos_v, plsc.load_gather(idx_v, [t + _OFF_G0]))
        p1 = _gather3(pos_v, plsc.load_gather(idx_v, [t + _OFF_G1]))
        p2 = _gather3(pos_v, plsc.load_gather(idx_v, [t + _OFF_G2]))
        p3 = _gather3(pos_v, plsc.load_gather(idx_v, [t + _OFF_G3]))
        const = plsc.load_gather(flt_v, [t + _OFF_GC])
        phase = plsc.load_gather(flt_v, [t + _OFF_GP])
        mul = plsc.load_gather(flt_v, [t + _OFF_GM])
        phi = _dih16(p0, p1, p2, p3)
        return acc + const * (1.0 + _cos16(mul * phi - phase))

    acc = jnp.zeros((16,), jnp.float32)
    acc = lax.fori_loop(0, _PB // 32, bonds, acc)
    acc = lax.fori_loop(0, _PB // 32, angles, acc)
    acc = lax.fori_loop(0, _PI // 32, improper, acc)
    acc = lax.fori_loop(0, _PS // 32, sbbs, acc)
    acc = lax.fori_loop(0, _PBB // 32, bbbb, acc)
    acc_v[...] = acc
    pltpu.sync_copy(acc_v, out_hbm.at[wid])


def _sc_bonded(pos_flat, idx_buf, flt_buf):
    mesh = plsc.VectorSubcoreMesh(core_axis_name="c", subcore_axis_name="s")
    return pl.kernel(
        _sc_body,
        out_type=jax.ShapeDtypeStruct((32, 16), jnp.float32),
        mesh=mesh,
        scratch_types=[
            pltpu.VMEM((3 * N_ATOMS,), jnp.float32),
            pltpu.VMEM((_IDX_LEN,), jnp.int32),
            pltpu.VMEM((_FLT_LEN,), jnp.float32),
            pltpu.VMEM((16,), jnp.float32),
        ],
        compiler_params=pltpu.CompilerParams(needs_layout_passes=False),
    )(pos_flat, idx_buf, flt_buf)



def _onehot_lookup(type_plane, table_ref, n):
    out = jnp.zeros_like(type_plane, dtype=jnp.float32)
    for k in range(n):
        out = jnp.where(type_plane == k, table_ref[0, k], out)
    return out


def _pw_kernel(pos_ref, bt_ref, br_ref, disp_ref, out_ref):
    x = pos_ref[0]
    n = x.shape[1]
    bead_types = bt_ref[0:1, :]
    radii_row = _onehot_lookup(bead_types, br_ref, br_ref.shape[1])
    sq_row = jnp.sum(x * x, axis=0, keepdims=True)
    ones = jnp.ones((1, n), jnp.float32)
    lhs_r2 = jnp.concatenate([x, sq_row, ones], axis=0)
    rhs_r2 = jnp.concatenate([-2.0 * x, ones, sq_row], axis=0)
    lhs_sg = jnp.concatenate([radii_row, ones], axis=0)
    rhs_sg = jnp.concatenate([ones, radii_row], axis=0)
    tile = 128
    row = lax.broadcasted_iota(jnp.int32, (tile, tile), 0)
    col = lax.broadcasted_iota(jnp.int32, (tile, tile), 1)
    tri = col > row + 2
    tri2 = col + tile > row + 2
    e_nb = jnp.float32(0.0)
    for ti in range(n // tile):
        lo = ti * tile

        def rep_block(cl, cw, extra_mask=None):
            r2 = lax.dot_general(lhs_r2[:, lo:lo + tile],
                                 rhs_r2[:, cl:cl + cw],
                                 (((0,), (0,)), ((), ())),
                                 preferred_element_type=jnp.float32)
            sig = lax.dot_general(lhs_sg[:, lo:lo + tile],
                                  rhs_sg[:, cl:cl + cw],
                                  (((0,), (0,)), ((), ())),
                                  preferred_element_type=jnp.float32)
            r2 = jnp.maximum(r2, 1e-6).astype(jnp.bfloat16)
            sig = sig.astype(jnp.bfloat16)
            sig2 = sig * sig
            t3 = sig2 / (r2 + sig2)
            rep = t3 * t3 * t3
            pmask = r2 < jnp.bfloat16(R_MAX2)
            if extra_mask is not None:
                pmask = pmask & extra_mask
            return jnp.sum(jnp.where(pmask, rep, jnp.bfloat16(0.0)),
                           dtype=jnp.float32)

        e_nb = e_nb + rep_block(lo, tile, tri)
        if lo + tile < n:
            e_nb = e_nb + rep_block(lo + tile, tile, tri2)
        if lo + 2 * tile < n:
            e_nb = e_nb + rep_block(lo + 2 * tile, n - lo - 2 * tile)
    out_ref[...] = jnp.full((1, 1, 1), disp_ref[0, 0] * e_nb, jnp.float32)


def _pairwise(pos_t, bead_types, bead_radii, disp):
    b, _, n = pos_t.shape
    out = pl.pallas_call(
        _pw_kernel,
        grid=(b,),
        in_specs=[
            pl.BlockSpec((1, 3, n), lambda i: (i, 0, 0)),
            pl.BlockSpec((1, n), lambda i: (0, 0)),
            pl.BlockSpec((1, 16), lambda i: (0, 0)),
            pl.BlockSpec((1, 1), lambda i: (0, 0)),
        ],
        out_specs=pl.BlockSpec((1, 1, 1), lambda i: (i, 0, 0)),
        out_shape=jax.ShapeDtypeStruct((b, 1, 1), jnp.float32),
    )(pos_t, bead_types.reshape(1, n), bead_radii.reshape(1, -1),
      disp.reshape(1, 1))
    return out.reshape(b)



def _pad_to(a, n, value=0):
    return jnp.pad(a, (0, n - a.shape[0]), constant_values=value)


@jax.jit
def kernel(pos, bond_k, angle_k, dih_k, sbbs_phase, sbbs_const, bbbb_phase,
           bbbb_const, bead_radii, dispertion_const, bond_equ, angle_equ,
           dih_equ, bond_indices, bond_type, angle_indices, angle_type,
           improper_indices, dih_type, sbbs_indices, sbbs_mul, bbbb_indices,
           bbbb_mul, bead_types):
    b, n, _ = pos.shape
    pos_t = jnp.transpose(pos, (0, 2, 1))

    z1 = jnp.zeros(1, jnp.int32)
    z2 = jnp.zeros(2, jnp.int32)
    t1 = jnp.full(1, 8, jnp.int32)
    t2 = jnp.full(2, 8, jnp.int32)
    idx_buf = jnp.concatenate([
        bond_indices[:, 0], z1, bond_indices[:, 1], z1, bond_type, t1,
        angle_indices[:, 0], z2, angle_indices[:, 1], z2,
        angle_indices[:, 2], z2, angle_type, t2,
        improper_indices[:, 0], improper_indices[:, 1],
        improper_indices[:, 2], improper_indices[:, 3], dih_type,
        sbbs_indices[:, 0], z1, sbbs_indices[:, 1], z1,
        sbbs_indices[:, 2], z1, sbbs_indices[:, 3], z1,
        bbbb_indices[:, 0], z1, bbbb_indices[:, 1], z1,
        bbbb_indices[:, 2], z1, bbbb_indices[:, 3], z1,
    ]).astype(jnp.int32)
    f1 = jnp.zeros(1, jnp.float32)
    f8 = jnp.zeros(8, jnp.float32)
    f12 = jnp.zeros(12, jnp.float32)
    flt_buf = jnp.concatenate([
        bond_k, f8, bond_equ, f8, angle_k, f8, angle_equ, f8,
        dih_k, f12, dih_equ, f12,
        sbbs_const, f1, sbbs_phase, f1, sbbs_mul, f1,
        bbbb_const, f1, bbbb_phase, f1, bbbb_mul, f1,
    ]).astype(jnp.float32)

    e_nb = _pairwise(pos_t, bead_types, bead_radii, dispertion_const)
    e_sc = _sc_bonded(pos.reshape(b, 3 * n), idx_buf, flt_buf)
    return e_nb + e_sc.reshape(b, 2, 16).sum(axis=(1, 2))

# --- scband reference (transcript-rebuilt; emitter-appended) ---
"""Pipeline reference for scband-force-model-63178968924547 (READ-ONLY COPY).

The authoritative reference and input builder live on the scoring server;
editing this copy changes nothing except your own understanding.
"""

import jax, jax.numpy as jnp
import numpy as np

N_ATOMS = 1024
BATCH = 16
N_BOND_TYPES = 8
N_ANGLE_TYPES = 8
N_DIH_TYPES = 4
NUM_BEAD_TYPES = 16
R_MAX = 10.0


def _topology():
    n = N_ATOMS
    bond_indices = np.stack([np.arange(n - 1), np.arange(1, n)], axis=1)
    angle_indices = np.stack([np.arange(n - 2), np.arange(1, n - 1), np.arange(2, n)], axis=1)
    s = np.arange(0, n - 3, 4)
    improper_indices = np.stack([s, s + 1, s + 2, s + 3], axis=1)
    t = np.arange(0, n - 3, 2)
    sbbs_indices = np.stack([t + 1, t, t + 2, t + 3], axis=1)
    bb = np.arange(0, n, 2)
    u = np.arange(0, len(bb) - 3, 2)
    bbbb_indices = np.stack([bb[u], bb[u + 1], bb[u + 2], bb[u + 3]], axis=1)
    return bond_indices, angle_indices, improper_indices, sbbs_indices, bbbb_indices


def setup_inputs(seed: int = 0):
    key = jax.random.key(seed)
    bi, ai, ii, si, bbi = _topology()
    return {
        'pos': jax.random.normal(key, (BATCH, N_ATOMS, 3), dtype=jnp.float32),
        'bond_k': 20.0 * jnp.ones((N_BOND_TYPES,), jnp.float32),
        'angle_k': 2.0 * jnp.ones((N_ANGLE_TYPES,), jnp.float32),
        'dih_k': 0.2 * jnp.ones((N_DIH_TYPES,), jnp.float32),
        'sbbs_phase': jnp.zeros((si.shape[0],), jnp.float32),
        'sbbs_const': 5.0 * jnp.ones((si.shape[0],), jnp.float32),
        'bbbb_phase': jnp.zeros((bbi.shape[0],), jnp.float32),
        'bbbb_const': 5.0 * jnp.ones((bbi.shape[0],), jnp.float32),
        'bead_radii': 1.2 * jnp.ones((NUM_BEAD_TYPES,), jnp.float32),
        'dispertion_const': jnp.asarray(0.5, jnp.float32),
        'bond_equ': jnp.linspace(0.3, 0.6, N_BOND_TYPES, dtype=jnp.float32),
        'angle_equ': jnp.linspace(1.5, 2.5, N_ANGLE_TYPES, dtype=jnp.float32),
        'dih_equ': jnp.linspace(-0.5, 0.5, N_DIH_TYPES, dtype=jnp.float32),
        'bond_indices': jnp.asarray(bi, jnp.int32),
        'bond_type': jnp.asarray(np.arange(bi.shape[0]) % N_BOND_TYPES, jnp.int32),
        'angle_indices': jnp.asarray(ai, jnp.int32),
        'angle_type': jnp.asarray(np.arange(ai.shape[0]) % N_ANGLE_TYPES, jnp.int32),
        'improper_indices': jnp.asarray(ii, jnp.int32),
        'dih_type': jnp.asarray(np.arange(ii.shape[0]) % N_DIH_TYPES, jnp.int32),
        'sbbs_indices': jnp.asarray(si, jnp.int32),
        'sbbs_mul': 2.0 * jnp.ones((si.shape[0],), jnp.float32),
        'bbbb_indices': jnp.asarray(bbi, jnp.int32),
        'bbbb_mul': 2.0 * jnp.ones((bbi.shape[0],), jnp.float32),
        'bead_types': jnp.asarray(np.arange(N_ATOMS) % NUM_BEAD_TYPES, jnp.int32),
    }


def _get_angles(pos, idcs):
    v1 = pos[:, idcs[:, 0]] - pos[:, idcs[:, 1]]
    v2 = pos[:, idcs[:, 2]] - pos[:, idcs[:, 1]]
    u1 = v1 / (jnp.linalg.norm(v1, axis=-1)[:, :, None] + 1e-9)
    u2 = v2 / (jnp.linalg.norm(v2, axis=-1)[:, :, None] + 1e-9)
    c = jnp.clip(jnp.sum(u1 * u2, axis=-1), -1.0 + 1e-7, 1.0 - 1e-7)
    return jnp.arccos(c)


def _get_dihedrals(pos, idcs):
    p = pos[:, idcs, :]
    p0 = p[..., 0, :]
    p1 = p[..., 1, :]
    p2 = p[..., 2, :]
    p3 = p[..., 3, :]
    b0 = -1.0 * (p1 - p0)
    b1 = p2 - p1
    b2 = p3 - p2
    b1 = b1 / (jnp.linalg.norm(b1, axis=-1, keepdims=True) + 1e-9)
    v = b0 - jnp.sum(b0 * b1, axis=-1, keepdims=True) * b1
    w = b2 - jnp.sum(b2 * b1, axis=-1, keepdims=True) * b1
    x = jnp.sum(v * w, axis=-1)
    y = jnp.sum(jnp.cross(b1, v) * w, axis=-1)
    return jnp.arctan2(y, x)


def _energy(pos, bond_k, angle_k, dih_k, sbbs_phase, sbbs_const, bbbb_phase, bbbb_const, bead_radii, dispertion_const, bond_equ, angle_equ, dih_equ, bond_indices, bond_type, angle_indices, angle_type, improper_indices, dih_type, sbbs_indices, sbbs_mul, bbbb_indices, bbbb_mul, bead_types):
    vec = pos[:, bond_indices[:, 0]] - pos[:, bond_indices[:, 1]]
    d = jnp.linalg.norm(vec, axis=-1)
    e_bond = jnp.sum(0.5 * bond_k[bond_type] * (d - bond_equ[bond_type]) ** 2, axis=1)
    ang = _get_angles(pos, angle_indices)
    e_angle = jnp.sum(0.5 * angle_k[angle_type] * (ang - angle_equ[angle_type]) ** 2, axis=1)
    dih = _get_dihedrals(pos, improper_indices)
    e_improper = jnp.sum(0.5 * dih_k[dih_type] * (dih - dih_equ[dih_type]) ** 2, axis=1)
    phi_s = _get_dihedrals(pos, sbbs_indices)
    e_sbbs = jnp.sum(sbbs_const * (1.0 + jnp.cos(sbbs_mul * phi_s - sbbs_phase)), axis=1)
    phi_b = _get_dihedrals(pos, bbbb_indices)
    e_bbbb = jnp.sum(bbbb_const * (1.0 + jnp.cos(bbbb_mul * phi_b - bbbb_phase)), axis=1)
    sq = jnp.sum(pos ** 2, axis=-1)
    r2 = sq[:, :, None] + sq[:, None, :] - 2.0 * jnp.einsum('bnd,bmd->bnm', pos, pos)
    r2 = jnp.clip(r2, 1e-6, None)
    n = pos.shape[1]
    idx = jnp.arange(n)
    pair_mask = (idx[None, :] > idx[:, None] + 2) & (jnp.sqrt(r2) < R_MAX)
    sigma = bead_radii[bead_types][:, None] + bead_radii[bead_types][None, :]
    rep = (sigma ** 2 / (r2 + sigma ** 2)) ** 3
    e_nb = dispertion_const * jnp.sum(jnp.where(pair_mask, rep, 0.0), axis=(1, 2))
    return e_bond + e_angle + e_improper + e_sbbs + e_bbbb + e_nb


def reference(pos, bond_k, angle_k, dih_k, sbbs_phase, sbbs_const, bbbb_phase, bbbb_const, bead_radii, dispertion_const, bond_equ, angle_equ, dih_equ, bond_indices, bond_type, angle_indices, angle_type, improper_indices, dih_type, sbbs_indices, sbbs_mul, bbbb_indices, bbbb_mul, bead_types):
    return _energy(pos, bond_k, angle_k, dih_k, sbbs_phase, sbbs_const, bbbb_phase, bbbb_const, bead_radii, dispertion_const, bond_equ, angle_equ, dih_equ, bond_indices, bond_type, angle_indices, angle_type, improper_indices, dih_type, sbbs_indices, sbbs_mul, bbbb_indices, bbbb_mul, bead_types)

if __name__ == "__main__":
    import jax
    _d = setup_inputs()
    print(jax.jit(kernel)(*tuple(_d.values())))

</pallas_src>

<mosaic_0001>
#map = affine_map<(d0, d1) -> (0, 0)>
#map1 = affine_map<(d0, d1) -> (0)>
module attributes {stable_mosaic.version = 14 : i64} {
  func.func @_sc_body(%arg0: i32, %arg1: i32, %arg2: memref<16x3072xf32, #tpu.memory_space<hbm>>, %arg3: memref<11520xi32, #tpu.memory_space<hbm>>, %arg4: memref<2400xf32, #tpu.memory_space<hbm>>, %arg5: memref<32x16xf32, #tpu.memory_space<hbm>>, %arg6: memref<3072xf32, #tpu.memory_space<vmem>>, %arg7: memref<11520xi32, #tpu.memory_space<vmem>>, %arg8: memref<2400xf32, #tpu.memory_space<vmem>>, %arg9: memref<16xf32, #tpu.memory_space<vmem>>) attributes {dimension_semantics = [#tpu.dimension_semantics<core_parallel>, #tpu.dimension_semantics<subcore_parallel>], iteration_bounds = array<i64: 2, 16>, scalar_prefetch = 0 : i64, scratch_operands = 4 : i64, tpu.core_type = #tpu.core_type<sc_vector_subcore>, window_params = [{transform_indices = #map}, {transform_indices = #map1}, {transform_indices = #map1}, {transform_indices = #map}]} {
    %mul3A = arith.constant 2 : i32
    %mul3A_0 = arith.muli %arg1, %mul3A : i32
    %add3A = arith.addi %mul3A_0, %arg0 : i32
    %jit3A = arith.constant 2 : i32
    %div3A = arith.divsi %add3A, %jit3A : i32
    %sign3A = arith.constant 0 : i32
    %sign3A_1 = arith.cmpi sgt, %add3A, %sign3A : i32
    %sign3A_2 = arith.extui %sign3A_1 : i1 to i32
    %sign3A_3 = arith.constant 0 : i32
    %sign3A_4 = arith.cmpi slt, %add3A, %sign3A_3 : i32
    %sign3A_5 = arith.extui %sign3A_4 : i1 to i32
    %sign3A_6 = arith.subi %sign3A_2, %sign3A_5 : i32
    %sign3A_7 = arith.constant 0 : i32
    %sign3A_8 = arith.cmpi sgt, %jit3A, %sign3A_7 : i32
    %sign3A_9 = arith.extui %sign3A_8 : i1 to i32
    %sign3A_10 = arith.constant 0 : i32
    %sign3A_11 = arith.cmpi slt, %jit3A, %sign3A_10 : i32
    %sign3A_12 = arith.extui %sign3A_11 : i1 to i32
    %sign3A_13 = arith.subi %sign3A_9, %sign3A_12 : i32
    %ne3A = arith.cmpi ne, %sign3A_6, %sign3A_13 : i32
    %rem3A = arith.remsi %add3A, %jit3A : i32
    %ne3A_14 = arith.constant 0 : i32
    %ne3A_15 = arith.cmpi ne, %rem3A, %ne3A_14 : i32
    %and3A = arith.andi %ne3A, %ne3A_15 : i1
    %sub3A = arith.constant 1 : i32
    %sub3A_16 = arith.subi %div3A, %sub3A : i32
    %select_n3A = arith.select %and3A, %sub3A_16, %div3A : i32
    %jit3A_17 = arith.constant 2 : i32
    %eq3A = arith.constant 0 : i32
    %eq3A_18 = arith.cmpi eq, %jit3A_17, %eq3A : i32
    %jit3A_19 = arith.constant 1 : i32
    %select_n3A_20 = arith.select %eq3A_18, %jit3A_19, %jit3A_17 : i32
    %rem3A_21 = arith.remsi %add3A, %select_n3A_20 : i32
    %ne3A_22 = arith.constant 0 : i32
    %ne3A_23 = arith.cmpi ne, %rem3A_21, %ne3A_22 : i32
    %lt3A = arith.constant 0 : i32
    %lt3A_24 = arith.cmpi slt, %rem3A_21, %lt3A : i32
    %lt3A_25 = arith.constant 0 : i32
    %lt3A_26 = arith.cmpi slt, %select_n3A_20, %lt3A_25 : i32
    %ne3A_27 = arith.xori %lt3A_24, %lt3A_26 : i1
    %and3A_28 = arith.andi %ne3A_27, %ne3A_23 : i1
    %add3A_29 = arith.addi %rem3A_21, %select_n3A_20 : i32
    %select_n3A_30 = arith.select %and3A_28, %add3A_29, %rem3A_21 : i32
    "tpu.region"() ({
      %run_scoped3A = tpu.sem_alloc : memref<!tpu.dma_semaphore, #tpu.memory_space<semaphore_mem>>
      %dma_start3A = arith.constant 0 : i32
      %dma_start3A_62 = tpu.memref_slice %arg2[%select_n3A, %dma_start3A] : memref<16x3072xf32, #tpu.memory_space<hbm>> -> memref<1x3072xf32, #tpu.memory_space<hbm>>
      %dma_start3A_63 = tpu.memref_squeeze %dma_start3A_62 : memref<1x3072xf32, #tpu.memory_space<hbm>> -> memref<3072xf32, #tpu.memory_space<hbm>>
      %dma_start3A_64 = arith.constant 0 : i32
      %dma_start3A_65 = tpu.memref_slice %arg2[%select_n3A, %dma_start3A_64] : memref<16x3072xf32, #tpu.memory_space<hbm>> -> memref<1x3072xf32, #tpu.memory_space<hbm>>
      %dma_start3A_66 = tpu.memref_squeeze %dma_start3A_65 : memref<1x3072xf32, #tpu.memory_space<hbm>> -> memref<3072xf32, #tpu.memory_space<hbm>>
      tpu.enqueue_dma source(%dma_start3A_66 : memref<3072xf32, #tpu.memory_space<hbm>>) target(%arg6 : memref<3072xf32, #tpu.memory_space<vmem>>) target_semaphore(%run_scoped3A : memref<!tpu.dma_semaphore, #tpu.memory_space<semaphore_mem>>)
      %dma_wait3A = arith.constant 0 : i32
      %dma_wait3A_67 = tpu.memref_slice %arg2[%select_n3A, %dma_wait3A] : memref<16x3072xf32, #tpu.memory_space<hbm>> -> memref<1x3072xf32, #tpu.memory_space<hbm>>
      %dma_wait3A_68 = tpu.memref_squeeze %dma_wait3A_67 : memref<1x3072xf32, #tpu.memory_space<hbm>> -> memref<3072xf32, #tpu.memory_space<hbm>>
      %dma_wait3A_69 = arith.constant 0 : i32
      %dma_wait3A_70 = tpu.memref_slice %arg2[%select_n3A, %dma_wait3A_69] : memref<16x3072xf32, #tpu.memory_space<hbm>> -> memref<1x3072xf32, #tpu.memory_space<hbm>>
      %dma_wait3A_71 = tpu.memref_squeeze %dma_wait3A_70 : memref<1x3072xf32, #tpu.memory_space<hbm>> -> memref<3072xf32, #tpu.memory_space<hbm>>
      tpu.wait_dma2 semaphore(%run_scoped3A : memref<!tpu.dma_semaphore, #tpu.memory_space<semaphore_mem>>) src(%dma_wait3A_71 : memref<3072xf32, #tpu.memory_space<hbm>>) dst(%arg6 : memref<3072xf32, #tpu.memory_space<vmem>>)
      tpu.yield
    }) : () -> ()
    "tpu.region"() ({
      %run_scoped3A = tpu.sem_alloc : memref<!tpu.dma_semaphore, #tpu.memory_space<semaphore_mem>>
      tpu.enqueue_dma source(%arg3 : memref<11520xi32, #tpu.memory_space<hbm>>) target(%arg7 : memref<11520xi32, #tpu.memory_space<vmem>>) target_semaphore(%run_scoped3A : memref<!tpu.dma_semaphore, #tpu.memory_space<semaphore_mem>>)
      tpu.wait_dma2 semaphore(%run_scoped3A : memref<!tpu.dma_semaphore, #tpu.memory_space<semaphore_mem>>) src(%arg3 : memref<11520xi32, #tpu.memory_space<hbm>>) dst(%arg7 : memref<11520xi32, #tpu.memory_space<vmem>>)
      tpu.yield
    }) : () -> ()
    "tpu.region"() ({
      %run_scoped3A = tpu.sem_alloc : memref<!tpu.dma_semaphore, #tpu.memory_space<semaphore_mem>>
      tpu.enqueue_dma source(%arg4 : memref<2400xf32, #tpu.memory_space<hbm>>) target(%arg8 : memref<2400xf32, #tpu.memory_space<vmem>>) target_semaphore(%run_scoped3A : memref<!tpu.dma_semaphore, #tpu.memory_space<semaphore_mem>>)
      tpu.wait_dma2 semaphore(%run_scoped3A : memref<!tpu.dma_semaphore, #tpu.memory_space<semaphore_mem>>) src(%arg4 : memref<2400xf32, #tpu.memory_space<hbm>>) dst(%arg8 : memref<2400xf32, #tpu.memory_space<vmem>>)
      tpu.yield
    }) : () -> ()
    %iota3A = tpu.iota {dimensions = array<i32: 0>} : vector<16xi32>
    %broadcast_in_dim3A = arith.constant 0.000000e+00 : f32
    %broadcast_in_dim3A_31 = vector.broadcast %broadcast_in_dim3A : f32 to vector<16xf32>
    %scan3A = arith.constant 0 : i32
    %scan3A_32 = arith.constant 32 : i32
    %scan3A_33 = arith.addi %scan3A, %scan3A_32 : i32
    %scan3A_34 = arith.constant 1 : i32
    %scan3A_35 = scf.for %scan3A_62 = %scan3A to %scan3A_33 step %scan3A_34 iter_args(%scan3A_63 = %broadcast_in_dim3A_31) -> (vector<16xf32>)  : i32 {
      %mul3A_64 = arith.constant 512 : i32
      %mul3A_65 = arith.muli %select_n3A_30, %mul3A_64 : i32
      %mul3A_66 = arith.constant 16 : i32
      %mul3A_67 = arith.muli %scan3A_62, %mul3A_66 : i32
      %add3A_68 = arith.addi %mul3A_65, %mul3A_67 : i32
      %add3A_69 = vector.broadcast %add3A_68 : i32 to vector<16xi32>
      %add3A_70 = arith.addi %add3A_69, %iota3A : vector<16xi32>
      %add3A_71 = arith.constant 0 : i32
      %add3A_72 = vector.broadcast %add3A_71 : i32 to vector<16xi32>
      %add3A_73 = arith.addi %add3A_70, %add3A_72 : vector<16xi32>
      %gather3A = tpu.vector_load_idx %arg7[%add3A_73] : memref<11520xi32, #tpu.memory_space<vmem>>[vector<16xi32>], vector<16xi32>,
      %add3A_74 = arith.constant 1024 : i32
      %add3A_75 = vector.broadcast %add3A_74 : i32 to vector<16xi32>
      %add3A_76 = arith.addi %add3A_70, %add3A_75 : vector<16xi32>
      %gather3A_77 = tpu.vector_load_idx %arg7[%add3A_76] : memref<11520xi32, #tpu.memory_space<vmem>>[vector<16xi32>], vector<16xi32>,
      %add3A_78 = arith.constant 2048 : i32
      %add3A_79 = vector.broadcast %add3A_78 : i32 to vector<16xi32>
      %add3A_80 = arith.addi %add3A_70, %add3A_79 : vector<16xi32>
      %gather3A_81 = tpu.vector_load_idx %arg7[%add3A_80] : memref<11520xi32, #tpu.memory_space<vmem>>[vector<16xi32>], vector<16xi32>,
      %add3A_82 = arith.constant 0 : i32
      %add3A_83 = vector.broadcast %add3A_82 : i32 to vector<16xi32>
      %add3A_84 = arith.addi %gather3A_81, %add3A_83 : vector<16xi32>
      %gather3A_85 = tpu.vector_load_idx %arg8[%add3A_84] : memref<2400xf32, #tpu.memory_space<vmem>>[vector<16xi32>], vector<16xf32>,
      %add3A_86 = arith.constant 16 : i32
      %add3A_87 = vector.broadcast %add3A_86 : i32 to vector<16xi32>
      %add3A_88 = arith.addi %gather3A_81, %add3A_87 : vector<16xi32>
      %gather3A_89 = tpu.vector_load_idx %arg8[%add3A_88] : memref<2400xf32, #tpu.memory_space<vmem>>[vector<16xi32>], vector<16xf32>,
      %mul3A_90 = arith.constant 3 : i32
      %mul3A_91 = vector.broadcast %mul3A_90 : i32 to vector<16xi32>
      %mul3A_92 = arith.muli %gather3A, %mul3A_91 : vector<16xi32>
      %gather3A_93 = tpu.vector_load_idx %arg6[%mul3A_92] : memref<3072xf32, #tpu.memory_space<vmem>>[vector<16xi32>], vector<16xf32>,
      %add3A_94 = arith.constant 1 : i32
      %add3A_95 = vector.broadcast %add3A_94 : i32 to vector<16xi32>
      %add3A_96 = arith.addi %mul3A_92, %add3A_95 : vector<16xi32>
      %gather3A_97 = tpu.vector_load_idx %arg6[%add3A_96] : memref<3072xf32, #tpu.memory_space<vmem>>[vector<16xi32>], vector<16xf32>,
      %add3A_98 = arith.constant 2 : i32
      %add3A_99 = vector.broadcast %add3A_98 : i32 to vector<16xi32>
      %add3A_100 = arith.addi %mul3A_92, %add3A_99 : vector<16xi32>
      %gather3A_101 = tpu.vector_load_idx %arg6[%add3A_100] : memref<3072xf32, #tpu.memory_space<vmem>>[vector<16xi32>], vector<16xf32>,
      %mul3A_102 = arith.constant 3 : i32
      %mul3A_103 = vector.broadcast %mul3A_102 : i32 to vector<16xi32>
      %mul3A_104 = arith.muli %gather3A_77, %mul3A_103 : vector<16xi32>
      %gather3A_105 = tpu.vector_load_idx %arg6[%mul3A_104] : memref<3072xf32, #tpu.memory_space<vmem>>[vector<16xi32>], vector<16xf32>,
      %add3A_106 = arith.constant 1 : i32
      %add3A_107 = vector.broadcast %add3A_106 : i32 to vector<16xi32>
      %add3A_108 = arith.addi %mul3A_104, %add3A_107 : vector<16xi32>
      %gather3A_109 = tpu.vector_load_idx %arg6[%add3A_108] : memref<3072xf32, #tpu.memory_space<vmem>>[vector<16xi32>], vector<16xf32>,
      %add3A_110 = arith.constant 2 : i32
      %add3A_111 = vector.broadcast %add3A_110 : i32 to vector<16xi32>
      %add3A_112 = arith.addi %mul3A_104, %add3A_111 : vector<16xi32>
      %gather3A_113 = tpu.vector_load_idx %arg6[%add3A_112] : memref<3072xf32, #tpu.memory_space<vmem>>[vector<16xi32>], vector<16xf32>,
      %sub3A_114 = arith.subf %gather3A_93, %gather3A_105 : vector<16xf32>
      %sub3A_115 = arith.subf %gather3A_97, %gather3A_109 : vector<16xf32>
      %sub3A_116 = arith.subf %gather3A_101, %gather3A_113 : vector<16xf32>
      %mul3A_117 = arith.mulf %sub3A_114, %sub3A_114 : vector<16xf32>
      %mul3A_118 = arith.mulf %sub3A_115, %sub3A_115 : vector<16xf32>
      %add3A_119 = arith.addf %mul3A_117, %mul3A_118 : vector<16xf32>
      %mul3A_120 = arith.mulf %sub3A_116, %sub3A_116 : vector<16xf32>
      %add3A_121 = arith.addf %add3A_119, %mul3A_120 : vector<16xf32>
      %max3A = arith.constant 1.000000e-30 : f32
      %max3A_122 = vector.broadcast %max3A : f32 to vector<16xf32>
      %max3A_123 = arith.maximumf %add3A_121, %max3A_122 : vector<16xf32>
      %bitcast_convert_type3A = tpu.bitcast %max3A_123 : vector<16xf32> -> vector<16xi32>
      %shift_right_logical3A = arith.constant 1 : i32
      %shift_right_logical3A_124 = vector.broadcast %shift_right_logical3A : i32 to vector<16xi32>
      %shift_right_logical3A_125 = arith.shrui %bitcast_convert_type3A, %shift_right_logical3A_124 : vector<16xi32>
      %sub3A_126 = arith.constant 1597463007 : i32
      %sub3A_127 = vector.broadcast %sub3A_126 : i32 to vector<16xi32>
      %sub3A_128 = arith.subi %sub3A_127, %shift_right_logical3A_125 : vector<16xi32>
      %bitcast_convert_type3A_129 = tpu.bitcast %sub3A_128 : vector<16xi32> -> vector<16xf32>
      %mul3A_130 = arith.constant 5.000000e-01 : f32
      %mul3A_131 = vector.broadcast %mul3A_130 : f32 to vector<16xf32>
      %mul3A_132 = arith.mulf %mul3A_131, %max3A_123 : vector<16xf32>
      %mul3A_133 = arith.mulf %mul3A_132, %bitcast_convert_type3A_129 : vector<16xf32>
      %mul3A_134 = arith.mulf %mul3A_133, %bitcast_convert_type3A_129 : vector<16xf32>
      %sub3A_135 = arith.constant 1.500000e+00 : f32
      %sub3A_136 = vector.broadcast %sub3A_135 : f32 to vector<16xf32>
      %sub3A_137 = arith.subf %sub3A_136, %mul3A_134 : vector<16xf32>
      %mul3A_138 = arith.mulf %bitcast_convert_type3A_129, %sub3A_137 : vector<16xf32>
      %mul3A_139 = arith.constant 5.000000e-01 : f32
      %mul3A_140 = vector.broadcast %mul3A_139 : f32 to vector<16xf32>
      %mul3A_141 = arith.mulf %mul3A_140, %max3A_123 : vector<16xf32>
      %mul3A_142 = arith.mulf %mul3A_141, %mul3A_138 : vector<16xf32>
      %mul3A_143 = arith.mulf %mul3A_142, %mul3A_138 : vector<16xf32>
      %sub3A_144 = arith.constant 1.500000e+00 : f32
      %sub3A_145 = vector.broadcast %sub3A_144 : f32 to vector<16xf32>
      %sub3A_146 = arith.subf %sub3A_145, %mul3A_143 : vector<16xf32>
      %mul3A_147 = arith.mulf %mul3A_138, %sub3A_146 : vector<16xf32>
      %mul3A_148 = arith.constant 5.000000e-01 : f32
      %mul3A_149 = vector.broadcast %mul3A_148 : f32 to vector<16xf32>
      %mul3A_150 = arith.mulf %mul3A_149, %max3A_123 : vector<16xf32>
      %mul3A_151 = arith.mulf %mul3A_150, %mul3A_147 : vector<16xf32>
      %mul3A_152 = arith.mulf %mul3A_151, %mul3A_147 : vector<16xf32>
      %sub3A_153 = arith.constant 1.500000e+00 : f32
      %sub3A_154 = vector.broadcast %sub3A_153 : f32 to vector<16xf32>
      %sub3A_155 = arith.subf %sub3A_154, %mul3A_152 : vector<16xf32>
      %mul3A_156 = arith.mulf %mul3A_147, %sub3A_155 : vector<16xf32>
      %mul3A_157 = arith.mulf %add3A_121, %mul3A_156 : vector<16xf32>
      %mul3A_158 = arith.constant 5.000000e-01 : f32
      %mul3A_159 = vector.broadcast %mul3A_158 : f32 to vector<16xf32>
      %mul3A_160 = arith.mulf %mul3A_159, %gather3A_85 : vector<16xf32>
      %sub3A_161 = arith.subf %mul3A_157, %gather3A_89 : vector<16xf32>
      %mul3A_162 = arith.mulf %mul3A_160, %sub3A_161 : vector<16xf32>
      %sub3A_163 = arith.subf %mul3A_157, %gather3A_89 : vector<16xf32>
      %mul3A_164 = arith.mulf %mul3A_162, %sub3A_163 : vector<16xf32>
      %add3A_165 = arith.addf %scan3A_63, %mul3A_164 : vector<16xf32>
      scf.yield %add3A_165 : vector<16xf32>
    }
    %scan3A_36 = arith.constant 32 : i32
    %scan3A_37 = arith.constant 0 : i32
    %scan3A_38 = arith.constant 32 : i32
    %scan3A_39 = arith.addi %scan3A_37, %scan3A_38 : i32
    %scan3A_40 = arith.constant 1 : i32
    %scan3A_41 = scf.for %scan3A_62 = %scan3A_37 to %scan3A_39 step %scan3A_40 iter_args(%scan3A_63 = %scan3A_35) -> (vector<16xf32>)  : i32 {
      %mul3A_64 = arith.constant 512 : i32
      %mul3A_65 = arith.muli %select_n3A_30, %mul3A_64 : i32
      %mul3A_66 = arith.constant 16 : i32
      %mul3A_67 = arith.muli %scan3A_62, %mul3A_66 : i32
      %add3A_68 = arith.addi %mul3A_65, %mul3A_67 : i32
      %add3A_69 = vector.broadcast %add3A_68 : i32 to vector<16xi32>
      %add3A_70 = arith.addi %add3A_69, %iota3A : vector<16xi32>
      %add3A_71 = arith.constant 3072 : i32
      %add3A_72 = vector.broadcast %add3A_71 : i32 to vector<16xi32>
      %add3A_73 = arith.addi %add3A_70, %add3A_72 : vector<16xi32>
      %gather3A = tpu.vector_load_idx %arg7[%add3A_73] : memref<11520xi32, #tpu.memory_space<vmem>>[vector<16xi32>], vector<16xi32>,
      %add3A_74 = arith.constant 4096 : i32
      %add3A_75 = vector.broadcast %add3A_74 : i32 to vector<16xi32>
      %add3A_76 = arith.addi %add3A_70, %add3A_75 : vector<16xi32>
      %gather3A_77 = tpu.vector_load_idx %arg7[%add3A_76] : memref<11520xi32, #tpu.memory_space<vmem>>[vector<16xi32>], vector<16xi32>,
      %add3A_78 = arith.constant 5120 : i32
      %add3A_79 = vector.broadcast %add3A_78 : i32 to vector<16xi32>
      %add3A_80 = arith.addi %add3A_70, %add3A_79 : vector<16xi32>
      %gather3A_81 = tpu.vector_load_idx %arg7[%add3A_80] : memref<11520xi32, #tpu.memory_space<vmem>>[vector<16xi32>], vector<16xi32>,
      %add3A_82 = arith.constant 6144 : i32
      %add3A_83 = vector.broadcast %add3A_82 : i32 to vector<16xi32>
      %add3A_84 = arith.addi %add3A_70, %add3A_83 : vector<16xi32>
      %gather3A_85 = tpu.vector_load_idx %arg7[%add3A_84] : memref<11520xi32, #tpu.memory_space<vmem>>[vector<16xi32>], vector<16xi32>,
      %add3A_86 = arith.constant 32 : i32
      %add3A_87 = vector.broadcast %add3A_86 : i32 to vector<16xi32>
      %add3A_88 = arith.addi %gather3A_85, %add3A_87 : vector<16xi32>
      %gather3A_89 = tpu.vector_load_idx %arg8[%add3A_88] : memref<2400xf32, #tpu.memory_space<vmem>>[vector<16xi32>], vector<16xf32>,
      %add3A_90 = arith.constant 48 : i32
      %add3A_91 = vector.broadcast %add3A_90 : i32 to vector<16xi32>
      %add3A_92 = arith.addi %gather3A_85, %add3A_91 : vector<16xi32>
      %gather3A_93 = tpu.vector_load_idx %arg8[%add3A_92] : memref<2400xf32, #tpu.memory_space<vmem>>[vector<16xi32>], vector<16xf32>,
      %mul3A_94 = arith.constant 3 : i32
      %mul3A_95 = vector.broadcast %mul3A_94 : i32 to vector<16xi32>
      %mul3A_96 = arith.muli %gather3A, %mul3A_95 : vector<16xi32>
      %gather3A_97 = tpu.vector_load_idx %arg6[%mul3A_96] : memref<3072xf32, #tpu.memory_space<vmem>>[vector<16xi32>], vector<16xf32>,
      %add3A_98 = arith.constant 1 : i32
      %add3A_99 = vector.broadcast %add3A_98 : i32 to vector<16xi32>
      %add3A_100 = arith.addi %mul3A_96, %add3A_99 : vector<16xi32>
      %gather3A_101 = tpu.vector_load_idx %arg6[%add3A_100] : memref<3072xf32, #tpu.memory_space<vmem>>[vector<16xi32>], vector<16xf32>,
      %add3A_102 = arith.constant 2 : i32
      %add3A_103 = vector.broadcast %add3A_102 : i32 to vector<16xi32>
      %add3A_104 = arith.addi %mul3A_96, %add3A_103 : vector<16xi32>
      %gather3A_105 = tpu.vector_load_idx %arg6[%add3A_104] : memref<3072xf32, #tpu.memory_space<vmem>>[vector<16xi32>], vector<16xf32>,
      %mul3A_106 = arith.constant 3 : i32
      %mul3A_107 = vector.broadcast %mul3A_106 : i32 to vector<16xi32>
      %mul3A_108 = arith.muli %gather3A_77, %mul3A_107 : vector<16xi32>
      %gather3A_109 = tpu.vector_load_idx %arg6[%mul3A_108] : memref<3072xf32, #tpu.memory_space<vmem>>[vector<16xi32>], vector<16xf32>,
      %add3A_110 = arith.constant 1 : i32
      %add3A_111 = vector.broadcast %add3A_110 : i32 to vector<16xi32>
      %add3A_112 = arith.addi %mul3A_108, %add3A_111 : vector<16xi32>
      %gather3A_113 = tpu.vector_load_idx %arg6[%add3A_112] : memref<3072xf32, #tpu.memory_space<vmem>>[vector<16xi32>], vector<16xf32>,
      %add3A_114 = arith.constant 2 : i32
      %add3A_115 = vector.broadcast %add3A_114 : i32 to vector<16xi32>
      %add3A_116 = arith.addi %mul3A_108, %add3A_115 : vector<16xi32>
      %gather3A_117 = tpu.vector_load_idx %arg6[%add3A_116] : memref<3072xf32, #tpu.memory_space<vmem>>[vector<16xi32>], vector<16xf32>,
      %mul3A_118 = arith.constant 3 : i32
      %mul3A_119 = vector.broadcast %mul3A_118 : i32 to vector<16xi32>
      %mul3A_120 = arith.muli %gather3A_81, %mul3A_119 : vector<16xi32>
      %gather3A_121 = tpu.vector_load_idx %arg6[%mul3A_120] : memref<3072xf32, #tpu.memory_space<vmem>>[vector<16xi32>], vector<16xf32>,
      %add3A_122 = arith.constant 1 : i32
      %add3A_123 = vector.broadcast %add3A_122 : i32 to vector<16xi32>
      %add3A_124 = arith.addi %mul3A_120, %add3A_123 : vector<16xi32>
      %gather3A_125 = tpu.vector_load_idx %arg6[%add3A_124] : memref<3072xf32, #tpu.memory_space<vmem>>[vector<16xi32>], vector<16xf32>,
      %add3A_126 = arith.constant 2 : i32
      %add3A_127 = vector.broadcast %add3A_126 : i32 to vector<16xi32>
      %add3A_128 = arith.addi %mul3A_120, %add3A_127 : vector<16xi32>
      %gather3A_129 = tpu.vector_load_idx %arg6[%add3A_128] : memref<3072xf32, #tpu.memory_space<vmem>>[vector<16xi32>], vector<16xf32>,
      %sub3A_130 = arith.subf %gather3A_97, %gather3A_109 : vector<16xf32>
      %sub3A_131 = arith.subf %gather3A_101, %gather3A_113 : vector<16xf32>
      %sub3A_132 = arith.subf %gather3A_105, %gather3A_117 : vector<16xf32>
      %sub3A_133 = arith.subf %gather3A_121, %gather3A_109 : vector<16xf32>
      %sub3A_134 = arith.subf %gather3A_125, %gather3A_113 : vector<16xf32>
      %sub3A_135 = arith.subf %gather3A_129, %gather3A_117 : vector<16xf32>
      %mul3A_136 = arith.mulf %sub3A_130, %sub3A_130 : vector<16xf32>
      %mul3A_137 = arith.mulf %sub3A_131, %sub3A_131 : vector<16xf32>
      %add3A_138 = arith.addf %mul3A_136, %mul3A_137 : vector<16xf32>
      %mul3A_139 = arith.mulf %sub3A_132, %sub3A_132 : vector<16xf32>
      %add3A_140 = arith.addf %add3A_138, %mul3A_139 : vector<16xf32>
      %mul3A_141 = arith.mulf %sub3A_133, %sub3A_133 : vector<16xf32>
      %mul3A_142 = arith.mulf %sub3A_134, %sub3A_134 : vector<16xf32>
      %add3A_143 = arith.addf %mul3A_141, %mul3A_142 : vector<16xf32>
      %mul3A_144 = arith.mulf %sub3A_135, %sub3A_135 : vector<16xf32>
      %add3A_145 = arith.addf %add3A_143, %mul3A_144 : vector<16xf32>
      %max3A = arith.constant 1.000000e-30 : f32
      %max3A_146 = vector.broadcast %max3A : f32 to vector<16xf32>
      %max3A_147 = arith.maximumf %add3A_140, %max3A_146 : vector<16xf32>
      %bitcast_convert_type3A = tpu.bitcast %max3A_147 : vector<16xf32> -> vector<16xi32>
      %shift_right_logical3A = arith.constant 1 : i32
      %shift_right_logical3A_148 = vector.broadcast %shift_right_logical3A : i32 to vector<16xi32>
      %shift_right_logical3A_149 = arith.shrui %bitcast_convert_type3A, %shift_right_logical3A_148 : vector<16xi32>
      %sub3A_150 = arith.constant 1597463007 : i32
      %sub3A_151 = vector.broadcast %sub3A_150 : i32 to vector<16xi32>
      %sub3A_152 = arith.subi %sub3A_151, %shift_right_logical3A_149 : vector<16xi32>
      %bitcast_convert_type3A_153 = tpu.bitcast %sub3A_152 : vector<16xi32> -> vector<16xf32>
      %mul3A_154 = arith.constant 5.000000e-01 : f32
      %mul3A_155 = vector.broadcast %mul3A_154 : f32 to vector<16xf32>
      %mul3A_156 = arith.mulf %mul3A_155, %max3A_147 : vector<16xf32>
      %mul3A_157 = arith.mulf %mul3A_156, %bitcast_convert_type3A_153 : vector<16xf32>
      %mul3A_158 = arith.mulf %mul3A_157, %bitcast_convert_type3A_153 : vector<16xf32>
      %sub3A_159 = arith.constant 1.500000e+00 : f32
      %sub3A_160 = vector.broadcast %sub3A_159 : f32 to vector<16xf32>
      %sub3A_161 = arith.subf %sub3A_160, %mul3A_158 : vector<16xf32>
      %mul3A_162 = arith.mulf %bitcast_convert_type3A_153, %sub3A_161 : vector<16xf32>
      %mul3A_163 = arith.constant 5.000000e-01 : f32
      %mul3A_164 = vector.broadcast %mul3A_163 : f32 to vector<16xf32>
      %mul3A_165 = arith.mulf %mul3A_164, %max3A_147 : vector<16xf32>
      %mul3A_166 = arith.mulf %mul3A_165, %mul3A_162 : vector<16xf32>
      %mul3A_167 = arith.mulf %mul3A_166, %mul3A_162 : vector<16xf32>
      %sub3A_168 = arith.constant 1.500000e+00 : f32
      %sub3A_169 = vector.broadcast %sub3A_168 : f32 to vector<16xf32>
      %sub3A_170 = arith.subf %sub3A_169, %mul3A_167 : vector<16xf32>
      %mul3A_171 = arith.mulf %mul3A_162, %sub3A_170 : vector<16xf32>
      %mul3A_172 = arith.constant 5.000000e-01 : f32
      %mul3A_173 = vector.broadcast %mul3A_172 : f32 to vector<16xf32>
      %mul3A_174 = arith.mulf %mul3A_173, %max3A_147 : vector<16xf32>
      %mul3A_175 = arith.mulf %mul3A_174, %mul3A_171 : vector<16xf32>
      %mul3A_176 = arith.mulf %mul3A_175, %mul3A_171 : vector<16xf32>
      %sub3A_177 = arith.constant 1.500000e+00 : f32
      %sub3A_178 = vector.broadcast %sub3A_177 : f32 to vector<16xf32>
      %sub3A_179 = arith.subf %sub3A_178, %mul3A_176 : vector<16xf32>
      %mul3A_180 = arith.mulf %mul3A_171, %sub3A_179 : vector<16xf32>
      %mul3A_181 = arith.mulf %add3A_140, %mul3A_180 : vector<16xf32>
      %add3A_182 = arith.constant 9.99999971E-10 : f32
      %add3A_183 = vector.broadcast %add3A_182 : f32 to vector<16xf32>
      %add3A_184 = arith.addf %mul3A_181, %add3A_183 : vector<16xf32>
      %max3A_185 = arith.constant 1.000000e-30 : f32
      %max3A_186 = vector.broadcast %max3A_185 : f32 to vector<16xf32>
      %max3A_187 = arith.maximumf %add3A_145, %max3A_186 : vector<16xf32>
      %bitcast_convert_type3A_188 = tpu.bitcast %max3A_187 : vector<16xf32> -> vector<16xi32>
      %shift_right_logical3A_189 = arith.constant 1 : i32
      %shift_right_logical3A_190 = vector.broadcast %shift_right_logical3A_189 : i32 to vector<16xi32>
      %shift_right_logical3A_191 = arith.shrui %bitcast_convert_type3A_188, %shift_right_logical3A_190 : vector<16xi32>
      %sub3A_192 = arith.constant 1597463007 : i32
      %sub3A_193 = vector.broadcast %sub3A_192 : i32 to vector<16xi32>
      %sub3A_194 = arith.subi %sub3A_193, %shift_right_logical3A_191 : vector<16xi32>
      %bitcast_convert_type3A_195 = tpu.bitcast %sub3A_194 : vector<16xi32> -> vector<16xf32>
      %mul3A_196 = arith.constant 5.000000e-01 : f32
      %mul3A_197 = vector.broadcast %mul3A_196 : f32 to vector<16xf32>
      %mul3A_198 = arith.mulf %mul3A_197, %max3A_187 : vector<16xf32>
      %mul3A_199 = arith.mulf %mul3A_198, %bitcast_convert_type3A_195 : vector<16xf32>
      %mul3A_200 = arith.mulf %mul3A_199, %bitcast_convert_type3A_195 : vector<16xf32>
      %sub3A_201 = arith.constant 1.500000e+00 : f32
      %sub3A_202 = vector.broadcast %sub3A_201 : f32 to vector<16xf32>
      %sub3A_203 = arith.subf %sub3A_202, %mul3A_200 : vector<16xf32>
      %mul3A_204 = arith.mulf %bitcast_convert_type3A_195, %sub3A_203 : vector<16xf32>
      %mul3A_205 = arith.constant 5.000000e-01 : f32
      %mul3A_206 = vector.broadcast %mul3A_205 : f32 to vector<16xf32>
      %mul3A_207 = arith.mulf %mul3A_206, %max3A_187 : vector<16xf32>
      %mul3A_208 = arith.mulf %mul3A_207, %mul3A_204 : vector<16xf32>
      %mul3A_209 = arith.mulf %mul3A_208, %mul3A_204 : vector<16xf32>
      %sub3A_210 = arith.constant 1.500000e+00 : f32
      %sub3A_211 = vector.broadcast %sub3A_210 : f32 to vector<16xf32>
      %sub3A_212 = arith.subf %sub3A_211, %mul3A_209 : vector<16xf32>
      %mul3A_213 = arith.mulf %mul3A_204, %sub3A_212 : vector<16xf32>
      %mul3A_214 = arith.constant 5.000000e-01 : f32
      %mul3A_215 = vector.broadcast %mul3A_214 : f32 to vector<16xf32>
      %mul3A_216 = arith.mulf %mul3A_215, %max3A_187 : vector<16xf32>
      %mul3A_217 = arith.mulf %mul3A_216, %mul3A_213 : vector<16xf32>
      %mul3A_218 = arith.mulf %mul3A_217, %mul3A_213 : vector<16xf32>
      %sub3A_219 = arith.constant 1.500000e+00 : f32
      %sub3A_220 = vector.broadcast %sub3A_219 : f32 to vector<16xf32>
      %sub3A_221 = arith.subf %sub3A_220, %mul3A_218 : vector<16xf32>
      %mul3A_222 = arith.mulf %mul3A_213, %sub3A_221 : vector<16xf32>
      %mul3A_223 = arith.mulf %add3A_145, %mul3A_222 : vector<16xf32>
      %add3A_224 = arith.constant 9.99999971E-10 : f32
      %add3A_225 = vector.broadcast %add3A_224 : f32 to vector<16xf32>
      %add3A_226 = arith.addf %mul3A_223, %add3A_225 : vector<16xf32>
      %mul3A_227 = arith.mulf %sub3A_130, %sub3A_133 : vector<16xf32>
      %mul3A_228 = arith.mulf %sub3A_131, %sub3A_134 : vector<16xf32>
      %add3A_229 = arith.addf %mul3A_227, %mul3A_228 : vector<16xf32>
      %mul3A_230 = arith.mulf %sub3A_132, %sub3A_135 : vector<16xf32>
      %add3A_231 = arith.addf %add3A_229, %mul3A_230 : vector<16xf32>
      %mul3A_232 = arith.mulf %add3A_184, %add3A_226 : vector<16xf32>
      %div3A_233 = arith.divf %add3A_231, %mul3A_232 : vector<16xf32>
      %jit3A_234 = arith.constant -0.99999988 : f32
      %jit3A_235 = arith.constant 0.99999988 : f32
      %max3A_236 = vector.broadcast %jit3A_234 : f32 to vector<16xf32>
      %max3A_237 = arith.maximumf %max3A_236, %div3A_233 : vector<16xf32>
      %min3A = vector.broadcast %jit3A_235 : f32 to vector<16xf32>
      %min3A_238 = arith.minimumf %min3A, %max3A_237 : vector<16xf32>
      %sub3A_239 = arith.constant 1.000000e+00 : f32
      %sub3A_240 = vector.broadcast %sub3A_239 : f32 to vector<16xf32>
      %sub3A_241 = arith.subf %sub3A_240, %min3A_238 : vector<16xf32>
      %add3A_242 = arith.constant 1.000000e+00 : f32
      %add3A_243 = vector.broadcast %add3A_242 : f32 to vector<16xf32>
      %add3A_244 = arith.addf %add3A_243, %min3A_238 : vector<16xf32>
      %mul3A_245 = arith.mulf %sub3A_241, %add3A_244 : vector<16xf32>
      %max3A_246 = arith.constant 1.000000e-30 : f32
      %max3A_247 = vector.broadcast %max3A_246 : f32 to vector<16xf32>
      %max3A_248 = arith.maximumf %mul3A_245, %max3A_247 : vector<16xf32>
      %bitcast_convert_type3A_249 = tpu.bitcast %max3A_248 : vector<16xf32> -> vector<16xi32>
      %shift_right_logical3A_250 = arith.constant 1 : i32
      %shift_right_logical3A_251 = vector.broadcast %shift_right_logical3A_250 : i32 to vector<16xi32>
      %shift_right_logical3A_252 = arith.shrui %bitcast_convert_type3A_249, %shift_right_logical3A_251 : vector<16xi32>
      %sub3A_253 = arith.constant 1597463007 : i32
      %sub3A_254 = vector.broadcast %sub3A_253 : i32 to vector<16xi32>
      %sub3A_255 = arith.subi %sub3A_254, %shift_right_logical3A_252 : vector<16xi32>
      %bitcast_convert_type3A_256 = tpu.bitcast %sub3A_255 : vector<16xi32> -> vector<16xf32>
      %mul3A_257 = arith.constant 5.000000e-01 : f32
      %mul3A_258 = vector.broadcast %mul3A_257 : f32 to vector<16xf32>
      %mul3A_259 = arith.mulf %mul3A_258, %max3A_248 : vector<16xf32>
      %mul3A_260 = arith.mulf %mul3A_259, %bitcast_convert_type3A_256 : vector<16xf32>
      %mul3A_261 = arith.mulf %mul3A_260, %bitcast_convert_type3A_256 : vector<16xf32>
      %sub3A_262 = arith.constant 1.500000e+00 : f32
      %sub3A_263 = vector.broadcast %sub3A_262 : f32 to vector<16xf32>
      %sub3A_264 = arith.subf %sub3A_263, %mul3A_261 : vector<16xf32>
      %mul3A_265 = arith.mulf %bitcast_convert_type3A_256, %sub3A_264 : vector<16xf32>
      %mul3A_266 = arith.constant 5.000000e-01 : f32
      %mul3A_267 = vector.broadcast %mul3A_266 : f32 to vector<16xf32>
      %mul3A_268 = arith.mulf %mul3A_267, %max3A_248 : vector<16xf32>
      %mul3A_269 = arith.mulf %mul3A_268, %mul3A_265 : vector<16xf32>
      %mul3A_270 = arith.mulf %mul3A_269, %mul3A_265 : vector<16xf32>
      %sub3A_271 = arith.constant 1.500000e+00 : f32
      %sub3A_272 = vector.broadcast %sub3A_271 : f32 to vector<16xf32>
      %sub3A_273 = arith.subf %sub3A_272, %mul3A_270 : vector<16xf32>
      %mul3A_274 = arith.mulf %mul3A_265, %sub3A_273 : vector<16xf32>
      %mul3A_275 = arith.constant 5.000000e-01 : f32
      %mul3A_276 = vector.broadcast %mul3A_275 : f32 to vector<16xf32>
      %mul3A_277 = arith.mulf %mul3A_276, %max3A_248 : vector<16xf32>
      %mul3A_278 = arith.mulf %mul3A_277, %mul3A_274 : vector<16xf32>
      %mul3A_279 = arith.mulf %mul3A_278, %mul3A_274 : vector<16xf32>
      %sub3A_280 = arith.constant 1.500000e+00 : f32
      %sub3A_281 = vector.broadcast %sub3A_280 : f32 to vector<16xf32>
      %sub3A_282 = arith.subf %sub3A_281, %mul3A_279 : vector<16xf32>
      %mul3A_283 = arith.mulf %mul3A_274, %sub3A_282 : vector<16xf32>
      %mul3A_284 = arith.mulf %mul3A_245, %mul3A_283 : vector<16xf32>
      %abs3A = math.absf %min3A_238 : vector<16xf32>
      %abs3A_285 = math.absf %mul3A_284 : vector<16xf32>
      %max3A_286 = arith.maximumf %abs3A, %abs3A_285 : vector<16xf32>
      %min3A_287 = arith.minimumf %abs3A, %abs3A_285 : vector<16xf32>
      %max3A_288 = arith.constant 1.000000e-30 : f32
      %max3A_289 = vector.broadcast %max3A_288 : f32 to vector<16xf32>
      %max3A_290 = arith.maximumf %max3A_286, %max3A_289 : vector<16xf32>
      %div3A_291 = arith.divf %min3A_287, %max3A_290 : vector<16xf32>
      %mul3A_292 = arith.mulf %div3A_291, %div3A_291 : vector<16xf32>
      %mul3A_293 = arith.constant 0.00286622578 : f32
      %mul3A_294 = vector.broadcast %mul3A_293 : f32 to vector<16xf32>
      %mul3A_295 = arith.mulf %mul3A_294, %mul3A_292 : vector<16xf32>
      %add3A_296 = arith.constant -0.0161657371 : f32
      %add3A_297 = vector.broadcast %add3A_296 : f32 to vector<16xf32>
      %add3A_298 = arith.addf %mul3A_295, %add3A_297 : vector<16xf32>
      %mul3A_299 = arith.mulf %add3A_298, %mul3A_292 : vector<16xf32>
      %add3A_300 = arith.constant 0.0429096147 : f32
      %add3A_301 = vector.broadcast %add3A_300 : f32 to vector<16xf32>
      %add3A_302 = arith.addf %mul3A_299, %add3A_301 : vector<16xf32>
      %mul3A_303 = arith.mulf %add3A_302, %mul3A_292 : vector<16xf32>
      %add3A_304 = arith.constant -0.0752896368 : f32
      %add3A_305 = vector.broadcast %add3A_304 : f32 to vector<16xf32>
      %add3A_306 = arith.addf %mul3A_303, %add3A_305 : vector<16xf32>
      %mul3A_307 = arith.mulf %add3A_306, %mul3A_292 : vector<16xf32>
      %add3A_308 = arith.constant 0.106562637 : f32
      %add3A_309 = vector.broadcast %add3A_308 : f32 to vector<16xf32>
      %add3A_310 = arith.addf %mul3A_307, %add3A_309 : vector<16xf32>
      %mul3A_311 = arith.mulf %add3A_310, %mul3A_292 : vector<16xf32>
      %add3A_312 = arith.constant -1.420890e-01 : f32
      %add3A_313 = vector.broadcast %add3A_312 : f32 to vector<16xf32>
      %add3A_314 = arith.addf %mul3A_311, %add3A_313 : vector<16xf32>
      %mul3A_315 = arith.mulf %add3A_314, %mul3A_292 : vector<16xf32>
      %add3A_316 = arith.constant 0.199935511 : f32
      %add3A_317 = vector.broadcast %add3A_316 : f32 to vector<16xf32>
      %add3A_318 = arith.addf %mul3A_315, %add3A_317 : vector<16xf32>
      %mul3A_319 = arith.mulf %add3A_318, %mul3A_292 : vector<16xf32>
      %add3A_320 = arith.constant -0.333331466 : f32
      %add3A_321 = vector.broadcast %add3A_320 : f32 to vector<16xf32>
      %add3A_322 = arith.addf %mul3A_319, %add3A_321 : vector<16xf32>
      %mul3A_323 = arith.mulf %add3A_322, %mul3A_292 : vector<16xf32>
      %add3A_324 = arith.constant 1.000000e+00 : f32
      %add3A_325 = vector.broadcast %add3A_324 : f32 to vector<16xf32>
      %add3A_326 = arith.addf %mul3A_323, %add3A_325 : vector<16xf32>
      %mul3A_327 = arith.mulf %div3A_291, %add3A_326 : vector<16xf32>
      %gt3A = arith.cmpf ogt, %abs3A_285, %abs3A : vector<16xf32>
      %sub3A_328 = arith.constant 1.57079637 : f32
      %sub3A_329 = vector.broadcast %sub3A_328 : f32 to vector<16xf32>
      %sub3A_330 = arith.subf %sub3A_329, %mul3A_327 : vector<16xf32>
      %select_n3A_331 = arith.select %gt3A, %sub3A_330, %mul3A_327 : vector<16xi1>, vector<16xf32>
      %lt3A_332 = arith.constant 0.000000e+00 : f32
      %lt3A_333 = vector.broadcast %lt3A_332 : f32 to vector<16xf32>
      %lt3A_334 = arith.cmpf olt, %min3A_238, %lt3A_333 : vector<16xf32>
      %sub3A_335 = arith.constant 3.14159274 : f32
      %sub3A_336 = vector.broadcast %sub3A_335 : f32 to vector<16xf32>
      %sub3A_337 = arith.subf %sub3A_336, %select_n3A_331 : vector<16xf32>
      %select_n3A_338 = arith.select %lt3A_334, %sub3A_337, %select_n3A_331 : vector<16xi1>, vector<16xf32>
      %lt3A_339 = arith.constant 0.000000e+00 : f32
      %lt3A_340 = vector.broadcast %lt3A_339 : f32 to vector<16xf32>
      %lt3A_341 = arith.cmpf olt, %mul3A_284, %lt3A_340 : vector<16xf32>
      %neg3A = arith.constant 0.000000e+00 : f32
      %neg3A_342 = vector.broadcast %neg3A : f32 to vector<16xf32>
      %neg3A_343 = arith.subf %neg3A_342, %select_n3A_338 : vector<16xf32>
      %select_n3A_344 = arith.select %lt3A_341, %neg3A_343, %select_n3A_338 : vector<16xi1>, vector<16xf32>
      %mul3A_345 = arith.constant 5.000000e-01 : f32
      %mul3A_346 = vector.broadcast %mul3A_345 : f32 to vector<16xf32>
      %mul3A_347 = arith.mulf %mul3A_346, %gather3A_89 : vector<16xf32>
      %sub3A_348 = arith.subf %select_n3A_344, %gather3A_93 : vector<16xf32>
      %mul3A_349 = arith.mulf %mul3A_347, %sub3A_348 : vector<16xf32>
      %sub3A_350 = arith.subf %select_n3A_344, %gather3A_93 : vector<16xf32>
      %mul3A_351 = arith.mulf %mul3A_349, %sub3A_350 : vector<16xf32>
      %add3A_352 = arith.addf %scan3A_63, %mul3A_351 : vector<16xf32>
      scf.yield %add3A_352 : vector<16xf32>
    }
    %scan3A_42 = arith.constant 32 : i32
    %scan3A_43 = arith.constant 0 : i32
    %scan3A_44 = arith.constant 8 : i32
    %scan3A_45 = arith.addi %scan3A_43, %scan3A_44 : i32
    %scan3A_46 = arith.constant 1 : i32
    %scan3A_47 = scf.for %scan3A_62 = %scan3A_43 to %scan3A_45 step %scan3A_46 iter_args(%scan3A_63 = %scan3A_41) -> (vector<16xf32>)  : i32 {
      %mul3A_64 = arith.constant 128 : i32
      %mul3A_65 = arith.muli %select_n3A_30, %mul3A_64 : i32
      %mul3A_66 = arith.constant 16 : i32
      %mul3A_67 = arith.muli %scan3A_62, %mul3A_66 : i32
      %add3A_68 = arith.addi %mul3A_65, %mul3A_67 : i32
      %add3A_69 = vector.broadcast %add3A_68 : i32 to vector<16xi32>
      %add3A_70 = arith.addi %add3A_69, %iota3A : vector<16xi32>
      %add3A_71 = arith.constant 7168 : i32
      %add3A_72 = vector.broadcast %add3A_71 : i32 to vector<16xi32>
      %add3A_73 = arith.addi %add3A_70, %add3A_72 : vector<16xi32>
      %gather3A = tpu.vector_load_idx %arg7[%add3A_73] : memref<11520xi32, #tpu.memory_space<vmem>>[vector<16xi32>], vector<16xi32>,
      %mul3A_74 = arith.constant 3 : i32
      %mul3A_75 = vector.broadcast %mul3A_74 : i32 to vector<16xi32>
      %mul3A_76 = arith.muli %gather3A, %mul3A_75 : vector<16xi32>
      %gather3A_77 = tpu.vector_load_idx %arg6[%mul3A_76] : memref<3072xf32, #tpu.memory_space<vmem>>[vector<16xi32>], vector<16xf32>,
      %add3A_78 = arith.constant 1 : i32
      %add3A_79 = vector.broadcast %add3A_78 : i32 to vector<16xi32>
      %add3A_80 = arith.addi %mul3A_76, %add3A_79 : vector<16xi32>
      %gather3A_81 = tpu.vector_load_idx %arg6[%add3A_80] : memref<3072xf32, #tpu.memory_space<vmem>>[vector<16xi32>], vector<16xf32>,
      %add3A_82 = arith.constant 2 : i32
      %add3A_83 = vector.broadcast %add3A_82 : i32 to vector<16xi32>
      %add3A_84 = arith.addi %mul3A_76, %add3A_83 : vector<16xi32>
      %gather3A_85 = tpu.vector_load_idx %arg6[%add3A_84] : memref<3072xf32, #tpu.memory_space<vmem>>[vector<16xi32>], vector<16xf32>,
      %add3A_86 = arith.constant 7424 : i32
      %add3A_87 = vector.broadcast %add3A_86 : i32 to vector<16xi32>
      %add3A_88 = arith.addi %add3A_70, %add3A_87 : vector<16xi32>
      %gather3A_89 = tpu.vector_load_idx %arg7[%add3A_88] : memref<11520xi32, #tpu.memory_space<vmem>>[vector<16xi32>], vector<16xi32>,
      %mul3A_90 = arith.constant 3 : i32
      %mul3A_91 = vector.broadcast %mul3A_90 : i32 to vector<16xi32>
      %mul3A_92 = arith.muli %gather3A_89, %mul3A_91 : vector<16xi32>
      %gather3A_93 = tpu.vector_load_idx %arg6[%mul3A_92] : memref<3072xf32, #tpu.memory_space<vmem>>[vector<16xi32>], vector<16xf32>,
      %add3A_94 = arith.constant 1 : i32
      %add3A_95 = vector.broadcast %add3A_94 : i32 to vector<16xi32>
      %add3A_96 = arith.addi %mul3A_92, %add3A_95 : vector<16xi32>
      %gather3A_97 = tpu.vector_load_idx %arg6[%add3A_96] : memref<3072xf32, #tpu.memory_space<vmem>>[vector<16xi32>], vector<16xf32>,
      %add3A_98 = arith.constant 2 : i32
      %add3A_99 = vector.broadcast %add3A_98 : i32 to vector<16xi32>
      %add3A_100 = arith.addi %mul3A_92, %add3A_99 : vector<16xi32>
      %gather3A_101 = tpu.vector_load_idx %arg6[%add3A_100] : memref<3072xf32, #tpu.memory_space<vmem>>[vector<16xi32>], vector<16xf32>,
      %add3A_102 = arith.constant 7680 : i32
      %add3A_103 = vector.broadcast %add3A_102 : i32 to vector<16xi32>
      %add3A_104 = arith.addi %add3A_70, %add3A_103 : vector<16xi32>
      %gather3A_105 = tpu.vector_load_idx %arg7[%add3A_104] : memref<11520xi32, #tpu.memory_space<vmem>>[vector<16xi32>], vector<16xi32>,
      %mul3A_106 = arith.constant 3 : i32
      %mul3A_107 = vector.broadcast %mul3A_106 : i32 to vector<16xi32>
      %mul3A_108 = arith.muli %gather3A_105, %mul3A_107 : vector<16xi32>
      %gather3A_109 = tpu.vector_load_idx %arg6[%mul3A_108] : memref<3072xf32, #tpu.memory_space<vmem>>[vector<16xi32>], vector<16xf32>,
      %add3A_110 = arith.constant 1 : i32
      %add3A_111 = vector.broadcast %add3A_110 : i32 to vector<16xi32>
      %add3A_112 = arith.addi %mul3A_108, %add3A_111 : vector<16xi32>
      %gather3A_113 = tpu.vector_load_idx %arg6[%add3A_112] : memref<3072xf32, #tpu.memory_space<vmem>>[vector<16xi32>], vector<16xf32>,
      %add3A_114 = arith.constant 2 : i32
      %add3A_115 = vector.broadcast %add3A_114 : i32 to vector<16xi32>
      %add3A_116 = arith.addi %mul3A_108, %add3A_115 : vector<16xi32>
      %gather3A_117 = tpu.vector_load_idx %arg6[%add3A_116] : memref<3072xf32, #tpu.memory_space<vmem>>[vector<16xi32>], vector<16xf32>,
      %add3A_118 = arith.constant 7936 : i32
      %add3A_119 = vector.broadcast %add3A_118 : i32 to vector<16xi32>
      %add3A_120 = arith.addi %add3A_70, %add3A_119 : vector<16xi32>
      %gather3A_121 = tpu.vector_load_idx %arg7[%add3A_120] : memref<11520xi32, #tpu.memory_space<vmem>>[vector<16xi32>], vector<16xi32>,
      %mul3A_122 = arith.constant 3 : i32
      %mul3A_123 = vector.broadcast %mul3A_122 : i32 to vector<16xi32>
      %mul3A_124 = arith.muli %gather3A_121, %mul3A_123 : vector<16xi32>
      %gather3A_125 = tpu.vector_load_idx %arg6[%mul3A_124] : memref<3072xf32, #tpu.memory_space<vmem>>[vector<16xi32>], vector<16xf32>,
      %add3A_126 = arith.constant 1 : i32
      %add3A_127 = vector.broadcast %add3A_126 : i32 to vector<16xi32>
      %add3A_128 = arith.addi %mul3A_124, %add3A_127 : vector<16xi32>
      %gather3A_129 = tpu.vector_load_idx %arg6[%add3A_128] : memref<3072xf32, #tpu.memory_space<vmem>>[vector<16xi32>], vector<16xf32>,
      %add3A_130 = arith.constant 2 : i32
      %add3A_131 = vector.broadcast %add3A_130 : i32 to vector<16xi32>
      %add3A_132 = arith.addi %mul3A_124, %add3A_131 : vector<16xi32>
      %gather3A_133 = tpu.vector_load_idx %arg6[%add3A_132] : memref<3072xf32, #tpu.memory_space<vmem>>[vector<16xi32>], vector<16xf32>,
      %add3A_134 = arith.constant 8192 : i32
      %add3A_135 = vector.broadcast %add3A_134 : i32 to vector<16xi32>
      %add3A_136 = arith.addi %add3A_70, %add3A_135 : vector<16xi32>
      %gather3A_137 = tpu.vector_load_idx %arg7[%add3A_136] : memref<11520xi32, #tpu.memory_space<vmem>>[vector<16xi32>], vector<16xi32>,
      %add3A_138 = arith.constant 64 : i32
      %add3A_139 = vector.broadcast %add3A_138 : i32 to vector<16xi32>
      %add3A_140 = arith.addi %gather3A_137, %add3A_139 : vector<16xi32>
      %gather3A_141 = tpu.vector_load_idx %arg8[%add3A_140] : memref<2400xf32, #tpu.memory_space<vmem>>[vector<16xi32>], vector<16xf32>,
      %add3A_142 = arith.constant 80 : i32
      %add3A_143 = vector.broadcast %add3A_142 : i32 to vector<16xi32>
      %add3A_144 = arith.addi %gather3A_137, %add3A_143 : vector<16xi32>
      %gather3A_145 = tpu.vector_load_idx %arg8[%add3A_144] : memref<2400xf32, #tpu.memory_space<vmem>>[vector<16xi32>], vector<16xf32>,
      %sub3A_146 = arith.subf %gather3A_77, %gather3A_93 : vector<16xf32>
      %sub3A_147 = arith.subf %gather3A_81, %gather3A_97 : vector<16xf32>
      %sub3A_148 = arith.subf %gather3A_85, %gather3A_101 : vector<16xf32>
      %sub3A_149 = arith.subf %gather3A_109, %gather3A_93 : vector<16xf32>
      %sub3A_150 = arith.subf %gather3A_113, %gather3A_97 : vector<16xf32>
      %sub3A_151 = arith.subf %gather3A_117, %gather3A_101 : vector<16xf32>
      %sub3A_152 = arith.subf %gather3A_125, %gather3A_109 : vector<16xf32>
      %sub3A_153 = arith.subf %gather3A_129, %gather3A_113 : vector<16xf32>
      %sub3A_154 = arith.subf %gather3A_133, %gather3A_117 : vector<16xf32>
      %mul3A_155 = arith.mulf %sub3A_149, %sub3A_149 : vector<16xf32>
      %mul3A_156 = arith.mulf %sub3A_150, %sub3A_150 : vector<16xf32>
      %add3A_157 = arith.addf %mul3A_155, %mul3A_156 : vector<16xf32>
      %mul3A_158 = arith.mulf %sub3A_151, %sub3A_151 : vector<16xf32>
      %add3A_159 = arith.addf %add3A_157, %mul3A_158 : vector<16xf32>
      %max3A = arith.constant 1.000000e-30 : f32
      %max3A_160 = vector.broadcast %max3A : f32 to vector<16xf32>
      %max3A_161 = arith.maximumf %add3A_159, %max3A_160 : vector<16xf32>
      %bitcast_convert_type3A = tpu.bitcast %max3A_161 : vector<16xf32> -> vector<16xi32>
      %shift_right_logical3A = arith.constant 1 : i32
      %shift_right_logical3A_162 = vector.broadcast %shift_right_logical3A : i32 to vector<16xi32>
      %shift_right_logical3A_163 = arith.shrui %bitcast_convert_type3A, %shift_right_logical3A_162 : vector<16xi32>
      %sub3A_164 = arith.constant 1597463007 : i32
      %sub3A_165 = vector.broadcast %sub3A_164 : i32 to vector<16xi32>
      %sub3A_166 = arith.subi %sub3A_165, %shift_right_logical3A_163 : vector<16xi32>
      %bitcast_convert_type3A_167 = tpu.bitcast %sub3A_166 : vector<16xi32> -> vector<16xf32>
      %mul3A_168 = arith.constant 5.000000e-01 : f32
      %mul3A_169 = vector.broadcast %mul3A_168 : f32 to vector<16xf32>
      %mul3A_170 = arith.mulf %mul3A_169, %max3A_161 : vector<16xf32>
      %mul3A_171 = arith.mulf %mul3A_170, %bitcast_convert_type3A_167 : vector<16xf32>
      %mul3A_172 = arith.mulf %mul3A_171, %bitcast_convert_type3A_167 : vector<16xf32>
      %sub3A_173 = arith.constant 1.500000e+00 : f32
      %sub3A_174 = vector.broadcast %sub3A_173 : f32 to vector<16xf32>
      %sub3A_175 = arith.subf %sub3A_174, %mul3A_172 : vector<16xf32>
      %mul3A_176 = arith.mulf %bitcast_convert_type3A_167, %sub3A_175 : vector<16xf32>
      %mul3A_177 = arith.constant 5.000000e-01 : f32
      %mul3A_178 = vector.broadcast %mul3A_177 : f32 to vector<16xf32>
      %mul3A_179 = arith.mulf %mul3A_178, %max3A_161 : vector<16xf32>
      %mul3A_180 = arith.mulf %mul3A_179, %mul3A_176 : vector<16xf32>
      %mul3A_181 = arith.mulf %mul3A_180, %mul3A_176 : vector<16xf32>
      %sub3A_182 = arith.constant 1.500000e+00 : f32
      %sub3A_183 = vector.broadcast %sub3A_182 : f32 to vector<16xf32>
      %sub3A_184 = arith.subf %sub3A_183, %mul3A_181 : vector<16xf32>
      %mul3A_185 = arith.mulf %mul3A_176, %sub3A_184 : vector<16xf32>
      %mul3A_186 = arith.constant 5.000000e-01 : f32
      %mul3A_187 = vector.broadcast %mul3A_186 : f32 to vector<16xf32>
      %mul3A_188 = arith.mulf %mul3A_187, %max3A_161 : vector<16xf32>
      %mul3A_189 = arith.mulf %mul3A_188, %mul3A_185 : vector<16xf32>
      %mul3A_190 = arith.mulf %mul3A_189, %mul3A_185 : vector<16xf32>
      %sub3A_191 = arith.constant 1.500000e+00 : f32
      %sub3A_192 = vector.broadcast %sub3A_191 : f32 to vector<16xf32>
      %sub3A_193 = arith.subf %sub3A_192, %mul3A_190 : vector<16xf32>
      %mul3A_194 = arith.mulf %mul3A_185, %sub3A_193 : vector<16xf32>
      %mul3A_195 = arith.mulf %add3A_159, %mul3A_194 : vector<16xf32>
      %add3A_196 = arith.constant 9.99999971E-10 : f32
      %add3A_197 = vector.broadcast %add3A_196 : f32 to vector<16xf32>
      %add3A_198 = arith.addf %mul3A_195, %add3A_197 : vector<16xf32>
      %div3A_199 = arith.constant 1.000000e+00 : f32
      %div3A_200 = vector.broadcast %div3A_199 : f32 to vector<16xf32>
      %div3A_201 = arith.divf %div3A_200, %add3A_198 : vector<16xf32>
      %mul3A_202 = arith.mulf %sub3A_149, %div3A_201 : vector<16xf32>
      %mul3A_203 = arith.mulf %sub3A_150, %div3A_201 : vector<16xf32>
      %mul3A_204 = arith.mulf %sub3A_151, %div3A_201 : vector<16xf32>
      %mul3A_205 = arith.mulf %sub3A_146, %mul3A_202 : vector<16xf32>
      %mul3A_206 = arith.mulf %sub3A_147, %mul3A_203 : vector<16xf32>
      %add3A_207 = arith.addf %mul3A_205, %mul3A_206 : vector<16xf32>
      %mul3A_208 = arith.mulf %sub3A_148, %mul3A_204 : vector<16xf32>
      %add3A_209 = arith.addf %add3A_207, %mul3A_208 : vector<16xf32>
      %mul3A_210 = arith.mulf %sub3A_152, %mul3A_202 : vector<16xf32>
      %mul3A_211 = arith.mulf %sub3A_153, %mul3A_203 : vector<16xf32>
      %add3A_212 = arith.addf %mul3A_210, %mul3A_211 : vector<16xf32>
      %mul3A_213 = arith.mulf %sub3A_154, %mul3A_204 : vector<16xf32>
      %add3A_214 = arith.addf %add3A_212, %mul3A_213 : vector<16xf32>
      %mul3A_215 = arith.mulf %add3A_209, %mul3A_202 : vector<16xf32>
      %sub3A_216 = arith.subf %sub3A_146, %mul3A_215 : vector<16xf32>
      %mul3A_217 = arith.mulf %add3A_209, %mul3A_203 : vector<16xf32>
      %sub3A_218 = arith.subf %sub3A_147, %mul3A_217 : vector<16xf32>
      %mul3A_219 = arith.mulf %add3A_209, %mul3A_204 : vector<16xf32>
      %sub3A_220 = arith.subf %sub3A_148, %mul3A_219 : vector<16xf32>
      %mul3A_221 = arith.mulf %add3A_214, %mul3A_202 : vector<16xf32>
      %sub3A_222 = arith.subf %sub3A_152, %mul3A_221 : vector<16xf32>
      %mul3A_223 = arith.mulf %add3A_214, %mul3A_203 : vector<16xf32>
      %sub3A_224 = arith.subf %sub3A_153, %mul3A_223 : vector<16xf32>
      %mul3A_225 = arith.mulf %add3A_214, %mul3A_204 : vector<16xf32>
      %sub3A_226 = arith.subf %sub3A_154, %mul3A_225 : vector<16xf32>
      %mul3A_227 = arith.mulf %sub3A_216, %sub3A_222 : vector<16xf32>
      %mul3A_228 = arith.mulf %sub3A_218, %sub3A_224 : vector<16xf32>
      %add3A_229 = arith.addf %mul3A_227, %mul3A_228 : vector<16xf32>
      %mul3A_230 = arith.mulf %sub3A_220, %sub3A_226 : vector<16xf32>
      %add3A_231 = arith.addf %add3A_229, %mul3A_230 : vector<16xf32>
      %mul3A_232 = arith.mulf %mul3A_203, %sub3A_220 : vector<16xf32>
      %mul3A_233 = arith.mulf %mul3A_204, %sub3A_218 : vector<16xf32>
      %sub3A_234 = arith.subf %mul3A_232, %mul3A_233 : vector<16xf32>
      %mul3A_235 = arith.mulf %mul3A_204, %sub3A_216 : vector<16xf32>
      %mul3A_236 = arith.mulf %mul3A_202, %sub3A_220 : vector<16xf32>
      %sub3A_237 = arith.subf %mul3A_235, %mul3A_236 : vector<16xf32>
      %mul3A_238 = arith.mulf %mul3A_202, %sub3A_218 : vector<16xf32>
      %mul3A_239 = arith.mulf %mul3A_203, %sub3A_216 : vector<16xf32>
      %sub3A_240 = arith.subf %mul3A_238, %mul3A_239 : vector<16xf32>
      %mul3A_241 = arith.mulf %sub3A_234, %sub3A_222 : vector<16xf32>
      %mul3A_242 = arith.mulf %sub3A_237, %sub3A_224 : vector<16xf32>
      %add3A_243 = arith.addf %mul3A_241, %mul3A_242 : vector<16xf32>
      %mul3A_244 = arith.mulf %sub3A_240, %sub3A_226 : vector<16xf32>
      %add3A_245 = arith.addf %add3A_243, %mul3A_244 : vector<16xf32>
      %abs3A = math.absf %add3A_231 : vector<16xf32>
      %abs3A_246 = math.absf %add3A_245 : vector<16xf32>
      %max3A_247 = arith.maximumf %abs3A, %abs3A_246 : vector<16xf32>
      %min3A = arith.minimumf %abs3A, %abs3A_246 : vector<16xf32>
      %max3A_248 = arith.constant 1.000000e-30 : f32
      %max3A_249 = vector.broadcast %max3A_248 : f32 to vector<16xf32>
      %max3A_250 = arith.maximumf %max3A_247, %max3A_249 : vector<16xf32>
      %div3A_251 = arith.divf %min3A, %max3A_250 : vector<16xf32>
      %mul3A_252 = arith.mulf %div3A_251, %div3A_251 : vector<16xf32>
      %mul3A_253 = arith.constant 0.00286622578 : f32
      %mul3A_254 = vector.broadcast %mul3A_253 : f32 to vector<16xf32>
      %mul3A_255 = arith.mulf %mul3A_254, %mul3A_252 : vector<16xf32>
      %add3A_256 = arith.constant -0.0161657371 : f32
      %add3A_257 = vector.broadcast %add3A_256 : f32 to vector<16xf32>
      %add3A_258 = arith.addf %mul3A_255, %add3A_257 : vector<16xf32>
      %mul3A_259 = arith.mulf %add3A_258, %mul3A_252 : vector<16xf32>
      %add3A_260 = arith.constant 0.0429096147 : f32
      %add3A_261 = vector.broadcast %add3A_260 : f32 to vector<16xf32>
      %add3A_262 = arith.addf %mul3A_259, %add3A_261 : vector<16xf32>
      %mul3A_263 = arith.mulf %add3A_262, %mul3A_252 : vector<16xf32>
      %add3A_264 = arith.constant -0.0752896368 : f32
      %add3A_265 = vector.broadcast %add3A_264 : f32 to vector<16xf32>
      %add3A_266 = arith.addf %mul3A_263, %add3A_265 : vector<16xf32>
      %mul3A_267 = arith.mulf %add3A_266, %mul3A_252 : vector<16xf32>
      %add3A_268 = arith.constant 0.106562637 : f32
      %add3A_269 = vector.broadcast %add3A_268 : f32 to vector<16xf32>
      %add3A_270 = arith.addf %mul3A_267, %add3A_269 : vector<16xf32>
      %mul3A_271 = arith.mulf %add3A_270, %mul3A_252 : vector<16xf32>
      %add3A_272 = arith.constant -1.420890e-01 : f32
      %add3A_273 = vector.broadcast %add3A_272 : f32 to vector<16xf32>
      %add3A_274 = arith.addf %mul3A_271, %add3A_273 : vector<16xf32>
      %mul3A_275 = arith.mulf %add3A_274, %mul3A_252 : vector<16xf32>
      %add3A_276 = arith.constant 0.199935511 : f32
      %add3A_277 = vector.broadcast %add3A_276 : f32 to vector<16xf32>
      %add3A_278 = arith.addf %mul3A_275, %add3A_277 : vector<16xf32>
      %mul3A_279 = arith.mulf %add3A_278, %mul3A_252 : vector<16xf32>
      %add3A_280 = arith.constant -0.333331466 : f32
      %add3A_281 = vector.broadcast %add3A_280 : f32 to vector<16xf32>
      %add3A_282 = arith.addf %mul3A_279, %add3A_281 : vector<16xf32>
      %mul3A_283 = arith.mulf %add3A_282, %mul3A_252 : vector<16xf32>
      %add3A_284 = arith.constant 1.000000e+00 : f32
      %add3A_285 = vector.broadcast %add3A_284 : f32 to vector<16xf32>
      %add3A_286 = arith.addf %mul3A_283, %add3A_285 : vector<16xf32>
      %mul3A_287 = arith.mulf %div3A_251, %add3A_286 : vector<16xf32>
      %gt3A = arith.cmpf ogt, %abs3A_246, %abs3A : vector<16xf32>
      %sub3A_288 = arith.constant 1.57079637 : f32
      %sub3A_289 = vector.broadcast %sub3A_288 : f32 to vector<16xf32>
      %sub3A_290 = arith.subf %sub3A_289, %mul3A_287 : vector<16xf32>
      %select_n3A_291 = arith.select %gt3A, %sub3A_290, %mul3A_287 : vector<16xi1>, vector<16xf32>
      %lt3A_292 = arith.constant 0.000000e+00 : f32
      %lt3A_293 = vector.broadcast %lt3A_292 : f32 to vector<16xf32>
      %lt3A_294 = arith.cmpf olt, %add3A_231, %lt3A_293 : vector<16xf32>
      %sub3A_295 = arith.constant 3.14159274 : f32
      %sub3A_296 = vector.broadcast %sub3A_295 : f32 to vector<16xf32>
      %sub3A_297 = arith.subf %sub3A_296, %select_n3A_291 : vector<16xf32>
      %select_n3A_298 = arith.select %lt3A_294, %sub3A_297, %select_n3A_291 : vector<16xi1>, vector<16xf32>
      %lt3A_299 = arith.constant 0.000000e+00 : f32
      %lt3A_300 = vector.broadcast %lt3A_299 : f32 to vector<16xf32>
      %lt3A_301 = arith.cmpf olt, %add3A_245, %lt3A_300 : vector<16xf32>
      %neg3A = arith.constant 0.000000e+00 : f32
      %neg3A_302 = vector.broadcast %neg3A : f32 to vector<16xf32>
      %neg3A_303 = arith.subf %neg3A_302, %select_n3A_298 : vector<16xf32>
      %select_n3A_304 = arith.select %lt3A_301, %neg3A_303, %select_n3A_298 : vector<16xi1>, vector<16xf32>
      %mul3A_305 = arith.constant 5.000000e-01 : f32
      %mul3A_306 = vector.broadcast %mul3A_305 : f32 to vector<16xf32>
      %mul3A_307 = arith.mulf %mul3A_306, %gather3A_141 : vector<16xf32>
      %sub3A_308 = arith.subf %select_n3A_304, %gather3A_145 : vector<16xf32>
      %mul3A_309 = arith.mulf %mul3A_307, %sub3A_308 : vector<16xf32>
      %sub3A_310 = arith.subf %select_n3A_304, %gather3A_145 : vector<16xf32>
      %mul3A_311 = arith.mulf %mul3A_309, %sub3A_310 : vector<16xf32>
      %add3A_312 = arith.addf %scan3A_63, %mul3A_311 : vector<16xf32>
      scf.yield %add3A_312 : vector<16xf32>
    }
    %scan3A_48 = arith.constant 8 : i32
    %scan3A_49 = arith.constant 0 : i32
    %scan3A_50 = arith.constant 16 : i32
    %scan3A_51 = arith.addi %scan3A_49, %scan3A_50 : i32
    %scan3A_52 = arith.constant 1 : i32
    %scan3A_53 = scf.for %scan3A_62 = %scan3A_49 to %scan3A_51 step %scan3A_52 iter_args(%scan3A_63 = %scan3A_47) -> (vector<16xf32>)  : i32 {
      %mul3A_64 = arith.constant 256 : i32
      %mul3A_65 = arith.muli %select_n3A_30, %mul3A_64 : i32
      %mul3A_66 = arith.constant 16 : i32
      %mul3A_67 = arith.muli %scan3A_62, %mul3A_66 : i32
      %add3A_68 = arith.addi %mul3A_65, %mul3A_67 : i32
      %add3A_69 = vector.broadcast %add3A_68 : i32 to vector<16xi32>
      %add3A_70 = arith.addi %add3A_69, %iota3A : vector<16xi32>
      %add3A_71 = arith.constant 8448 : i32
      %add3A_72 = vector.broadcast %add3A_71 : i32 to vector<16xi32>
      %add3A_73 = arith.addi %add3A_70, %add3A_72 : vector<16xi32>
      %gather3A = tpu.vector_load_idx %arg7[%add3A_73] : memref<11520xi32, #tpu.memory_space<vmem>>[vector<16xi32>], vector<16xi32>,
      %mul3A_74 = arith.constant 3 : i32
      %mul3A_75 = vector.broadcast %mul3A_74 : i32 to vector<16xi32>
      %mul3A_76 = arith.muli %gather3A, %mul3A_75 : vector<16xi32>
      %gather3A_77 = tpu.vector_load_idx %arg6[%mul3A_76] : memref<3072xf32, #tpu.memory_space<vmem>>[vector<16xi32>], vector<16xf32>,
      %add3A_78 = arith.constant 1 : i32
      %add3A_79 = vector.broadcast %add3A_78 : i32 to vector<16xi32>
      %add3A_80 = arith.addi %mul3A_76, %add3A_79 : vector<16xi32>
      %gather3A_81 = tpu.vector_load_idx %arg6[%add3A_80] : memref<3072xf32, #tpu.memory_space<vmem>>[vector<16xi32>], vector<16xf32>,
      %add3A_82 = arith.constant 2 : i32
      %add3A_83 = vector.broadcast %add3A_82 : i32 to vector<16xi32>
      %add3A_84 = arith.addi %mul3A_76, %add3A_83 : vector<16xi32>
      %gather3A_85 = tpu.vector_load_idx %arg6[%add3A_84] : memref<3072xf32, #tpu.memory_space<vmem>>[vector<16xi32>], vector<16xf32>,
      %add3A_86 = arith.constant 8960 : i32
      %add3A_87 = vector.broadcast %add3A_86 : i32 to vector<16xi32>
      %add3A_88 = arith.addi %add3A_70, %add3A_87 : vector<16xi32>
      %gather3A_89 = tpu.vector_load_idx %arg7[%add3A_88] : memref<11520xi32, #tpu.memory_space<vmem>>[vector<16xi32>], vector<16xi32>,
      %mul3A_90 = arith.constant 3 : i32
      %mul3A_91 = vector.broadcast %mul3A_90 : i32 to vector<16xi32>
      %mul3A_92 = arith.muli %gather3A_89, %mul3A_91 : vector<16xi32>
      %gather3A_93 = tpu.vector_load_idx %arg6[%mul3A_92] : memref<3072xf32, #tpu.memory_space<vmem>>[vector<16xi32>], vector<16xf32>,
      %add3A_94 = arith.constant 1 : i32
      %add3A_95 = vector.broadcast %add3A_94 : i32 to vector<16xi32>
      %add3A_96 = arith.addi %mul3A_92, %add3A_95 : vector<16xi32>
      %gather3A_97 = tpu.vector_load_idx %arg6[%add3A_96] : memref<3072xf32, #tpu.memory_space<vmem>>[vector<16xi32>], vector<16xf32>,
      %add3A_98 = arith.constant 2 : i32
      %add3A_99 = vector.broadcast %add3A_98 : i32 to vector<16xi32>
      %add3A_100 = arith.addi %mul3A_92, %add3A_99 : vector<16xi32>
      %gather3A_101 = tpu.vector_load_idx %arg6[%add3A_100] : memref<3072xf32, #tpu.memory_space<vmem>>[vector<16xi32>], vector<16xf32>,
      %add3A_102 = arith.constant 9472 : i32
      %add3A_103 = vector.broadcast %add3A_102 : i32 to vector<16xi32>
      %add3A_104 = arith.addi %add3A_70, %add3A_103 : vector<16xi32>
      %gather3A_105 = tpu.vector_load_idx %arg7[%add3A_104] : memref<11520xi32, #tpu.memory_space<vmem>>[vector<16xi32>], vector<16xi32>,
      %mul3A_106 = arith.constant 3 : i32
      %mul3A_107 = vector.broadcast %mul3A_106 : i32 to vector<16xi32>
      %mul3A_108 = arith.muli %gather3A_105, %mul3A_107 : vector<16xi32>
      %gather3A_109 = tpu.vector_load_idx %arg6[%mul3A_108] : memref<3072xf32, #tpu.memory_space<vmem>>[vector<16xi32>], vector<16xf32>,
      %add3A_110 = arith.constant 1 : i32
      %add3A_111 = vector.broadcast %add3A_110 : i32 to vector<16xi32>
      %add3A_112 = arith.addi %mul3A_108, %add3A_111 : vector<16xi32>
      %gather3A_113 = tpu.vector_load_idx %arg6[%add3A_112] : memref<3072xf32, #tpu.memory_space<vmem>>[vector<16xi32>], vector<16xf32>,
      %add3A_114 = arith.constant 2 : i32
      %add3A_115 = vector.broadcast %add3A_114 : i32 to vector<16xi32>
      %add3A_116 = arith.addi %mul3A_108, %add3A_115 : vector<16xi32>
      %gather3A_117 = tpu.vector_load_idx %arg6[%add3A_116] : memref<3072xf32, #tpu.memory_space<vmem>>[vector<16xi32>], vector<16xf32>,
      %add3A_118 = arith.constant 9984 : i32
      %add3A_119 = vector.broadcast %add3A_118 : i32 to vector<16xi32>
      %add3A_120 = arith.addi %add3A_70, %add3A_119 : vector<16xi32>
      %gather3A_121 = tpu.vector_load_idx %arg7[%add3A_120] : memref<11520xi32, #tpu.memory_space<vmem>>[vector<16xi32>], vector<16xi32>,
      %mul3A_122 = arith.constant 3 : i32
      %mul3A_123 = vector.broadcast %mul3A_122 : i32 to vector<16xi32>
      %mul3A_124 = arith.muli %gather3A_121, %mul3A_123 : vector<16xi32>
      %gather3A_125 = tpu.vector_load_idx %arg6[%mul3A_124] : memref<3072xf32, #tpu.memory_space<vmem>>[vector<16xi32>], vector<16xf32>,
      %add3A_126 = arith.constant 1 : i32
      %add3A_127 = vector.broadcast %add3A_126 : i32 to vector<16xi32>
      %add3A_128 = arith.addi %mul3A_124, %add3A_127 : vector<16xi32>
      %gather3A_129 = tpu.vector_load_idx %arg6[%add3A_128] : memref<3072xf32, #tpu.memory_space<vmem>>[vector<16xi32>], vector<16xf32>,
      %add3A_130 = arith.constant 2 : i32
      %add3A_131 = vector.broadcast %add3A_130 : i32 to vector<16xi32>
      %add3A_132 = arith.addi %mul3A_124, %add3A_131 : vector<16xi32>
      %gather3A_133 = tpu.vector_load_idx %arg6[%add3A_132] : memref<3072xf32, #tpu.memory_space<vmem>>[vector<16xi32>], vector<16xf32>,
      %add3A_134 = arith.constant 96 : i32
      %add3A_135 = vector.broadcast %add3A_134 : i32 to vector<16xi32>
      %add3A_136 = arith.addi %add3A_70, %add3A_135 : vector<16xi32>
      %gather3A_137 = tpu.vector_load_idx %arg8[%add3A_136] : memref<2400xf32, #tpu.memory_space<vmem>>[vector<16xi32>], vector<16xf32>,
      %add3A_138 = arith.constant 608 : i32
      %add3A_139 = vector.broadcast %add3A_138 : i32 to vector<16xi32>
      %add3A_140 = arith.addi %add3A_70, %add3A_139 : vector<16xi32>
      %gather3A_141 = tpu.vector_load_idx %arg8[%add3A_140] : memref<2400xf32, #tpu.memory_space<vmem>>[vector<16xi32>], vector<16xf32>,
      %add3A_142 = arith.constant 1120 : i32
      %add3A_143 = vector.broadcast %add3A_142 : i32 to vector<16xi32>
      %add3A_144 = arith.addi %add3A_70, %add3A_143 : vector<16xi32>
      %gather3A_145 = tpu.vector_load_idx %arg8[%add3A_144] : memref<2400xf32, #tpu.memory_space<vmem>>[vector<16xi32>], vector<16xf32>,
      %sub3A_146 = arith.subf %gather3A_77, %gather3A_93 : vector<16xf32>
      %sub3A_147 = arith.subf %gather3A_81, %gather3A_97 : vector<16xf32>
      %sub3A_148 = arith.subf %gather3A_85, %gather3A_101 : vector<16xf32>
      %sub3A_149 = arith.subf %gather3A_109, %gather3A_93 : vector<16xf32>
      %sub3A_150 = arith.subf %gather3A_113, %gather3A_97 : vector<16xf32>
      %sub3A_151 = arith.subf %gather3A_117, %gather3A_101 : vector<16xf32>
      %sub3A_152 = arith.subf %gather3A_125, %gather3A_109 : vector<16xf32>
      %sub3A_153 = arith.subf %gather3A_129, %gather3A_113 : vector<16xf32>
      %sub3A_154 = arith.subf %gather3A_133, %gather3A_117 : vector<16xf32>
      %mul3A_155 = arith.mulf %sub3A_149, %sub3A_149 : vector<16xf32>
      %mul3A_156 = arith.mulf %sub3A_150, %sub3A_150 : vector<16xf32>
      %add3A_157 = arith.addf %mul3A_155, %mul3A_156 : vector<16xf32>
      %mul3A_158 = arith.mulf %sub3A_151, %sub3A_151 : vector<16xf32>
      %add3A_159 = arith.addf %add3A_157, %mul3A_158 : vector<16xf32>
      %max3A = arith.constant 1.000000e-30 : f32
      %max3A_160 = vector.broadcast %max3A : f32 to vector<16xf32>
      %max3A_161 = arith.maximumf %add3A_159, %max3A_160 : vector<16xf32>
      %bitcast_convert_type3A = tpu.bitcast %max3A_161 : vector<16xf32> -> vector<16xi32>
      %shift_right_logical3A = arith.constant 1 : i32
      %shift_right_logical3A_162 = vector.broadcast %shift_right_logical3A : i32 to vector<16xi32>
      %shift_right_logical3A_163 = arith.shrui %bitcast_convert_type3A, %shift_right_logical3A_162 : vector<16xi32>
      %sub3A_164 = arith.constant 1597463007 : i32
      %sub3A_165 = vector.broadcast %sub3A_164 : i32 to vector<16xi32>
      %sub3A_166 = arith.subi %sub3A_165, %shift_right_logical3A_163 : vector<16xi32>
      %bitcast_convert_type3A_167 = tpu.bitcast %sub3A_166 : vector<16xi32> -> vector<16xf32>
      %mul3A_168 = arith.constant 5.000000e-01 : f32
      %mul3A_169 = vector.broadcast %mul3A_168 : f32 to vector<16xf32>
      %mul3A_170 = arith.mulf %mul3A_169, %max3A_161 : vector<16xf32>
      %mul3A_171 = arith.mulf %mul3A_170, %bitcast_convert_type3A_167 : vector<16xf32>
      %mul3A_172 = arith.mulf %mul3A_171, %bitcast_convert_type3A_167 : vector<16xf32>
      %sub3A_173 = arith.constant 1.500000e+00 : f32
      %sub3A_174 = vector.broadcast %sub3A_173 : f32 to vector<16xf32>
      %sub3A_175 = arith.subf %sub3A_174, %mul3A_172 : vector<16xf32>
      %mul3A_176 = arith.mulf %bitcast_convert_type3A_167, %sub3A_175 : vector<16xf32>
      %mul3A_177 = arith.constant 5.000000e-01 : f32
      %mul3A_178 = vector.broadcast %mul3A_177 : f32 to vector<16xf32>
      %mul3A_179 = arith.mulf %mul3A_178, %max3A_161 : vector<16xf32>
      %mul3A_180 = arith.mulf %mul3A_179, %mul3A_176 : vector<16xf32>
      %mul3A_181 = arith.mulf %mul3A_180, %mul3A_176 : vector<16xf32>
      %sub3A_182 = arith.constant 1.500000e+00 : f32
      %sub3A_183 = vector.broadcast %sub3A_182 : f32 to vector<16xf32>
      %sub3A_184 = arith.subf %sub3A_183, %mul3A_181 : vector<16xf32>
      %mul3A_185 = arith.mulf %mul3A_176, %sub3A_184 : vector<16xf32>
      %mul3A_186 = arith.constant 5.000000e-01 : f32
      %mul3A_187 = vector.broadcast %mul3A_186 : f32 to vector<16xf32>
      %mul3A_188 = arith.mulf %mul3A_187, %max3A_161 : vector<16xf32>
      %mul3A_189 = arith.mulf %mul3A_188, %mul3A_185 : vector<16xf32>
      %mul3A_190 = arith.mulf %mul3A_189, %mul3A_185 : vector<16xf32>
      %sub3A_191 = arith.constant 1.500000e+00 : f32
      %sub3A_192 = vector.broadcast %sub3A_191 : f32 to vector<16xf32>
      %sub3A_193 = arith.subf %sub3A_192, %mul3A_190 : vector<16xf32>
      %mul3A_194 = arith.mulf %mul3A_185, %sub3A_193 : vector<16xf32>
      %mul3A_195 = arith.mulf %add3A_159, %mul3A_194 : vector<16xf32>
      %add3A_196 = arith.constant 9.99999971E-10 : f32
      %add3A_197 = vector.broadcast %add3A_196 : f32 to vector<16xf32>
      %add3A_198 = arith.addf %mul3A_195, %add3A_197 : vector<16xf32>
      %div3A_199 = arith.constant 1.000000e+00 : f32
      %div3A_200 = vector.broadcast %div3A_199 : f32 to vector<16xf32>
      %div3A_201 = arith.divf %div3A_200, %add3A_198 : vector<16xf32>
      %mul3A_202 = arith.mulf %sub3A_149, %div3A_201 : vector<16xf32>
      %mul3A_203 = arith.mulf %sub3A_150, %div3A_201 : vector<16xf32>
      %mul3A_204 = arith.mulf %sub3A_151, %div3A_201 : vector<16xf32>
      %mul3A_205 = arith.mulf %sub3A_146, %mul3A_202 : vector<16xf32>
      %mul3A_206 = arith.mulf %sub3A_147, %mul3A_203 : vector<16xf32>
      %add3A_207 = arith.addf %mul3A_205, %mul3A_206 : vector<16xf32>
      %mul3A_208 = arith.mulf %sub3A_148, %mul3A_204 : vector<16xf32>
      %add3A_209 = arith.addf %add3A_207, %mul3A_208 : vector<16xf32>
      %mul3A_210 = arith.mulf %sub3A_152, %mul3A_202 : vector<16xf32>
      %mul3A_211 = arith.mulf %sub3A_153, %mul3A_203 : vector<16xf32>
      %add3A_212 = arith.addf %mul3A_210, %mul3A_211 : vector<16xf32>
      %mul3A_213 = arith.mulf %sub3A_154, %mul3A_204 : vector<16xf32>
      %add3A_214 = arith.addf %add3A_212, %mul3A_213 : vector<16xf32>
      %mul3A_215 = arith.mulf %add3A_209, %mul3A_202 : vector<16xf32>
      %sub3A_216 = arith.subf %sub3A_146, %mul3A_215 : vector<16xf32>
      %mul3A_217 = arith.mulf %add3A_209, %mul3A_203 : vector<16xf32>
      %sub3A_218 = arith.subf %sub3A_147, %mul3A_217 : vector<16xf32>
      %mul3A_219 = arith.mulf %add3A_209, %mul3A_204 : vector<16xf32>
      %sub3A_220 = arith.subf %sub3A_148, %mul3A_219 : vector<16xf32>
      %mul3A_221 = arith.mulf %add3A_214, %mul3A_202 : vector<16xf32>
      %sub3A_222 = arith.subf %sub3A_152, %mul3A_221 : vector<16xf32>
      %mul3A_223 = arith.mulf %add3A_214, %mul3A_203 : vector<16xf32>
      %sub3A_224 = arith.subf %sub3A_153, %mul3A_223 : vector<16xf32>
      %mul3A_225 = arith.mulf %add3A_214, %mul3A_204 : vector<16xf32>
      %sub3A_226 = arith.subf %sub3A_154, %mul3A_225 : vector<16xf32>
      %mul3A_227 = arith.mulf %sub3A_216, %sub3A_222 : vector<16xf32>
      %mul3A_228 = arith.mulf %sub3A_218, %sub3A_224 : vector<16xf32>
      %add3A_229 = arith.addf %mul3A_227, %mul3A_228 : vector<16xf32>
      %mul3A_230 = arith.mulf %sub3A_220, %sub3A_226 : vector<16xf32>
      %add3A_231 = arith.addf %add3A_229, %mul3A_230 : vector<16xf32>
      %mul3A_232 = arith.mulf %mul3A_203, %sub3A_220 : vector<16xf32>
      %mul3A_233 = arith.mulf %mul3A_204, %sub3A_218 : vector<16xf32>
      %sub3A_234 = arith.subf %mul3A_232, %mul3A_233 : vector<16xf32>
      %mul3A_235 = arith.mulf %mul3A_204, %sub3A_216 : vector<16xf32>
      %mul3A_236 = arith.mulf %mul3A_202, %sub3A_220 : vector<16xf32>
      %sub3A_237 = arith.subf %mul3A_235, %mul3A_236 : vector<16xf32>
      %mul3A_238 = arith.mulf %mul3A_202, %sub3A_218 : vector<16xf32>
      %mul3A_239 = arith.mulf %mul3A_203, %sub3A_216 : vector<16xf32>
      %sub3A_240 = arith.subf %mul3A_238, %mul3A_239 : vector<16xf32>
      %mul3A_241 = arith.mulf %sub3A_234, %sub3A_222 : vector<16xf32>
      %mul3A_242 = arith.mulf %sub3A_237, %sub3A_224 : vector<16xf32>
      %add3A_243 = arith.addf %mul3A_241, %mul3A_242 : vector<16xf32>
      %mul3A_244 = arith.mulf %sub3A_240, %sub3A_226 : vector<16xf32>
      %add3A_245 = arith.addf %add3A_243, %mul3A_244 : vector<16xf32>
      %abs3A = math.absf %add3A_231 : vector<16xf32>
      %abs3A_246 = math.absf %add3A_245 : vector<16xf32>
      %max3A_247 = arith.maximumf %abs3A, %abs3A_246 : vector<16xf32>
      %min3A = arith.minimumf %abs3A, %abs3A_246 : vector<16xf32>
      %max3A_248 = arith.constant 1.000000e-30 : f32
      %max3A_249 = vector.broadcast %max3A_248 : f32 to vector<16xf32>
      %max3A_250 = arith.maximumf %max3A_247, %max3A_249 : vector<16xf32>
      %div3A_251 = arith.divf %min3A, %max3A_250 : vector<16xf32>
      %mul3A_252 = arith.mulf %div3A_251, %div3A_251 : vector<16xf32>
      %mul3A_253 = arith.constant 0.00286622578 : f32
      %mul3A_254 = vector.broadcast %mul3A_253 : f32 to vector<16xf32>
      %mul3A_255 = arith.mulf %mul3A_254, %mul3A_252 : vector<16xf32>
      %add3A_256 = arith.constant -0.0161657371 : f32
      %add3A_257 = vector.broadcast %add3A_256 : f32 to vector<16xf32>
      %add3A_258 = arith.addf %mul3A_255, %add3A_257 : vector<16xf32>
      %mul3A_259 = arith.mulf %add3A_258, %mul3A_252 : vector<16xf32>
      %add3A_260 = arith.constant 0.0429096147 : f32
      %add3A_261 = vector.broadcast %add3A_260 : f32 to vector<16xf32>
      %add3A_262 = arith.addf %mul3A_259, %add3A_261 : vector<16xf32>
      %mul3A_263 = arith.mulf %add3A_262, %mul3A_252 : vector<16xf32>
      %add3A_264 = arith.constant -0.0752896368 : f32
      %add3A_265 = vector.broadcast %add3A_264 : f32 to vector<16xf32>
      %add3A_266 = arith.addf %mul3A_263, %add3A_265 : vector<16xf32>
      %mul3A_267 = arith.mulf %add3A_266, %mul3A_252 : vector<16xf32>
      %add3A_268 = arith.constant 0.106562637 : f32
      %add3A_269 = vector.broadcast %add3A_268 : f32 to vector<16xf32>
      %add3A_270 = arith.addf %mul3A_267, %add3A_269 : vector<16xf32>
      %mul3A_271 = arith.mulf %add3A_270, %mul3A_252 : vector<16xf32>
      %add3A_272 = arith.constant -1.420890e-01 : f32
      %add3A_273 = vector.broadcast %add3A_272 : f32 to vector<16xf32>
      %add3A_274 = arith.addf %mul3A_271, %add3A_273 : vector<16xf32>
      %mul3A_275 = arith.mulf %add3A_274, %mul3A_252 : vector<16xf32>
      %add3A_276 = arith.constant 0.199935511 : f32
      %add3A_277 = vector.broadcast %add3A_276 : f32 to vector<16xf32>
      %add3A_278 = arith.addf %mul3A_275, %add3A_277 : vector<16xf32>
      %mul3A_279 = arith.mulf %add3A_278, %mul3A_252 : vector<16xf32>
      %add3A_280 = arith.constant -0.333331466 : f32
      %add3A_281 = vector.broadcast %add3A_280 : f32 to vector<16xf32>
      %add3A_282 = arith.addf %mul3A_279, %add3A_281 : vector<16xf32>
      %mul3A_283 = arith.mulf %add3A_282, %mul3A_252 : vector<16xf32>
      %add3A_284 = arith.constant 1.000000e+00 : f32
      %add3A_285 = vector.broadcast %add3A_284 : f32 to vector<16xf32>
      %add3A_286 = arith.addf %mul3A_283, %add3A_285 : vector<16xf32>
      %mul3A_287 = arith.mulf %div3A_251, %add3A_286 : vector<16xf32>
      %gt3A = arith.cmpf ogt, %abs3A_246, %abs3A : vector<16xf32>
      %sub3A_288 = arith.constant 1.57079637 : f32
      %sub3A_289 = vector.broadcast %sub3A_288 : f32 to vector<16xf32>
      %sub3A_290 = arith.subf %sub3A_289, %mul3A_287 : vector<16xf32>
      %select_n3A_291 = arith.select %gt3A, %sub3A_290, %mul3A_287 : vector<16xi1>, vector<16xf32>
      %lt3A_292 = arith.constant 0.000000e+00 : f32
      %lt3A_293 = vector.broadcast %lt3A_292 : f32 to vector<16xf32>
      %lt3A_294 = arith.cmpf olt, %add3A_231, %lt3A_293 : vector<16xf32>
      %sub3A_295 = arith.constant 3.14159274 : f32
      %sub3A_296 = vector.broadcast %sub3A_295 : f32 to vector<16xf32>
      %sub3A_297 = arith.subf %sub3A_296, %select_n3A_291 : vector<16xf32>
      %select_n3A_298 = arith.select %lt3A_294, %sub3A_297, %select_n3A_291 : vector<16xi1>, vector<16xf32>
      %lt3A_299 = arith.constant 0.000000e+00 : f32
      %lt3A_300 = vector.broadcast %lt3A_299 : f32 to vector<16xf32>
      %lt3A_301 = arith.cmpf olt, %add3A_245, %lt3A_300 : vector<16xf32>
      %neg3A = arith.constant 0.000000e+00 : f32
      %neg3A_302 = vector.broadcast %neg3A : f32 to vector<16xf32>
      %neg3A_303 = arith.subf %neg3A_302, %select_n3A_298 : vector<16xf32>
      %select_n3A_304 = arith.select %lt3A_301, %neg3A_303, %select_n3A_298 : vector<16xi1>, vector<16xf32>
      %mul3A_305 = arith.mulf %gather3A_145, %select_n3A_304 : vector<16xf32>
      %sub3A_306 = arith.subf %mul3A_305, %gather3A_141 : vector<16xf32>
      %mul3A_307 = arith.constant 0.159154937 : f32
      %mul3A_308 = vector.broadcast %mul3A_307 : f32 to vector<16xf32>
      %mul3A_309 = arith.mulf %sub3A_306, %mul3A_308 : vector<16xf32>
      %ge3A = arith.constant 0.000000e+00 : f32
      %ge3A_310 = vector.broadcast %ge3A : f32 to vector<16xf32>
      %ge3A_311 = arith.cmpf oge, %mul3A_309, %ge3A_310 : vector<16xf32>
      %jit3A_312 = arith.constant 5.000000e-01 : f32
      %jit3A_313 = arith.constant -5.000000e-01 : f32
      %broadcast_in_dim3A_314 = vector.broadcast %jit3A_312 : f32 to vector<16xf32>
      %broadcast_in_dim3A_315 = vector.broadcast %jit3A_313 : f32 to vector<16xf32>
      %select_n3A_316 = arith.select %ge3A_311, %broadcast_in_dim3A_314, %broadcast_in_dim3A_315 : vector<16xi1>, vector<16xf32>
      %add3A_317 = arith.addf %mul3A_309, %select_n3A_316 : vector<16xf32>
      %convert_element_type3A = arith.fptosi %add3A_317 : vector<16xf32> to vector<16xi32>
      %convert_element_type3A_318 = arith.sitofp %convert_element_type3A : vector<16xi32> to vector<16xf32>
      %mul3A_319 = arith.constant 6.28318548 : f32
      %mul3A_320 = vector.broadcast %mul3A_319 : f32 to vector<16xf32>
      %mul3A_321 = arith.mulf %convert_element_type3A_318, %mul3A_320 : vector<16xf32>
      %sub3A_322 = arith.subf %sub3A_306, %mul3A_321 : vector<16xf32>
      %mul3A_323 = arith.mulf %sub3A_322, %sub3A_322 : vector<16xf32>
      %mul3A_324 = arith.constant 2.08767559E-9 : f32
      %mul3A_325 = vector.broadcast %mul3A_324 : f32 to vector<16xf32>
      %mul3A_326 = arith.mulf %mul3A_325, %mul3A_323 : vector<16xf32>
      %add3A_327 = arith.constant -2.755732E-7 : f32
      %add3A_328 = vector.broadcast %add3A_327 : f32 to vector<16xf32>
      %add3A_329 = arith.addf %mul3A_326, %add3A_328 : vector<16xf32>
      %mul3A_330 = arith.mulf %add3A_329, %mul3A_323 : vector<16xf32>
      %add3A_331 = arith.constant 2.48015876E-5 : f32
      %add3A_332 = vector.broadcast %add3A_331 : f32 to vector<16xf32>
      %add3A_333 = arith.addf %mul3A_330, %add3A_332 : vector<16xf32>
      %mul3A_334 = arith.mulf %add3A_333, %mul3A_323 : vector<16xf32>
      %add3A_335 = arith.constant -0.00138888892 : f32
      %add3A_336 = vector.broadcast %add3A_335 : f32 to vector<16xf32>
      %add3A_337 = arith.addf %mul3A_334, %add3A_336 : vector<16xf32>
      %mul3A_338 = arith.mulf %add3A_337, %mul3A_323 : vector<16xf32>
      %add3A_339 = arith.constant 0.0416666679 : f32
      %add3A_340 = vector.broadcast %add3A_339 : f32 to vector<16xf32>
      %add3A_341 = arith.addf %mul3A_338, %add3A_340 : vector<16xf32>
      %mul3A_342 = arith.mulf %add3A_341, %mul3A_323 : vector<16xf32>
      %add3A_343 = arith.constant -5.000000e-01 : f32
      %add3A_344 = vector.broadcast %add3A_343 : f32 to vector<16xf32>
      %add3A_345 = arith.addf %mul3A_342, %add3A_344 : vector<16xf32>
      %mul3A_346 = arith.mulf %add3A_345, %mul3A_323 : vector<16xf32>
      %add3A_347 = arith.constant 1.000000e+00 : f32
      %add3A_348 = vector.broadcast %add3A_347 : f32 to vector<16xf32>
      %add3A_349 = arith.addf %mul3A_346, %add3A_348 : vector<16xf32>
      %add3A_350 = arith.constant 1.000000e+00 : f32
      %add3A_351 = vector.broadcast %add3A_350 : f32 to vector<16xf32>
      %add3A_352 = arith.addf %add3A_351, %add3A_349 : vector<16xf32>
      %mul3A_353 = arith.mulf %gather3A_137, %add3A_352 : vector<16xf32>
      %add3A_354 = arith.addf %scan3A_63, %mul3A_353 : vector<16xf32>
      scf.yield %add3A_354 : vector<16xf32>
    }
    %scan3A_54 = arith.constant 16 : i32
    %scan3A_55 = arith.constant 0 : i32
    %scan3A_56 = arith.constant 8 : i32
    %scan3A_57 = arith.addi %scan3A_55, %scan3A_56 : i32
    %scan3A_58 = arith.constant 1 : i32
    %scan3A_59 = scf.for %scan3A_62 = %scan3A_55 to %scan3A_57 step %scan3A_58 iter_args(%scan3A_63 = %scan3A_53) -> (vector<16xf32>)  : i32 {
      %mul3A_64 = arith.constant 128 : i32
      %mul3A_65 = arith.muli %select_n3A_30, %mul3A_64 : i32
      %mul3A_66 = arith.constant 16 : i32
      %mul3A_67 = arith.muli %scan3A_62, %mul3A_66 : i32
      %add3A_68 = arith.addi %mul3A_65, %mul3A_67 : i32
      %add3A_69 = vector.broadcast %add3A_68 : i32 to vector<16xi32>
      %add3A_70 = arith.addi %add3A_69, %iota3A : vector<16xi32>
      %add3A_71 = arith.constant 10496 : i32
      %add3A_72 = vector.broadcast %add3A_71 : i32 to vector<16xi32>
      %add3A_73 = arith.addi %add3A_70, %add3A_72 : vector<16xi32>
      %gather3A = tpu.vector_load_idx %arg7[%add3A_73] : memref<11520xi32, #tpu.memory_space<vmem>>[vector<16xi32>], vector<16xi32>,
      %mul3A_74 = arith.constant 3 : i32
      %mul3A_75 = vector.broadcast %mul3A_74 : i32 to vector<16xi32>
      %mul3A_76 = arith.muli %gather3A, %mul3A_75 : vector<16xi32>
      %gather3A_77 = tpu.vector_load_idx %arg6[%mul3A_76] : memref<3072xf32, #tpu.memory_space<vmem>>[vector<16xi32>], vector<16xf32>,
      %add3A_78 = arith.constant 1 : i32
      %add3A_79 = vector.broadcast %add3A_78 : i32 to vector<16xi32>
      %add3A_80 = arith.addi %mul3A_76, %add3A_79 : vector<16xi32>
      %gather3A_81 = tpu.vector_load_idx %arg6[%add3A_80] : memref<3072xf32, #tpu.memory_space<vmem>>[vector<16xi32>], vector<16xf32>,
      %add3A_82 = arith.constant 2 : i32
      %add3A_83 = vector.broadcast %add3A_82 : i32 to vector<16xi32>
      %add3A_84 = arith.addi %mul3A_76, %add3A_83 : vector<16xi32>
      %gather3A_85 = tpu.vector_load_idx %arg6[%add3A_84] : memref<3072xf32, #tpu.memory_space<vmem>>[vector<16xi32>], vector<16xf32>,
      %add3A_86 = arith.constant 10752 : i32
      %add3A_87 = vector.broadcast %add3A_86 : i32 to vector<16xi32>
      %add3A_88 = arith.addi %add3A_70, %add3A_87 : vector<16xi32>
      %gather3A_89 = tpu.vector_load_idx %arg7[%add3A_88] : memref<11520xi32, #tpu.memory_space<vmem>>[vector<16xi32>], vector<16xi32>,
      %mul3A_90 = arith.constant 3 : i32
      %mul3A_91 = vector.broadcast %mul3A_90 : i32 to vector<16xi32>
      %mul3A_92 = arith.muli %gather3A_89, %mul3A_91 : vector<16xi32>
      %gather3A_93 = tpu.vector_load_idx %arg6[%mul3A_92] : memref<3072xf32, #tpu.memory_space<vmem>>[vector<16xi32>], vector<16xf32>,
      %add3A_94 = arith.constant 1 : i32
      %add3A_95 = vector.broadcast %add3A_94 : i32 to vector<16xi32>
      %add3A_96 = arith.addi %mul3A_92, %add3A_95 : vector<16xi32>
      %gather3A_97 = tpu.vector_load_idx %arg6[%add3A_96] : memref<3072xf32, #tpu.memory_space<vmem>>[vector<16xi32>], vector<16xf32>,
      %add3A_98 = arith.constant 2 : i32
      %add3A_99 = vector.broadcast %add3A_98 : i32 to vector<16xi32>
      %add3A_100 = arith.addi %mul3A_92, %add3A_99 : vector<16xi32>
      %gather3A_101 = tpu.vector_load_idx %arg6[%add3A_100] : memref<3072xf32, #tpu.memory_space<vmem>>[vector<16xi32>], vector<16xf32>,
      %add3A_102 = arith.constant 11008 : i32
      %add3A_103 = vector.broadcast %add3A_102 : i32 to vector<16xi32>
      %add3A_104 = arith.addi %add3A_70, %add3A_103 : vector<16xi32>
      %gather3A_105 = tpu.vector_load_idx %arg7[%add3A_104] : memref<11520xi32, #tpu.memory_space<vmem>>[vector<16xi32>], vector<16xi32>,
      %mul3A_106 = arith.constant 3 : i32
      %mul3A_107 = vector.broadcast %mul3A_106 : i32 to vector<16xi32>
      %mul3A_108 = arith.muli %gather3A_105, %mul3A_107 : vector<16xi32>
      %gather3A_109 = tpu.vector_load_idx %arg6[%mul3A_108] : memref<3072xf32, #tpu.memory_space<vmem>>[vector<16xi32>], vector<16xf32>,
      %add3A_110 = arith.constant 1 : i32
      %add3A_111 = vector.broadcast %add3A_110 : i32 to vector<16xi32>
      %add3A_112 = arith.addi %mul3A_108, %add3A_111 : vector<16xi32>
      %gather3A_113 = tpu.vector_load_idx %arg6[%add3A_112] : memref<3072xf32, #tpu.memory_space<vmem>>[vector<16xi32>], vector<16xf32>,
      %add3A_114 = arith.constant 2 : i32
      %add3A_115 = vector.broadcast %add3A_114 : i32 to vector<16xi32>
      %add3A_116 = arith.addi %mul3A_108, %add3A_115 : vector<16xi32>
      %gather3A_117 = tpu.vector_load_idx %arg6[%add3A_116] : memref<3072xf32, #tpu.memory_space<vmem>>[vector<16xi32>], vector<16xf32>,
      %add3A_118 = arith.constant 11264 : i32
      %add3A_119 = vector.broadcast %add3A_118 : i32 to vector<16xi32>
      %add3A_120 = arith.addi %add3A_70, %add3A_119 : vector<16xi32>
      %gather3A_121 = tpu.vector_load_idx %arg7[%add3A_120] : memref<11520xi32, #tpu.memory_space<vmem>>[vector<16xi32>], vector<16xi32>,
      %mul3A_122 = arith.constant 3 : i32
      %mul3A_123 = vector.broadcast %mul3A_122 : i32 to vector<16xi32>
      %mul3A_124 = arith.muli %gather3A_121, %mul3A_123 : vector<16xi32>
      %gather3A_125 = tpu.vector_load_idx %arg6[%mul3A_124] : memref<3072xf32, #tpu.memory_space<vmem>>[vector<16xi32>], vector<16xf32>,
      %add3A_126 = arith.constant 1 : i32
      %add3A_127 = vector.broadcast %add3A_126 : i32 to vector<16xi32>
      %add3A_128 = arith.addi %mul3A_124, %add3A_127 : vector<16xi32>
      %gather3A_129 = tpu.vector_load_idx %arg6[%add3A_128] : memref<3072xf32, #tpu.memory_space<vmem>>[vector<16xi32>], vector<16xf32>,
      %add3A_130 = arith.constant 2 : i32
      %add3A_131 = vector.broadcast %add3A_130 : i32 to vector<16xi32>
      %add3A_132 = arith.addi %mul3A_124, %add3A_131 : vector<16xi32>
      %gather3A_133 = tpu.vector_load_idx %arg6[%add3A_132] : memref<3072xf32, #tpu.memory_space<vmem>>[vector<16xi32>], vector<16xf32>,
      %add3A_134 = arith.constant 1632 : i32
      %add3A_135 = vector.broadcast %add3A_134 : i32 to vector<16xi32>
      %add3A_136 = arith.addi %add3A_70, %add3A_135 : vector<16xi32>
      %gather3A_137 = tpu.vector_load_idx %arg8[%add3A_136] : memref<2400xf32, #tpu.memory_space<vmem>>[vector<16xi32>], vector<16xf32>,
      %add3A_138 = arith.constant 1888 : i32
      %add3A_139 = vector.broadcast %add3A_138 : i32 to vector<16xi32>
      %add3A_140 = arith.addi %add3A_70, %add3A_139 : vector<16xi32>
      %gather3A_141 = tpu.vector_load_idx %arg8[%add3A_140] : memref<2400xf32, #tpu.memory_space<vmem>>[vector<16xi32>], vector<16xf32>,
      %add3A_142 = arith.constant 2144 : i32
      %add3A_143 = vector.broadcast %add3A_142 : i32 to vector<16xi32>
      %add3A_144 = arith.addi %add3A_70, %add3A_143 : vector<16xi32>
      %gather3A_145 = tpu.vector_load_idx %arg8[%add3A_144] : memref<2400xf32, #tpu.memory_space<vmem>>[vector<16xi32>], vector<16xf32>,
      %sub3A_146 = arith.subf %gather3A_77, %gather3A_93 : vector<16xf32>
      %sub3A_147 = arith.subf %gather3A_81, %gather3A_97 : vector<16xf32>
      %sub3A_148 = arith.subf %gather3A_85, %gather3A_101 : vector<16xf32>
      %sub3A_149 = arith.subf %gather3A_109, %gather3A_93 : vector<16xf32>
      %sub3A_150 = arith.subf %gather3A_113, %gather3A_97 : vector<16xf32>
      %sub3A_151 = arith.subf %gather3A_117, %gather3A_101 : vector<16xf32>
      %sub3A_152 = arith.subf %gather3A_125, %gather3A_109 : vector<16xf32>
      %sub3A_153 = arith.subf %gather3A_129, %gather3A_113 : vector<16xf32>
      %sub3A_154 = arith.subf %gather3A_133, %gather3A_117 : vector<16xf32>
      %mul3A_155 = arith.mulf %sub3A_149, %sub3A_149 : vector<16xf32>
      %mul3A_156 = arith.mulf %sub3A_150, %sub3A_150 : vector<16xf32>
      %add3A_157 = arith.addf %mul3A_155, %mul3A_156 : vector<16xf32>
      %mul3A_158 = arith.mulf %sub3A_151, %sub3A_151 : vector<16xf32>
      %add3A_159 = arith.addf %add3A_157, %mul3A_158 : vector<16xf32>
      %max3A = arith.constant 1.000000e-30 : f32
      %max3A_160 = vector.broadcast %max3A : f32 to vector<16xf32>
      %max3A_161 = arith.maximumf %add3A_159, %max3A_160 : vector<16xf32>
      %bitcast_convert_type3A = tpu.bitcast %max3A_161 : vector<16xf32> -> vector<16xi32>
      %shift_right_logical3A = arith.constant 1 : i32
      %shift_right_logical3A_162 = vector.broadcast %shift_right_logical3A : i32 to vector<16xi32>
      %shift_right_logical3A_163 = arith.shrui %bitcast_convert_type3A, %shift_right_logical3A_162 : vector<16xi32>
      %sub3A_164 = arith.constant 1597463007 : i32
      %sub3A_165 = vector.broadcast %sub3A_164 : i32 to vector<16xi32>
      %sub3A_166 = arith.subi %sub3A_165, %shift_right_logical3A_163 : vector<16xi32>
      %bitcast_convert_type3A_167 = tpu.bitcast %sub3A_166 : vector<16xi32> -> vector<16xf32>
      %mul3A_168 = arith.constant 5.000000e-01 : f32
      %mul3A_169 = vector.broadcast %mul3A_168 : f32 to vector<16xf32>
      %mul3A_170 = arith.mulf %mul3A_169, %max3A_161 : vector<16xf32>
      %mul3A_171 = arith.mulf %mul3A_170, %bitcast_convert_type3A_167 : vector<16xf32>
      %mul3A_172 = arith.mulf %mul3A_171, %bitcast_convert_type3A_167 : vector<16xf32>
      %sub3A_173 = arith.constant 1.500000e+00 : f32
      %sub3A_174 = vector.broadcast %sub3A_173 : f32 to vector<16xf32>
      %sub3A_175 = arith.subf %sub3A_174, %mul3A_172 : vector<16xf32>
      %mul3A_176 = arith.mulf %bitcast_convert_type3A_167, %sub3A_175 : vector<16xf32>
      %mul3A_177 = arith.constant 5.000000e-01 : f32
      %mul3A_178 = vector.broadcast %mul3A_177 : f32 to vector<16xf32>
      %mul3A_179 = arith.mulf %mul3A_178, %max3A_161 : vector<16xf32>
      %mul3A_180 = arith.mulf %mul3A_179, %mul3A_176 : vector<16xf32>
      %mul3A_181 = arith.mulf %mul3A_180, %mul3A_176 : vector<16xf32>
      %sub3A_182 = arith.constant 1.500000e+00 : f32
      %sub3A_183 = vector.broadcast %sub3A_182 : f32 to vector<16xf32>
      %sub3A_184 = arith.subf %sub3A_183, %mul3A_181 : vector<16xf32>
      %mul3A_185 = arith.mulf %mul3A_176, %sub3A_184 : vector<16xf32>
      %mul3A_186 = arith.constant 5.000000e-01 : f32
      %mul3A_187 = vector.broadcast %mul3A_186 : f32 to vector<16xf32>
      %mul3A_188 = arith.mulf %mul3A_187, %max3A_161 : vector<16xf32>
      %mul3A_189 = arith.mulf %mul3A_188, %mul3A_185 : vector<16xf32>
      %mul3A_190 = arith.mulf %mul3A_189, %mul3A_185 : vector<16xf32>
      %sub3A_191 = arith.constant 1.500000e+00 : f32
      %sub3A_192 = vector.broadcast %sub3A_191 : f32 to vector<16xf32>
      %sub3A_193 = arith.subf %sub3A_192, %mul3A_190 : vector<16xf32>
      %mul3A_194 = arith.mulf %mul3A_185, %sub3A_193 : vector<16xf32>
      %mul3A_195 = arith.mulf %add3A_159, %mul3A_194 : vector<16xf32>
      %add3A_196 = arith.constant 9.99999971E-10 : f32
      %add3A_197 = vector.broadcast %add3A_196 : f32 to vector<16xf32>
      %add3A_198 = arith.addf %mul3A_195, %add3A_197 : vector<16xf32>
      %div3A_199 = arith.constant 1.000000e+00 : f32
      %div3A_200 = vector.broadcast %div3A_199 : f32 to vector<16xf32>
      %div3A_201 = arith.divf %div3A_200, %add3A_198 : vector<16xf32>
      %mul3A_202 = arith.mulf %sub3A_149, %div3A_201 : vector<16xf32>
      %mul3A_203 = arith.mulf %sub3A_150, %div3A_201 : vector<16xf32>
      %mul3A_204 = arith.mulf %sub3A_151, %div3A_201 : vector<16xf32>
      %mul3A_205 = arith.mulf %sub3A_146, %mul3A_202 : vector<16xf32>
      %mul3A_206 = arith.mulf %sub3A_147, %mul3A_203 : vector<16xf32>
      %add3A_207 = arith.addf %mul3A_205, %mul3A_206 : vector<16xf32>
      %mul3A_208 = arith.mulf %sub3A_148, %mul3A_204 : vector<16xf32>
      %add3A_209 = arith.addf %add3A_207, %mul3A_208 : vector<16xf32>
      %mul3A_210 = arith.mulf %sub3A_152, %mul3A_202 : vector<16xf32>
      %mul3A_211 = arith.mulf %sub3A_153, %mul3A_203 : vector<16xf32>
      %add3A_212 = arith.addf %mul3A_210, %mul3A_211 : vector<16xf32>
      %mul3A_213 = arith.mulf %sub3A_154, %mul3A_204 : vector<16xf32>
      %add3A_214 = arith.addf %add3A_212, %mul3A_213 : vector<16xf32>
      %mul3A_215 = arith.mulf %add3A_209, %mul3A_202 : vector<16xf32>
      %sub3A_216 = arith.subf %sub3A_146, %mul3A_215 : vector<16xf32>
      %mul3A_217 = arith.mulf %add3A_209, %mul3A_203 : vector<16xf32>
      %sub3A_218 = arith.subf %sub3A_147, %mul3A_217 : vector<16xf32>
      %mul3A_219 = arith.mulf %add3A_209, %mul3A_204 : vector<16xf32>
      %sub3A_220 = arith.subf %sub3A_148, %mul3A_219 : vector<16xf32>
      %mul3A_221 = arith.mulf %add3A_214, %mul3A_202 : vector<16xf32>
      %sub3A_222 = arith.subf %sub3A_152, %mul3A_221 : vector<16xf32>
      %mul3A_223 = arith.mulf %add3A_214, %mul3A_203 : vector<16xf32>
      %sub3A_224 = arith.subf %sub3A_153, %mul3A_223 : vector<16xf32>
      %mul3A_225 = arith.mulf %add3A_214, %mul3A_204 : vector<16xf32>
      %sub3A_226 = arith.subf %sub3A_154, %mul3A_225 : vector<16xf32>
      %mul3A_227 = arith.mulf %sub3A_216, %sub3A_222 : vector<16xf32>
      %mul3A_228 = arith.mulf %sub3A_218, %sub3A_224 : vector<16xf32>
      %add3A_229 = arith.addf %mul3A_227, %mul3A_228 : vector<16xf32>
      %mul3A_230 = arith.mulf %sub3A_220, %sub3A_226 : vector<16xf32>
      %add3A_231 = arith.addf %add3A_229, %mul3A_230 : vector<16xf32>
      %mul3A_232 = arith.mulf %mul3A_203, %sub3A_220 : vector<16xf32>
      %mul3A_233 = arith.mulf %mul3A_204, %sub3A_218 : vector<16xf32>
      %sub3A_234 = arith.subf %mul3A_232, %mul3A_233 : vector<16xf32>
      %mul3A_235 = arith.mulf %mul3A_204, %sub3A_216 : vector<16xf32>
      %mul3A_236 = arith.mulf %mul3A_202, %sub3A_220 : vector<16xf32>
      %sub3A_237 = arith.subf %mul3A_235, %mul3A_236 : vector<16xf32>
      %mul3A_238 = arith.mulf %mul3A_202, %sub3A_218 : vector<16xf32>
      %mul3A_239 = arith.mulf %mul3A_203, %sub3A_216 : vector<16xf32>
      %sub3A_240 = arith.subf %mul3A_238, %mul3A_239 : vector<16xf32>
      %mul3A_241 = arith.mulf %sub3A_234, %sub3A_222 : vector<16xf32>
      %mul3A_242 = arith.mulf %sub3A_237, %sub3A_224 : vector<16xf32>
      %add3A_243 = arith.addf %mul3A_241, %mul3A_242 : vector<16xf32>
      %mul3A_244 = arith.mulf %sub3A_240, %sub3A_226 : vector<16xf32>
      %add3A_245 = arith.addf %add3A_243, %mul3A_244 : vector<16xf32>
      %abs3A = math.absf %add3A_231 : vector<16xf32>
      %abs3A_246 = math.absf %add3A_245 : vector<16xf32>
      %max3A_247 = arith.maximumf %abs3A, %abs3A_246 : vector<16xf32>
      %min3A = arith.minimumf %abs3A, %abs3A_246 : vector<16xf32>
      %max3A_248 = arith.constant 1.000000e-30 : f32
      %max3A_249 = vector.broadcast %max3A_248 : f32 to vector<16xf32>
      %max3A_250 = arith.maximumf %max3A_247, %max3A_249 : vector<16xf32>
      %div3A_251 = arith.divf %min3A, %max3A_250 : vector<16xf32>
      %mul3A_252 = arith.mulf %div3A_251, %div3A_251 : vector<16xf32>
      %mul3A_253 = arith.constant 0.00286622578 : f32
      %mul3A_254 = vector.broadcast %mul3A_253 : f32 to vector<16xf32>
      %mul3A_255 = arith.mulf %mul3A_254, %mul3A_252 : vector<16xf32>
      %add3A_256 = arith.constant -0.0161657371 : f32
      %add3A_257 = vector.broadcast %add3A_256 : f32 to vector<16xf32>
      %add3A_258 = arith.addf %mul3A_255, %add3A_257 : vector<16xf32>
      %mul3A_259 = arith.mulf %add3A_258, %mul3A_252 : vector<16xf32>
      %add3A_260 = arith.constant 0.0429096147 : f32
      %add3A_261 = vector.broadcast %add3A_260 : f32 to vector<16xf32>
      %add3A_262 = arith.addf %mul3A_259, %add3A_261 : vector<16xf32>
      %mul3A_263 = arith.mulf %add3A_262, %mul3A_252 : vector<16xf32>
      %add3A_264 = arith.constant -0.0752896368 : f32
      %add3A_265 = vector.broadcast %add3A_264 : f32 to vector<16xf32>
      %add3A_266 = arith.addf %mul3A_263, %add3A_265 : vector<16xf32>
      %mul3A_267 = arith.mulf %add3A_266, %mul3A_252 : vector<16xf32>
      %add3A_268 = arith.constant 0.106562637 : f32
      %add3A_269 = vector.broadcast %add3A_268 : f32 to vector<16xf32>
      %add3A_270 = arith.addf %mul3A_267, %add3A_269 : vector<16xf32>
      %mul3A_271 = arith.mulf %add3A_270, %mul3A_252 : vector<16xf32>
      %add3A_272 = arith.constant -1.420890e-01 : f32
      %add3A_273 = vector.broadcast %add3A_272 : f32 to vector<16xf32>
      %add3A_274 = arith.addf %mul3A_271, %add3A_273 : vector<16xf32>
      %mul3A_275 = arith.mulf %add3A_274, %mul3A_252 : vector<16xf32>
      %add3A_276 = arith.constant 0.199935511 : f32
      %add3A_277 = vector.broadcast %add3A_276 : f32 to vector<16xf32>
      %add3A_278 = arith.addf %mul3A_275, %add3A_277 : vector<16xf32>
      %mul3A_279 = arith.mulf %add3A_278, %mul3A_252 : vector<16xf32>
      %add3A_280 = arith.constant -0.333331466 : f32
      %add3A_281 = vector.broadcast %add3A_280 : f32 to vector<16xf32>
      %add3A_282 = arith.addf %mul3A_279, %add3A_281 : vector<16xf32>
      %mul3A_283 = arith.mulf %add3A_282, %mul3A_252 : vector<16xf32>
      %add3A_284 = arith.constant 1.000000e+00 : f32
      %add3A_285 = vector.broadcast %add3A_284 : f32 to vector<16xf32>
      %add3A_286 = arith.addf %mul3A_283, %add3A_285 : vector<16xf32>
      %mul3A_287 = arith.mulf %div3A_251, %add3A_286 : vector<16xf32>
      %gt3A = arith.cmpf ogt, %abs3A_246, %abs3A : vector<16xf32>
      %sub3A_288 = arith.constant 1.57079637 : f32
      %sub3A_289 = vector.broadcast %sub3A_288 : f32 to vector<16xf32>
      %sub3A_290 = arith.subf %sub3A_289, %mul3A_287 : vector<16xf32>
      %select_n3A_291 = arith.select %gt3A, %sub3A_290, %mul3A_287 : vector<16xi1>, vector<16xf32>
      %lt3A_292 = arith.constant 0.000000e+00 : f32
      %lt3A_293 = vector.broadcast %lt3A_292 : f32 to vector<16xf32>
      %lt3A_294 = arith.cmpf olt, %add3A_231, %lt3A_293 : vector<16xf32>
      %sub3A_295 = arith.constant 3.14159274 : f32
      %sub3A_296 = vector.broadcast %sub3A_295 : f32 to vector<16xf32>
      %sub3A_297 = arith.subf %sub3A_296, %select_n3A_291 : vector<16xf32>
      %select_n3A_298 = arith.select %lt3A_294, %sub3A_297, %select_n3A_291 : vector<16xi1>, vector<16xf32>
      %lt3A_299 = arith.constant 0.000000e+00 : f32
      %lt3A_300 = vector.broadcast %lt3A_299 : f32 to vector<16xf32>
      %lt3A_301 = arith.cmpf olt, %add3A_245, %lt3A_300 : vector<16xf32>
      %neg3A = arith.constant 0.000000e+00 : f32
      %neg3A_302 = vector.broadcast %neg3A : f32 to vector<16xf32>
      %neg3A_303 = arith.subf %neg3A_302, %select_n3A_298 : vector<16xf32>
      %select_n3A_304 = arith.select %lt3A_301, %neg3A_303, %select_n3A_298 : vector<16xi1>, vector<16xf32>
      %mul3A_305 = arith.mulf %gather3A_145, %select_n3A_304 : vector<16xf32>
      %sub3A_306 = arith.subf %mul3A_305, %gather3A_141 : vector<16xf32>
      %mul3A_307 = arith.constant 0.159154937 : f32
      %mul3A_308 = vector.broadcast %mul3A_307 : f32 to vector<16xf32>
      %mul3A_309 = arith.mulf %sub3A_306, %mul3A_308 : vector<16xf32>
      %ge3A = arith.constant 0.000000e+00 : f32
      %ge3A_310 = vector.broadcast %ge3A : f32 to vector<16xf32>
      %ge3A_311 = arith.cmpf oge, %mul3A_309, %ge3A_310 : vector<16xf32>
      %jit3A_312 = arith.constant 5.000000e-01 : f32
      %jit3A_313 = arith.constant -5.000000e-01 : f32
      %broadcast_in_dim3A_314 = vector.broadcast %jit3A_312 : f32 to vector<16xf32>
      %broadcast_in_dim3A_315 = vector.broadcast %jit3A_313 : f32 to vector<16xf32>
      %select_n3A_316 = arith.select %ge3A_311, %broadcast_in_dim3A_314, %broadcast_in_dim3A_315 : vector<16xi1>, vector<16xf32>
      %add3A_317 = arith.addf %mul3A_309, %select_n3A_316 : vector<16xf32>
      %convert_element_type3A = arith.fptosi %add3A_317 : vector<16xf32> to vector<16xi32>
      %convert_element_type3A_318 = arith.sitofp %convert_element_type3A : vector<16xi32> to vector<16xf32>
      %mul3A_319 = arith.constant 6.28318548 : f32
      %mul3A_320 = vector.broadcast %mul3A_319 : f32 to vector<16xf32>
      %mul3A_321 = arith.mulf %convert_element_type3A_318, %mul3A_320 : vector<16xf32>
      %sub3A_322 = arith.subf %sub3A_306, %mul3A_321 : vector<16xf32>
      %mul3A_323 = arith.mulf %sub3A_322, %sub3A_322 : vector<16xf32>
      %mul3A_324 = arith.constant 2.08767559E-9 : f32
      %mul3A_325 = vector.broadcast %mul3A_324 : f32 to vector<16xf32>
      %mul3A_326 = arith.mulf %mul3A_325, %mul3A_323 : vector<16xf32>
      %add3A_327 = arith.constant -2.755732E-7 : f32
      %add3A_328 = vector.broadcast %add3A_327 : f32 to vector<16xf32>
      %add3A_329 = arith.addf %mul3A_326, %add3A_328 : vector<16xf32>
      %mul3A_330 = arith.mulf %add3A_329, %mul3A_323 : vector<16xf32>
      %add3A_331 = arith.constant 2.48015876E-5 : f32
      %add3A_332 = vector.broadcast %add3A_331 : f32 to vector<16xf32>
      %add3A_333 = arith.addf %mul3A_330, %add3A_332 : vector<16xf32>
      %mul3A_334 = arith.mulf %add3A_333, %mul3A_323 : vector<16xf32>
      %add3A_335 = arith.constant -0.00138888892 : f32
      %add3A_336 = vector.broadcast %add3A_335 : f32 to vector<16xf32>
      %add3A_337 = arith.addf %mul3A_334, %add3A_336 : vector<16xf32>
      %mul3A_338 = arith.mulf %add3A_337, %mul3A_323 : vector<16xf32>
      %add3A_339 = arith.constant 0.0416666679 : f32
      %add3A_340 = vector.broadcast %add3A_339 : f32 to vector<16xf32>
      %add3A_341 = arith.addf %mul3A_338, %add3A_340 : vector<16xf32>
      %mul3A_342 = arith.mulf %add3A_341, %mul3A_323 : vector<16xf32>
      %add3A_343 = arith.constant -5.000000e-01 : f32
      %add3A_344 = vector.broadcast %add3A_343 : f32 to vector<16xf32>
      %add3A_345 = arith.addf %mul3A_342, %add3A_344 : vector<16xf32>
      %mul3A_346 = arith.mulf %add3A_345, %mul3A_323 : vector<16xf32>
      %add3A_347 = arith.constant 1.000000e+00 : f32
      %add3A_348 = vector.broadcast %add3A_347 : f32 to vector<16xf32>
      %add3A_349 = arith.addf %mul3A_346, %add3A_348 : vector<16xf32>
      %add3A_350 = arith.constant 1.000000e+00 : f32
      %add3A_351 = vector.broadcast %add3A_350 : f32 to vector<16xf32>
      %add3A_352 = arith.addf %add3A_351, %add3A_349 : vector<16xf32>
      %mul3A_353 = arith.mulf %gather3A_137, %add3A_352 : vector<16xf32>
      %add3A_354 = arith.addf %scan3A_63, %mul3A_353 : vector<16xf32>
      scf.yield %add3A_354 : vector<16xf32>
    }
    %scan3A_60 = arith.constant 8 : i32
    %swap3A = arith.constant 0 : index
    %swap3A_61 = tpu.vector_load %arg9[%swap3A] {strides = array<i32>} : memref<16xf32, #tpu.memory_space<vmem>>, vector<16xf32>,
    tpu.vector_store %arg9[%swap3A], %scan3A_59 {strides = array<i32>} : memref<16xf32, #tpu.memory_space<vmem>>, vector<16xf32>,
    "tpu.region"() ({
      %run_scoped3A = tpu.sem_alloc : memref<!tpu.dma_semaphore, #tpu.memory_space<semaphore_mem>>
      %dma_start3A = arith.constant 0 : i32
      %dma_start3A_62 = tpu.memref_slice %arg5[%add3A, %dma_start3A] : memref<32x16xf32, #tpu.memory_space<hbm>> -> memref<1x16xf32, #tpu.memory_space<hbm>>
      %dma_start3A_63 = tpu.memref_squeeze %dma_start3A_62 : memref<1x16xf32, #tpu.memory_space<hbm>> -> memref<16xf32, #tpu.memory_space<hbm>>
      %dma_start3A_64 = arith.constant 0 : i32
      %dma_start3A_65 = tpu.memref_slice %arg5[%add3A, %dma_start3A_64] : memref<32x16xf32, #tpu.memory_space<hbm>> -> memref<1x16xf32, #tpu.memory_space<hbm>>
      %dma_start3A_66 = tpu.memref_squeeze %dma_start3A_65 : memref<1x16xf32, #tpu.memory_space<hbm>> -> memref<16xf32, #tpu.memory_space<hbm>>
      tpu.enqueue_dma source(%arg9 : memref<16xf32, #tpu.memory_space<vmem>>) target(%dma_start3A_66 : memref<16xf32, #tpu.memory_space<hbm>>) target_semaphore(%run_scoped3A : memref<!tpu.dma_semaphore, #tpu.memory_space<semaphore_mem>>)
      %dma_wait3A = arith.constant 0 : i32
      %dma_wait3A_67 = tpu.memref_slice %arg5[%add3A, %dma_wait3A] : memref<32x16xf32, #tpu.memory_space<hbm>> -> memref<1x16xf32, #tpu.memory_space<hbm>>
      %dma_wait3A_68 = tpu.memref_squeeze %dma_wait3A_67 : memref<1x16xf32, #tpu.memory_space<hbm>> -> memref<16xf32, #tpu.memory_space<hbm>>
      %dma_wait3A_69 = arith.constant 0 : i32
      %dma_wait3A_70 = tpu.memref_slice %arg5[%add3A, %dma_wait3A_69] : memref<32x16xf32, #tpu.memory_space<hbm>> -> memref<1x16xf32, #tpu.memory_space<hbm>>
      %dma_wait3A_71 = tpu.memref_squeeze %dma_wait3A_70 : memref<1x16xf32, #tpu.memory_space<hbm>> -> memref<16xf32, #tpu.memory_space<hbm>>
      tpu.wait_dma2 semaphore(%run_scoped3A : memref<!tpu.dma_semaphore, #tpu.memory_space<semaphore_mem>>) src(%arg9 : memref<16xf32, #tpu.memory_space<vmem>>) dst(%dma_wait3A_71 : memref<16xf32, #tpu.memory_space<hbm>>)
      tpu.yield
    }) : () -> ()
    return
  }
}

module attributes {stable_mosaic.version = 14 : i64} {
  func.func @_pw_kernel(%arg0: i32, %arg1: memref<1x3x1024xf32, #tpu.memory_space<vmem>>, %arg2: memref<1x1024xi32, #tpu.memory_space<vmem>>, %arg3: memref<1x16xf32, #tpu.memory_space<vmem>>, %arg4: memref<1x1xf32, #tpu.memory_space<vmem>>, %arg5: memref<1x1x1xf32, #tpu.memory_space<vmem>>) attributes {dimension_semantics = [#tpu.dimension_semantics<arbitrary>], iteration_bounds = array<i64: 16>, scalar_prefetch = 0 : i64, scratch_operands = 0 : i64, tpu.core_type = #tpu.core_type<tc>, window_params = [{transform_indices = @transform_0, window_bounds = array<i64: 1, 3, 1024>}, {pipeline_mode = #tpu.pipeline_mode<synchronous>, transform_indices = @transform_1, window_bounds = array<i64: 1, 1024>}, {pipeline_mode = #tpu.pipeline_mode<synchronous>, transform_indices = @transform_2, window_bounds = array<i64: 1, 16>}, {pipeline_mode = #tpu.pipeline_mode<synchronous>, transform_indices = @transform_3, window_bounds = array<i64: 1, 1>}, {transform_indices = @transform_4, window_bounds = array<i64: 1, 1, 1>}]} {
    %get3A = arith.constant 0 : index
    %get3A_0 = arith.constant 0 : index
    %get3A_1 = arith.constant 0 : index
    %get3A_2 = vector.load %arg1[%get3A, %get3A_0, %get3A_1] : memref<1x3x1024xf32, #tpu.memory_space<vmem>>, vector<1x3x1024xf32>
    %get3A_3 = vector.shape_cast %get3A_2 : vector<1x3x1024xf32> to vector<3x1024xf32>
    %get3A_4 = arith.constant 0 : index
    %get3A_5 = arith.constant 0 : index
    %get3A_6 = vector.load %arg2[%get3A_4, %get3A_5] : memref<1x1024xi32, #tpu.memory_space<vmem>>, vector<1x1024xi32>
    %broadcast_in_dim3A = arith.constant 0.000000e+00 : f32
    %broadcast_in_dim3A_7 = vector.broadcast %broadcast_in_dim3A : f32 to vector<1x1024xf32>
    %eq3A = arith.constant 0 : i32
    %eq3A_8 = vector.broadcast %eq3A : i32 to vector<1x1024xi32>
    %eq3A_9 = arith.cmpi eq, %get3A_6, %eq3A_8 : vector<1x1024xi32>
    %get3A_10 = arith.constant 0 : index
    %get3A_11 = arith.constant 0 : index
    %get3A_12 = vector.load %arg3[%get3A_10, %get3A_11] : memref<1x16xf32, #tpu.memory_space<vmem>>, vector<1x1xf32>
    %get3A_13 = vector.extract %get3A_12[0, 0] : f32 from vector<1x1xf32>
    %broadcast_in_dim3A_14 = vector.broadcast %get3A_13 : f32 to vector<1x1024xf32>
    %select_n3A = arith.select %eq3A_9, %broadcast_in_dim3A_14, %broadcast_in_dim3A_7 : vector<1x1024xi1>, vector<1x1024xf32>
    %eq3A_15 = arith.constant 1 : i32
    %eq3A_16 = vector.broadcast %eq3A_15 : i32 to vector<1x1024xi32>
    %eq3A_17 = arith.cmpi eq, %get3A_6, %eq3A_16 : vector<1x1024xi32>
    %get3A_18 = arith.constant 0 : index
    %get3A_19 = arith.constant 1 : index
    %get3A_20 = vector.load %arg3[%get3A_18, %get3A_19] : memref<1x16xf32, #tpu.memory_space<vmem>>, vector<1x1xf32>
    %get3A_21 = vector.extract %get3A_20[0, 0] : f32 from vector<1x1xf32>
    %broadcast_in_dim3A_22 = vector.broadcast %get3A_21 : f32 to vector<1x1024xf32>
    %select_n3A_23 = arith.select %eq3A_17, %broadcast_in_dim3A_22, %select_n3A : vector<1x1024xi1>, vector<1x1024xf32>
    %eq3A_24 = arith.constant 2 : i32
    %eq3A_25 = vector.broadcast %eq3A_24 : i32 to vector<1x1024xi32>
    %eq3A_26 = arith.cmpi eq, %get3A_6, %eq3A_25 : vector<1x1024xi32>
    %get3A_27 = arith.constant 0 : index
    %get3A_28 = arith.constant 2 : index
    %get3A_29 = vector.load %arg3[%get3A_27, %get3A_28] : memref<1x16xf32, #tpu.memory_space<vmem>>, vector<1x1xf32>
    %get3A_30 = vector.extract %get3A_29[0, 0] : f32 from vector<1x1xf32>
    %broadcast_in_dim3A_31 = vector.broadcast %get3A_30 : f32 to vector<1x1024xf32>
    %select_n3A_32 = arith.select %eq3A_26, %broadcast_in_dim3A_31, %select_n3A_23 : vector<1x1024xi1>, vector<1x1024xf32>
    %eq3A_33 = arith.constant 3 : i32
    %eq3A_34 = vector.broadcast %eq3A_33 : i32 to vector<1x1024xi32>
    %eq3A_35 = arith.cmpi eq, %get3A_6, %eq3A_34 : vector<1x1024xi32>
    %get3A_36 = arith.constant 0 : index
    %get3A_37 = arith.constant 3 : index
    %get3A_38 = vector.load %arg3[%get3A_36, %get3A_37] : memref<1x16xf32, #tpu.memory_space<vmem>>, vector<1x1xf32>
    %get3A_39 = vector.extract %get3A_38[0, 0] : f32 from vector<1x1xf32>
    %broadcast_in_dim3A_40 = vector.broadcast %get3A_39 : f32 to vector<1x1024xf32>
    %select_n3A_41 = arith.select %eq3A_35, %broadcast_in_dim3A_40, %select_n3A_32 : vector<1x1024xi1>, vector<1x1024xf32>
    %eq3A_42 = arith.constant 4 : i32
    %eq3A_43 = vector.broadcast %eq3A_42 : i32 to vector<1x1024xi32>
    %eq3A_44 = arith.cmpi eq, %get3A_6, %eq3A_43 : vector<1x1024xi32>
    %get3A_45 = arith.constant 0 : index
    %get3A_46 = arith.constant 4 : index
    %get3A_47 = vector.load %arg3[%get3A_45, %get3A_46] : memref<1x16xf32, #tpu.memory_space<vmem>>, vector<1x1xf32>
    %get3A_48 = vector.extract %get3A_47[0, 0] : f32 from vector<1x1xf32>
    %broadcast_in_dim3A_49 = vector.broadcast %get3A_48 : f32 to vector<1x1024xf32>
    %select_n3A_50 = arith.select %eq3A_44, %broadcast_in_dim3A_49, %select_n3A_41 : vector<1x1024xi1>, vector<1x1024xf32>
    %eq3A_51 = arith.constant 5 : i32
    %eq3A_52 = vector.broadcast %eq3A_51 : i32 to vector<1x1024xi32>
    %eq3A_53 = arith.cmpi eq, %get3A_6, %eq3A_52 : vector<1x1024xi32>
    %get3A_54 = arith.constant 0 : index
    %get3A_55 = arith.constant 5 : index
    %get3A_56 = vector.load %arg3[%get3A_54, %get3A_55] : memref<1x16xf32, #tpu.memory_space<vmem>>, vector<1x1xf32>
    %get3A_57 = vector.extract %get3A_56[0, 0] : f32 from vector<1x1xf32>
    %broadcast_in_dim3A_58 = vector.broadcast %get3A_57 : f32 to vector<1x1024xf32>
    %select_n3A_59 = arith.select %eq3A_53, %broadcast_in_dim3A_58, %select_n3A_50 : vector<1x1024xi1>, vector<1x1024xf32>
    %eq3A_60 = arith.constant 6 : i32
    %eq3A_61 = vector.broadcast %eq3A_60 : i32 to vector<1x1024xi32>
    %eq3A_62 = arith.cmpi eq, %get3A_6, %eq3A_61 : vector<1x1024xi32>
    %get3A_63 = arith.constant 0 : index
    %get3A_64 = arith.constant 6 : index
    %get3A_65 = vector.load %arg3[%get3A_63, %get3A_64] : memref<1x16xf32, #tpu.memory_space<vmem>>, vector<1x1xf32>
    %get3A_66 = vector.extract %get3A_65[0, 0] : f32 from vector<1x1xf32>
    %broadcast_in_dim3A_67 = vector.broadcast %get3A_66 : f32 to vector<1x1024xf32>
    %select_n3A_68 = arith.select %eq3A_62, %broadcast_in_dim3A_67, %select_n3A_59 : vector<1x1024xi1>, vector<1x1024xf32>
    %eq3A_69 = arith.constant 7 : i32
    %eq3A_70 = vector.broadcast %eq3A_69 : i32 to vector<1x1024xi32>
    %eq3A_71 = arith.cmpi eq, %get3A_6, %eq3A_70 : vector<1x1024xi32>
    %get3A_72 = arith.constant 0 : index
    %get3A_73 = arith.constant 7 : index
    %get3A_74 = vector.load %arg3[%get3A_72, %get3A_73] : memref<1x16xf32, #tpu.memory_space<vmem>>, vector<1x1xf32>
    %get3A_75 = vector.extract %get3A_74[0, 0] : f32 from vector<1x1xf32>
    %broadcast_in_dim3A_76 = vector.broadcast %get3A_75 : f32 to vector<1x1024xf32>
    %select_n3A_77 = arith.select %eq3A_71, %broadcast_in_dim3A_76, %select_n3A_68 : vector<1x1024xi1>, vector<1x1024xf32>
    %eq3A_78 = arith.constant 8 : i32
    %eq3A_79 = vector.broadcast %eq3A_78 : i32 to vector<1x1024xi32>
    %eq3A_80 = arith.cmpi eq, %get3A_6, %eq3A_79 : vector<1x1024xi32>
    %get3A_81 = arith.constant 0 : index
    %get3A_82 = arith.constant 8 : index
    %get3A_83 = vector.load %arg3[%get3A_81, %get3A_82] : memref<1x16xf32, #tpu.memory_space<vmem>>, vector<1x1xf32>
    %get3A_84 = vector.extract %get3A_83[0, 0] : f32 from vector<1x1xf32>
    %broadcast_in_dim3A_85 = vector.broadcast %get3A_84 : f32 to vector<1x1024xf32>
    %select_n3A_86 = arith.select %eq3A_80, %broadcast_in_dim3A_85, %select_n3A_77 : vector<1x1024xi1>, vector<1x1024xf32>
    %eq3A_87 = arith.constant 9 : i32
    %eq3A_88 = vector.broadcast %eq3A_87 : i32 to vector<1x1024xi32>
    %eq3A_89 = arith.cmpi eq, %get3A_6, %eq3A_88 : vector<1x1024xi32>
    %get3A_90 = arith.constant 0 : index
    %get3A_91 = arith.constant 9 : index
    %get3A_92 = vector.load %arg3[%get3A_90, %get3A_91] : memref<1x16xf32, #tpu.memory_space<vmem>>, vector<1x1xf32>
    %get3A_93 = vector.extract %get3A_92[0, 0] : f32 from vector<1x1xf32>
    %broadcast_in_dim3A_94 = vector.broadcast %get3A_93 : f32 to vector<1x1024xf32>
    %select_n3A_95 = arith.select %eq3A_89, %broadcast_in_dim3A_94, %select_n3A_86 : vector<1x1024xi1>, vector<1x1024xf32>
    %eq3A_96 = arith.constant 10 : i32
    %eq3A_97 = vector.broadcast %eq3A_96 : i32 to vector<1x1024xi32>
    %eq3A_98 = arith.cmpi eq, %get3A_6, %eq3A_97 : vector<1x1024xi32>
    %get3A_99 = arith.constant 0 : index
    %get3A_100 = arith.constant 10 : index
    %get3A_101 = vector.load %arg3[%get3A_99, %get3A_100] : memref<1x16xf32, #tpu.memory_space<vmem>>, vector<1x1xf32>
    %get3A_102 = vector.extract %get3A_101[0, 0] : f32 from vector<1x1xf32>
    %broadcast_in_dim3A_103 = vector.broadcast %get3A_102 : f32 to vector<1x1024xf32>
    %select_n3A_104 = arith.select %eq3A_98, %broadcast_in_dim3A_103, %select_n3A_95 : vector<1x1024xi1>, vector<1x1024xf32>
    %eq3A_105 = arith.constant 11 : i32
    %eq3A_106 = vector.broadcast %eq3A_105 : i32 to vector<1x1024xi32>
    %eq3A_107 = arith.cmpi eq, %get3A_6, %eq3A_106 : vector<1x1024xi32>
    %get3A_108 = arith.constant 0 : index
    %get3A_109 = arith.constant 11 : index
    %get3A_110 = vector.load %arg3[%get3A_108, %get3A_109] : memref<1x16xf32, #tpu.memory_space<vmem>>, vector<1x1xf32>
    %get3A_111 = vector.extract %get3A_110[0, 0] : f32 from vector<1x1xf32>
    %broadcast_in_dim3A_112 = vector.broadcast %get3A_111 : f32 to vector<1x1024xf32>
    %select_n3A_113 = arith.select %eq3A_107, %broadcast_in_dim3A_112, %select_n3A_104 : vector<1x1024xi1>, vector<1x1024xf32>
    %eq3A_114 = arith.constant 12 : i32
    %eq3A_115 = vector.broadcast %eq3A_114 : i32 to vector<1x1024xi32>
    %eq3A_116 = arith.cmpi eq, %get3A_6, %eq3A_115 : vector<1x1024xi32>
    %get3A_117 = arith.constant 0 : index
    %get3A_118 = arith.constant 12 : index
    %get3A_119 = vector.load %arg3[%get3A_117, %get3A_118] : memref<1x16xf32, #tpu.memory_space<vmem>>, vector<1x1xf32>
    %get3A_120 = vector.extract %get3A_119[0, 0] : f32 from vector<1x1xf32>
    %broadcast_in_dim3A_121 = vector.broadcast %get3A_120 : f32 to vector<1x1024xf32>
    %select_n3A_122 = arith.select %eq3A_116, %broadcast_in_dim3A_121, %select_n3A_113 : vector<1x1024xi1>, vector<1x1024xf32>
    %eq3A_123 = arith.constant 13 : i32
    %eq3A_124 = vector.broadcast %eq3A_123 : i32 to vector<1x1024xi32>
    %eq3A_125 = arith.cmpi eq, %get3A_6, %eq3A_124 : vector<1x1024xi32>
    %get3A_126 = arith.constant 0 : index
    %get3A_127 = arith.constant 13 : index
    %get3A_128 = vector.load %arg3[%get3A_126, %get3A_127] : memref<1x16xf32, #tpu.memory_space<vmem>>, vector<1x1xf32>
    %get3A_129 = vector.extract %get3A_128[0, 0] : f32 from vector<1x1xf32>
    %broadcast_in_dim3A_130 = vector.broadcast %get3A_129 : f32 to vector<1x1024xf32>
    %select_n3A_131 = arith.select %eq3A_125, %broadcast_in_dim3A_130, %select_n3A_122 : vector<1x1024xi1>, vector<1x1024xf32>
    %eq3A_132 = arith.constant 14 : i32
    %eq3A_133 = vector.broadcast %eq3A_132 : i32 to vector<1x1024xi32>
    %eq3A_134 = arith.cmpi eq, %get3A_6, %eq3A_133 : vector<1x1024xi32>
    %get3A_135 = arith.constant 0 : index
    %get3A_136 = arith.constant 14 : index
    %get3A_137 = vector.load %arg3[%get3A_135, %get3A_136] : memref<1x16xf32, #tpu.memory_space<vmem>>, vector<1x1xf32>
    %get3A_138 = vector.extract %get3A_137[0, 0] : f32 from vector<1x1xf32>
    %broadcast_in_dim3A_139 = vector.broadcast %get3A_138 : f32 to vector<1x1024xf32>
    %select_n3A_140 = arith.select %eq3A_134, %broadcast_in_dim3A_139, %select_n3A_131 : vector<1x1024xi1>, vector<1x1024xf32>
    %eq3A_141 = arith.constant 15 : i32
    %eq3A_142 = vector.broadcast %eq3A_141 : i32 to vector<1x1024xi32>
    %eq3A_143 = arith.cmpi eq, %get3A_6, %eq3A_142 : vector<1x1024xi32>
    %get3A_144 = arith.constant 0 : index
    %get3A_145 = arith.constant 15 : index
    %get3A_146 = vector.load %arg3[%get3A_144, %get3A_145] : memref<1x16xf32, #tpu.memory_space<vmem>>, vector<1x1xf32>
    %get3A_147 = vector.extract %get3A_146[0, 0] : f32 from vector<1x1xf32>
    %broadcast_in_dim3A_148 = vector.broadcast %get3A_147 : f32 to vector<1x1024xf32>
    %select_n3A_149 = arith.select %eq3A_143, %broadcast_in_dim3A_148, %select_n3A_140 : vector<1x1024xi1>, vector<1x1024xf32>
    %mul3A = arith.mulf %get3A_3, %get3A_3 : vector<3x1024xf32>
    %reduce_sum3A = arith.constant dense<0.000000e+00> : vector<1024xf32>
    %reduce_sum3A_150 = vector.multi_reduction <add>, %mul3A, %reduce_sum3A [0] : vector<3x1024xf32> to vector<1024xf32>
    %broadcast_in_dim3A_151 = vector.shape_cast %reduce_sum3A_150 : vector<1024xf32> to vector<1x1024xf32>
    %broadcast_in_dim3A_152 = arith.constant 1.000000e+00 : f32
    %broadcast_in_dim3A_153 = vector.broadcast %broadcast_in_dim3A_152 : f32 to vector<1x1024xf32>
    %concatenate3A = tpu.concatenate %get3A_3, %broadcast_in_dim3A_151, %broadcast_in_dim3A_153 in 0 : vector<3x1024xf32>, vector<1x1024xf32>, vector<1x1024xf32> -> vector<5x1024xf32>
    %mul3A_154 = arith.constant -2.000000e+00 : f32
    %mul3A_155 = vector.broadcast %mul3A_154 : f32 to vector<3x1024xf32>
    %mul3A_156 = arith.mulf %mul3A_155, %get3A_3 : vector<3x1024xf32>
    %concatenate3A_157 = tpu.concatenate %mul3A_156, %broadcast_in_dim3A_153, %broadcast_in_dim3A_151 in 0 : vector<3x1024xf32>, vector<1x1024xf32>, vector<1x1024xf32> -> vector<5x1024xf32>
    %concatenate3A_158 = tpu.concatenate %select_n3A_149, %broadcast_in_dim3A_153 in 0 : vector<1x1024xf32>, vector<1x1024xf32> -> vector<2x1024xf32>
    %concatenate3A_159 = tpu.concatenate %broadcast_in_dim3A_153, %select_n3A_149 in 0 : vector<1x1024xf32>, vector<1x1024xf32> -> vector<2x1024xf32>
    %iota3A = tpu.iota {dimensions = array<i32: 0>} : vector<128x128xi32>
    %iota3A_160 = tpu.iota {dimensions = array<i32: 1>} : vector<128x128xi32>
    %add3A = arith.constant 2 : i32
    %add3A_161 = vector.broadcast %add3A : i32 to vector<128x128xi32>
    %add3A_162 = arith.addi %iota3A, %add3A_161 : vector<128x128xi32>
    %gt3A = arith.cmpi sgt, %iota3A_160, %add3A_162 : vector<128x128xi32>
    %add3A_163 = arith.constant 128 : i32
    %add3A_164 = vector.broadcast %add3A_163 : i32 to vector<128x128xi32>
    %add3A_165 = arith.addi %iota3A_160, %add3A_164 : vector<128x128xi32>
    %add3A_166 = arith.constant 2 : i32
    %add3A_167 = vector.broadcast %add3A_166 : i32 to vector<128x128xi32>
    %add3A_168 = arith.addi %iota3A, %add3A_167 : vector<128x128xi32>
    %gt3A_169 = arith.cmpi sgt, %add3A_165, %add3A_168 : vector<128x128xi32>
    %slice3A = vector.extract_strided_slice %concatenate3A {offsets = [0, 0], sizes = [5, 128], strides = [1, 1]} : vector<5x1024xf32> to vector<5x128xf32>
    %slice3A_170 = vector.extract_strided_slice %concatenate3A_157 {offsets = [0, 0], sizes = [5, 128], strides = [1, 1]} : vector<5x1024xf32> to vector<5x128xf32>
    %dot_general3A = arith.constant dense<0.000000e+00> : vector<128x128xf32>
    %dot_general3A_171 = tpu.matmul %slice3A, %slice3A_170, %dot_general3A {dimension_numbers = #tpu.dot_dimension_numbers<[0], [0], [1], [1], [0, 1, 1, 1], [], []>, transpose_lhs_hint = false} : vector<5x128xf32>, vector<5x128xf32>, vector<128x128xf32> -> vector<128x128xf32>
    %slice3A_172 = vector.extract_strided_slice %concatenate3A_158 {offsets = [0, 0], sizes = [2, 128], strides = [1, 1]} : vector<2x1024xf32> to vector<2x128xf32>
    %slice3A_173 = vector.extract_strided_slice %concatenate3A_159 {offsets = [0, 0], sizes = [2, 128], strides = [1, 1]} : vector<2x1024xf32> to vector<2x128xf32>
    %dot_general3A_174 = arith.constant dense<0.000000e+00> : vector<128x128xf32>
    %dot_general3A_175 = tpu.matmul %slice3A_172, %slice3A_173, %dot_general3A_174 {dimension_numbers = #tpu.dot_dimension_numbers<[0], [0], [1], [1], [0, 1, 1, 1], [], []>, transpose_lhs_hint = false} : vector<2x128xf32>, vector<2x128xf32>, vector<128x128xf32> -> vector<128x128xf32>
    %max3A = arith.constant 9.99999997E-7 : f32
    %max3A_176 = vector.broadcast %max3A : f32 to vector<128x128xf32>
    %max3A_177 = arith.maximumf %dot_general3A_171, %max3A_176 : vector<128x128xf32>
    %convert_element_type3A = arith.truncf %max3A_177 : vector<128x128xf32> to vector<128x128xbf16>
    %convert_element_type3A_178 = arith.truncf %dot_general3A_175 : vector<128x128xf32> to vector<128x128xbf16>
    %mul3A_179 = arith.mulf %convert_element_type3A_178, %convert_element_type3A_178 : vector<128x128xbf16>
    %add3A_180 = arith.addf %convert_element_type3A, %mul3A_179 : vector<128x128xbf16>
    %div3A = arith.divf %mul3A_179, %add3A_180 : vector<128x128xbf16>
    %mul3A_181 = arith.mulf %div3A, %div3A : vector<128x128xbf16>
    %mul3A_182 = arith.mulf %mul3A_181, %div3A : vector<128x128xbf16>
    %lt3A = arith.constant 1.000000e+02 : bf16
    %lt3A_183 = vector.broadcast %lt3A : bf16 to vector<128x128xbf16>
    %lt3A_184 = arith.cmpf olt, %convert_element_type3A, %lt3A_183 : vector<128x128xbf16>
    %and3A = arith.andi %lt3A_184, %gt3A : vector<128x128xi1>
    %jit3A = arith.constant 0.000000e+00 : bf16
    %broadcast_in_dim3A_185 = vector.broadcast %jit3A : bf16 to vector<128x128xbf16>
    %select_n3A_186 = arith.select %and3A, %mul3A_182, %broadcast_in_dim3A_185 : vector<128x128xi1>, vector<128x128xbf16>
    %convert_element_type3A_187 = arith.extf %select_n3A_186 : vector<128x128xbf16> to vector<128x128xf32>
    %reduce_sum3A_188 = vector.shape_cast %convert_element_type3A_187 : vector<128x128xf32> to vector<1x128x128xf32>
    %reduce_sum3A_189 = arith.constant dense<0.000000e+00> : vector<1xf32>
    %reduce_sum3A_190 = vector.multi_reduction <add>, %reduce_sum3A_188, %reduce_sum3A_189 [1, 2] : vector<1x128x128xf32> to vector<1xf32>
    %reduce_sum3A_191 = vector.shape_cast %reduce_sum3A_190 : vector<1xf32> to vector<1x1x1xf32>
    %reduce_sum3A_192 = vector.extract %reduce_sum3A_191[0, 0, 0] : f32 from vector<1x1x1xf32>
    %add3A_193 = arith.constant 0.000000e+00 : f32
    %add3A_194 = arith.addf %add3A_193, %reduce_sum3A_192 : f32
    %slice3A_195 = vector.extract_strided_slice %concatenate3A {offsets = [0, 0], sizes = [5, 128], strides = [1, 1]} : vector<5x1024xf32> to vector<5x128xf32>
    %slice3A_196 = vector.extract_strided_slice %concatenate3A_157 {offsets = [0, 128], sizes = [5, 128], strides = [1, 1]} : vector<5x1024xf32> to vector<5x128xf32>
    %dot_general3A_197 = arith.constant dense<0.000000e+00> : vector<128x128xf32>
    %dot_general3A_198 = tpu.matmul %slice3A_195, %slice3A_196, %dot_general3A_197 {dimension_numbers = #tpu.dot_dimension_numbers<[0], [0], [1], [1], [0, 1, 1, 1], [], []>, transpose_lhs_hint = false} : vector<5x128xf32>, vector<5x128xf32>, vector<128x128xf32> -> vector<128x128xf32>
    %slice3A_199 = vector.extract_strided_slice %concatenate3A_158 {offsets = [0, 0], sizes = [2, 128], strides = [1, 1]} : vector<2x1024xf32> to vector<2x128xf32>
    %slice3A_200 = vector.extract_strided_slice %concatenate3A_159 {offsets = [0, 128], sizes = [2, 128], strides = [1, 1]} : vector<2x1024xf32> to vector<2x128xf32>
    %dot_general3A_201 = arith.constant dense<0.000000e+00> : vector<128x128xf32>
    %dot_general3A_202 = tpu.matmul %slice3A_199, %slice3A_200, %dot_general3A_201 {dimension_numbers = #tpu.dot_dimension_numbers<[0], [0], [1], [1], [0, 1, 1, 1], [], []>, transpose_lhs_hint = false} : vector<2x128xf32>, vector<2x128xf32>, vector<128x128xf32> -> vector<128x128xf32>
    %max3A_203 = arith.constant 9.99999997E-7 : f32
    %max3A_204 = vector.broadcast %max3A_203 : f32 to vector<128x128xf32>
    %max3A_205 = arith.maximumf %dot_general3A_198, %max3A_204 : vector<128x128xf32>
    %convert_element_type3A_206 = arith.truncf %max3A_205 : vector<128x128xf32> to vector<128x128xbf16>
    %convert_element_type3A_207 = arith.truncf %dot_general3A_202 : vector<128x128xf32> to vector<128x128xbf16>
    %mul3A_208 = arith.mulf %convert_element_type3A_207, %convert_element_type3A_207 : vector<128x128xbf16>
    %add3A_209 = arith.addf %convert_element_type3A_206, %mul3A_208 : vector<128x128xbf16>
    %div3A_210 = arith.divf %mul3A_208, %add3A_209 : vector<128x128xbf16>
    %mul3A_211 = arith.mulf %div3A_210, %div3A_210 : vector<128x128xbf16>
    %mul3A_212 = arith.mulf %mul3A_211, %div3A_210 : vector<128x128xbf16>
    %lt3A_213 = arith.constant 1.000000e+02 : bf16
    %lt3A_214 = vector.broadcast %lt3A_213 : bf16 to vector<128x128xbf16>
    %lt3A_215 = arith.cmpf olt, %convert_element_type3A_206, %lt3A_214 : vector<128x128xbf16>
    %and3A_216 = arith.andi %lt3A_215, %gt3A_169 : vector<128x128xi1>
    %jit3A_217 = arith.constant 0.000000e+00 : bf16
    %broadcast_in_dim3A_218 = vector.broadcast %jit3A_217 : bf16 to vector<128x128xbf16>
    %select_n3A_219 = arith.select %and3A_216, %mul3A_212, %broadcast_in_dim3A_218 : vector<128x128xi1>, vector<128x128xbf16>
    %convert_element_type3A_220 = arith.extf %select_n3A_219 : vector<128x128xbf16> to vector<128x128xf32>
    %reduce_sum3A_221 = vector.shape_cast %convert_element_type3A_220 : vector<128x128xf32> to vector<1x128x128xf32>
    %reduce_sum3A_222 = arith.constant dense<0.000000e+00> : vector<1xf32>
    %reduce_sum3A_223 = vector.multi_reduction <add>, %reduce_sum3A_221, %reduce_sum3A_222 [1, 2] : vector<1x128x128xf32> to vector<1xf32>
    %reduce_sum3A_224 = vector.shape_cast %reduce_sum3A_223 : vector<1xf32> to vector<1x1x1xf32>
    %reduce_sum3A_225 = vector.extract %reduce_sum3A_224[0, 0, 0] : f32 from vector<1x1x1xf32>
    %add3A_226 = arith.addf %add3A_194, %reduce_sum3A_225 : f32
    %slice3A_227 = vector.extract_strided_slice %concatenate3A {offsets = [0, 0], sizes = [5, 128], strides = [1, 1]} : vector<5x1024xf32> to vector<5x128xf32>
    %slice3A_228 = vector.extract_strided_slice %concatenate3A_157 {offsets = [0, 256], sizes = [5, 768], strides = [1, 1]} : vector<5x1024xf32> to vector<5x768xf32>
    %dot_general3A_229 = arith.constant dense<0.000000e+00> : vector<128x768xf32>
    %dot_general3A_230 = tpu.matmul %slice3A_227, %slice3A_228, %dot_general3A_229 {dimension_numbers = #tpu.dot_dimension_numbers<[0], [0], [1], [1], [0, 1, 1, 1], [], []>, transpose_lhs_hint = false} : vector<5x128xf32>, vector<5x768xf32>, vector<128x768xf32> -> vector<128x768xf32>
    %slice3A_231 = vector.extract_strided_slice %concatenate3A_158 {offsets = [0, 0], sizes = [2, 128], strides = [1, 1]} : vector<2x1024xf32> to vector<2x128xf32>
    %slice3A_232 = vector.extract_strided_slice %concatenate3A_159 {offsets = [0, 256], sizes = [2, 768], strides = [1, 1]} : vector<2x1024xf32> to vector<2x768xf32>
    %dot_general3A_233 = arith.constant dense<0.000000e+00> : vector<128x768xf32>
    %dot_general3A_234 = tpu.matmul %slice3A_231, %slice3A_232, %dot_general3A_233 {dimension_numbers = #tpu.dot_dimension_numbers<[0], [0], [1], [1], [0, 1, 1, 1], [], []>, transpose_lhs_hint = false} : vector<2x128xf32>, vector<2x768xf32>, vector<128x768xf32> -> vector<128x768xf32>
    %max3A_235 = arith.constant 9.99999997E-7 : f32
    %max3A_236 = vector.broadcast %max3A_235 : f32 to vector<128x768xf32>
    %max3A_237 = arith.maximumf %dot_general3A_230, %max3A_236 : vector<128x768xf32>
    %convert_element_type3A_238 = arith.truncf %max3A_237 : vector<128x768xf32> to vector<128x768xbf16>
    %convert_element_type3A_239 = arith.truncf %dot_general3A_234 : vector<128x768xf32> to vector<128x768xbf16>
    %mul3A_240 = arith.mulf %convert_element_type3A_239, %convert_element_type3A_239 : vector<128x768xbf16>
    %add3A_241 = arith.addf %convert_element_type3A_238, %mul3A_240 : vector<128x768xbf16>
    %div3A_242 = arith.divf %mul3A_240, %add3A_241 : vector<128x768xbf16>
    %mul3A_243 = arith.mulf %div3A_242, %div3A_242 : vector<128x768xbf16>
    %mul3A_244 = arith.mulf %mul3A_243, %div3A_242 : vector<128x768xbf16>
    %lt3A_245 = arith.constant 1.000000e+02 : bf16
    %lt3A_246 = vector.broadcast %lt3A_245 : bf16 to vector<128x768xbf16>
    %lt3A_247 = arith.cmpf olt, %convert_element_type3A_238, %lt3A_246 : vector<128x768xbf16>
    %jit3A_248 = arith.constant 0.000000e+00 : bf16
    %broadcast_in_dim3A_249 = vector.broadcast %jit3A_248 : bf16 to vector<128x768xbf16>
    %select_n3A_250 = arith.select %lt3A_247, %mul3A_244, %broadcast_in_dim3A_249 : vector<128x768xi1>, vector<128x768xbf16>
    %convert_element_type3A_251 = arith.extf %select_n3A_250 : vector<128x768xbf16> to vector<128x768xf32>
    %reduce_sum3A_252 = vector.shape_cast %convert_element_type3A_251 : vector<128x768xf32> to vector<1x128x768xf32>
    %reduce_sum3A_253 = arith.constant dense<0.000000e+00> : vector<1xf32>
    %reduce_sum3A_254 = vector.multi_reduction <add>, %reduce_sum3A_252, %reduce_sum3A_253 [1, 2] : vector<1x128x768xf32> to vector<1xf32>
    %reduce_sum3A_255 = vector.shape_cast %reduce_sum3A_254 : vector<1xf32> to vector<1x1x1xf32>
    %reduce_sum3A_256 = vector.extract %reduce_sum3A_255[0, 0, 0] : f32 from vector<1x1x1xf32>
    %add3A_257 = arith.addf %add3A_226, %reduce_sum3A_256 : f32
    %slice3A_258 = vector.extract_strided_slice %concatenate3A {offsets = [0, 128], sizes = [5, 128], strides = [1, 1]} : vector<5x1024xf32> to vector<5x128xf32>
    %slice3A_259 = vector.extract_strided_slice %concatenate3A_157 {offsets = [0, 128], sizes = [5, 128], strides = [1, 1]} : vector<5x1024xf32> to vector<5x128xf32>
    %dot_general3A_260 = arith.constant dense<0.000000e+00> : vector<128x128xf32>
    %dot_general3A_261 = tpu.matmul %slice3A_258, %slice3A_259, %dot_general3A_260 {dimension_numbers = #tpu.dot_dimension_numbers<[0], [0], [1], [1], [0, 1, 1, 1], [], []>, transpose_lhs_hint = false} : vector<5x128xf32>, vector<5x128xf32>, vector<128x128xf32> -> vector<128x128xf32>
    %slice3A_262 = vector.extract_strided_slice %concatenate3A_158 {offsets = [0, 128], sizes = [2, 128], strides = [1, 1]} : vector<2x1024xf32> to vector<2x128xf32>
    %slice3A_263 = vector.extract_strided_slice %concatenate3A_159 {offsets = [0, 128], sizes = [2, 128], strides = [1, 1]} : vector<2x1024xf32> to vector<2x128xf32>
    %dot_general3A_264 = arith.constant dense<0.000000e+00> : vector<128x128xf32>
    %dot_general3A_265 = tpu.matmul %slice3A_262, %slice3A_263, %dot_general3A_264 {dimension_numbers = #tpu.dot_dimension_numbers<[0], [0], [1], [1], [0, 1, 1, 1], [], []>, transpose_lhs_hint = false} : vector<2x128xf32>, vector<2x128xf32>, vector<128x128xf32> -> vector<128x128xf32>
    %max3A_266 = arith.constant 9.99999997E-7 : f32
    %max3A_267 = vector.broadcast %max3A_266 : f32 to vector<128x128xf32>
    %max3A_268 = arith.maximumf %dot_general3A_261, %max3A_267 : vector<128x128xf32>
    %convert_element_type3A_269 = arith.truncf %max3A_268 : vector<128x128xf32> to vector<128x128xbf16>
    %convert_element_type3A_270 = arith.truncf %dot_general3A_265 : vector<128x128xf32> to vector<128x128xbf16>
    %mul3A_271 = arith.mulf %convert_element_type3A_270, %convert_element_type3A_270 : vector<128x128xbf16>
    %add3A_272 = arith.addf %convert_element_type3A_269, %mul3A_271 : vector<128x128xbf16>
    %div3A_273 = arith.divf %mul3A_271, %add3A_272 : vector<128x128xbf16>
    %mul3A_274 = arith.mulf %div3A_273, %div3A_273 : vector<128x128xbf16>
    %mul3A_275 = arith.mulf %mul3A_274, %div3A_273 : vector<128x128xbf16>
    %lt3A_276 = arith.constant 1.000000e+02 : bf16
    %lt3A_277 = vector.broadcast %lt3A_276 : bf16 to vector<128x128xbf16>
    %lt3A_278 = arith.cmpf olt, %convert_element_type3A_269, %lt3A_277 : vector<128x128xbf16>
    %and3A_279 = arith.andi %lt3A_278, %gt3A : vector<128x128xi1>
    %jit3A_280 = arith.constant 0.000000e+00 : bf16
    %broadcast_in_dim3A_281 = vector.broadcast %jit3A_280 : bf16 to vector<128x128xbf16>
    %select_n3A_282 = arith.select %and3A_279, %mul3A_275, %broadcast_in_dim3A_281 : vector<128x128xi1>, vector<128x128xbf16>
    %convert_element_type3A_283 = arith.extf %select_n3A_282 : vector<128x128xbf16> to vector<128x128xf32>
    %reduce_sum3A_284 = vector.shape_cast %convert_element_type3A_283 : vector<128x128xf32> to vector<1x128x128xf32>
    %reduce_sum3A_285 = arith.constant dense<0.000000e+00> : vector<1xf32>
    %reduce_sum3A_286 = vector.multi_reduction <add>, %reduce_sum3A_284, %reduce_sum3A_285 [1, 2] : vector<1x128x128xf32> to vector<1xf32>
    %reduce_sum3A_287 = vector.shape_cast %reduce_sum3A_286 : vector<1xf32> to vector<1x1x1xf32>
    %reduce_sum3A_288 = vector.extract %reduce_sum3A_287[0, 0, 0] : f32 from vector<1x1x1xf32>
    %add3A_289 = arith.addf %add3A_257, %reduce_sum3A_288 : f32
    %slice3A_290 = vector.extract_strided_slice %concatenate3A {offsets = [0, 128], sizes = [5, 128], strides = [1, 1]} : vector<5x1024xf32> to vector<5x128xf32>
    %slice3A_291 = vector.extract_strided_slice %concatenate3A_157 {offsets = [0, 256], sizes = [5, 128], strides = [1, 1]} : vector<5x1024xf32> to vector<5x128xf32>
    %dot_general3A_292 = arith.constant dense<0.000000e+00> : vector<128x128xf32>
    %dot_general3A_293 = tpu.matmul %slice3A_290, %slice3A_291, %dot_general3A_292 {dimension_numbers = #tpu.dot_dimension_numbers<[0], [0], [1], [1], [0, 1, 1, 1], [], []>, transpose_lhs_hint = false} : vector<5x128xf32>, vector<5x128xf32>, vector<128x128xf32> -> vector<128x128xf32>
    %slice3A_294 = vector.extract_strided_slice %concatenate3A_158 {offsets = [0, 128], sizes = [2, 128], strides = [1, 1]} : vector<2x1024xf32> to vector<2x128xf32>
    %slice3A_295 = vector.extract_strided_slice %concatenate3A_159 {offsets = [0, 256], sizes = [2, 128], strides = [1, 1]} : vector<2x1024xf32> to vector<2x128xf32>
    %dot_general3A_296 = arith.constant dense<0.000000e+00> : vector<128x128xf32>
    %dot_general3A_297 = tpu.matmul %slice3A_294, %slice3A_295, %dot_general3A_296 {dimension_numbers = #tpu.dot_dimension_numbers<[0], [0], [1], [1], [0, 1, 1, 1], [], []>, transpose_lhs_hint = false} : vector<2x128xf32>, vector<2x128xf32>, vector<128x128xf32> -> vector<128x128xf32>
    %max3A_298 = arith.constant 9.99999997E-7 : f32
    %max3A_299 = vector.broadcast %max3A_298 : f32 to vector<128x128xf32>
    %max3A_300 = arith.maximumf %dot_general3A_293, %max3A_299 : vector<128x128xf32>
    %convert_element_type3A_301 = arith.truncf %max3A_300 : vector<128x128xf32> to vector<128x128xbf16>
    %convert_element_type3A_302 = arith.truncf %dot_general3A_297 : vector<128x128xf32> to vector<128x128xbf16>
    %mul3A_303 = arith.mulf %convert_element_type3A_302, %convert_element_type3A_302 : vector<128x128xbf16>
    %add3A_304 = arith.addf %convert_element_type3A_301, %mul3A_303 : vector<128x128xbf16>
    %div3A_305 = arith.divf %mul3A_303, %add3A_304 : vector<128x128xbf16>
    %mul3A_306 = arith.mulf %div3A_305, %div3A_305 : vector<128x128xbf16>
    %mul3A_307 = arith.mulf %mul3A_306, %div3A_305 : vector<128x128xbf16>
    %lt3A_308 = arith.constant 1.000000e+02 : bf16
    %lt3A_309 = vector.broadcast %lt3A_308 : bf16 to vector<128x128xbf16>
    %lt3A_310 = arith.cmpf olt, %convert_element_type3A_301, %lt3A_309 : vector<128x128xbf16>
    %and3A_311 = arith.andi %lt3A_310, %gt3A_169 : vector<128x128xi1>
    %jit3A_312 = arith.constant 0.000000e+00 : bf16
    %broadcast_in_dim3A_313 = vector.broadcast %jit3A_312 : bf16 to vector<128x128xbf16>
    %select_n3A_314 = arith.select %and3A_311, %mul3A_307, %broadcast_in_dim3A_313 : vector<128x128xi1>, vector<128x128xbf16>
    %convert_element_type3A_315 = arith.extf %select_n3A_314 : vector<128x128xbf16> to vector<128x128xf32>
    %reduce_sum3A_316 = vector.shape_cast %convert_element_type3A_315 : vector<128x128xf32> to vector<1x128x128xf32>
    %reduce_sum3A_317 = arith.constant dense<0.000000e+00> : vector<1xf32>
    %reduce_sum3A_318 = vector.multi_reduction <add>, %reduce_sum3A_316, %reduce_sum3A_317 [1, 2] : vector<1x128x128xf32> to vector<1xf32>
    %reduce_sum3A_319 = vector.shape_cast %reduce_sum3A_318 : vector<1xf32> to vector<1x1x1xf32>
    %reduce_sum3A_320 = vector.extract %reduce_sum3A_319[0, 0, 0] : f32 from vector<1x1x1xf32>
    %add3A_321 = arith.addf %add3A_289, %reduce_sum3A_320 : f32
    %slice3A_322 = vector.extract_strided_slice %concatenate3A {offsets = [0, 128], sizes = [5, 128], strides = [1, 1]} : vector<5x1024xf32> to vector<5x128xf32>
    %slice3A_323 = vector.extract_strided_slice %concatenate3A_157 {offsets = [0, 384], sizes = [5, 640], strides = [1, 1]} : vector<5x1024xf32> to vector<5x640xf32>
    %dot_general3A_324 = arith.constant dense<0.000000e+00> : vector<128x640xf32>
    %dot_general3A_325 = tpu.matmul %slice3A_322, %slice3A_323, %dot_general3A_324 {dimension_numbers = #tpu.dot_dimension_numbers<[0], [0], [1], [1], [0, 1, 1, 1], [], []>, transpose_lhs_hint = false} : vector<5x128xf32>, vector<5x640xf32>, vector<128x640xf32> -> vector<128x640xf32>
    %slice3A_326 = vector.extract_strided_slice %concatenate3A_158 {offsets = [0, 128], sizes = [2, 128], strides = [1, 1]} : vector<2x1024xf32> to vector<2x128xf32>
    %slice3A_327 = vector.extract_strided_slice %concatenate3A_159 {offsets = [0, 384], sizes = [2, 640], strides = [1, 1]} : vector<2x1024xf32> to vector<2x640xf32>
    %dot_general3A_328 = arith.constant dense<0.000000e+00> : vector<128x640xf32>
    %dot_general3A_329 = tpu.matmul %slice3A_326, %slice3A_327, %dot_general3A_328 {dimension_numbers = #tpu.dot_dimension_numbers<[0], [0], [1], [1], [0, 1, 1, 1], [], []>, transpose_lhs_hint = false} : vector<2x128xf32>, vector<2x640xf32>, vector<128x640xf32> -> vector<128x640xf32>
    %max3A_330 = arith.constant 9.99999997E-7 : f32
    %max3A_331 = vector.broadcast %max3A_330 : f32 to vector<128x640xf32>
    %max3A_332 = arith.maximumf %dot_general3A_325, %max3A_331 : vector<128x640xf32>
    %convert_element_type3A_333 = arith.truncf %max3A_332 : vector<128x640xf32> to vector<128x640xbf16>
    %convert_element_type3A_334 = arith.truncf %dot_general3A_329 : vector<128x640xf32> to vector<128x640xbf16>
    %mul3A_335 = arith.mulf %convert_element_type3A_334, %convert_element_type3A_334 : vector<128x640xbf16>
    %add3A_336 = arith.addf %convert_element_type3A_333, %mul3A_335 : vector<128x640xbf16>
    %div3A_337 = arith.divf %mul3A_335, %add3A_336 : vector<128x640xbf16>
    %mul3A_338 = arith.mulf %div3A_337, %div3A_337 : vector<128x640xbf16>
    %mul3A_339 = arith.mulf %mul3A_338, %div3A_337 : vector<128x640xbf16>
    %lt3A_340 = arith.constant 1.000000e+02 : bf16
    %lt3A_341 = vector.broadcast %lt3A_340 : bf16 to vector<128x640xbf16>
    %lt3A_342 = arith.cmpf olt, %convert_element_type3A_333, %lt3A_341 : vector<128x640xbf16>
    %jit3A_343 = arith.constant 0.000000e+00 : bf16
    %broadcast_in_dim3A_344 = vector.broadcast %jit3A_343 : bf16 to vector<128x640xbf16>
    %select_n3A_345 = arith.select %lt3A_342, %mul3A_339, %broadcast_in_dim3A_344 : vector<128x640xi1>, vector<128x640xbf16>
    %convert_element_type3A_346 = arith.extf %select_n3A_345 : vector<128x640xbf16> to vector<128x640xf32>
    %reduce_sum3A_347 = vector.shape_cast %convert_element_type3A_346 : vector<128x640xf32> to vector<1x128x640xf32>
    %reduce_sum3A_348 = arith.constant dense<0.000000e+00> : vector<1xf32>
    %reduce_sum3A_349 = vector.multi_reduction <add>, %reduce_sum3A_347, %reduce_sum3A_348 [1, 2] : vector<1x128x640xf32> to vector<1xf32>
    %reduce_sum3A_350 = vector.shape_cast %reduce_sum3A_349 : vector<1xf32> to vector<1x1x1xf32>
    %reduce_sum3A_351 = vector.extract %reduce_sum3A_350[0, 0, 0] : f32 from vector<1x1x1xf32>
    %add3A_352 = arith.addf %add3A_321, %reduce_sum3A_351 : f32
    %slice3A_353 = vector.extract_strided_slice %concatenate3A {offsets = [0, 256], sizes = [5, 128], strides = [1, 1]} : vector<5x1024xf32> to vector<5x128xf32>
    %slice3A_354 = vector.extract_strided_slice %concatenate3A_157 {offsets = [0, 256], sizes = [5, 128], strides = [1, 1]} : vector<5x1024xf32> to vector<5x128xf32>
    %dot_general3A_355 = arith.constant dense<0.000000e+00> : vector<128x128xf32>
    %dot_general3A_356 = tpu.matmul %slice3A_353, %slice3A_354, %dot_general3A_355 {dimension_numbers = #tpu.dot_dimension_numbers<[0], [0], [1], [1], [0, 1, 1, 1], [], []>, transpose_lhs_hint = false} : vector<5x128xf32>, vector<5x128xf32>, vector<128x128xf32> -> vector<128x128xf32>
    %slice3A_357 = vector.extract_strided_slice %concatenate3A_158 {offsets = [0, 256], sizes = [2, 128], strides = [1, 1]} : vector<2x1024xf32> to vector<2x128xf32>
    %slice3A_358 = vector.extract_strided_slice %concatenate3A_159 {offsets = [0, 256], sizes = [2, 128], strides = [1, 1]} : vector<2x1024xf32> to vector<2x128xf32>
    %dot_general3A_359 = arith.constant dense<0.000000e+00> : vector<128x128xf32>
    %dot_general3A_360 = tpu.matmul %slice3A_357, %slice3A_358, %dot_general3A_359 {dimension_numbers = #tpu.dot_dimension_numbers<[0], [0], [1], [1], [0, 1, 1, 1], [], []>, transpose_lhs_hint = false} : vector<2x128xf32>, vector<2x128xf32>, vector<128x128xf32> -> vector<128x128xf32>
    %max3A_361 = arith.constant 9.99999997E-7 : f32
    %max3A_362 = vector.broadcast %max3A_361 : f32 to vector<128x128xf32>
    %max3A_363 = arith.maximumf %dot_general3A_356, %max3A_362 : vector<128x128xf32>
    %convert_element_type3A_364 = arith.truncf %max3A_363 : vector<128x128xf32> to vector<128x128xbf16>
    %convert_element_type3A_365 = arith.truncf %dot_general3A_360 : vector<128x128xf32> to vector<128x128xbf16>
    %mul3A_366 = arith.mulf %convert_element_type3A_365, %convert_element_type3A_365 : vector<128x128xbf16>
    %add3A_367 = arith.addf %convert_element_type3A_364, %mul3A_366 : vector<128x128xbf16>
    %div3A_368 = arith.divf %mul3A_366, %add3A_367 : vector<128x128xbf16>
    %mul3A_369 = arith.mulf %div3A_368, %div3A_368 : vector<128x128xbf16>
    %mul3A_370 = arith.mulf %mul3A_369, %div3A_368 : vector<128x128xbf16>
    %lt3A_371 = arith.constant 1.000000e+02 : bf16
    %lt3A_372 = vector.broadcast %lt3A_371 : bf16 to vector<128x128xbf16>
    %lt3A_373 = arith.cmpf olt, %convert_element_type3A_364, %lt3A_372 : vector<128x128xbf16>
    %and3A_374 = arith.andi %lt3A_373, %gt3A : vector<128x128xi1>
    %jit3A_375 = arith.constant 0.000000e+00 : bf16
    %broadcast_in_dim3A_376 = vector.broadcast %jit3A_375 : bf16 to vector<128x128xbf16>
    %select_n3A_377 = arith.select %and3A_374, %mul3A_370, %broadcast_in_dim3A_376 : vector<128x128xi1>, vector<128x128xbf16>
    %convert_element_type3A_378 = arith.extf %select_n3A_377 : vector<128x128xbf16> to vector<128x128xf32>
    %reduce_sum3A_379 = vector.shape_cast %convert_element_type3A_378 : vector<128x128xf32> to vector<1x128x128xf32>
    %reduce_sum3A_380 = arith.constant dense<0.000000e+00> : vector<1xf32>
    %reduce_sum3A_381 = vector.multi_reduction <add>, %reduce_sum3A_379, %reduce_sum3A_380 [1, 2] : vector<1x128x128xf32> to vector<1xf32>
    %reduce_sum3A_382 = vector.shape_cast %reduce_sum3A_381 : vector<1xf32> to vector<1x1x1xf32>
    %reduce_sum3A_383 = vector.extract %reduce_sum3A_382[0, 0, 0] : f32 from vector<1x1x1xf32>
    %add3A_384 = arith.addf %add3A_352, %reduce_sum3A_383 : f32
    %slice3A_385 = vector.extract_strided_slice %concatenate3A {offsets = [0, 256], sizes = [5, 128], strides = [1, 1]} : vector<5x1024xf32> to vector<5x128xf32>
    %slice3A_386 = vector.extract_strided_slice %concatenate3A_157 {offsets = [0, 384], sizes = [5, 128], strides = [1, 1]} : vector<5x1024xf32> to vector<5x128xf32>
    %dot_general3A_387 = arith.constant dense<0.000000e+00> : vector<128x128xf32>
    %dot_general3A_388 = tpu.matmul %slice3A_385, %slice3A_386, %dot_general3A_387 {dimension_numbers = #tpu.dot_dimension_numbers<[0], [0], [1], [1], [0, 1, 1, 1], [], []>, transpose_lhs_hint = false} : vector<5x128xf32>, vector<5x128xf32>, vector<128x128xf32> -> vector<128x128xf32>
    %slice3A_389 = vector.extract_strided_slice %concatenate3A_158 {offsets = [0, 256], sizes = [2, 128], strides = [1, 1]} : vector<2x1024xf32> to vector<2x128xf32>
    %slice3A_390 = vector.extract_strided_slice %concatenate3A_159 {offsets = [0, 384], sizes = [2, 128], strides = [1, 1]} : vector<2x1024xf32> to vector<2x128xf32>
    %dot_general3A_391 = arith.constant dense<0.000000e+00> : vector<128x128xf32>
    %dot_general3A_392 = tpu.matmul %slice3A_389, %slice3A_390, %dot_general3A_391 {dimension_numbers = #tpu.dot_dimension_numbers<[0], [0], [1], [1], [0, 1, 1, 1], [], []>, transpose_lhs_hint = false} : vector<2x128xf32>, vector<2x128xf32>, vector<128x128xf32> -> vector<128x128xf32>
    %max3A_393 = arith.constant 9.99999997E-7 : f32
    %max3A_394 = vector.broadcast %max3A_393 : f32 to vector<128x128xf32>
    %max3A_395 = arith.maximumf %dot_general3A_388, %max3A_394 : vector<128x128xf32>
    %convert_element_type3A_396 = arith.truncf %max3A_395 : vector<128x128xf32> to vector<128x128xbf16>
    %convert_element_type3A_397 = arith.truncf %dot_general3A_392 : vector<128x128xf32> to vector<128x128xbf16>
    %mul3A_398 = arith.mulf %convert_element_type3A_397, %convert_element_type3A_397 : vector<128x128xbf16>
    %add3A_399 = arith.addf %convert_element_type3A_396, %mul3A_398 : vector<128x128xbf16>
    %div3A_400 = arith.divf %mul3A_398, %add3A_399 : vector<128x128xbf16>
    %mul3A_401 = arith.mulf %div3A_400, %div3A_400 : vector<128x128xbf16>
    %mul3A_402 = arith.mulf %mul3A_401, %div3A_400 : vector<128x128xbf16>
    %lt3A_403 = arith.constant 1.000000e+02 : bf16
    %lt3A_404 = vector.broadcast %lt3A_403 : bf16 to vector<128x128xbf16>
    %lt3A_405 = arith.cmpf olt, %convert_element_type3A_396, %lt3A_404 : vector<128x128xbf16>
    %and3A_406 = arith.andi %lt3A_405, %gt3A_169 : vector<128x128xi1>
    %jit3A_407 = arith.constant 0.000000e+00 : bf16
    %broadcast_in_dim3A_408 = vector.broadcast %jit3A_407 : bf16 to vector<128x128xbf16>
    %select_n3A_409 = arith.select %and3A_406, %mul3A_402, %broadcast_in_dim3A_408 : vector<128x128xi1>, vector<128x128xbf16>
    %convert_element_type3A_410 = arith.extf %select_n3A_409 : vector<128x128xbf16> to vector<128x128xf32>
    %reduce_sum3A_411 = vector.shape_cast %convert_element_type3A_410 : vector<128x128xf32> to vector<1x128x128xf32>
    %reduce_sum3A_412 = arith.constant dense<0.000000e+00> : vector<1xf32>
    %reduce_sum3A_413 = vector.multi_reduction <add>, %reduce_sum3A_411, %reduce_sum3A_412 [1, 2] : vector<1x128x128xf32> to vector<1xf32>
    %reduce_sum3A_414 = vector.shape_cast %reduce_sum3A_413 : vector<1xf32> to vector<1x1x1xf32>
    %reduce_sum3A_415 = vector.extract %reduce_sum3A_414[0, 0, 0] : f32 from vector<1x1x1xf32>
    %add3A_416 = arith.addf %add3A_384, %reduce_sum3A_415 : f32
    %slice3A_417 = vector.extract_strided_slice %concatenate3A {offsets = [0, 256], sizes = [5, 128], strides = [1, 1]} : vector<5x1024xf32> to vector<5x128xf32>
    %slice3A_418 = vector.extract_strided_slice %concatenate3A_157 {offsets = [0, 512], sizes = [5, 512], strides = [1, 1]} : vector<5x1024xf32> to vector<5x512xf32>
    %dot_general3A_419 = arith.constant dense<0.000000e+00> : vector<128x512xf32>
    %dot_general3A_420 = tpu.matmul %slice3A_417, %slice3A_418, %dot_general3A_419 {dimension_numbers = #tpu.dot_dimension_numbers<[0], [0], [1], [1], [0, 1, 1, 1], [], []>, transpose_lhs_hint = false} : vector<5x128xf32>, vector<5x512xf32>, vector<128x512xf32> -> vector<128x512xf32>
    %slice3A_421 = vector.extract_strided_slice %concatenate3A_158 {offsets = [0, 256], sizes = [2, 128], strides = [1, 1]} : vector<2x1024xf32> to vector<2x128xf32>
    %slice3A_422 = vector.extract_strided_slice %concatenate3A_159 {offsets = [0, 512], sizes = [2, 512], strides = [1, 1]} : vector<2x1024xf32> to vector<2x512xf32>
    %dot_general3A_423 = arith.constant dense<0.000000e+00> : vector<128x512xf32>
    %dot_general3A_424 = tpu.matmul %slice3A_421, %slice3A_422, %dot_general3A_423 {dimension_numbers = #tpu.dot_dimension_numbers<[0], [0], [1], [1], [0, 1, 1, 1], [], []>, transpose_lhs_hint = false} : vector<2x128xf32>, vector<2x512xf32>, vector<128x512xf32> -> vector<128x512xf32>
    %max3A_425 = arith.constant 9.99999997E-7 : f32
    %max3A_426 = vector.broadcast %max3A_425 : f32 to vector<128x512xf32>
    %max3A_427 = arith.maximumf %dot_general3A_420, %max3A_426 : vector<128x512xf32>
    %convert_element_type3A_428 = arith.truncf %max3A_427 : vector<128x512xf32> to vector<128x512xbf16>
    %convert_element_type3A_429 = arith.truncf %dot_general3A_424 : vector<128x512xf32> to vector<128x512xbf16>
    %mul3A_430 = arith.mulf %convert_element_type3A_429, %convert_element_type3A_429 : vector<128x512xbf16>
    %add3A_431 = arith.addf %convert_element_type3A_428, %mul3A_430 : vector<128x512xbf16>
    %div3A_432 = arith.divf %mul3A_430, %add3A_431 : vector<128x512xbf16>
    %mul3A_433 = arith.mulf %div3A_432, %div3A_432 : vector<128x512xbf16>
    %mul3A_434 = arith.mulf %mul3A_433, %div3A_432 : vector<128x512xbf16>
    %lt3A_435 = arith.constant 1.000000e+02 : bf16
    %lt3A_436 = vector.broadcast %lt3A_435 : bf16 to vector<128x512xbf16>
    %lt3A_437 = arith.cmpf olt, %convert_element_type3A_428, %lt3A_436 : vector<128x512xbf16>
    %jit3A_438 = arith.constant 0.000000e+00 : bf16
    %broadcast_in_dim3A_439 = vector.broadcast %jit3A_438 : bf16 to vector<128x512xbf16>
    %select_n3A_440 = arith.select %lt3A_437, %mul3A_434, %broadcast_in_dim3A_439 : vector<128x512xi1>, vector<128x512xbf16>
    %convert_element_type3A_441 = arith.extf %select_n3A_440 : vector<128x512xbf16> to vector<128x512xf32>
    %reduce_sum3A_442 = vector.shape_cast %convert_element_type3A_441 : vector<128x512xf32> to vector<1x128x512xf32>
    %reduce_sum3A_443 = arith.constant dense<0.000000e+00> : vector<1xf32>
    %reduce_sum3A_444 = vector.multi_reduction <add>, %reduce_sum3A_442, %reduce_sum3A_443 [1, 2] : vector<1x128x512xf32> to vector<1xf32>
    %reduce_sum3A_445 = vector.shape_cast %reduce_sum3A_444 : vector<1xf32> to vector<1x1x1xf32>
    %reduce_sum3A_446 = vector.extract %reduce_sum3A_445[0, 0, 0] : f32 from vector<1x1x1xf32>
    %add3A_447 = arith.addf %add3A_416, %reduce_sum3A_446 : f32
    %slice3A_448 = vector.extract_strided_slice %concatenate3A {offsets = [0, 384], sizes = [5, 128], strides = [1, 1]} : vector<5x1024xf32> to vector<5x128xf32>
    %slice3A_449 = vector.extract_strided_slice %concatenate3A_157 {offsets = [0, 384], sizes = [5, 128], strides = [1, 1]} : vector<5x1024xf32> to vector<5x128xf32>
    %dot_general3A_450 = arith.constant dense<0.000000e+00> : vector<128x128xf32>
    %dot_general3A_451 = tpu.matmul %slice3A_448, %slice3A_449, %dot_general3A_450 {dimension_numbers = #tpu.dot_dimension_numbers<[0], [0], [1], [1], [0, 1, 1, 1], [], []>, transpose_lhs_hint = false} : vector<5x128xf32>, vector<5x128xf32>, vector<128x128xf32> -> vector<128x128xf32>
    %slice3A_452 = vector.extract_strided_slice %concatenate3A_158 {offsets = [0, 384], sizes = [2, 128], strides = [1, 1]} : vector<2x1024xf32> to vector<2x128xf32>
    %slice3A_453 = vector.extract_strided_slice %concatenate3A_159 {offsets = [0, 384], sizes = [2, 128], strides = [1, 1]} : vector<2x1024xf32> to vector<2x128xf32>
    %dot_general3A_454 = arith.constant dense<0.000000e+00> : vector<128x128xf32>
    %dot_general3A_455 = tpu.matmul %slice3A_452, %slice3A_453, %dot_general3A_454 {dimension_numbers = #tpu.dot_dimension_numbers<[0], [0], [1], [1], [0, 1, 1, 1], [], []>, transpose_lhs_hint = false} : vector<2x128xf32>, vector<2x128xf32>, vector<128x128xf32> -> vector<128x128xf32>
    %max3A_456 = arith.constant 9.99999997E-7 : f32
    %max3A_457 = vector.broadcast %max3A_456 : f32 to vector<128x128xf32>
    %max3A_458 = arith.maximumf %dot_general3A_451, %max3A_457 : vector<128x128xf32>
    %convert_element_type3A_459 = arith.truncf %max3A_458 : vector<128x128xf32> to vector<128x128xbf16>
    %convert_element_type3A_460 = arith.truncf %dot_general3A_455 : vector<128x128xf32> to vector<128x128xbf16>
    %mul3A_461 = arith.mulf %convert_element_type3A_460, %convert_element_type3A_460 : vector<128x128xbf16>
    %add3A_462 = arith.addf %convert_element_type3A_459, %mul3A_461 : vector<128x128xbf16>
    %div3A_463 = arith.divf %mul3A_461, %add3A_462 : vector<128x128xbf16>
    %mul3A_464 = arith.mulf %div3A_463, %div3A_463 : vector<128x128xbf16>
    %mul3A_465 = arith.mulf %mul3A_464, %div3A_463 : vector<128x128xbf16>
    %lt3A_466 = arith.constant 1.000000e+02 : bf16
    %lt3A_467 = vector.broadcast %lt3A_466 : bf16 to vector<128x128xbf16>
    %lt3A_468 = arith.cmpf olt, %convert_element_type3A_459, %lt3A_467 : vector<128x128xbf16>
    %and3A_469 = arith.andi %lt3A_468, %gt3A : vector<128x128xi1>
    %jit3A_470 = arith.constant 0.000000e+00 : bf16
    %broadcast_in_dim3A_471 = vector.broadcast %jit3A_470 : bf16 to vector<128x128xbf16>
    %select_n3A_472 = arith.select %and3A_469, %mul3A_465, %broadcast_in_dim3A_471 : vector<128x128xi1>, vector<128x128xbf16>
    %convert_element_type3A_473 = arith.extf %select_n3A_472 : vector<128x128xbf16> to vector<128x128xf32>
    %reduce_sum3A_474 = vector.shape_cast %convert_element_type3A_473 : vector<128x128xf32> to vector<1x128x128xf32>
    %reduce_sum3A_475 = arith.constant dense<0.000000e+00> : vector<1xf32>
    %reduce_sum3A_476 = vector.multi_reduction <add>, %reduce_sum3A_474, %reduce_sum3A_475 [1, 2] : vector<1x128x128xf32> to vector<1xf32>
    %reduce_sum3A_477 = vector.shape_cast %reduce_sum3A_476 : vector<1xf32> to vector<1x1x1xf32>
    %reduce_sum3A_478 = vector.extract %reduce_sum3A_477[0, 0, 0] : f32 from vector<1x1x1xf32>
    %add3A_479 = arith.addf %add3A_447, %reduce_sum3A_478 : f32
    %slice3A_480 = vector.extract_strided_slice %concatenate3A {offsets = [0, 384], sizes = [5, 128], strides = [1, 1]} : vector<5x1024xf32> to vector<5x128xf32>
    %slice3A_481 = vector.extract_strided_slice %concatenate3A_157 {offsets = [0, 512], sizes = [5, 128], strides = [1, 1]} : vector<5x1024xf32> to vector<5x128xf32>
    %dot_general3A_482 = arith.constant dense<0.000000e+00> : vector<128x128xf32>
    %dot_general3A_483 = tpu.matmul %slice3A_480, %slice3A_481, %dot_general3A_482 {dimension_numbers = #tpu.dot_dimension_numbers<[0], [0], [1], [1], [0, 1, 1, 1], [], []>, transpose_lhs_hint = false} : vector<5x128xf32>, vector<5x128xf32>, vector<128x128xf32> -> vector<128x128xf32>
    %slice3A_484 = vector.extract_strided_slice %concatenate3A_158 {offsets = [0, 384], sizes = [2, 128], strides = [1, 1]} : vector<2x1024xf32> to vector<2x128xf32>
    %slice3A_485 = vector.extract_strided_slice %concatenate3A_159 {offsets = [0, 512], sizes = [2, 128], strides = [1, 1]} : vector<2x1024xf32> to vector<2x128xf32>
    %dot_general3A_486 = arith.constant dense<0.000000e+00> : vector<128x128xf32>
    %dot_general3A_487 = tpu.matmul %slice3A_484, %slice3A_485, %dot_general3A_486 {dimension_numbers = #tpu.dot_dimension_numbers<[0], [0], [1], [1], [0, 1, 1, 1], [], []>, transpose_lhs_hint = false} : vector<2x128xf32>, vector<2x128xf32>, vector<128x128xf32> -> vector<128x128xf32>
    %max3A_488 = arith.constant 9.99999997E-7 : f32
    %max3A_489 = vector.broadcast %max3A_488 : f32 to vector<128x128xf32>
    %max3A_490 = arith.maximumf %dot_general3A_483, %max3A_489 : vector<128x128xf32>
    %convert_element_type3A_491 = arith.truncf %max3A_490 : vector<128x128xf32> to vector<128x128xbf16>
    %convert_element_type3A_492 = arith.truncf %dot_general3A_487 : vector<128x128xf32> to vector<128x128xbf16>
    %mul3A_493 = arith.mulf %convert_element_type3A_492, %convert_element_type3A_492 : vector<128x128xbf16>
    %add3A_494 = arith.addf %convert_element_type3A_491, %mul3A_493 : vector<128x128xbf16>
    %div3A_495 = arith.divf %mul3A_493, %add3A_494 : vector<128x128xbf16>
    %mul3A_496 = arith.mulf %div3A_495, %div3A_495 : vector<128x128xbf16>
    %mul3A_497 = arith.mulf %mul3A_496, %div3A_495 : vector<128x128xbf16>
    %lt3A_498 = arith.constant 1.000000e+02 : bf16
    %lt3A_499 = vector.broadcast %lt3A_498 : bf16 to vector<128x128xbf16>
    %lt3A_500 = arith.cmpf olt, %convert_element_type3A_491, %lt3A_499 : vector<128x128xbf16>
    %and3A_501 = arith.andi %lt3A_500, %gt3A_169 : vector<128x128xi1>
    %jit3A_502 = arith.constant 0.000000e+00 : bf16
    %broadcast_in_dim3A_503 = vector.broadcast %jit3A_502 : bf16 to vector<128x128xbf16>
    %select_n3A_504 = arith.select %and3A_501, %mul3A_497, %broadcast_in_dim3A_503 : vector<128x128xi1>, vector<128x128xbf16>
    %convert_element_type3A_505 = arith.extf %select_n3A_504 : vector<128x128xbf16> to vector<128x128xf32>
    %reduce_sum3A_506 = vector.shape_cast %convert_element_type3A_505 : vector<128x128xf32> to vector<1x128x128xf32>
    %reduce_sum3A_507 = arith.constant dense<0.000000e+00> : vector<1xf32>
    %reduce_sum3A_508 = vector.multi_reduction <add>, %reduce_sum3A_506, %reduce_sum3A_507 [1, 2] : vector<1x128x128xf32> to vector<1xf32>
    %reduce_sum3A_509 = vector.shape_cast %reduce_sum3A_508 : vector<1xf32> to vector<1x1x1xf32>
    %reduce_sum3A_510 = vector.extract %reduce_sum3A_509[0, 0, 0] : f32 from vector<1x1x1xf32>
    %add3A_511 = arith.addf %add3A_479, %reduce_sum3A_510 : f32
    %slice3A_512 = vector.extract_strided_slice %concatenate3A {offsets = [0, 384], sizes = [5, 128], strides = [1, 1]} : vector<5x1024xf32> to vector<5x128xf32>
    %slice3A_513 = vector.extract_strided_slice %concatenate3A_157 {offsets = [0, 640], sizes = [5, 384], strides = [1, 1]} : vector<5x1024xf32> to vector<5x384xf32>
    %dot_general3A_514 = arith.constant dense<0.000000e+00> : vector<128x384xf32>
    %dot_general3A_515 = tpu.matmul %slice3A_512, %slice3A_513, %dot_general3A_514 {dimension_numbers = #tpu.dot_dimension_numbers<[0], [0], [1], [1], [0, 1, 1, 1], [], []>, transpose_lhs_hint = false} : vector<5x128xf32>, vector<5x384xf32>, vector<128x384xf32> -> vector<128x384xf32>
    %slice3A_516 = vector.extract_strided_slice %concatenate3A_158 {offsets = [0, 384], sizes = [2, 128], strides = [1, 1]} : vector<2x1024xf32> to vector<2x128xf32>
    %slice3A_517 = vector.extract_strided_slice %concatenate3A_159 {offsets = [0, 640], sizes = [2, 384], strides = [1, 1]} : vector<2x1024xf32> to vector<2x384xf32>
    %dot_general3A_518 = arith.constant dense<0.000000e+00> : vector<128x384xf32>
    %dot_general3A_519 = tpu.matmul %slice3A_516, %slice3A_517, %dot_general3A_518 {dimension_numbers = #tpu.dot_dimension_numbers<[0], [0], [1], [1], [0, 1, 1, 1], [], []>, transpose_lhs_hint = false} : vector<2x128xf32>, vector<2x384xf32>, vector<128x384xf32> -> vector<128x384xf32>
    %max3A_520 = arith.constant 9.99999997E-7 : f32
    %max3A_521 = vector.broadcast %max3A_520 : f32 to vector<128x384xf32>
    %max3A_522 = arith.maximumf %dot_general3A_515, %max3A_521 : vector<128x384xf32>
    %convert_element_type3A_523 = arith.truncf %max3A_522 : vector<128x384xf32> to vector<128x384xbf16>
    %convert_element_type3A_524 = arith.truncf %dot_general3A_519 : vector<128x384xf32> to vector<128x384xbf16>
    %mul3A_525 = arith.mulf %convert_element_type3A_524, %convert_element_type3A_524 : vector<128x384xbf16>
    %add3A_526 = arith.addf %convert_element_type3A_523, %mul3A_525 : vector<128x384xbf16>
    %div3A_527 = arith.divf %mul3A_525, %add3A_526 : vector<128x384xbf16>
    %mul3A_528 = arith.mulf %div3A_527, %div3A_527 : vector<128x384xbf16>
    %mul3A_529 = arith.mulf %mul3A_528, %div3A_527 : vector<128x384xbf16>
    %lt3A_530 = arith.constant 1.000000e+02 : bf16
    %lt3A_531 = vector.broadcast %lt3A_530 : bf16 to vector<128x384xbf16>
    %lt3A_532 = arith.cmpf olt, %convert_element_type3A_523, %lt3A_531 : vector<128x384xbf16>
    %jit3A_533 = arith.constant 0.000000e+00 : bf16
    %broadcast_in_dim3A_534 = vector.broadcast %jit3A_533 : bf16 to vector<128x384xbf16>
    %select_n3A_535 = arith.select %lt3A_532, %mul3A_529, %broadcast_in_dim3A_534 : vector<128x384xi1>, vector<128x384xbf16>
    %convert_element_type3A_536 = arith.extf %select_n3A_535 : vector<128x384xbf16> to vector<128x384xf32>
    %reduce_sum3A_537 = vector.shape_cast %convert_element_type3A_536 : vector<128x384xf32> to vector<1x128x384xf32>
    %reduce_sum3A_538 = arith.constant dense<0.000000e+00> : vector<1xf32>
    %reduce_sum3A_539 = vector.multi_reduction <add>, %reduce_sum3A_537, %reduce_sum3A_538 [1, 2] : vector<1x128x384xf32> to vector<1xf32>
    %reduce_sum3A_540 = vector.shape_cast %reduce_sum3A_539 : vector<1xf32> to vector<1x1x1xf32>
    %reduce_sum3A_541 = vector.extract %reduce_sum3A_540[0, 0, 0] : f32 from vector<1x1x1xf32>
    %add3A_542 = arith.addf %add3A_511, %reduce_sum3A_541 : f32
    %slice3A_543 = vector.extract_strided_slice %concatenate3A {offsets = [0, 512], sizes = [5, 128], strides = [1, 1]} : vector<5x1024xf32> to vector<5x128xf32>
    %slice3A_544 = vector.extract_strided_slice %concatenate3A_157 {offsets = [0, 512], sizes = [5, 128], strides = [1, 1]} : vector<5x1024xf32> to vector<5x128xf32>
    %dot_general3A_545 = arith.constant dense<0.000000e+00> : vector<128x128xf32>
    %dot_general3A_546 = tpu.matmul %slice3A_543, %slice3A_544, %dot_general3A_545 {dimension_numbers = #tpu.dot_dimension_numbers<[0], [0], [1], [1], [0, 1, 1, 1], [], []>, transpose_lhs_hint = false} : vector<5x128xf32>, vector<5x128xf32>, vector<128x128xf32> -> vector<128x128xf32>
    %slice3A_547 = vector.extract_strided_slice %concatenate3A_158 {offsets = [0, 512], sizes = [2, 128], strides = [1, 1]} : vector<2x1024xf32> to vector<2x128xf32>
    %slice3A_548 = vector.extract_strided_slice %concatenate3A_159 {offsets = [0, 512], sizes = [2, 128], strides = [1, 1]} : vector<2x1024xf32> to vector<2x128xf32>
    %dot_general3A_549 = arith.constant dense<0.000000e+00> : vector<128x128xf32>
    %dot_general3A_550 = tpu.matmul %slice3A_547, %slice3A_548, %dot_general3A_549 {dimension_numbers = #tpu.dot_dimension_numbers<[0], [0], [1], [1], [0, 1, 1, 1], [], []>, transpose_lhs_hint = false} : vector<2x128xf32>, vector<2x128xf32>, vector<128x128xf32> -> vector<128x128xf32>
    %max3A_551 = arith.constant 9.99999997E-7 : f32
    %max3A_552 = vector.broadcast %max3A_551 : f32 to vector<128x128xf32>
    %max3A_553 = arith.maximumf %dot_general3A_546, %max3A_552 : vector<128x128xf32>
    %convert_element_type3A_554 = arith.truncf %max3A_553 : vector<128x128xf32> to vector<128x128xbf16>
    %convert_element_type3A_555 = arith.truncf %dot_general3A_550 : vector<128x128xf32> to vector<128x128xbf16>
    %mul3A_556 = arith.mulf %convert_element_type3A_555, %convert_element_type3A_555 : vector<128x128xbf16>
    %add3A_557 = arith.addf %convert_element_type3A_554, %mul3A_556 : vector<128x128xbf16>
    %div3A_558 = arith.divf %mul3A_556, %add3A_557 : vector<128x128xbf16>
    %mul3A_559 = arith.mulf %div3A_558, %div3A_558 : vector<128x128xbf16>
    %mul3A_560 = arith.mulf %mul3A_559, %div3A_558 : vector<128x128xbf16>
    %lt3A_561 = arith.constant 1.000000e+02 : bf16
    %lt3A_562 = vector.broadcast %lt3A_561 : bf16 to vector<128x128xbf16>
    %lt3A_563 = arith.cmpf olt, %convert_element_type3A_554, %lt3A_562 : vector<128x128xbf16>
    %and3A_564 = arith.andi %lt3A_563, %gt3A : vector<128x128xi1>
    %jit3A_565 = arith.constant 0.000000e+00 : bf16
    %broadcast_in_dim3A_566 = vector.broadcast %jit3A_565 : bf16 to vector<128x128xbf16>
    %select_n3A_567 = arith.select %and3A_564, %mul3A_560, %broadcast_in_dim3A_566 : vector<128x128xi1>, vector<128x128xbf16>
    %convert_element_type3A_568 = arith.extf %select_n3A_567 : vector<128x128xbf16> to vector<128x128xf32>
    %reduce_sum3A_569 = vector.shape_cast %convert_element_type3A_568 : vector<128x128xf32> to vector<1x128x128xf32>
    %reduce_sum3A_570 = arith.constant dense<0.000000e+00> : vector<1xf32>
    %reduce_sum3A_571 = vector.multi_reduction <add>, %reduce_sum3A_569, %reduce_sum3A_570 [1, 2] : vector<1x128x128xf32> to vector<1xf32>
    %reduce_sum3A_572 = vector.shape_cast %reduce_sum3A_571 : vector<1xf32> to vector<1x1x1xf32>
    %reduce_sum3A_573 = vector.extract %reduce_sum3A_572[0, 0, 0] : f32 from vector<1x1x1xf32>
    %add3A_574 = arith.addf %add3A_542, %reduce_sum3A_573 : f32
    %slice3A_575 = vector.extract_strided_slice %concatenate3A {offsets = [0, 512], sizes = [5, 128], strides = [1, 1]} : vector<5x1024xf32> to vector<5x128xf32>
    %slice3A_576 = vector.extract_strided_slice %concatenate3A_157 {offsets = [0, 640], sizes = [5, 128], strides = [1, 1]} : vector<5x1024xf32> to vector<5x128xf32>
    %dot_general3A_577 = arith.constant dense<0.000000e+00> : vector<128x128xf32>
    %dot_general3A_578 = tpu.matmul %slice3A_575, %slice3A_576, %dot_general3A_577 {dimension_numbers = #tpu.dot_dimension_numbers<[0], [0], [1], [1], [0, 1, 1, 1], [], []>, transpose_lhs_hint = false} : vector<5x128xf32>, vector<5x128xf32>, vector<128x128xf32> -> vector<128x128xf32>
    %slice3A_579 = vector.extract_strided_slice %concatenate3A_158 {offsets = [0, 512], sizes = [2, 128], strides = [1, 1]} : vector<2x1024xf32> to vector<2x128xf32>
    %slice3A_580 = vector.extract_strided_slice %concatenate3A_159 {offsets = [0, 640], sizes = [2, 128], strides = [1, 1]} : vector<2x1024xf32> to vector<2x128xf32>
    %dot_general3A_581 = arith.constant dense<0.000000e+00> : vector<128x128xf32>
    %dot_general3A_582 = tpu.matmul %slice3A_579, %slice3A_580, %dot_general3A_581 {dimension_numbers = #tpu.dot_dimension_numbers<[0], [0], [1], [1], [0, 1, 1, 1], [], []>, transpose_lhs_hint = false} : vector<2x128xf32>, vector<2x128xf32>, vector<128x128xf32> -> vector<128x128xf32>
    %max3A_583 = arith.constant 9.99999997E-7 : f32
    %max3A_584 = vector.broadcast %max3A_583 : f32 to vector<128x128xf32>
    %max3A_585 = arith.maximumf %dot_general3A_578, %max3A_584 : vector<128x128xf32>
    %convert_element_type3A_586 = arith.truncf %max3A_585 : vector<128x128xf32> to vector<128x128xbf16>
    %convert_element_type3A_587 = arith.truncf %dot_general3A_582 : vector<128x128xf32> to vector<128x128xbf16>
    %mul3A_588 = arith.mulf %convert_element_type3A_587, %convert_element_type3A_587 : vector<128x128xbf16>
    %add3A_589 = arith.addf %convert_element_type3A_586, %mul3A_588 : vector<128x128xbf16>
    %div3A_590 = arith.divf %mul3A_588, %add3A_589 : vector<128x128xbf16>
    %mul3A_591 = arith.mulf %div3A_590, %div3A_590 : vector<128x128xbf16>
    %mul3A_592 = arith.mulf %mul3A_591, %div3A_590 : vector<128x128xbf16>
    %lt3A_593 = arith.constant 1.000000e+02 : bf16
    %lt3A_594 = vector.broadcast %lt3A_593 : bf16 to vector<128x128xbf16>
    %lt3A_595 = arith.cmpf olt, %convert_element_type3A_586, %lt3A_594 : vector<128x128xbf16>
    %and3A_596 = arith.andi %lt3A_595, %gt3A_169 : vector<128x128xi1>
    %jit3A_597 = arith.constant 0.000000e+00 : bf16
    %broadcast_in_dim3A_598 = vector.broadcast %jit3A_597 : bf16 to vector<128x128xbf16>
    %select_n3A_599 = arith.select %and3A_596, %mul3A_592, %broadcast_in_dim3A_598 : vector<128x128xi1>, vector<128x128xbf16>
    %convert_element_type3A_600 = arith.extf %select_n3A_599 : vector<128x128xbf16> to vector<128x128xf32>
    %reduce_sum3A_601 = vector.shape_cast %convert_element_type3A_600 : vector<128x128xf32> to vector<1x128x128xf32>
    %reduce_sum3A_602 = arith.constant dense<0.000000e+00> : vector<1xf32>
    %reduce_sum3A_603 = vector.multi_reduction <add>, %reduce_sum3A_601, %reduce_sum3A_602 [1, 2] : vector<1x128x128xf32> to vector<1xf32>
    %reduce_sum3A_604 = vector.shape_cast %reduce_sum3A_603 : vector<1xf32> to vector<1x1x1xf32>
    %reduce_sum3A_605 = vector.extract %reduce_sum3A_604[0, 0, 0] : f32 from vector<1x1x1xf32>
    %add3A_606 = arith.addf %add3A_574, %reduce_sum3A_605 : f32
    %slice3A_607 = vector.extract_strided_slice %concatenate3A {offsets = [0, 512], sizes = [5, 128], strides = [1, 1]} : vector<5x1024xf32> to vector<5x128xf32>
    %slice3A_608 = vector.extract_strided_slice %concatenate3A_157 {offsets = [0, 768], sizes = [5, 256], strides = [1, 1]} : vector<5x1024xf32> to vector<5x256xf32>
    %dot_general3A_609 = arith.constant dense<0.000000e+00> : vector<128x256xf32>
    %dot_general3A_610 = tpu.matmul %slice3A_607, %slice3A_608, %dot_general3A_609 {dimension_numbers = #tpu.dot_dimension_numbers<[0], [0], [1], [1], [0, 1, 1, 1], [], []>, transpose_lhs_hint = false} : vector<5x128xf32>, vector<5x256xf32>, vector<128x256xf32> -> vector<128x256xf32>
    %slice3A_611 = vector.extract_strided_slice %concatenate3A_158 {offsets = [0, 512], sizes = [2, 128], strides = [1, 1]} : vector<2x1024xf32> to vector<2x128xf32>
    %slice3A_612 = vector.extract_strided_slice %concatenate3A_159 {offsets = [0, 768], sizes = [2, 256], strides = [1, 1]} : vector<2x1024xf32> to vector<2x256xf32>
    %dot_general3A_613 = arith.constant dense<0.000000e+00> : vector<128x256xf32>
    %dot_general3A_614 = tpu.matmul %slice3A_611, %slice3A_612, %dot_general3A_613 {dimension_numbers = #tpu.dot_dimension_numbers<[0], [0], [1], [1], [0, 1, 1, 1], [], []>, transpose_lhs_hint = false} : vector<2x128xf32>, vector<2x256xf32>, vector<128x256xf32> -> vector<128x256xf32>
    %max3A_615 = arith.constant 9.99999997E-7 : f32
    %max3A_616 = vector.broadcast %max3A_615 : f32 to vector<128x256xf32>
    %max3A_617 = arith.maximumf %dot_general3A_610, %max3A_616 : vector<128x256xf32>
    %convert_element_type3A_618 = arith.truncf %max3A_617 : vector<128x256xf32> to vector<128x256xbf16>
    %convert_element_type3A_619 = arith.truncf %dot_general3A_614 : vector<128x256xf32> to vector<128x256xbf16>
    %mul3A_620 = arith.mulf %convert_element_type3A_619, %convert_element_type3A_619 : vector<128x256xbf16>
    %add3A_621 = arith.addf %convert_element_type3A_618, %mul3A_620 : vector<128x256xbf16>
    %div3A_622 = arith.divf %mul3A_620, %add3A_621 : vector<128x256xbf16>
    %mul3A_623 = arith.mulf %div3A_622, %div3A_622 : vector<128x256xbf16>
    %mul3A_624 = arith.mulf %mul3A_623, %div3A_622 : vector<128x256xbf16>
    %lt3A_625 = arith.constant 1.000000e+02 : bf16
    %lt3A_626 = vector.broadcast %lt3A_625 : bf16 to vector<128x256xbf16>
    %lt3A_627 = arith.cmpf olt, %convert_element_type3A_618, %lt3A_626 : vector<128x256xbf16>
    %jit3A_628 = arith.constant 0.000000e+00 : bf16
    %broadcast_in_dim3A_629 = vector.broadcast %jit3A_628 : bf16 to vector<128x256xbf16>
    %select_n3A_630 = arith.select %lt3A_627, %mul3A_624, %broadcast_in_dim3A_629 : vector<128x256xi1>, vector<128x256xbf16>
    %convert_element_type3A_631 = arith.extf %select_n3A_630 : vector<128x256xbf16> to vector<128x256xf32>
    %reduce_sum3A_632 = vector.shape_cast %convert_element_type3A_631 : vector<128x256xf32> to vector<1x128x256xf32>
    %reduce_sum3A_633 = arith.constant dense<0.000000e+00> : vector<1xf32>
    %reduce_sum3A_634 = vector.multi_reduction <add>, %reduce_sum3A_632, %reduce_sum3A_633 [1, 2] : vector<1x128x256xf32> to vector<1xf32>
    %reduce_sum3A_635 = vector.shape_cast %reduce_sum3A_634 : vector<1xf32> to vector<1x1x1xf32>
    %reduce_sum3A_636 = vector.extract %reduce_sum3A_635[0, 0, 0] : f32 from vector<1x1x1xf32>
    %add3A_637 = arith.addf %add3A_606, %reduce_sum3A_636 : f32
    %slice3A_638 = vector.extract_strided_slice %concatenate3A {offsets = [0, 640], sizes = [5, 128], strides = [1, 1]} : vector<5x1024xf32> to vector<5x128xf32>
    %slice3A_639 = vector.extract_strided_slice %concatenate3A_157 {offsets = [0, 640], sizes = [5, 128], strides = [1, 1]} : vector<5x1024xf32> to vector<5x128xf32>
    %dot_general3A_640 = arith.constant dense<0.000000e+00> : vector<128x128xf32>
    %dot_general3A_641 = tpu.matmul %slice3A_638, %slice3A_639, %dot_general3A_640 {dimension_numbers = #tpu.dot_dimension_numbers<[0], [0], [1], [1], [0, 1, 1, 1], [], []>, transpose_lhs_hint = false} : vector<5x128xf32>, vector<5x128xf32>, vector<128x128xf32> -> vector<128x128xf32>
    %slice3A_642 = vector.extract_strided_slice %concatenate3A_158 {offsets = [0, 640], sizes = [2, 128], strides = [1, 1]} : vector<2x1024xf32> to vector<2x128xf32>
    %slice3A_643 = vector.extract_strided_slice %concatenate3A_159 {offsets = [0, 640], sizes = [2, 128], strides = [1, 1]} : vector<2x1024xf32> to vector<2x128xf32>
    %dot_general3A_644 = arith.constant dense<0.000000e+00> : vector<128x128xf32>
    %dot_general3A_645 = tpu.matmul %slice3A_642, %slice3A_643, %dot_general3A_644 {dimension_numbers = #tpu.dot_dimension_numbers<[0], [0], [1], [1], [0, 1, 1, 1], [], []>, transpose_lhs_hint = false} : vector<2x128xf32>, vector<2x128xf32>, vector<128x128xf32> -> vector<128x128xf32>
    %max3A_646 = arith.constant 9.99999997E-7 : f32
    %max3A_647 = vector.broadcast %max3A_646 : f32 to vector<128x128xf32>
    %max3A_648 = arith.maximumf %dot_general3A_641, %max3A_647 : vector<128x128xf32>
    %convert_element_type3A_649 = arith.truncf %max3A_648 : vector<128x128xf32> to vector<128x128xbf16>
    %convert_element_type3A_650 = arith.truncf %dot_general3A_645 : vector<128x128xf32> to vector<128x128xbf16>
    %mul3A_651 = arith.mulf %convert_element_type3A_650, %convert_element_type3A_650 : vector<128x128xbf16>
    %add3A_652 = arith.addf %convert_element_type3A_649, %mul3A_651 : vector<128x128xbf16>
    %div3A_653 = arith.divf %mul3A_651, %add3A_652 : vector<128x128xbf16>
    %mul3A_654 = arith.mulf %div3A_653, %div3A_653 : vector<128x128xbf16>
    %mul3A_655 = arith.mulf %mul3A_654, %div3A_653 : vector<128x128xbf16>
    %lt3A_656 = arith.constant 1.000000e+02 : bf16
    %lt3A_657 = vector.broadcast %lt3A_656 : bf16 to vector<128x128xbf16>
    %lt3A_658 = arith.cmpf olt, %convert_element_type3A_649, %lt3A_657 : vector<128x128xbf16>
    %and3A_659 = arith.andi %lt3A_658, %gt3A : vector<128x128xi1>
    %jit3A_660 = arith.constant 0.000000e+00 : bf16
    %broadcast_in_dim3A_661 = vector.broadcast %jit3A_660 : bf16 to vector<128x128xbf16>
    %select_n3A_662 = arith.select %and3A_659, %mul3A_655, %broadcast_in_dim3A_661 : vector<128x128xi1>, vector<128x128xbf16>
    %convert_element_type3A_663 = arith.extf %select_n3A_662 : vector<128x128xbf16> to vector<128x128xf32>
    %reduce_sum3A_664 = vector.shape_cast %convert_element_type3A_663 : vector<128x128xf32> to vector<1x128x128xf32>
    %reduce_sum3A_665 = arith.constant dense<0.000000e+00> : vector<1xf32>
    %reduce_sum3A_666 = vector.multi_reduction <add>, %reduce_sum3A_664, %reduce_sum3A_665 [1, 2] : vector<1x128x128xf32> to vector<1xf32>
    %reduce_sum3A_667 = vector.shape_cast %reduce_sum3A_666 : vector<1xf32> to vector<1x1x1xf32>
    %reduce_sum3A_668 = vector.extract %reduce_sum3A_667[0, 0, 0] : f32 from vector<1x1x1xf32>
    %add3A_669 = arith.addf %add3A_637, %reduce_sum3A_668 : f32
    %slice3A_670 = vector.extract_strided_slice %concatenate3A {offsets = [0, 640], sizes = [5, 128], strides = [1, 1]} : vector<5x1024xf32> to vector<5x128xf32>
    %slice3A_671 = vector.extract_strided_slice %concatenate3A_157 {offsets = [0, 768], sizes = [5, 128], strides = [1, 1]} : vector<5x1024xf32> to vector<5x128xf32>
    %dot_general3A_672 = arith.constant dense<0.000000e+00> : vector<128x128xf32>
    %dot_general3A_673 = tpu.matmul %slice3A_670, %slice3A_671, %dot_general3A_672 {dimension_numbers = #tpu.dot_dimension_numbers<[0], [0], [1], [1], [0, 1, 1, 1], [], []>, transpose_lhs_hint = false} : vector<5x128xf32>, vector<5x128xf32>, vector<128x128xf32> -> vector<128x128xf32>
    %slice3A_674 = vector.extract_strided_slice %concatenate3A_158 {offsets = [0, 640], sizes = [2, 128], strides = [1, 1]} : vector<2x1024xf32> to vector<2x128xf32>
    %slice3A_675 = vector.extract_strided_slice %concatenate3A_159 {offsets = [0, 768], sizes = [2, 128], strides = [1, 1]} : vector<2x1024xf32> to vector<2x128xf32>
    %dot_general3A_676 = arith.constant dense<0.000000e+00> : vector<128x128xf32>
    %dot_general3A_677 = tpu.matmul %slice3A_674, %slice3A_675, %dot_general3A_676 {dimension_numbers = #tpu.dot_dimension_numbers<[0], [0], [1], [1], [0, 1, 1, 1], [], []>, transpose_lhs_hint = false} : vector<2x128xf32>, vector<2x128xf32>, vector<128x128xf32> -> vector<128x128xf32>
    %max3A_678 = arith.constant 9.99999997E-7 : f32
    %max3A_679 = vector.broadcast %max3A_678 : f32 to vector<128x128xf32>
    %max3A_680 = arith.maximumf %dot_general3A_673, %max3A_679 : vector<128x128xf32>
    %convert_element_type3A_681 = arith.truncf %max3A_680 : vector<128x128xf32> to vector<128x128xbf16>
    %convert_element_type3A_682 = arith.truncf %dot_general3A_677 : vector<128x128xf32> to vector<128x128xbf16>
    %mul3A_683 = arith.mulf %convert_element_type3A_682, %convert_element_type3A_682 : vector<128x128xbf16>
    %add3A_684 = arith.addf %convert_element_type3A_681, %mul3A_683 : vector<128x128xbf16>
    %div3A_685 = arith.divf %mul3A_683, %add3A_684 : vector<128x128xbf16>
    %mul3A_686 = arith.mulf %div3A_685, %div3A_685 : vector<128x128xbf16>
    %mul3A_687 = arith.mulf %mul3A_686, %div3A_685 : vector<128x128xbf16>
    %lt3A_688 = arith.constant 1.000000e+02 : bf16
    %lt3A_689 = vector.broadcast %lt3A_688 : bf16 to vector<128x128xbf16>
    %lt3A_690 = arith.cmpf olt, %convert_element_type3A_681, %lt3A_689 : vector<128x128xbf16>
    %and3A_691 = arith.andi %lt3A_690, %gt3A_169 : vector<128x128xi1>
    %jit3A_692 = arith.constant 0.000000e+00 : bf16
    %broadcast_in_dim3A_693 = vector.broadcast %jit3A_692 : bf16 to vector<128x128xbf16>
    %select_n3A_694 = arith.select %and3A_691, %mul3A_687, %broadcast_in_dim3A_693 : vector<128x128xi1>, vector<128x128xbf16>
    %convert_element_type3A_695 = arith.extf %select_n3A_694 : vector<128x128xbf16> to vector<128x128xf32>
    %reduce_sum3A_696 = vector.shape_cast %convert_element_type3A_695 : vector<128x128xf32> to vector<1x128x128xf32>
    %reduce_sum3A_697 = arith.constant dense<0.000000e+00> : vector<1xf32>
    %reduce_sum3A_698 = vector.multi_reduction <add>, %reduce_sum3A_696, %reduce_sum3A_697 [1, 2] : vector<1x128x128xf32> to vector<1xf32>
    %reduce_sum3A_699 = vector.shape_cast %reduce_sum3A_698 : vector<1xf32> to vector<1x1x1xf32>
    %reduce_sum3A_700 = vector.extract %reduce_sum3A_699[0, 0, 0] : f32 from vector<1x1x1xf32>
    %add3A_701 = arith.addf %add3A_669, %reduce_sum3A_700 : f32
    %slice3A_702 = vector.extract_strided_slice %concatenate3A {offsets = [0, 640], sizes = [5, 128], strides = [1, 1]} : vector<5x1024xf32> to vector<5x128xf32>
    %slice3A_703 = vector.extract_strided_slice %concatenate3A_157 {offsets = [0, 896], sizes = [5, 128], strides = [1, 1]} : vector<5x1024xf32> to vector<5x128xf32>
    %dot_general3A_704 = arith.constant dense<0.000000e+00> : vector<128x128xf32>
    %dot_general3A_705 = tpu.matmul %slice3A_702, %slice3A_703, %dot_general3A_704 {dimension_numbers = #tpu.dot_dimension_numbers<[0], [0], [1], [1], [0, 1, 1, 1], [], []>, transpose_lhs_hint = false} : vector<5x128xf32>, vector<5x128xf32>, vector<128x128xf32> -> vector<128x128xf32>
    %slice3A_706 = vector.extract_strided_slice %concatenate3A_158 {offsets = [0, 640], sizes = [2, 128], strides = [1, 1]} : vector<2x1024xf32> to vector<2x128xf32>
    %slice3A_707 = vector.extract_strided_slice %concatenate3A_159 {offsets = [0, 896], sizes = [2, 128], strides = [1, 1]} : vector<2x1024xf32> to vector<2x128xf32>
    %dot_general3A_708 = arith.constant dense<0.000000e+00> : vector<128x128xf32>
    %dot_general3A_709 = tpu.matmul %slice3A_706, %slice3A_707, %dot_general3A_708 {dimension_numbers = #tpu.dot_dimension_numbers<[0], [0], [1], [1], [0, 1, 1, 1], [], []>, transpose_lhs_hint = false} : vector<2x128xf32>, vector<2x128xf32>, vector<128x128xf32> -> vector<128x128xf32>
    %max3A_710 = arith.constant 9.99999997E-7 : f32
    %max3A_711 = vector.broadcast %max3A_710 : f32 to vector<128x128xf32>
    %max3A_712 = arith.maximumf %dot_general3A_705, %max3A_711 : vector<128x128xf32>
    %convert_element_type3A_713 = arith.truncf %max3A_712 : vector<128x128xf32> to vector<128x128xbf16>
    %convert_element_type3A_714 = arith.truncf %dot_general3A_709 : vector<128x128xf32> to vector<128x128xbf16>
    %mul3A_715 = arith.mulf %convert_element_type3A_714, %convert_element_type3A_714 : vector<128x128xbf16>
    %add3A_716 = arith.addf %convert_element_type3A_713, %mul3A_715 : vector<128x128xbf16>
    %div3A_717 = arith.divf %mul3A_715, %add3A_716 : vector<128x128xbf16>
    %mul3A_718 = arith.mulf %div3A_717, %div3A_717 : vector<128x128xbf16>
    %mul3A_719 = arith.mulf %mul3A_718, %div3A_717 : vector<128x128xbf16>
    %lt3A_720 = arith.constant 1.000000e+02 : bf16
    %lt3A_721 = vector.broadcast %lt3A_720 : bf16 to vector<128x128xbf16>
    %lt3A_722 = arith.cmpf olt, %convert_element_type3A_713, %lt3A_721 : vector<128x128xbf16>
    %jit3A_723 = arith.constant 0.000000e+00 : bf16
    %broadcast_in_dim3A_724 = vector.broadcast %jit3A_723 : bf16 to vector<128x128xbf16>
    %select_n3A_725 = arith.select %lt3A_722, %mul3A_719, %broadcast_in_dim3A_724 : vector<128x128xi1>, vector<128x128xbf16>
    %convert_element_type3A_726 = arith.extf %select_n3A_725 : vector<128x128xbf16> to vector<128x128xf32>
    %reduce_sum3A_727 = vector.shape_cast %convert_element_type3A_726 : vector<128x128xf32> to vector<1x128x128xf32>
    %reduce_sum3A_728 = arith.constant dense<0.000000e+00> : vector<1xf32>
    %reduce_sum3A_729 = vector.multi_reduction <add>, %reduce_sum3A_727, %reduce_sum3A_728 [1, 2] : vector<1x128x128xf32> to vector<1xf32>
    %reduce_sum3A_730 = vector.shape_cast %reduce_sum3A_729 : vector<1xf32> to vector<1x1x1xf32>
    %reduce_sum3A_731 = vector.extract %reduce_sum3A_730[0, 0, 0] : f32 from vector<1x1x1xf32>
    %add3A_732 = arith.addf %add3A_701, %reduce_sum3A_731 : f32
    %slice3A_733 = vector.extract_strided_slice %concatenate3A {offsets = [0, 768], sizes = [5, 128], strides = [1, 1]} : vector<5x1024xf32> to vector<5x128xf32>
    %slice3A_734 = vector.extract_strided_slice %concatenate3A_157 {offsets = [0, 768], sizes = [5, 128], strides = [1, 1]} : vector<5x1024xf32> to vector<5x128xf32>
    %dot_general3A_735 = arith.constant dense<0.000000e+00> : vector<128x128xf32>
    %dot_general3A_736 = tpu.matmul %slice3A_733, %slice3A_734, %dot_general3A_735 {dimension_numbers = #tpu.dot_dimension_numbers<[0], [0], [1], [1], [0, 1, 1, 1], [], []>, transpose_lhs_hint = false} : vector<5x128xf32>, vector<5x128xf32>, vector<128x128xf32> -> vector<128x128xf32>
    %slice3A_737 = vector.extract_strided_slice %concatenate3A_158 {offsets = [0, 768], sizes = [2, 128], strides = [1, 1]} : vector<2x1024xf32> to vector<2x128xf32>
    %slice3A_738 = vector.extract_strided_slice %concatenate3A_159 {offsets = [0, 768], sizes = [2, 128], strides = [1, 1]} : vector<2x1024xf32> to vector<2x128xf32>
    %dot_general3A_739 = arith.constant dense<0.000000e+00> : vector<128x128xf32>
    %dot_general3A_740 = tpu.matmul %slice3A_737, %slice3A_738, %dot_general3A_739 {dimension_numbers = #tpu.dot_dimension_numbers<[0], [0], [1], [1], [0, 1, 1, 1], [], []>, transpose_lhs_hint = false} : vector<2x128xf32>, vector<2x128xf32>, vector<128x128xf32> -> vector<128x128xf32>
    %max3A_741 = arith.constant 9.99999997E-7 : f32
    %max3A_742 = vector.broadcast %max3A_741 : f32 to vector<128x128xf32>
    %max3A_743 = arith.maximumf %dot_general3A_736, %max3A_742 : vector<128x128xf32>
    %convert_element_type3A_744 = arith.truncf %max3A_743 : vector<128x128xf32> to vector<128x128xbf16>
    %convert_element_type3A_745 = arith.truncf %dot_general3A_740 : vector<128x128xf32> to vector<128x128xbf16>
    %mul3A_746 = arith.mulf %convert_element_type3A_745, %convert_element_type3A_745 : vector<128x128xbf16>
    %add3A_747 = arith.addf %convert_element_type3A_744, %mul3A_746 : vector<128x128xbf16>
    %div3A_748 = arith.divf %mul3A_746, %add3A_747 : vector<128x128xbf16>
    %mul3A_749 = arith.mulf %div3A_748, %div3A_748 : vector<128x128xbf16>
    %mul3A_750 = arith.mulf %mul3A_749, %div3A_748 : vector<128x128xbf16>
    %lt3A_751 = arith.constant 1.000000e+02 : bf16
    %lt3A_752 = vector.broadcast %lt3A_751 : bf16 to vector<128x128xbf16>
    %lt3A_753 = arith.cmpf olt, %convert_element_type3A_744, %lt3A_752 : vector<128x128xbf16>
    %and3A_754 = arith.andi %lt3A_753, %gt3A : vector<128x128xi1>
    %jit3A_755 = arith.constant 0.000000e+00 : bf16
    %broadcast_in_dim3A_756 = vector.broadcast %jit3A_755 : bf16 to vector<128x128xbf16>
    %select_n3A_757 = arith.select %and3A_754, %mul3A_750, %broadcast_in_dim3A_756 : vector<128x128xi1>, vector<128x128xbf16>
    %convert_element_type3A_758 = arith.extf %select_n3A_757 : vector<128x128xbf16> to vector<128x128xf32>
    %reduce_sum3A_759 = vector.shape_cast %convert_element_type3A_758 : vector<128x128xf32> to vector<1x128x128xf32>
    %reduce_sum3A_760 = arith.constant dense<0.000000e+00> : vector<1xf32>
    %reduce_sum3A_761 = vector.multi_reduction <add>, %reduce_sum3A_759, %reduce_sum3A_760 [1, 2] : vector<1x128x128xf32> to vector<1xf32>
    %reduce_sum3A_762 = vector.shape_cast %reduce_sum3A_761 : vector<1xf32> to vector<1x1x1xf32>
    %reduce_sum3A_763 = vector.extract %reduce_sum3A_762[0, 0, 0] : f32 from vector<1x1x1xf32>
    %add3A_764 = arith.addf %add3A_732, %reduce_sum3A_763 : f32
    %slice3A_765 = vector.extract_strided_slice %concatenate3A {offsets = [0, 768], sizes = [5, 128], strides = [1, 1]} : vector<5x1024xf32> to vector<5x128xf32>
    %slice3A_766 = vector.extract_strided_slice %concatenate3A_157 {offsets = [0, 896], sizes = [5, 128], strides = [1, 1]} : vector<5x1024xf32> to vector<5x128xf32>
    %dot_general3A_767 = arith.constant dense<0.000000e+00> : vector<128x128xf32>
    %dot_general3A_768 = tpu.matmul %slice3A_765, %slice3A_766, %dot_general3A_767 {dimension_numbers = #tpu.dot_dimension_numbers<[0], [0], [1], [1], [0, 1, 1, 1], [], []>, transpose_lhs_hint = false} : vector<5x128xf32>, vector<5x128xf32>, vector<128x128xf32> -> vector<128x128xf32>
    %slice3A_769 = vector.extract_strided_slice %concatenate3A_158 {offsets = [0, 768], sizes = [2, 128], strides = [1, 1]} : vector<2x1024xf32> to vector<2x128xf32>
    %slice3A_770 = vector.extract_strided_slice %concatenate3A_159 {offsets = [0, 896], sizes = [2, 128], strides = [1, 1]} : vector<2x1024xf32> to vector<2x128xf32>
    %dot_general3A_771 = arith.constant dense<0.000000e+00> : vector<128x128xf32>
    %dot_general3A_772 = tpu.matmul %slice3A_769, %slice3A_770, %dot_general3A_771 {dimension_numbers = #tpu.dot_dimension_numbers<[0], [0], [1], [1], [0, 1, 1, 1], [], []>, transpose_lhs_hint = false} : vector<2x128xf32>, vector<2x128xf32>, vector<128x128xf32> -> vector<128x128xf32>
    %max3A_773 = arith.constant 9.99999997E-7 : f32
    %max3A_774 = vector.broadcast %max3A_773 : f32 to vector<128x128xf32>
    %max3A_775 = arith.maximumf %dot_general3A_768, %max3A_774 : vector<128x128xf32>
    %convert_element_type3A_776 = arith.truncf %max3A_775 : vector<128x128xf32> to vector<128x128xbf16>
    %convert_element_type3A_777 = arith.truncf %dot_general3A_772 : vector<128x128xf32> to vector<128x128xbf16>
    %mul3A_778 = arith.mulf %convert_element_type3A_777, %convert_element_type3A_777 : vector<128x128xbf16>
    %add3A_779 = arith.addf %convert_element_type3A_776, %mul3A_778 : vector<128x128xbf16>
    %div3A_780 = arith.divf %mul3A_778, %add3A_779 : vector<128x128xbf16>
    %mul3A_781 = arith.mulf %div3A_780, %div3A_780 : vector<128x128xbf16>
    %mul3A_782 = arith.mulf %mul3A_781, %div3A_780 : vector<128x128xbf16>
    %lt3A_783 = arith.constant 1.000000e+02 : bf16
    %lt3A_784 = vector.broadcast %lt3A_783 : bf16 to vector<128x128xbf16>
    %lt3A_785 = arith.cmpf olt, %convert_element_type3A_776, %lt3A_784 : vector<128x128xbf16>
    %and3A_786 = arith.andi %lt3A_785, %gt3A_169 : vector<128x128xi1>
    %jit3A_787 = arith.constant 0.000000e+00 : bf16
    %broadcast_in_dim3A_788 = vector.broadcast %jit3A_787 : bf16 to vector<128x128xbf16>
    %select_n3A_789 = arith.select %and3A_786, %mul3A_782, %broadcast_in_dim3A_788 : vector<128x128xi1>, vector<128x128xbf16>
    %convert_element_type3A_790 = arith.extf %select_n3A_789 : vector<128x128xbf16> to vector<128x128xf32>
    %reduce_sum3A_791 = vector.shape_cast %convert_element_type3A_790 : vector<128x128xf32> to vector<1x128x128xf32>
    %reduce_sum3A_792 = arith.constant dense<0.000000e+00> : vector<1xf32>
    %reduce_sum3A_793 = vector.multi_reduction <add>, %reduce_sum3A_791, %reduce_sum3A_792 [1, 2] : vector<1x128x128xf32> to vector<1xf32>
    %reduce_sum3A_794 = vector.shape_cast %reduce_sum3A_793 : vector<1xf32> to vector<1x1x1xf32>
    %reduce_sum3A_795 = vector.extract %reduce_sum3A_794[0, 0, 0] : f32 from vector<1x1x1xf32>
    %add3A_796 = arith.addf %add3A_764, %reduce_sum3A_795 : f32
    %slice3A_797 = vector.extract_strided_slice %concatenate3A {offsets = [0, 896], sizes = [5, 128], strides = [1, 1]} : vector<5x1024xf32> to vector<5x128xf32>
    %slice3A_798 = vector.extract_strided_slice %concatenate3A_157 {offsets = [0, 896], sizes = [5, 128], strides = [1, 1]} : vector<5x1024xf32> to vector<5x128xf32>
    %dot_general3A_799 = arith.constant dense<0.000000e+00> : vector<128x128xf32>
    %dot_general3A_800 = tpu.matmul %slice3A_797, %slice3A_798, %dot_general3A_799 {dimension_numbers = #tpu.dot_dimension_numbers<[0], [0], [1], [1], [0, 1, 1, 1], [], []>, transpose_lhs_hint = false} : vector<5x128xf32>, vector<5x128xf32>, vector<128x128xf32> -> vector<128x128xf32>
    %slice3A_801 = vector.extract_strided_slice %concatenate3A_158 {offsets = [0, 896], sizes = [2, 128], strides = [1, 1]} : vector<2x1024xf32> to vector<2x128xf32>
    %slice3A_802 = vector.extract_strided_slice %concatenate3A_159 {offsets = [0, 896], sizes = [2, 128], strides = [1, 1]} : vector<2x1024xf32> to vector<2x128xf32>
    %dot_general3A_803 = arith.constant dense<0.000000e+00> : vector<128x128xf32>
    %dot_general3A_804 = tpu.matmul %slice3A_801, %slice3A_802, %dot_general3A_803 {dimension_numbers = #tpu.dot_dimension_numbers<[0], [0], [1], [1], [0, 1, 1, 1], [], []>, transpose_lhs_hint = false} : vector<2x128xf32>, vector<2x128xf32>, vector<128x128xf32> -> vector<128x128xf32>
    %max3A_805 = arith.constant 9.99999997E-7 : f32
    %max3A_806 = vector.broadcast %max3A_805 : f32 to vector<128x128xf32>
    %max3A_807 = arith.maximumf %dot_general3A_800, %max3A_806 : vector<128x128xf32>
    %convert_element_type3A_808 = arith.truncf %max3A_807 : vector<128x128xf32> to vector<128x128xbf16>
    %convert_element_type3A_809 = arith.truncf %dot_general3A_804 : vector<128x128xf32> to vector<128x128xbf16>
    %mul3A_810 = arith.mulf %convert_element_type3A_809, %convert_element_type3A_809 : vector<128x128xbf16>
    %add3A_811 = arith.addf %convert_element_type3A_808, %mul3A_810 : vector<128x128xbf16>
    %div3A_812 = arith.divf %mul3A_810, %add3A_811 : vector<128x128xbf16>
    %mul3A_813 = arith.mulf %div3A_812, %div3A_812 : vector<128x128xbf16>
    %mul3A_814 = arith.mulf %mul3A_813, %div3A_812 : vector<128x128xbf16>
    %lt3A_815 = arith.constant 1.000000e+02 : bf16
    %lt3A_816 = vector.broadcast %lt3A_815 : bf16 to vector<128x128xbf16>
    %lt3A_817 = arith.cmpf olt, %convert_element_type3A_808, %lt3A_816 : vector<128x128xbf16>
    %and3A_818 = arith.andi %lt3A_817, %gt3A : vector<128x128xi1>
    %jit3A_819 = arith.constant 0.000000e+00 : bf16
    %broadcast_in_dim3A_820 = vector.broadcast %jit3A_819 : bf16 to vector<128x128xbf16>
    %select_n3A_821 = arith.select %and3A_818, %mul3A_814, %broadcast_in_dim3A_820 : vector<128x128xi1>, vector<128x128xbf16>
    %convert_element_type3A_822 = arith.extf %select_n3A_821 : vector<128x128xbf16> to vector<128x128xf32>
    %reduce_sum3A_823 = vector.shape_cast %convert_element_type3A_822 : vector<128x128xf32> to vector<1x128x128xf32>
    %reduce_sum3A_824 = arith.constant dense<0.000000e+00> : vector<1xf32>
    %reduce_sum3A_825 = vector.multi_reduction <add>, %reduce_sum3A_823, %reduce_sum3A_824 [1, 2] : vector<1x128x128xf32> to vector<1xf32>
    %reduce_sum3A_826 = vector.shape_cast %reduce_sum3A_825 : vector<1xf32> to vector<1x1x1xf32>
    %reduce_sum3A_827 = vector.extract %reduce_sum3A_826[0, 0, 0] : f32 from vector<1x1x1xf32>
    %add3A_828 = arith.addf %add3A_796, %reduce_sum3A_827 : f32
    %get3A_829 = arith.constant 0 : index
    %get3A_830 = arith.constant 0 : index
    %get3A_831 = vector.load %arg4[%get3A_829, %get3A_830] : memref<1x1xf32, #tpu.memory_space<vmem>>, vector<1x1xf32>
    %get3A_832 = vector.extract %get3A_831[0, 0] : f32 from vector<1x1xf32>
    %mul3A_833 = arith.mulf %get3A_832, %add3A_828 : f32
    %broadcast_in_dim3A_834 = vector.broadcast %mul3A_833 : f32 to vector<1x1x1xf32>
    %swap3A = arith.constant 0 : index
    %swap3A_835 = arith.constant 0 : index
    %swap3A_836 = arith.constant 0 : index
    %swap3A_837 = vector.load %arg5[%swap3A, %swap3A_835, %swap3A_836] : memref<1x1x1xf32, #tpu.memory_space<vmem>>, vector<1x1x1xf32>
    tpu.vector_store %arg5[%swap3A, %swap3A_835, %swap3A_836], %broadcast_in_dim3A_834 {strides = array<i32>} : memref<1x1x1xf32, #tpu.memory_space<vmem>>, vector<1x1x1xf32>,
    return
  }
  func.func @transform_0(%arg0: i32) -> (i32, i32, i32) {
    %c0_i32 = arith.constant 0 : i32
    %c0_i32_0 = arith.constant 0 : i32
    %c0_i32_1 = arith.constant 0 : i32
    return %arg0, %c0_i32, %c0_i32_0 : i32, i32, i32
  }
  func.func @transform_1(%arg0: i32) -> (i32, i32) {
    %c0_i32 = arith.constant 0 : i32
    %c0_i32_0 = arith.constant 0 : i32
    %c0_i32_1 = arith.constant 0 : i32
    return %c0_i32, %c0_i32_0 : i32, i32
  }
  func.func @transform_2(%arg0: i32) -> (i32, i32) {
    %c0_i32 = arith.constant 0 : i32
    %c0_i32_0 = arith.constant 0 : i32
    %c0_i32_1 = arith.constant 0 : i32
    return %c0_i32, %c0_i32_0 : i32, i32
  }
  func.func @transform_3(%arg0: i32) -> (i32, i32) {
    %c0_i32 = arith.constant 0 : i32
    %c0_i32_0 = arith.constant 0 : i32
    %c0_i32_1 = arith.constant 0 : i32
    return %c0_i32, %c0_i32_0 : i32, i32
  }
  func.func @transform_4(%arg0: i32) -> (i32, i32, i32) {
    %c0_i32 = arith.constant 0 : i32
    %c0_i32_0 = arith.constant 0 : i32
    %c0_i32_1 = arith.constant 0 : i32
    return %arg0, %c0_i32, %c0_i32_0 : i32, i32, i32
  }
}

</mosaic_0001>

<sc_bundles>
// kernel: kernel.4.cloned.1.call-start
scs
__scs_entry_jumppad:
0x0: {  	(pc) =	sbr.rel $0x88, $3  }
0x1: {  	(tag) =	ssettag $0x0;
	lr =	simm.s32 $0x1  }
0x2: {  	[smem:$0x3F89] =	sst lr;
	_ =	strace $0xD0000000  }
0x3: {  	_ = 	snop  }
0x4: {  	_ = 	snop  }
0x5: {  	_ = 	snop  }
0x6: {  	_ = 	snop  }
0x7: {  	_ = 	snop  }
__scs_overlays_trampoline_lowered:
0x8: {  	[smem:$0x3F98] =	sst s0  }
0x9: {  	[smem:$0x3F99] =	sst s1  }
0xa: {  	[smem:$0x3F9A] =	sst s2  }
0xb: {  	[smem:$0x3F9B] =	sst s3  }
0xc: {  	[smem:$0x3F9C] =	sst s4  }
0xd: {  	[smem:$0x3F9D] =	sst s5  }
0xe: {  	[smem:$0x3F9E] =	sst s6  }
0xf: {  	[smem:$0x3F9F] =	sst s7  }
0x10: {  	[smem:$0x3FA0] =	sst s8  }
0x11: {  	[smem:$0x3FA1] =	sst s9;
	s0 =	simm.s32 @!p0 $0x0  }
0x12: {  	s1 =	sld [smem:$0x3F87];
	s0 =	simm.s32 @p0 $0x1  }
0x13: {  	[smem:$0x3FA2] =	sst s0;
	s0 =	simm.s32 @!p1 $0x0  }
0x14: {  	s2 =	sld [smem:$0x3F86];
	s0 =	simm.s32 @p1 $0x1  }
0x15: {  	[smem:$0x3FA3] =	sst s0;
	s0 =	simm.s32 @!p2 $0x0  }
0x16: {  	s3 =	sld [smem:$0x3FDB];
	s0 =	simm.s32 @p2 $0x1  }
0x17: {  	s4 =	simm.s32 $0x1BF5;
	[smem:$0x3FA5] =	sst s0  }
0x18: {  	s0 =	sld [smem:$0x3F88];
	_ =	swait.ge [sflag:s4], $0x0  }
0x19: {  	s7 =	sld [smem:$0x3F89]  }
0x1a: {  	s8 =	sadd.s32 $0xFFFFE003, lr  }
0x1b: {  	s9 =	sadd.s32 $0xFFFFFEF7, lr;
	s5 =	simm.s32 $0xFFFFFFFF;
	p2 =	slt.u32 s8, $0xFFFFF086  }
0x1c: {  	p1 =	slt.u32 s9, $0xF7A;
	s5 =	simm.s32 @!p2 $0x0  }
0x1d: {  	s5 =	simm.s32 @p1 $0x1;
	p0 =	seq.s32 s7, s2  }
0x1e: {  	s7 =	smul.u32 @!p0 $0xF7A, s2;
	p2 =	seq.s32 @!p0 s5, $0x0  }
0x1f: {  	s9 =	smul.u32 $0xF7A, s1;
	s8 =	simm.s32 @!p0 $0x1BF5;
	p2 =	por !p2, p0  }
0x20: {  	[sflag:s8] =	ssyncset.s32 @!p0 $0xFFFFF086;
	s6 =	sadd.s32 @!p0 s3, s7;
	s7 =	simm.s32 @!p0 $0x108  }
0x21: {  	s3 =	sadd.s32 s3, s9;
	s6 =	sadd.s32 @!p0 $0x88, s6;
	s7 =	simm.s32 @p2 $0x1082  }
0x22: {  	[simem:s7], [sflag:s8] =	dma.local @!p0 [hbm:s6], $0xF7A  }
0x23: {  	s9 =	sor.u32 $0xD0000000, s2;
	s6 =	simm.s32 $0x108;
	_ =	swait.ge @!p0 [sflag:s8], $0x0  }
0x24: {  	s3 =	sadd.s32 $0x88, s3;
	s6 =	simm.s32 @!p1 $0x1082;
	[sflag:s4] =	ssyncset.s32 $0xFFFFF086  }
0x25: {  	[simem:s6], [sflag:s4] =	dma.local [hbm:s3], $0xF7A  }
0x26: {  	[smem:$0x3F89] =	sst s1;
	(tag) =	ssettag s2;
	_ =	strace s9  }
0x27: {  	s1 =	sld [smem:$0x3F99]  }
0x28: {  	s2 =	sld [smem:$0x3F9A]  }
0x29: {  	s4 =	sld [smem:$0x3F9C]  }
0x2a: {  	p0 =	seq.s32 s5, $0x0;
	s5 =	sld [smem:$0x3F9D]  }
0x2b: {  	s6 =	sld [smem:$0x3F9E]  }
0x2c: {  	s7 =	sld [smem:$0x3F9F]  }
0x2d: {  	s3 =	simm.s32 $0x108;
	s8 =	sld [smem:$0x3FA0]  }
0x2e: {  	s3 =	simm.s32 @!p0 $0x1082;
	s9 =	sld [smem:$0x3FA1]  }
0x2f: {  	lr =	sadd.s32 s0, s3;
	s0 =	sld [smem:$0x3F98]  }
0x30: {  	s3 =	sld [smem:$0x3F9B]  }
0x31: {  	[smem:$0x3FA4] =	sst s10  }
0x32: {  	s10 =	sld [smem:$0x3FA2];
	_ =	sdelay $0x3  }
0x33: {  	p0 =	seq.s32 s10, $0x1;
	s10 =	sld [smem:$0x3FA4];
	_ =	sdelay $0x3  }
0x34: {  	[smem:$0x3FA4] =	sst s10  }
0x35: {  	s10 =	sld [smem:$0x3FA3];
	_ =	sdelay $0x3  }
0x36: {  	p1 =	seq.s32 s10, $0x1;
	s10 =	sld [smem:$0x3FA4];
	_ =	sdelay $0x3  }
0x37: {  	[smem:$0x3FA4] =	sst s10  }
0x38: {  	s10 =	sld [smem:$0x3FA5]  }
0x39: {  	_ = 	snop;
	(pc) =	sbr.ind lr, $3  }
0x3a: {  	_ = 	snop  }
0x3b: {  	_ = 	snop  }
0x3c: {  	p2 =	seq.s32 s10, $0x1;
	s10 =	sld [smem:$0x3FA4]  }
0x3d: {  	_ =	shalt  }
0x3e: {  	_ =	shalt  }
0x3f: {  	_ =	shalt  }
0x40: {  	_ =	shalt  }
0x41: {  	_ =	shalt  }
0x42: {  	_ =	shalt  }
0x43: {  	_ =	shalt  }
0x44: {  	_ =	shalt  }
0x45: {  	_ =	shalt  }
0x46: {  	_ =	shalt  }
0x47: {  	_ =	shalt  }
0x48: {  	_ =	shalt  }
0x49: {  	_ =	shalt  }
0x4a: {  	_ =	shalt  }
0x4b: {  	_ =	shalt  }
0x4c: {  	_ =	shalt  }
0x4d: {  	_ =	shalt  }
0x4e: {  	_ =	shalt  }
0x4f: {  	_ =	shalt  }
0x50: {  	_ =	shalt  }
0x51: {  	_ =	shalt  }
0x52: {  	_ =	shalt  }
0x53: {  	_ =	shalt  }
0x54: {  	_ =	shalt  }
0x55: {  	_ =	shalt  }
0x56: {  	_ =	shalt  }
0x57: {  	_ =	shalt  }
0x58: {  	_ =	shalt  }
0x59: {  	_ =	shalt  }
0x5a: {  	_ =	shalt  }
0x5b: {  	_ =	shalt  }
0x5c: {  	_ =	shalt  }
0x5d: {  	_ =	shalt  }
0x5e: {  	_ =	shalt  }
0x5f: {  	_ =	shalt  }
0x60: {  	_ =	shalt  }
0x61: {  	_ =	shalt  }
0x62: {  	_ =	shalt  }
0x63: {  	_ =	shalt  }
0x64: {  	_ =	shalt  }
0x65: {  	_ =	shalt  }
0x66: {  	_ =	shalt  }
0x67: {  	_ =	shalt  }
0x68: {  	_ =	shalt  }
0x69: {  	_ =	shalt  }
0x6a: {  	_ =	shalt  }
0x6b: {  	_ =	shalt  }
0x6c: {  	_ =	shalt  }
0x6d: {  	_ =	shalt  }
0x6e: {  	_ =	shalt  }
0x6f: {  	_ =	shalt  }
0x70: {  	_ =	shalt  }
0x71: {  	_ =	shalt  }
0x72: {  	_ =	shalt  }
0x73: {  	_ =	shalt  }
0x74: {  	_ =	shalt  }
0x75: {  	_ =	shalt  }
0x76: {  	_ =	shalt  }
0x77: {  	_ =	shalt  }
0x78: {  	_ =	shalt  }
0x79: {  	_ =	shalt  }
0x7a: {  	_ =	shalt  }
0x7b: {  	_ =	shalt  }
0x7c: {  	_ =	shalt  }
0x7d: {  	_ =	shalt  }
0x7e: {  	_ =	shalt  }
0x7f: {  	_ =	shalt  }
0x80: {  	_ =	shalt  }
0x81: {  	_ =	shalt  }
0x82: {  	_ =	shalt  }
0x83: {  	_ =	shalt  }
0x84: {  	_ =	shalt  }
0x85: {  	_ =	shalt  }
0x86: {  	_ =	shalt  }
0x87: {  	_ =	shalt  }
.Lfunc_end0:
.L_simem_size_0:
called_computation_lowered:
.L_overlay_start_0:
0x88: {  	s2 =	sld [smem:$0x3FD9]  }
0x89: {  	s3 =	sld [smem:$0x3FFE];
	_ =	sdelay $0x1  }
0x8a: {  	s1 =	srdreg.scid  }
0x8b: {  	s0 =	sand.u32 $0x1, s1  }
0x8c: {  	s16 =	sshll.u32 s0, $0xA;
	s2 =	sadd.s32 s3, s2  }
0x8d: {  	s2 =	sadd.s32 s2, s16  }
0x8e: {  	[smem:$0x3FB0] =	sst s2  }
0x8f: {  	_ = 	snop  }
0x90: {  	(tm) =	ssettm $0x1  }
0x91: {  	s17 =	sld [smem:$0x3FFB];
	_ =	sdelay $0x3  }
0x92: {  	_ =	strace s17  }
0x93: {  	s2 =	sld [smem:$0x3FFC];
	_ =	sdelay $0x3  }
0x94: {  	_ =	strace s2  }
0x95: {  	s2 =	sld [smem:$0x3FFD];
	_ =	sdelay $0x3  }
0x96: {  	_ =	strace s2  }
0x97: {  	_ =	strace $0x8FFFFFFF  }
0x98: {  	s18 =	sld [smem:$0x3FDB];
	_ =	sdelay $0x1  }
0x99: {  	s19 =	simm.s32 $_scs_section_size  }
0x9a: {  	s4 =	simm.s32 $_size__tile_overlayer_lowered;
	s5 =	simm.s32 $_tile_overlayer_lowered  }
0x9b: {  	s22 =	simm.s32 $0x1BFF;
	s21 =	sshll.u32 s5, $0x1;
	s2 =	sadd.s32 s19, s18  }
0x9c: {  	s6 =	simm.s32 $0x0;
	s20 =	sshll.u32 s4, $0x1;
	s4 =	sadd.s32 s21, s2  }
0x9d: {  	[timem:s6], [sflag:s22] =	dma.local [hbm:s4], s20  }
0x9e: {  	_ =	swait.ge [sflag:s22], s20  }
0x9f: {  	s3 =	ssub.s32 $0x0, s20;
	[sflag:s22] =	ssyncset.done $0x0  }
0xa0: {  	[sflag:s22] =	ssyncadd.s32 s3;
	_ =	sdelay $0x1  }
0xa1: {  	s23 =	simm.s32 $0x1B8B  }
0xa2: {  	_ =	swait.ge [sflag:s23], $0x1  }
0xa3: {  	[sflag:s23] =	ssyncset.done $0x0  }
0xa4: {  	s25 =	simm.s32 $0x1B8E;
	s24 =	sld [smem:$0x3FFE];
	[sflag:s23] =	ssyncadd.s32 $0xFFFFFFFF  }
0xa5: {  	s26 =	simm.s32 $execute0_lowered;
	[smem:$0x3FD2] =	sst s25  }
0xa6: {  	s4 =	sshll.u32 s26, $0x1;
	_ =	strace $0x80000046;
	[dreg:$0x1] =	wrdreg $0xFFFFFFFF  }
0xa7: {  	s28 =	simm.s32 $_size_execute0_lowered;
	s2 =	sadd.s32 s2, s4;
	[dreg:$0x0] =	wrdreg $0x0  }
0xa8: {  	s4 =	sshll.u32 s28, $0x1;
	[dreg:$0x2] =	wrdreg s2  }
0xa9: {  	[dreg:$0x3] =	wrdreg s4  }
0xaa: {  	[dreg:$0x4] =	wrdreg $0xC0  }
0xab: {  	_ =	task [dreg:s6], $0x5FFFF  }
0xac: {  	[dreg:$0x1] =	wrdreg $0xFFFFFFFF  }
0xad: {  	[dreg:$0x0] =	wrdreg $0x60  }
0xae: {  	[dreg:$0x2] =	wrdreg s24  }
0xaf: {  	[dreg:$0x3] =	wrdreg $0x9  }
0xb0: {  	_ =	task.clear_ibuf [dreg:s6], $0x4FFFF;
	_ =	strace $0x90000046  }
0xb1: {  	s29 =	simm.s32 $0x9;
	_ =	strace $0x80000048  }
0xb2: {  	_ =	swait.ge [sflag:s29], $0x1  }
0xb3: {  	[sflag:s29] =	ssyncadd.s32 $0xFFFFFFFF  }
0xb4: {  	_ =	strace $0x90000048  }
0xb5: {  	_ =	sfence  }
0xb6: {  	s30 =	sld [smem:$0x0];
	_ =	sdelay $0x2  }
0xb7: {  	s31 =	sshll.u32 s1, $0xD;
	s1 =	sshrl.u32 s1, $0x2  }
0xb8: {  	s3 =	sand.u32 $0x4000, s31;
	s1 =	sadd.s32 s1, s30  }
0xb9: {  	s0 =	sor.u32 s3, s0;
	s1 =	sshll.u32 s1, $0x11  }
0xba: {  	s0 =	sor.u32 s1, s0  }
0xbb: {  	s0 =	sadd.s32 $0x8F2B, s0  }
0xbc: {  	[sflag:s0] =	ssyncadd.remote.s32 $0x1  }
0xbd: {  	_ =	sfence.sel $0xFFFF  }
0xbe: {  	[dreg:$0x0] =	wrdreg $0xFFFFFFFF;
	(pc) =	sbr.abs _section_cstart, $3  }
0xbf: {  	[dreg:$0x1] =	wrdreg $0xFFFFFFFF  }
0xc0: {  	_ =	task.clear_ibuf [dreg:s6], $0x2FFFF;
	_ =	strace $0x9FFFFFFF  }
0xc1: {  	(tm) =	ssettm $0x7FFFFFFF  }
tec
execute0_lowered:
.L_overlay_start_1:
0x0: {  	(tag) =	ssettag $0x1  }
0x1: {  	s1 =	srdreg.scid;
	s0 =	stileid.u32  }
0x2: {  	s9 =	sand.u32 $0x1, s1;
	s31 =	sshll.u32 s0, $0x1  }
0x3: {  	s5 =	sor.u32 s9, s31  }
0x4: {  	p1 =	seq.s32 s9, $0x1;
	p0 =	seq.s32 s5, $0x0  }
0x5: {  	p0 =	por !p0, !p1  }
0x6: {  	s1 =	simm.s32 $0x1;
	p0 =	por !p0, !p0  }
0x7: {  	s1 =	simm.s32 @!p0 $0x0  }
0x8: {  	s1 =	ssub.s32 s0, s1  }
0x9: {  	s2 =	sshrl.u32 s1, $0x3  }
0xa: {  	s6 =	rddreg [dreg:$0x0];
	v60 =	vlaneseq.u32;
	s3 =	smul.u32 $0x6000, s2;
	s2 =	simm.s32 $0x0  }
0xb: {  	v0 =	vor.u32 $0x1800, v60;
	[smem:$0x7FF] =	sst s2  }
0xc: {  	v58 =	vor.u32 $0x1C00, v60;
	s4 =	sshll.u32 s1, $0x7;
	s1 =	rddreg [dreg:$0x1];
	_ =	strace $0x80000047;
	[tilespmem:$0x1FF50] =	vst v0  }
0xd: {  	v59 =	vor.u32 $0x1D00, v60;
	[tilespmem:$0x1FF60] =	vst v58  }
0xe: {  	v26 =	vor.u32 $0x400, v60;
	[tilespmem:$0x1FF70] =	vst v59  }
0xf: {  	s12 =	simm.s32 $0x80;
	s13 =	simm.s32 $0x400;
	s14 =	simm.s32 $0xC00;
	v27 =	vor.u32 $0x800, v60;
	[tilespmem:$0x1FF80] =	vst v26  }
0x10: {  	s15 =	simm.s32 $0x3900;
	s16 =	simm.s32 $0x4280;
	v47 =	vor.u32 $0x1E00, v60;
	s8 =	ssub.s32 $0x2, s9;
	[tilespmem:$0x1FF90] =	vst v27  }
0x11: {  	s17 =	simm.s32 $0x0;
	v54 =	vor.u32 $0x1F00, v60;
	s10 =	sshll.u32 s5, $0x4;
	s11 =	sshrl.u32 s8, $0x1;
	[tilespmem:$0x1FFA0] =	vst v47  }
0x12: {  	v56 =	vor.u32 $0x2000, v60;
	s5 =	sadd.s32 $0x4400, s6;
	s10 =	sadd.s32 s10, s6;
	s4 =	sand.u32 $0x380, s4;
	[tilespmem:$0x1FFB0] =	vst v54  }
0x13: {  	v61 =	vor.u32 $0xC00, v60;
	s11 =	ssub.s32 s8, s11;
	s8 =	sshll.u32 s9, $0x7;
	s3 =	sor.u32 s4, s3;
	[tilespmem:$0x1FFC0] =	vst v56  }
0x14: {  	v62 =	vor.u32 $0x1000, v60;
	s10 =	sadd.s32 $0x4C00, s10;
	s11 =	smax.u32 s11, $0x1;
	[tilespmem:$0x1FFD0] =	vst v61;
	s4 =	sshrl.u32 s3, $0x3  }
0x15: {  	v63 =	vor.u32 $0x1400, v60;
	[tilespmem:$0x1FFE0] =	vst v62;
	s3 =	simm.s32 $0x1;
	s7 =	sadd.s32 s4, s6;
	s4 =	sadd.s32 $0x4600, s6  }
0x16: {  	[tilespmem:$0x1FFF0] =	vst v63;
	s6 =	sadd.s32 $0x2C00, s7;
	s7 =	sshll.u32 s9, $0x9;
	s9 =	sshll.u32 s9, $0x8  }
.LBB2_1:
0x17: {  	[tilespmem:s2], [sflag:$0x1] =	stream.strided.gather [hbm4b:s6+s12], $0xC00, s13, s12, $0x38;
	[tilespmem:$0x4300] =	vst v63  }
0x18: {  	_ =	swait.ge [sflag:s3], $0xC00  }
0x19: {  	[sflag:s3] =	ssyncset.done $0x0  }
0x1a: {  	[sflag:s3] =	ssyncadd.s32 $0xFFFFF400  }
0x1b: {  	[tilespmem:s14], [sflag:$0x1] =	stream.linear.gather [hbm4b:s4+s2], $0x2D00, $0x38;
	[tilespmem:$0x4300] =	vst v63  }
0x1c: {  	_ =	swait.ge [sflag:s3], $0x2D00  }
0x1d: {  	s19 =	sadd.s32 $0x0, s7;
	[sflag:s3] =	ssyncset.done $0x0  }
0x1e: {  	v0 =	vor.u32 s19, v60;
	[sflag:s3] =	ssyncadd.s32 $0xFFFFD300  }
0x1f: {  	v1 =	vor.u32 s19, v26;
	[tilespmem:s15], [sflag:$0x1] =	stream.linear.gather [hbm4b:s5+s2], $0x980, $0x38;
	[tilespmem:$0x4300] =	vst v63  }
0x20: {  	_ =	swait.ge [sflag:s3], $0x980  }
0x21: {  	[sflag:s3] =	ssyncset.done $0x0  }
0x22: {  	[sflag:s3] =	ssyncadd.s32 $0xFFFFF680  }
0x23: {  	v0 =	vld.idx.msk [tilespmem:v0+s14+$0x0], $0xffff  }
0x24: {  	v1 =	vld.idx.msk [tilespmem:v1+s14+$0x0], $0xffff;
	_ =	sdelay $0x1  }
0x25: {  	s18 =	sadd.s32 $0x10, s7  }
0x26: {  	v2 =	vor.u32 s18, v60  }
0x27: {  	v3 =	vor.u32 s18, v26;
	v0 =	vmul.u32 $0x3, v0  }
0x28: {  	v1 =	vmul.u32 $0x3, v1;
	_ =	sdelay $0x1  }
0x29: {  	v4 =	vadd.s32 $0x1, v0  }
0x2a: {  	v2 =	vld.idx.msk [tilespmem:v2+s14+$0x0], $0xffff;
	v5 =	vadd.s32 $0x1, v1  }
0x2b: {  	v3 =	vld.idx.msk [tilespmem:v3+s14+$0x0], $0xffff;
	v6 =	vadd.s32 $0x2, v0  }
0x2c: {  	v7 =	vadd.s32 $0x2, v1;
	v0 =	vld.idx.msk [tilespmem:v0+s2+$0x0], $0xffff  }
0x2d: {  	v1 =	vld.idx.msk [tilespmem:v1+s2+$0x0], $0xffff  }
0x2e: {  	v4 =	vld.idx.msk [tilespmem:v4+s2+$0x0], $0xffff  }
0x2f: {  	v5 =	vld.idx.msk [tilespmem:v5+s2+$0x0], $0xffff  }
0x30: {  	v6 =	vld.idx.msk [tilespmem:v6+s2+$0x0], $0xffff  }
0x31: {  	v7 =	vld.idx.msk [tilespmem:v7+s2+$0x0], $0xffff  }
0x32: {  	v2 =	vmul.u32 $0x3, v2  }
0x33: {  	s20 =	sadd.s32 $0x20, s7  }
0x34: {  	v8 =	vor.u32 s20, v60;
	v0 =	vsub.f32 v0, v1;
	v1 =	vsub.f32 v4, v5  }
0x35: {  	v9 =	vor.u32 s20, v26;
	v3 =	vmul.u32 $0x3, v3  }
0x36: {  	v4 =	vsub.f32 v6, v7;
	v0 =	vmul.f32 v0, v0;
	v1 =	vmul.f32 v1, v1  }
0x37: {  	v5 =	vadd.s32 $0x1, v2  }
0x38: {  	v10 =	vld.idx.msk [tilespmem:v2+s2+$0x0], $0xffff;
	v7 =	vadd.s32 $0x1, v3;
	v4 =	vmul.f32 v4, v4;
	v0 =	vadd.f32 v1, v0  }
0x39: {  	v6 =	vld.idx.msk [tilespmem:v8+s14+$0x0], $0xffff;
	v8 =	vadd.s32 $0x2, v2  }
0x3a: {  	v1 =	vld.idx.msk [tilespmem:v9+s14+$0x0], $0xffff;
	v9 =	vadd.s32 $0x2, v3;
	v2 =	vadd.f32 v4, v0  }
0x3b: {  	v0 =	vld.idx.msk [tilespmem:v3+s2+$0x0], $0xffff  }
0x3c: {  	v3 =	vld.idx.msk [tilespmem:v5+s2+$0x0], $0xffff;
	v4 =	vmax.f32 v2, $1.000000000e-30  }
0x3d: {  	v5 =	vld.idx.msk [tilespmem:v7+s2+$0x0], $0xffff;
	v7 =	vshrl.u32 v4, $0x1;
	v12 =	vmul.f32 $5.000000000e-01, v4  }
0x3e: {  	v8 =	vld.idx.msk [tilespmem:v8+s2+$0x0], $0xffff;
	v4 =	vor.u32 s19, v27;
	s19 =	sadd.s32 $0x30, s7;
	v7 =	vsub.s32 $0x5F3759DF, v7  }
0x3f: {  	v9 =	vld.idx.msk [tilespmem:v9+s2+$0x0], $0xffff;
	v11 =	vor.u32 s19, v60;
	v13 =	vmul.f32 v7, v12  }
0x40: {  	v6 =	vmul.u32 $0x3, v6;
	v14 =	vor.u32 s19, v26  }
0x41: {  	v1 =	vmul.u32 $0x3, v1;
	v0 =	vsub.f32 v10, v0;
	v13 =	vmul.f32 v7, v13  }
0x42: {  	v3 =	vsub.f32 v3, v5  }
0x43: {  	v5 =	vadd.s32 $0x1, v6;
	v0 =	vmul.f32 v0, v0;
	v15 =	vld.idx.msk [tilespmem:v4+s14+$0x0], $0xffff;
	v10 =	vsub.f32 $1.500000000e+00, v13  }
0x44: {  	v3 =	vmul.f32 v3, v3;
	v4 =	vadd.s32 $0x1, v1;
	v8 =	vsub.f32 v8, v9;
	v11 =	vld.idx.msk [tilespmem:v11+s14+$0x0], $0xffff  }
0x45: {  	v9 =	vld.idx.msk [tilespmem:v14+s14+$0x0], $0xffff;
	v13 =	vadd.s32 $0x2, v6;
	v7 =	vmul.f32 v7, v10  }
0x46: {  	v6 =	vld.idx.msk [tilespmem:v6+s2+$0x0], $0xffff;
	v0 =	vadd.f32 v3, v0;
	v8 =	vmul.f32 v8, v8;
	v10 =	vadd.s32 $0x2, v1  }
0x47: {  	v14 =	vld.idx.msk [tilespmem:v1+s2+$0x0], $0xffff;
	v3 =	vmul.f32 v7, v12  }
0x48: {  	s21 =	sadd.s32 $0x40, s7;
	v16 =	vld.idx.msk [tilespmem:v5+s2+$0x0], $0xffff;
	v1 =	vadd.f32 v8, v0  }
0x49: {  	v19 =	vor.u32 s21, v26;
	v17 =	vld.idx.msk [tilespmem:v4+s2+$0x0], $0xffff;
	v0 =	vmul.f32 v3, v7  }
0x4a: {  	v18 =	vor.u32 s21, v60;
	v8 =	vor.u32 s18, v27;
	v20 =	vld.idx.msk [tilespmem:v13+s2+$0x0], $0xffff;
	v3 =	vmax.f32 v1, $1.000000000e-30  }
0x4b: {  	v21 =	vld.idx.msk [tilespmem:v10+s2+$0x0], $0xffff;
	v4 =	vshrl.u32 v3, $0x1;
	v3 =	vmul.f32 $5.000000000e-01, v3;
	v5 =	vsub.f32 $1.500000000e+00, v0  }
0x4c: {  	v22 =	vmul.u32 $0x3, v11;
	v6 =	vsub.f32 v6, v14;
	v23 =	vsub.s32 $0x5F3759DF, v4  }
0x4d: {  	v24 =	vadd.s32 $0x10, v15;
	v13 =	vmul.f32 v23, v3;
	v5 =	vmul.f32 v5, v7  }
0x4e: {  	v11 =	vmul.u32 $0x3, v9;
	v9 =	vld.idx.msk [tilespmem:v19+s14+$0x0], $0xffff;
	v10 =	vadd.s32 $0x1, v22;
	v19 =	vmul.f32 v6, v6  }
0x4f: {  	v4 =	vld.idx.msk [tilespmem:v8+s14+$0x0], $0xffff;
	v7 =	vsub.f32 v16, v17;
	v8 =	vmul.f32 v23, v13;
	v12 =	vmul.f32 v5, v12  }
0x50: {  	v6 =	vld.idx.msk [tilespmem:v15+s15+$0x0], $0xffff;
	v15 =	vadd.s32 $0x2, v11;
	v13 =	vadd.s32 $0x1, v11;
	v16 =	vsub.f32 v20, v21  }
0x51: {  	v14 =	vld.idx.msk [tilespmem:v18+s14+$0x0], $0xffff;
	v20 =	vmul.f32 v7, v7;
	v8 =	vsub.f32 $1.500000000e+00, v8;
	v59 =	vmul.f32 v12, v5  }
0x52: {  	v0 =	vimm.f32 $0.0e+00;
	v17 =	vadd.s32 $0x2, v22;
	v7 =	vld.idx.msk [tilespmem:v24+s15+$0x0], $0xffff;
	v18 =	vmul.f32 v16, v16  }
0x53: {  	s22 =	simm.s32 $0x50;
	s18 =	simm.s32 $0x0;
	v12 =	vld.idx.msk [tilespmem:v22+s2+$0x0], $0xffff;
	v19 =	vadd.f32 v20, v19;
	v8 =	vmul.f32 v23, v8;
	v16 =	vsub.f32 $1.500000000e+00, v59  }
.LBB2_2:
0x54: {  	p0 =	sne.s32 s22, $0x1F0;
	v20 =	vld.idx.msk [tilespmem:v11+s18+$0x0], $0xffff;
	v21 =	vor.u32 s20, v27;
	s20 =	smov.u32 s19;
	s19 =	smov.u32 s21  }
0x55: {  	s21 =	sadd.s32 s22, s7;
	v22 =	vld.idx.msk [tilespmem:v10+s18+$0x0], $0xffff;
	v10 =	vadd.f32 v18, v19;
	v11 =	vmul.f32 v8, v3;
	v5 =	vmul.f32 v16, v5  }
0x56: {  	v16 =	vor.u32 s21, v60;
	v18 =	vor.u32 s21, v26;
	v19 =	vmul.u32 $0x3, v14;
	v13 =	vld.idx.msk [tilespmem:v13+s18+$0x0], $0xffff  }
0x57: {  	v17 =	vld.idx.msk [tilespmem:v17+s18+$0x0], $0xffff;
	v14 =	vmax.f32 v10, $1.000000000e-30;
	v11 =	vmul.f32 v11, v8;
	v5 =	vmul.f32 v5, v2;
	v2 =	vmovc v1  }
0x58: {  	v6 =	vmul.f32 $5.000000000e-01, v6;
	v1 =	vmovc v10;
	v15 =	vld.idx.msk [tilespmem:v15+s18+$0x0], $0xffff;
	v23 =	vshrl.u32 v14, $0x1;
	v24 =	vmul.f32 $5.000000000e-01, v14  }
0x59: {  	v23 =	vsub.s32 $0x5F3759DF, v23;
	v14 =	vsub.f32 $1.500000000e+00, v11;
	v7 =	vsub.f32 v5, v7  }
0x5a: {  	v25 =	vadd.s32 $0x10, v4;
	v11 =	vmul.u32 $0x3, v9;
	v9 =	vmul.f32 v23, v24  }
0x5b: {  	v10 =	vadd.s32 $0x1, v19;
	v5 =	vmul.f32 v14, v8;
	v6 =	vmul.f32 v7, v6  }
0x5c: {  	v8 =	vsub.f32 v12, v20;
	v12 =	vsub.f32 v22, v13;
	v20 =	vld.idx.msk [tilespmem:v21+s14+$0x0], $0xffff;
	v21 =	vmul.f32 v23, v9  }
.Ltmp0:
0x5d: {  	v13 =	vadd.s32 $0x1, v11;
	v14 =	vld.idx.msk [tilespmem:v16+s14+$0x0], $0xffff;
	v16 =	vmul.f32 v5, v3;
	v7 =	vmul.f32 v6, v7;
	v3 =	vmovc v24;
	(pc) =	sbr.rel @p0 .LBB2_2-.Ltmp0, $4  }
0x5e: {  	v8 =	vmul.f32 v8, v8;
	v22 =	vmul.f32 v12, v12;
	v9 =	vld.idx.msk [tilespmem:v18+s14+$0x0], $0xffff;
	v18 =	vsub.f32 v17, v15  }
0x5f: {  	v21 =	vsub.f32 $1.500000000e+00, v21;
	v6 =	vld.idx.msk [tilespmem:v4+s15+$0x0], $0xffff;
	v24 =	vmul.f32 v16, v5;
	v0 =	vadd.f32 v7, v0  }
0x60: {  	s18 =	simm.s32 $0x0;
	v17 =	vadd.s32 $0x2, v19;
	v15 =	vadd.s32 $0x2, v11;
	v18 =	vmul.f32 v18, v18;
	v7 =	vld.idx.msk [tilespmem:v25+s15+$0x0], $0xffff  }
0x61: {  	s22 =	sadd.s32 $0x10, s22;
	v12 =	vld.idx.msk [tilespmem:v19+s18+$0x0], $0xffff;
	v19 =	vadd.f32 v22, v8;
	v8 =	vmul.f32 v23, v21;
	v16 =	vsub.f32 $1.500000000e+00, v24;
	v4 =	vmovc v20  }
0x62: {  	_ =	sdelay $0x3  }
0x63: {  	v11 =	vld.idx.msk [tilespmem:v11+s18+$0x0], $0xffff;
	v14 =	vmul.u32 $0x3, v14  }
0x64: {  	v10 =	vld.idx.msk [tilespmem:v10+s18+$0x0], $0xffff;
	v9 =	vmul.u32 $0x3, v9  }
0x65: {  	v13 =	vld.idx.msk [tilespmem:v13+s18+$0x0], $0xffff  }
0x66: {  	v17 =	vld.idx.msk [tilespmem:v17+s18+$0x0], $0xffff;
	v20 =	vadd.s32 $0x1, v14  }
0x67: {  	v15 =	vld.idx.msk [tilespmem:v15+s18+$0x0], $0xffff;
	v21 =	vadd.s32 $0x1, v9  }
0x68: {  	v18 =	vadd.f32 v18, v19;
	v46 =	vadd.s32 $0x2, v14  }
0x69: {  	v22 =	vadd.s32 $0x2, v9;
	v14 =	vld.idx.msk [tilespmem:v14+s18+$0x0], $0xffff  }
0x6a: {  	v23 =	vmax.f32 v18, $1.000000000e-30;
	v11 =	vsub.f32 v12, v11;
	v10 =	vsub.f32 v10, v13;
	v9 =	vld.idx.msk [tilespmem:v9+s18+$0x0], $0xffff  }
0x6b: {  	v12 =	vshrl.u32 v23, $0x1;
	v13 =	vmul.f32 $5.000000000e-01, v23;
	v20 =	vld.idx.msk [tilespmem:v20+s18+$0x0], $0xffff  }
0x6c: {  	v15 =	vsub.f32 v17, v15;
	v11 =	vmul.f32 v11, v11;
	v10 =	vmul.f32 v10, v10;
	v17 =	vld.idx.msk [tilespmem:v21+s18+$0x0], $0xffff  }
0x6d: {  	v5 =	vmul.f32 v16, v5;
	v12 =	vsub.s32 $0x5F3759DF, v12;
	v19 =	vld.idx.msk [tilespmem:v46+s18+$0x0], $0xffff  }
0x6e: {  	v15 =	vmul.f32 v15, v15;
	v21 =	vmul.f32 v12, v13;
	v10 =	vadd.f32 v10, v11;
	v11 =	vld.idx.msk [tilespmem:v22+s18+$0x0], $0xffff  }
0x6f: {  	v48 =	vor.u32 s19, v27;
	v2 =	vmul.f32 v5, v2  }
0x70: {  	v23 =	vmul.f32 v8, v3;
	v16 =	vmul.f32 v12, v21;
	v10 =	vadd.f32 v15, v10  }
0x71: {  	v22 =	vor.u32 s20, v27;
	v9 =	vsub.f32 v14, v9;
	v14 =	vsub.f32 v20, v17  }
0x72: {  	v15 =	vmul.f32 v23, v8;
	v5 =	vsub.f32 $1.500000000e+00, v16;
	v16 =	vmax.f32 v10, $1.000000000e-30  }
0x73: {  	v11 =	vsub.f32 v19, v11;
	v9 =	vmul.f32 v9, v9;
	v14 =	vmul.f32 v14, v14  }
0x74: {  	v15 =	vsub.f32 $1.500000000e+00, v15;
	v5 =	vmul.f32 v12, v5;
	v12 =	vshrl.u32 v16, $0x1  }
0x75: {  	v16 =	vmul.f32 $5.000000000e-01, v16;
	v11 =	vmul.f32 v11, v11;
	v9 =	vadd.f32 v14, v9  }
0x76: {  	v6 =	vmul.f32 $5.000000000e-01, v6;
	v8 =	vmul.f32 v15, v8;
	v12 =	vsub.s32 $0x5F3759DF, v12  }
0x77: {  	s31 =	sadd.s32 $0x0, s7;
	v15 =	vmul.f32 v12, v16;
	v14 =	vmul.f32 v5, v13;
	v9 =	vadd.f32 v11, v9  }
0x78: {  	v2 =	vsub.f32 v2, v7;
	v21 =	vor.u32 s31, v61;
	v17 =	vor.u32 s21, v27  }
0x79: {  	v11 =	vmul.f32 v14, v5;
	v14 =	vmul.f32 v12, v15;
	v15 =	vmax.f32 v9, $1.000000000e-30  }
0x7a: {  	v20 =	vld.idx.msk [tilespmem:v22+s14+$0x0], $0xffff;
	v22 =	vadd.s32 $0x10, v4;
	v49 =	vshrl.u32 v15, $0x1;
	v15 =	vmul.f32 $5.000000000e-01, v15  }
0x7b: {  	v3 =	vmul.f32 v8, v3;
	v14 =	vsub.f32 $1.500000000e+00, v14;
	v19 =	vsub.s32 $0x5F3759DF, v49  }
0x7c: {  	v7 =	vld.idx.msk [tilespmem:v48+s14+$0x0], $0xffff;
	v6 =	vmul.f32 v2, v6;
	v11 =	vsub.f32 $1.500000000e+00, v11;
	v23 =	vmul.f32 v19, v15  }
0x7d: {  	v4 =	vld.idx.msk [tilespmem:v4+s15+$0x0], $0xffff;
	v3 =	vmul.f32 v3, v8;
	v12 =	vmul.f32 v12, v14;
	v14 =	vor.u32 s31, v62  }
0x7e: {  	v21 =	vld.idx.msk [tilespmem:v21+s14+$0x0], $0xffff;
	v5 =	vmul.f32 v11, v5;
	v11 =	vmul.f32 v19, v23  }
0x7f: {  	v2 =	vmul.f32 v6, v2;
	v17 =	vld.idx.msk [tilespmem:v17+s14+$0x0], $0xffff;
	v3 =	vsub.f32 $1.500000000e+00, v3;
	v23 =	vmul.f32 v12, v16  }
0x80: {  	v24 =	vadd.s32 $0x10, v20;
	v22 =	vld.idx.msk [tilespmem:v22+s15+$0x0], $0xffff;
	v13 =	vmul.f32 v5, v13;
	v11 =	vsub.f32 $1.500000000e+00, v11  }
0x81: {  	v3 =	vmul.f32 v3, v8;
	v8 =	vmul.f32 v23, v12;
	v23 =	vor.u32 s31, v63  }
0x82: {  	v0 =	vadd.f32 v2, v0;
	v13 =	vmul.f32 v13, v5;
	v14 =	vld.idx.msk [tilespmem:v14+s14+$0x0], $0xffff;
	v11 =	vmul.f32 v19, v11  }
0x83: {  	v57 =	vld [tilespmem:$0x1FF50];
	v21 =	vmul.u32 $0x3, v21;
	v1 =	vmul.f32 v3, v1;
	v50 =	vsub.f32 $1.500000000e+00, v8  }
0x84: {  	v4 =	vmul.f32 $5.000000000e-01, v4;
	v3 =	vld.idx.msk [tilespmem:v20+s15+$0x0], $0xffff;
	v13 =	vsub.f32 $1.500000000e+00, v13;
	v19 =	vmul.f32 v11, v15  }
0x85: {  	v20 =	vld.idx.msk [tilespmem:v24+s15+$0x0], $0xffff;
	v1 =	vsub.f32 v1, v22;
	v8 =	vadd.s32 $0x10, v7;
	v6 =	vmul.f32 v50, v12  }
0x86: {  	v5 =	vmul.f32 v13, v5;
	v12 =	vadd.s32 $0x10, v17;
	v22 =	vld.idx.msk [tilespmem:v23+s14+$0x0], $0xffff;
	v19 =	vmul.f32 v19, v11  }
0x87: {  	v7 =	vld.idx.msk [tilespmem:v7+s15+$0x0], $0xffff;
	v13 =	vmul.u32 $0x3, v14;
	v14 =	vadd.s32 $0x1, v21;
	v16 =	vmul.f32 v6, v16  }
0x88: {  	v52 =	vadd.s32 $0x2, v21;
	v17 =	vld.idx.msk [tilespmem:v17+s15+$0x0], $0xffff;
	v5 =	vmul.f32 v5, v18;
	v19 =	vsub.f32 $1.500000000e+00, v19  }
0x89: {  	v4 =	vmul.f32 v1, v4;
	v21 =	vld.idx.msk [tilespmem:v21+s18+$0x0], $0xffff;
	v51 =	vadd.s32 $0x1, v13;
	v16 =	vmul.f32 v16, v6  }
0x8a: {  	v3 =	vmul.f32 $5.000000000e-01, v3;
	v8 =	vld.idx.msk [tilespmem:v8+s15+$0x0], $0xffff;
	v5 =	vsub.f32 v5, v20;
	v11 =	vmul.f32 v19, v11  }
0x8b: {  	v12 =	vld.idx.msk [tilespmem:v12+s15+$0x0], $0xffff;
	v20 =	vmul.u32 $0x3, v22;
	v22 =	vadd.s32 $0x2, v13;
	v2 =	vsub.f32 $1.500000000e+00, v16  }
0x8c: {  	v1 =	vmul.f32 v4, v1;
	v14 =	vld.idx.msk [tilespmem:v14+s18+$0x0], $0xffff;
	v15 =	vmul.f32 v11, v15  }
0x8d: {  	v3 =	vmul.f32 v5, v3;
	v13 =	vld.idx.msk [tilespmem:v13+s18+$0x0], $0xffff;
	v4 =	vadd.s32 $0x1, v20;
	v2 =	vmul.f32 v2, v6  }
0x8e: {  	v0 =	vadd.f32 v1, v0;
	v16 =	vld.idx.msk [tilespmem:v51+s18+$0x0], $0xffff;
	v53 =	vmul.f32 v15, v11  }
0x8f: {  	v1 =	vmul.f32 v3, v5;
	v3 =	vld.idx.msk [tilespmem:v52+s18+$0x0], $0xffff;
	v15 =	vadd.s32 $0x2, v20;
	v2 =	vmul.f32 v2, v10  }
0x90: {  	v55 =	vld.idx.msk [tilespmem:v22+s18+$0x0], $0xffff;
	v5 =	vsub.f32 $1.500000000e+00, v53  }
0x91: {  	v7 =	vmul.f32 $5.000000000e-01, v7;
	v0 =	vadd.f32 v1, v0;
	v1 =	vld.idx.msk [tilespmem:v20+s18+$0x0], $0xffff;
	v2 =	vsub.f32 v2, v8  }
0x92: {  	v4 =	vld.idx.msk [tilespmem:v4+s18+$0x0], $0xffff;
	v5 =	vmul.f32 v5, v11  }
0x93: {  	v10 =	vsub.f32 v21, v13;
	v11 =	vsub.f32 v14, v16;
	v7 =	vmul.f32 v2, v7  }
0x94: {  	v8 =	vld.idx.msk [tilespmem:v15+s18+$0x0], $0xffff;
	v15 =	vmul.f32 $5.000000000e-01, v17;
	v5 =	vmul.f32 v5, v9;
	v9 =	vor.u32 s31, v57  }
0x95: {  	v58 =	vsub.f32 v3, v55;
	v3 =	vmul.f32 v10, v10;
	v14 =	vmul.f32 v11, v11  }
0x96: {  	v2 =	vmul.f32 v7, v2;
	v1 =	vsub.f32 v1, v13;
	v5 =	vsub.f32 v5, v12  }
0x97: {  	v4 =	vsub.f32 v4, v16;
	v3 =	vadd.f32 v14, v3;
	v12 =	vmul.f32 v58, v58  }
0x98: {  	v13 =	vmul.f32 v1, v1;
	v59 =	vmul.f32 v5, v15  }
0x99: {  	v6 =	vsub.f32 v8, v55;
	v21 =	vadd.f32 v12, v3;
	v8 =	vld.idx.msk [tilespmem:v9+s14+$0x0], $0xffff;
	v9 =	vmul.f32 v4, v4  }
0x9a: {  	v0 =	vadd.f32 v2, v0;
	v2 =	vmul.f32 v59, v5  }
0x9b: {  	p4 =	por $0x1, $0x1;
	v3 =	vmul.f32 v6, v6;
	v60 =	vmax.f32 v21, $1.000000000e-30;
	v5 =	vadd.f32 v9, v13  }
.Ltmp1:
0x9c: {  	v9 =	vshrl.u32 v60, $0x1;
	v34 =	vmul.f32 $5.000000000e-01, v60;
	(pc) =	sbr.rel @!p4 .LBB2_4-.Ltmp1, $4  }
0x9d: {  	v33 =	vmul.f32 v1, v10;
	v24 =	vadd.f32 v3, v5;
	v3 =	vsub.s32 $0x5F3759DF, v9  }
0x9e: {  	v39 =	vmul.f32 v4, v11;
	v13 =	vadd.f32 v2, v0;
	v0 =	vmul.f32 v3, v34  }
0x9f: {  	p1 =	por $0x0, $0x0;
	v32 =	vmul.f32 v6, v58;
	v15 =	vadd.s32 $0x20, v8;
	v10 =	vmax.f32 v24, $1.000000000e-30  }
0xa0: {  	p2 =	por $0x0, $0x0;
	p3 =	por $0x0, $0x0;
	p0 =	por $0x0, $0x0;
	v14 =	vadd.s32 $0x30, v8;
	v11 =	vmul.f32 v3, v0;
	v50 =	vshrl.u32 v10, $0x1  }
0xa1: {  	v0 =	vmul.f32 $5.000000000e-01, v10  }
0xa2: {  	v1 =	vsub.s32 $0x5F3759DF, v50  }
0xa3: {  	v2 =	vmul.f32 v1, v0;
	_ =	sdelay $0x1  }
0xa4: {  	s19 =	sadd.s32 $0x10, s7;
	v2 =	vmul.f32 v1, v2  }
0xa5: {  	v4 =	vor.u32 s19, v61  }
0xa6: {  	v5 =	vsub.f32 $1.500000000e+00, v11;
	v6 =	vor.u32 s19, v62;
	v2 =	vsub.f32 $1.500000000e+00, v2;
	_ =	sdelay $0x1  }
0xa7: {  	v3 =	vmul.f32 v3, v5;
	v1 =	vmul.f32 v1, v2;
	_ =	sdelay $0x1  }
0xa8: {  	v2 =	vld.idx.msk [tilespmem:v4+s14+$0x0], $0xffff;
	v4 =	vmul.f32 v3, v34;
	v5 =	vmul.f32 v1, v0  }
0xa9: {  	v7 =	vor.u32 s19, v63;
	v6 =	vld.idx.msk [tilespmem:v6+s14+$0x0], $0xffff  }
0xaa: {  	v4 =	vmul.f32 v4, v3;
	v5 =	vmul.f32 v5, v1;
	_ =	sdelay $0x1  }
0xab: {  	v4 =	vsub.f32 $1.500000000e+00, v4;
	v5 =	vsub.f32 $1.500000000e+00, v5  }
0xac: {  	v2 =	vmul.u32 $0x3, v2  }
0xad: {  	v7 =	vld.idx.msk [tilespmem:v7+s14+$0x0], $0xffff;
	v3 =	vmul.f32 v4, v3;
	v4 =	vmul.u32 $0x3, v6;
	v1 =	vmul.f32 v5, v1;
	_ =	sdelay $0x1  }
0xae: {  	v5 =	vadd.s32 $0x1, v2;
	v53 =	vmul.f32 v3, v34;
	v0 =	vmul.f32 v1, v0  }
0xaf: {  	v8 =	vadd.s32 $0x1, v4  }
0xb0: {  	v10 =	vadd.s32 $0x2, v4;
	v6 =	vmul.f32 v53, v3;
	v0 =	vmul.f32 v0, v1  }
0xb1: {  	v7 =	vmul.u32 $0x3, v7;
	v9 =	vadd.s32 $0x2, v2;
	v2 =	vld.idx.msk [tilespmem:v2+s18+$0x0], $0xffff  }
0xb2: {  	v6 =	vsub.f32 $1.500000000e+00, v6;
	v4 =	vld.idx.msk [tilespmem:v4+s18+$0x0], $0xffff;
	v0 =	vsub.f32 $1.500000000e+00, v0  }
0xb3: {  	v11 =	vadd.s32 $0x1, v7;
	v5 =	vld.idx.msk [tilespmem:v5+s18+$0x0], $0xffff  }
0xb4: {  	v55 =	vld.idx.msk [tilespmem:v8+s18+$0x0], $0xffff;
	v3 =	vmul.f32 v6, v3;
	v0 =	vmul.f32 v0, v1  }
0xb5: {  	v12 =	vadd.s32 $0x2, v7;
	v8 =	vld.idx.msk [tilespmem:v10+s18+$0x0], $0xffff  }
0xb6: {  	v1 =	vld.idx.msk [tilespmem:v9+s18+$0x0], $0xffff;
	v3 =	vmul.f32 v3, v21;
	v0 =	vmul.f32 v0, v24  }
0xb7: {  	v7 =	vld.idx.msk [tilespmem:v7+s18+$0x0], $0xffff  }
0xb8: {  	v9 =	vld.idx.msk [tilespmem:v11+s18+$0x0], $0xffff;
	v3 =	vadd.f32 $9.999999710e-10, v3;
	v0 =	vadd.f32 $9.999999710e-10, v0  }
0xb9: {  	v10 =	vor.u32 s19, v57;
	v2 =	vsub.f32 v2, v4;
	v5 =	vsub.f32 v5, v55  }
0xba: {  	v11 =	vld.idx.msk [tilespmem:v12+s18+$0x0], $0xffff;
	v0 =	vmul.f32 v0, v3  }
0xbb: {  	v12 =	vmul.f32 v5, v5;
	v1 =	vsub.f32 v1, v8;
	v3 =	vmul.f32 v2, v2  }
0xbc: {  	v4 =	vsub.f32 v7, v4;
	(erf) = vrcp.f32 v0  }
0xbd: {  	v58 =	vmul.f32 v1, v1;
	v0 =	vsub.f32 v9, v55;
	v3 =	vadd.f32 v12, v3  }
0xbe: {  	v59 =	vld.idx.msk [tilespmem:v10+s14+$0x0], $0xffff;
	v10 =	vmul.f32 v4, v4  }
0xbf: {  	v8 =	vsub.f32 v11, v8;
	v9 =	vmul.f32 v0, v0;
	v21 =	vadd.f32 v58, v3  }
0xc0: {  	v3 =	vadd.f32 v39, v33  }
0xc1: {  	p4 =	por $0x1, $0x1;
	v60 =	vmul.f32 v8, v8;
	v9 =	vadd.f32 v9, v10;
	v10 =	vmax.f32 v21, $1.000000000e-30  }
.Ltmp2:
0xc2: {  	v12 =	vadd.f32 v32, v3;
	v3 =	vshrl.u32 v10, $0x1;
	v34 =	vmul.f32 $5.000000000e-01, v10;
	(pc) =	sbr.rel @!p4 .LBB2_6-.Ltmp2, $4  }
0xc3: {  	v18 =	vadd.s32 $0x20, v59;
	v24 =	vadd.f32 v60, v9;
	v3 =	vsub.s32 $0x5F3759DF, v3  }
0xc4: {  	v16 =	vadd.s32 $0x30, v59;
	v33 =	vmul.f32 v4, v2;
	v2 =	vmul.f32 v3, v34  }
0xc5: {  	v39 =	vmul.f32 v0, v5;
	v32 =	vmul.f32 v8, v1;
	v10 =	vmax.f32 v24, $1.000000000e-30;
	v0 =	vpop (erf)  }
0xc6: {  	p1 =	por $0x1, $0x1;
	v60 =	vld [tilespmem:$0x1FF70];
	v11 =	vmul.f32 v3, v2;
	v50 =	vshrl.u32 v10, $0x1;
	v12 =	vmul.f32 v0, v12  }
0xc7: {  	v0 =	vmul.f32 $5.000000000e-01, v10  }
0xc8: {  	v1 =	vsub.s32 $0x5F3759DF, v50  }
0xc9: {  	s19 =	sadd.s32 $0x20, s7;
	v2 =	vmul.f32 v1, v0  }
0xca: {  	v4 =	vor.u32 s19, v61;
	v5 =	vmax.f32 v12, $-9.999998800e-01  }
0xcb: {  	v6 =	vsub.f32 $1.500000000e+00, v11;
	v20 =	vmin.f32 v5, $9.999998800e-01;
	v2 =	vmul.f32 v1, v2  }
0xcc: {  	v8 =	vor.u32 s19, v62;
	v5 =	vsub.f32 $1.000000000e+00, v20;
	v7 =	vadd.f32 $1.000000000e+00, v20  }
0xcd: {  	v2 =	vsub.f32 $1.500000000e+00, v2  }
0xce: {  	v3 =	vmul.f32 v3, v6;
	v5 =	vmul.f32 v7, v5  }
0xcf: {  	v1 =	vmul.f32 v1, v2  }
0xd0: {  	v6 =	vmul.f32 v3, v34;
	v4 =	vld.idx.msk [tilespmem:v4+s14+$0x0], $0xffff;
	v7 =	vmax.f32 v5, $1.000000000e-30;
	v2 =	vor.u32 s19, v63  }
0xd1: {  	v8 =	vld.idx.msk [tilespmem:v8+s14+$0x0], $0xffff;
	v9 =	vshrl.u32 v7, $0x1;
	v7 =	vmul.f32 $5.000000000e-01, v7;
	v10 =	vmul.f32 v1, v0  }
0xd2: {  	v6 =	vmul.f32 v6, v3;
	v9 =	vsub.s32 $0x5F3759DF, v9  }
0xd3: {  	v11 =	vmul.f32 v9, v7;
	v10 =	vmul.f32 v10, v1  }
0xd4: {  	v12 =	vor.u32 s19, v57;
	v6 =	vsub.f32 $1.500000000e+00, v6  }
0xd5: {  	v4 =	vmul.u32 $0x3, v4;
	v11 =	vmul.f32 v9, v11;
	v2 =	vld.idx.msk [tilespmem:v2+s14+$0x0], $0xffff;
	v10 =	vsub.f32 $1.500000000e+00, v10  }
0xd6: {  	v3 =	vmul.f32 v6, v3;
	v8 =	vmul.u32 $0x3, v8  }
0xd7: {  	v11 =	vsub.f32 $1.500000000e+00, v11;
	v1 =	vmul.f32 v10, v1  }
0xd8: {  	v6 =	vadd.s32 $0x2, v4;
	v17 =	vmul.f32 v3, v34  }
0xd9: {  	v10 =	vadd.s32 $0x1, v4;
	v9 =	vmul.f32 v9, v11;
	v0 =	vmul.f32 v1, v0  }
0xda: {  	v17 =	vmul.f32 v17, v3;
	v11 =	vld.idx.msk [tilespmem:v12+s14+$0x0], $0xffff;
	v12 =	vadd.s32 $0x1, v8;
	v2 =	vmul.u32 $0x3, v2  }
0xdb: {  	v4 =	vld.idx.msk [tilespmem:v4+s18+$0x0], $0xffff;
	v19 =	vmul.f32 v9, v7;
	v0 =	vmul.f32 v0, v1  }
0xdc: {  	v22 =	vadd.s32 $0x2, v8;
	v17 =	vsub.f32 $1.500000000e+00, v17;
	v8 =	vld.idx.msk [tilespmem:v8+s18+$0x0], $0xffff  }
0xdd: {  	v6 =	vld.idx.msk [tilespmem:v6+s18+$0x0], $0xffff;
	v23 =	vadd.s32 $0x1, v2;
	v19 =	vmul.f32 v19, v9;
	v0 =	vsub.f32 $1.500000000e+00, v0  }
0xde: {  	v3 =	vmul.f32 v17, v3;
	v10 =	vld.idx.msk [tilespmem:v10+s18+$0x0], $0xffff  }
0xdf: {  	v17 =	vadd.s32 $0x2, v2;
	v12 =	vld.idx.msk [tilespmem:v12+s18+$0x0], $0xffff;
	v19 =	vsub.f32 $1.500000000e+00, v19;
	v0 =	vmul.f32 v0, v1  }
0xe0: {  	v3 =	vmul.f32 v3, v21;
	v2 =	vld.idx.msk [tilespmem:v2+s18+$0x0], $0xffff  }
0xe1: {  	v21 =	vld.idx.msk [tilespmem:v22+s18+$0x0], $0xffff;
	v9 =	vmul.f32 v19, v9;
	v0 =	vmul.f32 v0, v24  }
0xe2: {  	v4 =	vsub.f32 v4, v8;
	v19 =	vld.idx.msk [tilespmem:v23+s18+$0x0], $0xffff  }
0xe3: {  	v3 =	vadd.f32 $9.999999710e-10, v3;
	v7 =	vmul.f32 v9, v7;
	v0 =	vadd.f32 $9.999999710e-10, v0  }
0xe4: {  	v45 =	vand.u32 $0x7FFFFFFF, v20;
	v1 =	vadd.f32 v39, v33;
	v22 =	vld.idx.msk [tilespmem:v17+s18+$0x0], $0xffff;
	v10 =	vsub.f32 v10, v12  }
0xe5: {  	v7 =	vmul.f32 v7, v9;
	v2 =	vsub.f32 v2, v8;
	v0 =	vmul.f32 v0, v3  }
0xe6: {  	v23 =	vmul.f32 v10, v10;
	v3 =	vsub.f32 v6, v21;
	v6 =	vmul.f32 v4, v4  }
0xe7: {  	v8 =	vsub.f32 v19, v12;
	v33 =	vmul.f32 v2, v4;
	(erf) = vrcp.f32 v0  }
0xe8: {  	v0 =	vsub.f32 $1.500000000e+00, v7;
	v6 =	vadd.f32 v23, v6;
	v7 =	vmul.f32 v3, v3  }
0xe9: {  	v12 =	vsub.f32 v22, v21;
	v2 =	vmul.f32 v2, v2;
	v4 =	vmul.f32 v8, v8  }
0xea: {  	v17 =	vadd.s32 $0x20, v11;
	v21 =	vadd.f32 v7, v6;
	v0 =	vmul.f32 v0, v9  }
0xeb: {  	v1 =	vadd.f32 v32, v1;
	v6 =	vmul.f32 v12, v12;
	v2 =	vadd.f32 v4, v2  }
0xec: {  	p4 =	por $0x1, $0x1;
	v32 =	vmul.f32 v12, v3;
	v3 =	vmax.f32 v21, $1.000000000e-30;
	v22 =	vmul.f32 v0, v5  }
.Ltmp3:
0xed: {  	v24 =	vadd.f32 v6, v2;
	v0 =	vshrl.u32 v3, $0x1;
	v34 =	vmul.f32 $5.000000000e-01, v3;
	(pc) =	sbr.rel @!p4 .LBB2_8-.Ltmp3, $4  }
0xee: {  	v19 =	vadd.s32 $0x30, v11;
	v39 =	vmul.f32 v8, v10;
	v3 =	vsub.s32 $0x5F3759DF, v0  }
0xef: {  	v48 =	vand.u32 $0x7FFFFFFF, v22;
	v10 =	vmax.f32 v24, $1.000000000e-30;
	v0 =	vmul.f32 v3, v34  }
0xf0: {  	v2 =	vmax.f32 v45, v48;
	v5 =	vmin.f32 v45, v48;
	v50 =	vshrl.u32 v10, $0x1;
	v4 =	vpop (erf)  }
0xf1: {  	p2 =	por $0x1, $0x1;
	v51 =	vmax.f32 v2, $1.000000000e-30;
	v11 =	vmul.f32 v3, v0;
	v12 =	vmul.f32 v4, v1  }
0xf2: {  	v0 =	vmul.f32 $5.000000000e-01, v10;
	s19 =	sadd.s32 $0x30, s7  }
0xf3: {  	(erf) = vrcp.f32 v51;
	v1 =	vsub.s32 $0x5F3759DF, v50;
	v2 =	vor.u32 s19, v61  }
0xf4: {  	v4 =	vmax.f32 v12, $-9.999998800e-01;
	v7 =	vor.u32 s19, v63;
	v6 =	vmul.f32 v1, v0  }
0xf5: {  	v8 =	vsub.f32 $1.500000000e+00, v11;
	v10 =	vor.u32 s19, v62;
	v23 =	vmin.f32 v4, $9.999998800e-01  }
0xf6: {  	v4 =	vsub.f32 $1.000000000e+00, v23;
	v9 =	vadd.f32 $1.000000000e+00, v23;
	v6 =	vmul.f32 v1, v6  }
0xf7: {  	v3 =	vmul.f32 v3, v8  }
0xf8: {  	v4 =	vmul.f32 v9, v4;
	v6 =	vsub.f32 $1.500000000e+00, v6  }
0xf9: {  	v8 =	vmul.f32 v3, v34;
	v2 =	vld.idx.msk [tilespmem:v2+s14+$0x0], $0xffff  }
0xfa: {  	v51 =	vld.idx.msk [tilespmem:v7+s14+$0x0], $0xffff;
	v9 =	vmax.f32 v4, $1.000000000e-30;
	v1 =	vmul.f32 v1, v6  }
0xfb: {  	v10 =	vld.idx.msk [tilespmem:v10+s14+$0x0], $0xffff;
	v8 =	vmul.f32 v8, v3;
	v52 =	vshrl.u32 v9, $0x1;
	v9 =	vmul.f32 $5.000000000e-01, v9  }
0xfc: {  	v11 =	vpop (erf);
	v7 =	vsub.s32 $0x5F3759DF, v52;
	v12 =	vmul.f32 v1, v0  }
0xfd: {  	v8 =	vsub.f32 $1.500000000e+00, v8;
	v25 =	vmul.f32 v11, v5;
	v5 =	vmul.f32 v7, v9  }
0xfe: {  	v11 =	vor.u32 s19, v57;
	v2 =	vmul.u32 $0x3, v2;
	v12 =	vmul.f32 v12, v1  }
0xff: {  	v6 =	vmul.u32 $0x3, v51;
	v3 =	vmul.f32 v8, v3  }
0x100: {  	v8 =	vmul.u32 $0x3, v10;
	v5 =	vmul.f32 v7, v5;
	v12 =	vsub.f32 $1.500000000e+00, v12  }
0x101: {  	v33 =	vadd.f32 v39, v33;
	v26 =	vmul.f32 v25, v25  }
0x102: {  	v10 =	vadd.s32 $0x1, v2;
	v5 =	vsub.f32 $1.500000000e+00, v5;
	v1 =	vmul.f32 v12, v1  }
0x103: {  	v28 =	vmul.f32 v3, v34;
	v29 =	vadd.s32 $0x1, v8;
	v11 =	vld.idx.msk [tilespmem:v11+s14+$0x0], $0xffff;
	v12 =	vmul.f32 $2.866225780e-03, v26  }
0x104: {  	v27 =	vadd.s32 $0x2, v2;
	v5 =	vmul.f32 v7, v5;
	v2 =	vld.idx.msk [tilespmem:v2+s18+$0x0], $0xffff;
	v0 =	vmul.f32 v1, v0  }
0x105: {  	vm0 =	vgt.f32 v48, v45;
	v28 =	vmul.f32 v28, v3;
	v55 =	vld.idx.msk [tilespmem:v6+s18+$0x0], $0xffff;
	v12 =	vadd.f32 $-1.616573710e-02, v12  }
0x106: {  	v53 =	vadd.s32 $0x2, v8;
	v8 =	vld.idx.msk [tilespmem:v8+s18+$0x0], $0xffff;
	v30 =	vmul.f32 v5, v9;
	v0 =	vmul.f32 v0, v1  }
0x107: {  	v31 =	vadd.s32 $0x1, v6;
	v28 =	vsub.f32 $1.500000000e+00, v28;
	v10 =	vld.idx.msk [tilespmem:v10+s18+$0x0], $0xffff;
	v12 =	vmul.f32 v12, v26  }
0x108: {  	v6 =	vadd.s32 $0x2, v6;
	v29 =	vld.idx.msk [tilespmem:v29+s18+$0x0], $0xffff;
	v30 =	vmul.f32 v30, v5;
	v0 =	vsub.f32 $1.500000000e+00, v0  }
0x109: {  	vm0 =	vmmov vm0;
	v3 =	vmul.f32 v28, v3;
	v12 =	vadd.f32 $4.290961470e-02, v12  }
0x10a: {  	v37 =	vadd.f32 v32, v33;
	v27 =	vld.idx.msk [tilespmem:v27+s18+$0x0], $0xffff;
	v28 =	vsub.f32 $1.500000000e+00, v30;
	v0 =	vmul.f32 v0, v1  }
0x10b: {  	v7 =	vld.idx.msk [tilespmem:v53+s18+$0x0], $0xffff;
	v3 =	vmul.f32 v3, v21;
	v2 =	vsub.f32 v2, v8;
	v1 =	vmul.f32 v12, v26  }
0x10c: {  	v8 =	vsub.f32 v55, v8;
	v12 =	vld.idx.msk [tilespmem:v31+s18+$0x0], $0xffff;
	v5 =	vmul.f32 v28, v5;
	v0 =	vmul.f32 v0, v24  }
0x10d: {  	v42 =	vadd.s32 $0x20, v11;
	v6 =	vld.idx.msk [tilespmem:v6+s18+$0x0], $0xffff;
	v3 =	vadd.f32 $9.999999710e-10, v3;
	v10 =	vsub.f32 v10, v29  }
0x10e: {  	v33 =	vmul.f32 v8, v2;
	v9 =	vmul.f32 v5, v9;
	v0 =	vadd.f32 $9.999999710e-10, v0  }
0x10f: {  	v8 =	vmul.f32 v8, v8;
	v21 =	vmul.f32 v10, v10;
	v1 =	vadd.f32 $-7.528963680e-02, v1  }
0x110: {  	v24 =	vsub.f32 v27, v7;
	v9 =	vmul.f32 v9, v5;
	v0 =	vmul.f32 v0, v3  }
0x111: {  	v1 =	vmul.f32 v1, v26;
	v3 =	vsub.f32 v12, v29;
	v12 =	vmul.f32 v2, v2  }
0x112: {  	v9 =	vsub.f32 $1.500000000e+00, v9;
	v2 =	vsub.f32 v6, v7;
	(erf) = vrcp.f32 v0  }
0x113: {  	v59 =	vmul.f32 v24, v24;
	v0 =	vadd.f32 $1.065626370e-01, v1;
	v1 =	vadd.f32 v21, v12  }
0x114: {  	v44 =	vadd.s32 $0x30, v11;
	v58 =	vmul.f32 v3, v3;
	v11 =	vmul.f32 v2, v2  }
0x115: {  	v21 =	vadd.f32 v59, v1;
	v1 =	vmul.f32 v9, v5;
	v0 =	vmul.f32 v0, v26  }
0x116: {  	v32 =	vmul.f32 v2, v24;
	v39 =	vmul.f32 v3, v10;
	v2 =	vadd.f32 v58, v8  }
0x117: {  	p4 =	por $0x1, $0x1;
	v3 =	vmax.f32 v21, $1.000000000e-30;
	v27 =	vmul.f32 v1, v4;
	v0 =	vadd.f32 $-1.420889940e-01, v0  }
.Ltmp4:
0x118: {  	v24 =	vadd.f32 v11, v2;
	v1 =	vshrl.u32 v3, $0x1;
	v34 =	vmul.f32 $5.000000000e-01, v3;
	(pc) =	sbr.rel @!p4 .LBB2_10-.Ltmp4, $4  }
0x119: {  	v28 =	vand.u32 $0x7FFFFFFF, v23;
	v3 =	vsub.s32 $0x5F3759DF, v1;
	v29 =	vand.u32 $0x7FFFFFFF, v27  }
0x11a: {  	v31 =	vmul.f32 v0, v26;
	v10 =	vmax.f32 v24, $1.000000000e-30;
	v1 =	vmul.f32 v3, v34  }
0x11b: {  	v2 =	vmax.f32 v28, v29;
	v36 =	vmin.f32 v28, v29;
	v50 =	vshrl.u32 v10, $0x1;
	v0 =	vpop (erf)  }
0x11c: {  	p3 =	por $0x1, $0x1;
	v35 =	vmax.f32 v2, $1.000000000e-30;
	v11 =	vmul.f32 v3, v1;
	v12 =	vmul.f32 v0, v37  }
0x11d: {  	v0 =	vadd.f32 v39, v33  }
0x11e: {  	s19 =	sadd.s32 $0x40, s7;
	(erf) = vrcp.f32 v35;
	v1 =	vadd.f32 $1.999355110e-01, v31;
	v7 =	vmul.f32 $5.000000000e-01, v10  }
0x11f: {  	v9 =	vsub.s32 $0x5F3759DF, v50;
	v2 =	vor.u32 s19, v61;
	v5 =	vsub.f32 $1.500000000e+00, v11  }
0x120: {  	v4 =	vor.u32 s19, v62;
	v6 =	vmax.f32 v12, $-9.999998800e-01;
	v8 =	vor.u32 s19, v63  }
0x121: {  	v30 =	vmin.f32 v6, $9.999998800e-01;
	v3 =	vmul.f32 v3, v5;
	v5 =	vmul.f32 v9, v7  }
0x122: {  	v1 =	vmul.f32 v1, v26;
	v6 =	vadd.f32 v32, v0;
	v10 =	vsub.f32 $1.000000000e+00, v30  }
0x123: {  	v11 =	vadd.f32 $1.000000000e+00, v30;
	v0 =	vmul.f32 v3, v34;
	v5 =	vmul.f32 v9, v5  }
0x124: {  	vm1 =	vgt.f32 v29, v28;
	vm2 =	vmmov vm0;
	v1 =	vadd.f32 $-3.333314660e-01, v1  }
0x125: {  	v10 =	vmul.f32 v11, v10;
	v2 =	vld.idx.msk [tilespmem:v2+s14+$0x0], $0xffff;
	v0 =	vmul.f32 v0, v3;
	v5 =	vsub.f32 $1.500000000e+00, v5  }
0x126: {  	vm1 =	vmmov vm1;
	v11 =	vor.u32 s19, v57;
	v8 =	vld.idx.msk [tilespmem:v8+s14+$0x0], $0xffff;
	v1 =	vmul.f32 v1, v26  }
0x127: {  	v4 =	vld.idx.msk [tilespmem:v4+s14+$0x0], $0xffff;
	v12 =	vmax.f32 v10, $1.000000000e-30;
	v0 =	vsub.f32 $1.500000000e+00, v0;
	v5 =	vmul.f32 v9, v5  }
0x128: {  	v58 =	vadd.f32 $1.000000000e+00, v1;
	v9 =	vshrl.u32 v12, $0x1;
	v12 =	vmul.f32 $5.000000000e-01, v12  }
0x129: {  	v56 =	vpop (erf);
	v9 =	vsub.s32 $0x5F3759DF, v9;
	v0 =	vmul.f32 v0, v3;
	v3 =	vmul.f32 v5, v7  }
0x12a: {  	v38 =	vmul.f32 v56, v36;
	v2 =	vmul.u32 $0x3, v2;
	v1 =	vmul.f32 v9, v12  }
0x12b: {  	v32 =	vmul.f32 v58, v25;
	v8 =	vmul.u32 $0x3, v8;
	v3 =	vmul.f32 v3, v5  }
0x12c: {  	v11 =	vld.idx.msk [tilespmem:v11+s14+$0x0], $0xffff;
	v4 =	vmul.u32 $0x3, v4;
	v37 =	vmul.f32 v38, v38;
	v1 =	vmul.f32 v9, v1  }
0x12d: {  	v59 =	vadd.s32 $0x1, v2;
	v50 =	vadd.s32 $0x2, v2;
	v3 =	vsub.f32 $1.500000000e+00, v3  }
0x12e: {  	v47 =	vld.idx.msk [tilespmem:v15+s15+$0x0], $0xffff;
	v40 =	vadd.s32 $0x1, v4;
	v41 =	vadd.s32 $0x2, v4;
	v46 =	vsub.f32 $1.500000000e+00, v1  }
0x12f: {  	v43 =	vadd.s32 $0x1, v8;
	v51 =	vmul.f32 v0, v34;
	v3 =	vmul.f32 v3, v5  }
0x130: {  	v45 =	vadd.s32 $0x2, v8;
	v5 =	vmul.f32 $2.866225780e-03, v37;
	v9 =	vmul.f32 v9, v46;
	v52 =	vld.idx.msk [tilespmem:v2+s18+$0x0], $0xffff  }
0x131: {  	v1 =	vadd.s32 $0x20, v11;
	v2 =	vadd.s32 $0x30, v11;
	v8 =	vld.idx.msk [tilespmem:v8+s18+$0x0], $0xffff;
	v7 =	vmul.f32 v3, v7  }
0x132: {  	v11 =	vmul.f32 v51, v0;
	v4 =	vld.idx.msk [tilespmem:v4+s18+$0x0], $0xffff;
	v5 =	vadd.f32 $-1.616573710e-02, v5;
	v53 =	vmul.f32 v9, v12  }
0x133: {  	v47 =	vmul.f32 $5.000000000e-01, v47;
	v48 =	vsub.f32 $1.570796370e+00, v32;
	v39 =	vld.idx.msk [tilespmem:v50+s18+$0x0], $0xffff;
	v7 =	vmul.f32 v7, v3  }
0x134: {  	v41 =	vld.idx.msk [tilespmem:v41+s18+$0x0], $0xffff;
	v11 =	vsub.f32 $1.500000000e+00, v11;
	v5 =	vmul.f32 v5, v37;
	v34 =	vmul.f32 v53, v9  }
0x135: {  	v32 =	vsel vm2, v48, v32;
	vm2 =	vlt.f32 v20, $0.0e+00;
	v7 =	vsub.f32 $1.500000000e+00, v7  }
0x136: {  	v0 =	vmul.f32 v11, v0;
	v5 =	vadd.f32 $4.290961470e-02, v5;
	v11 =	vsub.f32 $1.500000000e+00, v34  }
0x137: {  	v54 =	vsub.f32 $3.141592740e+00, v32;
	v33 =	vld.idx.msk [tilespmem:v59+s18+$0x0], $0xffff;
	v56 =	vsub.f32 v52, v4;
	v3 =	vmul.f32 v7, v3  }
0x138: {  	v4 =	vsub.f32 v8, v4;
	v5 =	vmul.f32 v5, v37;
	v7 =	vld.idx.msk [tilespmem:v40+s18+$0x0], $0xffff;
	v9 =	vmul.f32 v11, v9  }
0x139: {  	v0 =	vmul.f32 v0, v21;
	v21 =	vld.idx.msk [tilespmem:v43+s18+$0x0], $0xffff;
	v39 =	vsub.f32 v39, v41;
	v11 =	vsel vm2, v54, v32  }
0x13a: {  	v3 =	vmul.f32 v3, v24;
	v5 =	vadd.f32 $-7.528963680e-02, v5;
	v12 =	vmul.f32 v9, v12  }
0x13b: {  	v55 =	vld.idx.msk [tilespmem:v45+s18+$0x0], $0xffff;
	v0 =	vadd.f32 $9.999999710e-10, v0;
	vm2 =	vlt.f32 v22, $0.0e+00;
	v24 =	vsub.f32 $0.0e+00, v11  }
0x13c: {  	v3 =	vadd.f32 $9.999999710e-10, v3;
	v5 =	vmul.f32 v5, v37;
	v12 =	vmul.f32 v12, v9  }
0x13d: {  	v11 =	vsel vm2, v24, v11;
	v40 =	vsub.f32 v33, v7;
	v33 =	vmul.f32 v4, v56  }
0x13e: {  	v4 =	vmul.f32 v4, v4;
	v0 =	vmul.f32 v3, v0;
	v3 =	vsub.f32 v21, v7  }
0x13f: {  	v24 =	vld.idx.msk [tilespmem:v14+s15+$0x0], $0xffff;
	v7 =	vmul.f32 v56, v56;
	v8 =	vsub.f32 $1.500000000e+00, v12;
	v21 =	vmul.f32 v40, v40  }
0x140: {  	v12 =	vsub.f32 v55, v41;
	v5 =	vadd.f32 $1.065626370e-01, v5;
	(erf) = vrcp.f32 v0  }
0x141: {  	v58 =	vmul.f32 v3, v3;
	v7 =	vadd.f32 v21, v7;
	v21 =	vmul.f32 v39, v39  }
0x142: {  	v45 =	vand.u32 $0x7FFFFFFF, v30;
	v59 =	vmul.f32 v12, v12;
	v32 =	vmul.f32 v12, v39  }
0x143: {  	v5 =	vmul.f32 v5, v37;
	v21 =	vadd.f32 v21, v7;
	v7 =	vmul.f32 v8, v9  }
0x144: {  	v0 =	vsub.f32 v11, v24;
	v39 =	vmul.f32 v3, v40;
	v8 =	vadd.f32 v58, v4  }
0x145: {  	p5 =	por $0x1, $0x1;
	v5 =	vadd.f32 $-1.420889940e-01, v5;
	v3 =	vmax.f32 v21, $1.000000000e-30;
	v41 =	vmul.f32 v7, v10  }
.Ltmp5:
0x146: {  	v24 =	vadd.f32 v59, v8;
	v7 =	vshrl.u32 v3, $0x1;
	v34 =	vmul.f32 $5.000000000e-01, v3;
	(pc) =	sbr.rel @!p5 .LBB2_12-.Ltmp5, $4  }
0x147: {  	v49 =	vmovc v16;
	v4 =	vmul.f32 v0, v47;
	v9 =	vmul.f32 v5, v37;
	v3 =	vsub.s32 $0x5F3759DF, v7  }
0x148: {  	v46 =	vmovc v23;
	v43 =	vmovc v18;
	v48 =	vand.u32 $0x7FFFFFFF, v41;
	v10 =	vmax.f32 v24, $1.000000000e-30;
	v7 =	vmul.f32 v3, v34  }
0x149: {  	v8 =	vmax.f32 v45, v48;
	v5 =	vmin.f32 v45, v48;
	v50 =	vshrl.u32 v10, $0x1;
	v12 =	vpop (erf)  }
0x14a: {  	p4 =	por $0x1, $0x1;
	s19 =	simm.s32 $0x50;
	v40 =	vmovc v13;
	v47 =	vmovc v27;
	v51 =	vmax.f32 v8, $1.000000000e-30;
	v11 =	vmul.f32 v3, v7;
	v12 =	vmul.f32 v12, v6  }
.LBB2_13:
0x14b: {  	s20 =	sadd.s32 s19, s7;
	p5 =	sne.s32 s19, $0x1F0;
	s19 =	sadd.s32 $0x10, s19;
	v6 =	vadd.f32 v39, v33;
	(erf) = vrcp.f32 v51;
	v7 =	vadd.f32 $1.999355110e-01, v9  }
0x14c: {  	v8 =	vor.u32 s20, v61;
	v9 =	vor.u32 s20, v62;
	v12 =	vmax.f32 v12, $-9.999998800e-01  }
0x14d: {  	v10 =	vmul.f32 $5.000000000e-01, v10;
	v33 =	vor.u32 s20, v63;
	v11 =	vsub.f32 $1.500000000e+00, v11  }
0x14e: {  	v39 =	vsub.s32 $0x5F3759DF, v50;
	v6 =	vadd.f32 v32, v6;
	v12 =	vmin.f32 v12, $9.999998800e-01  }
0x14f: {  	v11 =	vmul.f32 v3, v11;
	v3 =	vmul.f32 v39, v10;
	v32 =	vsub.f32 $1.000000000e+00, v12  }
0x150: {  	v0 =	vmul.f32 v4, v0;
	v7 =	vmul.f32 v7, v37;
	v50 =	vadd.f32 $1.000000000e+00, v12  }
0x151: {  	vm3 =	vgt.f32 v48, v45;
	v51 =	vmul.f32 v39, v3;
	v4 =	vld.idx.msk [tilespmem:v8+s14+$0x0], $0xffff;
	v8 =	vmul.f32 v11, v34  }
0x152: {  	v40 =	vadd.f32 v0, v40;
	v7 =	vadd.f32 $-3.333314660e-01, v7;
	v3 =	vmul.f32 v50, v32;
	v33 =	vld.idx.msk [tilespmem:v33+s14+$0x0], $0xffff  }
0x153: {  	v32 =	vsub.f32 $1.500000000e+00, v51;
	v0 =	vld.idx.msk [tilespmem:v9+s14+$0x0], $0xffff;
	v9 =	vor.u32 s20, v57;
	v8 =	vmul.f32 v8, v11  }
0x154: {  	vm2 =	vmmov vm1;
	v7 =	vmul.f32 v7, v37;
	v45 =	vmax.f32 v3, $1.000000000e-30;
	v48 =	vpop (erf)  }
0x155: {  	v37 =	vshrl.u32 v45, $0x1;
	v32 =	vmul.f32 v39, v32;
	v8 =	vsub.f32 $1.500000000e+00, v8  }
0x156: {  	v45 =	vmul.f32 $5.000000000e-01, v45;
	v39 =	vsub.s32 $0x5F3759DF, v37;
	v5 =	vmul.f32 v48, v5  }
0x157: {  	v7 =	vadd.f32 $1.000000000e+00, v7;
	v8 =	vmul.f32 v8, v11;
	v11 =	vmul.f32 v32, v10  }
0x158: {  	v48 =	vmul.f32 v39, v45;
	v4 =	vmul.u32 $0x3, v4;
	v37 =	vmul.f32 v5, v5;
	v9 =	vld.idx.msk [tilespmem:v9+s14+$0x0], $0xffff  }
0x159: {  	v33 =	vmul.u32 $0x3, v33;
	v0 =	vmul.u32 $0x3, v0;
	v11 =	vmul.f32 v11, v32  }
0x15a: {  	v48 =	vmul.f32 v39, v48;
	v50 =	vadd.s32 $0x1, v4;
	v51 =	vadd.s32 $0x2, v4  }
0x15b: {  	v52 =	vadd.s32 $0x1, v0;
	v53 =	vadd.s32 $0x2, v0;
	v11 =	vsub.f32 $1.500000000e+00, v11  }
0x15c: {  	v54 =	vadd.s32 $0x1, v33;
	v55 =	vadd.s32 $0x2, v33;
	v48 =	vsub.f32 $1.500000000e+00, v48;
	v56 =	vld.idx.msk [tilespmem:v43+s15+$0x0], $0xffff;
	v43 =	vmovc v17;
	v17 =	vmovc v42  }
0x15d: {  	vm1 =	vmmov vm3;
	v42 =	vmovc v1;
	v11 =	vmul.f32 v11, v32;
	v32 =	vmul.f32 $2.866225780e-03, v37  }
0x15e: {  	v34 =	vmul.f32 v8, v34;
	v39 =	vmul.f32 v39, v48;
	v1 =	vadd.s32 $0x20, v9;
	v4 =	vld.idx.msk [tilespmem:v4+s18+$0x0], $0xffff  }
0x15f: {  	v7 =	vmul.f32 v7, v38;
	v38 =	vmovc v5;
	v48 =	vld.idx.msk [tilespmem:v51+s18+$0x0], $0xffff;
	v10 =	vmul.f32 v11, v10;
	v32 =	vadd.f32 $-1.616573710e-02, v32  }
0x160: {  	v5 =	vadd.s32 $0x30, v9;
	v9 =	vld.idx.msk [tilespmem:v33+s18+$0x0], $0xffff;
	v33 =	vmul.f32 v34, v8;
	v34 =	vmul.f32 v39, v45  }
0x161: {  	v51 =	vld.idx.msk [tilespmem:v55+s18+$0x0], $0xffff;
	v10 =	vmul.f32 v10, v11;
	v32 =	vmul.f32 v32, v37;
	v55 =	vsub.f32 $1.570796370e+00, v7  }
0x162: {  	v56 =	vmul.f32 $5.000000000e-01, v56;
	v50 =	vld.idx.msk [tilespmem:v50+s18+$0x0], $0xffff;
	v33 =	vsub.f32 $1.500000000e+00, v33;
	v34 =	vmul.f32 v34, v39  }
0x163: {  	v0 =	vld.idx.msk [tilespmem:v0+s18+$0x0], $0xffff;
	v10 =	vsub.f32 $1.500000000e+00, v10;
	v32 =	vadd.f32 $4.290961470e-02, v32;
	v7 =	vsel vm2, v55, v7  }
0x164: {  	v53 =	vld.idx.msk [tilespmem:v53+s18+$0x0], $0xffff;
	v8 =	vmul.f32 v33, v8;
	v33 =	vsub.f32 $1.500000000e+00, v34;
	v34 =	vsub.f32 $3.141592740e+00, v7  }
0x165: {  	vm2 =	vlt.f32 v46, $0.0e+00;
	v46 =	vmovc v30;
	v52 =	vld.idx.msk [tilespmem:v52+s18+$0x0], $0xffff;
	v10 =	vmul.f32 v10, v11;
	v11 =	vmul.f32 v32, v37  }
0x166: {  	v32 =	vld.idx.msk [tilespmem:v54+s18+$0x0], $0xffff;
	v8 =	vmul.f32 v8, v21;
	v39 =	vmul.f32 v33, v39;
	v7 =	vsel vm2, v34, v7  }
0x167: {  	v30 =	vmovc v12;
	v10 =	vmul.f32 v10, v24;
	v11 =	vadd.f32 $-7.528963680e-02, v11;
	v21 =	vsub.f32 $0.0e+00, v7  }
0x168: {  	vm2 =	vlt.f32 v47, $0.0e+00;
	v47 =	vmovc v41;
	v8 =	vadd.f32 $9.999999710e-10, v8;
	v12 =	vmul.f32 v39, v45  }
0x169: {  	v4 =	vsub.f32 v4, v0;
	v10 =	vadd.f32 $9.999999710e-10, v10;
	v11 =	vmul.f32 v11, v37  }
0x16a: {  	v24 =	vsub.f32 v48, v53;
	v7 =	vsel vm2, v21, v7;
	v12 =	vmul.f32 v12, v39;
	v34 =	vld.idx.msk [tilespmem:v49+s15+$0x0], $0xffff  }
0x16b: {  	v0 =	vsub.f32 v9, v0;
	v41 =	vsub.f32 v50, v52;
	v49 =	vmovc v19;
	v8 =	vmul.f32 v10, v8  }
0x16c: {  	v19 =	vmovc v44;
	v44 =	vmovc v2;
	v9 =	vsub.f32 v32, v52;
	v10 =	vmul.f32 v4, v4;
	v12 =	vsub.f32 $1.500000000e+00, v12  }
0x16d: {  	v21 =	vsub.f32 v51, v53;
	v33 =	vmul.f32 v0, v4;
	v2 =	vmovc v5;
	v32 =	vmul.f32 v41, v41  }
0x16e: {  	v5 =	vadd.f32 $1.065626370e-01, v11;
	v4 =	vmul.f32 v9, v9;
	(erf) = vrcp.f32 v8  }
0x16f: {  	v11 =	vmul.f32 v0, v0;
	v8 =	vadd.f32 v32, v10;
	v10 =	vmul.f32 v24, v24  }
0x170: {  	v48 =	vmul.f32 v21, v21;
	v32 =	vmul.f32 v21, v24;
	v0 =	vsub.f32 v7, v34  }
0x171: {  	v5 =	vmul.f32 v5, v37;
	v7 =	vmul.f32 v12, v39;
	v21 =	vadd.f32 v10, v8  }
0x172: {  	v39 =	vmul.f32 v9, v41;
	v8 =	vadd.f32 v4, v11;
	v4 =	vmul.f32 v0, v56  }
0x173: {  	v5 =	vadd.f32 $-1.420889940e-01, v5;
	v41 =	vmul.f32 v7, v3;
	v9 =	vmax.f32 v21, $1.000000000e-30  }
.Ltmp6:
0x174: {  	v45 =	vand.u32 $0x7FFFFFFF, v30;
	v3 =	vshrl.u32 v9, $0x1;
	v34 =	vmul.f32 $5.000000000e-01, v9;
	(pc) =	sbr.rel @p5 .LBB2_13-.Ltmp6, $4  }
0x175: {  	v24 =	vadd.f32 v48, v8;
	v48 =	vand.u32 $0x7FFFFFFF, v41;
	v3 =	vsub.s32 $0x5F3759DF, v3  }
0x176: {  	v9 =	vmul.f32 v5, v37;
	v8 =	vmax.f32 v45, v48;
	v7 =	vmul.f32 v3, v34  }
0x177: {  	v10 =	vmax.f32 v24, $1.000000000e-30;
	v5 =	vmin.f32 v45, v48;
	v51 =	vmax.f32 v8, $1.000000000e-30;
	v12 =	vpop (erf)  }
0x178: {  	v50 =	vshrl.u32 v10, $0x1;
	v11 =	vmul.f32 v3, v7;
	v12 =	vmul.f32 v12, v6  }
0x179: {  	v53 =	vld [tilespmem:$0x1FFA0]  }
0x17a: {  	v7 =	vmov v17;
	v54 =	vld [tilespmem:$0x1FFB0]  }
0x17b: {  	v8 =	vmovc v19;
	v6 =	vmovc v42;
	v17 =	vmov v1;
	v1 =	vmov v44;
	v19 =	vmov v2;
	v56 =	vld [tilespmem:$0x1FFC0]  }
.LBB2_15:
0x17c: {  	v2 =	vmul.f32 $5.000000000e-01, v10  }
0x17d: {  	v63 =	vsub.s32 $0x5F3759DF, v50  }
0x17e: {  	v42 =	vmul.f32 v63, v2;
	_ =	sdelay $0x1  }
0x17f: {  	v42 =	vmul.f32 v63, v42;
	_ =	sdelay $0x1  }
0x180: {  	v11 =	vsub.f32 $1.500000000e+00, v11;
	v42 =	vsub.f32 $1.500000000e+00, v42;
	_ =	sdelay $0x1  }
0x181: {  	v3 =	vmul.f32 v3, v11;
	v10 =	vmul.f32 v63, v42;
	_ =	sdelay $0x1  }
0x182: {  	v11 =	vmul.f32 v3, v34;
	v42 =	vmul.f32 v10, v2;
	_ =	sdelay $0x1  }
0x183: {  	v11 =	vmul.f32 v11, v3;
	v42 =	vmul.f32 v42, v10;
	_ =	sdelay $0x1  }
0x184: {  	v11 =	vsub.f32 $1.500000000e+00, v11;
	v42 =	vsub.f32 $1.500000000e+00, v42;
	_ =	sdelay $0x1  }
0x185: {  	v3 =	vmul.f32 v11, v3;
	v10 =	vmul.f32 v42, v10;
	_ =	sdelay $0x1  }
0x186: {  	v11 =	vmul.f32 v3, v34;
	v2 =	vmul.f32 v10, v2;
	_ =	sdelay $0x1  }
0x187: {  	v11 =	vmul.f32 v11, v3;
	v2 =	vmul.f32 v2, v10;
	_ =	sdelay $0x1  }
0x188: {  	v11 =	vsub.f32 $1.500000000e+00, v11;
	v2 =	vsub.f32 $1.500000000e+00, v2;
	_ =	sdelay $0x1  }
0x189: {  	v3 =	vmul.f32 v11, v3;
	v2 =	vmul.f32 v2, v10;
	_ =	sdelay $0x1  }
0x18a: {  	v3 =	vmul.f32 v3, v21;
	v2 =	vmul.f32 v2, v24;
	_ =	sdelay $0x1  }
0x18b: {  	v3 =	vadd.f32 $9.999999710e-10, v3;
	v2 =	vadd.f32 $9.999999710e-10, v2;
	_ =	sdelay $0x1  }
0x18c: {  	v2 =	vmul.f32 v2, v3;
	v3 =	vmax.f32 @p1 v12, $-9.999998800e-01  }
0x18d: {  	(erf) = vrcp.f32 @p2 v51;
	v3 =	vmin.f32 @p1 v3, $9.999998800e-01  }
0x18e: {  	(erf) = vrcp.f32 v2;
	v2 =	vsub.f32 @p1 $1.000000000e+00, v3;
	v10 =	vadd.f32 @p1 $1.000000000e+00, v3;
	_ =	sdelay $0x1  }
0x18f: {  	v10 =	vmul.f32 @p1 v10, v2;
	_ =	sdelay $0x1  }
0x190: {  	v2 =	vmax.f32 @p1 v10, $1.000000000e-30  }
0x191: {  	v12 =	vshrl.u32 @p1 v2, $0x1;
	v21 =	vmul.f32 @p1 $5.000000000e-01, v2  }
0x192: {  	v12 =	vsub.s32 @p1 $0x5F3759DF, v12  }
0x193: {  	v39 =	vadd.f32 v39, v33;
	v11 =	vmul.f32 @p1 v12, v21;
	_ =	sdelay $0x1  }
0x194: {  	v42 =	vadd.f32 v32, v39;
	v24 =	vpop @p2 (erf);
	v11 =	vmul.f32 @p1 v12, v11  }
0x195: {  	v44 =	vpop (erf)  }
0x196: {  	v2 =	vmul.f32 v44, v42;
	v11 =	vsub.f32 @p1 $1.500000000e+00, v11;
	_ =	sdelay $0x1  }
0x197: {  	v2 =	vmax.f32 v2, $-9.999998800e-01;
	v11 =	vmul.f32 @p1 v12, v11  }
0x198: {  	v2 =	vmin.f32 v2, $9.999998800e-01  }
0x199: {  	v12 =	vsub.f32 $1.000000000e+00, v2;
	v50 =	vadd.f32 $1.000000000e+00, v2;
	v33 =	vmul.f32 @p1 v11, v21;
	_ =	sdelay $0x1  }
0x19a: {  	v12 =	vmul.f32 v50, v12;
	v32 =	vmul.f32 @p1 v33, v11;
	_ =	sdelay $0x1  }
0x19b: {  	v51 =	vmax.f32 v12, $1.000000000e-30;
	v32 =	vsub.f32 @p1 $1.500000000e+00, v32  }
0x19c: {  	v52 =	vshrl.u32 v51, $0x1;
	v33 =	vmul.f32 $5.000000000e-01, v51  }
0x19d: {  	v34 =	vsub.s32 $0x5F3759DF, v52;
	v11 =	vmul.f32 @p1 v32, v11  }
0x19e: {  	v55 =	vmul.f32 v34, v33  }
0x19f: {  	v21 =	vmul.f32 @p1 v11, v21  }
0x1a0: {  	v57 =	vmul.f32 v34, v55  }
0x1a1: {  	v21 =	vmul.f32 @p1 v21, v11  }
0x1a2: {  	v32 =	vsub.f32 $1.500000000e+00, v57  }
0x1a3: {  	v21 =	vsub.f32 @p1 $1.500000000e+00, v21  }
0x1a4: {  	v32 =	vmul.f32 v34, v32  }
0x1a5: {  	v11 =	vmul.f32 @p1 v21, v11  }
0x1a6: {  	v34 =	vmul.f32 v32, v33;
	_ =	sdelay $0x1  }
0x1a7: {  	v21 =	vmul.f32 v34, v32;
	v10 =	vmul.f32 @p1 v11, v10  }
0x1a8: {  	v11 =	vmov @p1 v3  }
0x1a9: {  	v3 =	vsub.f32 $1.500000000e+00, v21;
	v34 =	vand.u32 @p1 $0x7FFFFFFF, v10;
	v21 =	vand.u32 @p1 $0x7FFFFFFF, v11  }
0x1aa: {  	v39 =	vmax.f32 @p1 v21, v34  }
0x1ab: {  	v24 =	vmul.f32 @p2 v24, v5;
	v3 =	vmul.f32 v3, v32;
	v5 =	vmax.f32 @p1 v39, $1.000000000e-30  }
0x1ac: {  	v5 =	vpsel p1, v5, v35  }
0x1ad: {  	v32 =	vmul.f32 v3, v33;
	(erf) = vrcp.f32 @p1 v5  }
0x1ae: {  	v33 =	vmul.f32 @p2 v24, v24  }
0x1af: {  	v9 =	vadd.f32 @p3 $1.999355110e-01, v9;
	v5 =	vmul.f32 v32, v3  }
0x1b0: {  	v32 =	vmul.f32 @p2 $2.866225780e-03, v33  }
0x1b1: {  	v9 =	vmul.f32 @p3 v9, v37;
	v5 =	vsub.f32 $1.500000000e+00, v5  }
0x1b2: {  	v32 =	vadd.f32 @p2 $-1.616573710e-02, v32  }
0x1b3: {  	v3 =	vmul.f32 v5, v3;
	v5 =	vadd.f32 @p3 $-3.333314660e-01, v9  }
0x1b4: {  	v9 =	vmul.f32 @p2 v32, v33  }
0x1b5: {  	v3 =	vmul.f32 v3, v12;
	v12 =	vmul.f32 @p3 v5, v37;
	v5 =	vmin.f32 @p1 v21, v34  }
0x1b6: {  	v32 =	vadd.f32 @p2 $4.290961470e-02, v9;
	v35 =	vpsel p1, v5, v36;
	v36 =	vpop @p1 (erf)  }
0x1b7: {  	v5 =	vand.u32 $0x7FFFFFFF, v2;
	v58 =	vand.u32 $0x7FFFFFFF, v3;
	v35 =	vmul.f32 @p1 v36, v35  }
0x1b8: {  	v12 =	vadd.f32 @p3 $1.000000000e+00, v12;
	v32 =	vmul.f32 @p2 v32, v33;
	v59 =	vmax.f32 v5, v58  }
0x1b9: {  	v36 =	vmax.f32 v59, $1.000000000e-30;
	v37 =	vmul.f32 @p1 v35, v35  }
0x1ba: {  	v12 =	vmul.f32 @p3 v12, v38;
	v32 =	vadd.f32 @p2 $-7.528963680e-02, v32;
	(erf) = vrcp.f32 v36  }
0x1bb: {  	v36 =	vmul.f32 @p1 $2.866225780e-03, v37  }
0x1bc: {  	v38 =	vsub.f32 @p3 $1.570796370e+00, v12;
	v32 =	vmul.f32 @p2 v32, v33  }
0x1bd: {  	vm1 =	vmmov @p3 vm1;
	v36 =	vadd.f32 @p1 $-1.616573710e-02, v36  }
0x1be: {  	v12 =	vsel @p3 vm1, v38, v12;
	v32 =	vadd.f32 @p2 $1.065626370e-01, v32  }
0x1bf: {  	v38 =	vsub.f32 @p3 $3.141592740e+00, v12;
	v36 =	vmul.f32 @p1 v36, v37  }
0x1c0: {  	v4 =	vmul.f32 @p4 v4, v0;
	vm1 =	vlt.f32 @p3 v46, $0.0e+00;
	v0 =	vmul.f32 @p2 v32, v33  }
0x1c1: {  	v7 =	vpsel p2, v7, v15;
	v12 =	vsel @p3 vm1, v38, v12;
	v32 =	vadd.f32 @p1 $4.290961470e-02, v36  }
0x1c2: {  	v44 =	vadd.f32 @p2 $-1.420889940e-01, v0;
	v36 =	vsub.f32 @p3 $0.0e+00, v12  }
0x1c3: {  	v61 =	vmin.f32 v5, v58;
	vm1 =	vlt.f32 @p3 v47, $0.0e+00;
	v62 =	vpop (erf);
	v32 =	vmul.f32 @p1 v32, v37  }
0x1c4: {  	v63 =	vmul.f32 v62, v61;
	v12 =	vsel @p3 vm1, v36, v12;
	v36 =	vmul.f32 @p2 v44, v33  }
0x1c5: {  	vm2 =	vgt.f32 @p2 v48, v45;
	v6 =	vpsel p1, v6, v18  }
0x1c6: {  	v7 =	vld.idx.msk @p2 [tilespmem:v7+s15+$0x0], $0xffff;
	v32 =	vadd.f32 @p1 $-7.528963680e-02, v32;
	v46 =	vmul.f32 v63, v63;
	v31 =	vpsel p2, v36, v31  }
0x1c7: {  	v20 =	vpsel p2, v30, v20;
	v4 =	vadd.f32 @p4 v4, v40;
	v31 =	vadd.f32 @p2 $1.999355110e-01, v31  }
0x1c8: {  	v26 =	vpsel p2, v33, v26;
	v32 =	vmul.f32 @p1 v32, v37;
	v47 =	vmul.f32 $2.866225780e-03, v46  }
0x1c9: {  	v8 =	vpsel p2, v8, v14;
	v1 =	vpsel p1, v1, v16;
	v31 =	vmul.f32 @p2 v31, v26  }
0x1ca: {  	v4 =	vpsel p4, v4, v13;
	v32 =	vadd.f32 @p1 $1.065626370e-01, v32;
	v48 =	vadd.f32 $-1.616573710e-02, v47  }
0x1cb: {  	v7 =	vmul.f32 @p2 $5.000000000e-01, v7;
	v18 =	vpsel p2, v24, v25;
	v25 =	vmovc @p2 v41;
	v39 =	vld.idx.msk @p3 [tilespmem:v43+s15+$0x0], $0xffff;
	v31 =	vadd.f32 @p2 $-3.333314660e-01, v31  }
0x1cc: {  	s19 =	sadd.s32 $0x0, s8;
	v21 =	vpsel p1, v21, v28;
	v38 =	vld.idx.msk @p3 [tilespmem:v49+s15+$0x0], $0xffff;
	v28 =	vmul.f32 @p1 v32, v37;
	v49 =	vmul.f32 v48, v46  }
0x1cd: {  	v22 =	vpsel p2, v25, v22;
	v25 =	vor.u32 s19, v60;
	v24 =	vmul.f32 @p2 v31, v26  }
0x1ce: {  	vm14 =	vlt.f32 v2, $0.0e+00;
	v15 =	vadd.f32 @p1 $-1.420889940e-01, v28;
	v28 =	vadd.f32 $4.290961470e-02, v49  }
0x1cf: {  	v10 =	vpsel p1, v10, v27;
	v11 =	vpsel p1, v11, v23;
	v23 =	vadd.f32 @p2 $1.000000000e+00, v24  }
0x1d0: {  	v29 =	vpsel p1, v34, v29;
	v15 =	vmul.f32 @p1 v15, v37;
	v26 =	vmul.f32 v28, v46  }
0x1d1: {  	v39 =	vmul.f32 @p3 $5.000000000e-01, v39;
	vm1 =	vmmov @p2 vm2;
	v14 =	vmul.f32 @p2 v23, v18  }
0x1d2: {  	vm0 =	vmmov @p2 vm1;
	v15 =	vpsel p1, v15, v63;
	v24 =	vadd.f32 $-7.528963680e-02, v26  }
0x1d3: {  	vm0 =	vmmov @p2 vm0;
	v15 =	vadd.f32 @p1 $1.999355110e-01, v15;
	v16 =	vsub.f32 @p2 $1.570796370e+00, v14  }
0x1d4: {  	v18 =	vpsel p1, v37, v63;
	v23 =	vmul.f32 v24, v46;
	v24 =	vor.u32 s19, v53  }
0x1d5: {  	v12 =	vsub.f32 @p3 v12, v38;
	v15 =	vmul.f32 @p1 v15, v18;
	v14 =	vsel @p2 vm0, v16, v14  }
0x1d6: {  	vm13 =	vgt.f32 v58, v5;
	v23 =	vadd.f32 $1.065626370e-01, v23;
	v16 =	vsub.f32 @p2 $3.141592740e+00, v14  }
0x1d7: {  	vm1 =	vlt.f32 @p2 v20, $0.0e+00;
	vm0 =	vgt.f32 @p1 v29, v21;
	v15 =	vadd.f32 @p1 $-3.333314660e-01, v15  }
0x1d8: {  	v21 =	vmul.f32 v23, v46;
	v14 =	vsel @p2 vm1, v16, v14;
	vm1 =	vlt.f32 @p2 v22, $0.0e+00;
	v22 =	vld.idx.msk [tilespmem:v25+s14+$0x0], $0xffff  }
0x1d9: {  	vm15 =	vlt.f32 v3, $0.0e+00;
	v20 =	vmovc @p1 v35;
	v6 =	vpsel p1, v6, v63;
	v15 =	vmul.f32 @p1 v15, v18;
	v18 =	vld.idx.msk [tilespmem:v24+s14+$0x0], $0xffff  }
0x1da: {  	v8 =	vld.idx.msk @p2 [tilespmem:v8+s15+$0x0], $0xffff;
	v20 =	vpsel p1, v20, v63;
	v38 =	vmul.f32 @p3 v12, v39;
	v16 =	vadd.f32 $-1.420889940e-01, v21  }
0x1db: {  	v1 =	vpsel p1, v1, v63;
	v12 =	vpsel p3, v12, v63;
	v21 =	vsub.f32 @p2 $0.0e+00, v14  }
0x1dc: {  	v36 =	vpsel p3, v38, v63;
	v15 =	vadd.f32 @p1 $1.000000000e+00, v15;
	v16 =	vmul.f32 v16, v46  }
0x1dd: {  	vm0 =	vmmov @p1 vm0;
	v14 =	vsel @p2 vm1, v21, v14;
	v21 =	vmul.u32 $0x3, v22  }
0x1de: {  	v15 =	vmul.f32 @p1 v15, v20;
	v20 =	vld [tilespmem:$0x1FF60];
	v16 =	vadd.f32 $1.999355110e-01, v16;
	v18 =	vmul.u32 $0x3, v18  }
0x1df: {  	v12 =	vmul.f32 @p3 v36, v12;
	vm0 =	vmmov @p1 vm0;
	v8 =	vsub.f32 @p2 v14, v8  }
0x1e0: {  	v14 =	vsub.f32 @p1 $1.570796370e+00, v15;
	v23 =	vadd.s32 $0x2, v21;
	v16 =	vmul.f32 v16, v46  }
0x1e1: {  	v6 =	vld.idx.msk @p1 [tilespmem:v6+s15+$0x0], $0xffff;
	v4 =	vadd.f32 @p3 v12, v4;
	vm0 =	vmmov @p1 vm0;
	v22 =	vadd.s32 $0x1, v18  }
0x1e2: {  	s18 =	simm.s32 $0x0;
	v1 =	vld.idx.msk @p1 [tilespmem:v1+s15+$0x0], $0xffff;
	v12 =	vsel @p1 vm0, v14, v15;
	v15 =	vadd.s32 $0x1, v21;
	v14 =	vadd.f32 $-3.333314660e-01, v16  }
0x1e3: {  	v11 =	vpsel p1, v11, v63;
	v20 =	vor.u32 s19, v20;
	v16 =	vsub.f32 @p1 $3.141592740e+00, v12;
	v38 =	vld.idx.msk [tilespmem:v21+s18+$0x0], $0xffff  }
0x1e4: {  	vm0 =	vlt.f32 @p1 v11, $0.0e+00;
	v50 =	vmul.f32 v14, v46;
	v14 =	vadd.s32 $0x2, v18;
	v46 =	vld.idx.msk [tilespmem:v18+s18+$0x0], $0xffff  }
0x1e5: {  	v7 =	vmul.f32 @p2 v8, v7;
	v12 =	vsel @p1 vm0, v16, v12;
	v16 =	vor.u32 s19, v54;
	v48 =	vld.idx.msk [tilespmem:v23+s18+$0x0], $0xffff  }
0x1e6: {  	v10 =	vpsel p1, v10, v63;
	v37 =	vld.idx.msk [tilespmem:v22+s18+$0x0], $0xffff;
	v18 =	vsub.f32 @p1 $0.0e+00, v12;
	v11 =	vadd.f32 $1.000000000e+00, v50  }
0x1e7: {  	v8 =	vpsel p2, v8, v63;
	v7 =	vpsel p2, v7, v63;
	vm0 =	vlt.f32 @p1 v10, $0.0e+00;
	v15 =	vld.idx.msk [tilespmem:v15+s18+$0x0], $0xffff  }
0x1e8: {  	v7 =	vmul.f32 @p2 v7, v8;
	v20 =	vld.idx.msk [tilespmem:v20+s14+$0x0], $0xffff;
	v8 =	vsel @p1 vm0, v18, v12;
	v0 =	vmul.f32 v11, v63  }
0x1e9: {  	v4 =	vpsel p3, v4, v13;
	v5 =	vmul.f32 @p1 $5.000000000e-01, v6;
	v1 =	vsub.f32 @p1 v8, v1;
	v18 =	vld.idx.msk [tilespmem:v14+s18+$0x0], $0xffff  }
0x1ea: {  	v4 =	vadd.f32 @p2 v7, v4;
	vm0 =	vmmov vm13;
	v7 =	vld.idx.msk [tilespmem:v16+s14+$0x0], $0xffff;
	v6 =	vsub.f32 $1.570796370e+00, v0  }
0x1eb: {  	vm0 =	vmmov vm0;
	v55 =	vsub.f32 v46, v38;
	v5 =	vmul.f32 @p1 v1, v5  }
0x1ec: {  	v1 =	vpsel p1, v1, v0;
	v50 =	vsub.f32 v37, v15;
	v0 =	vsel vm0, v6, v0  }
0x1ed: {  	v57 =	vld.idx.msk [tilespmem:v19+s15+$0x0], $0xffff;
	v59 =	vmul.f32 v55, v55;
	v52 =	vmul.u32 $0x3, v20;
	v51 =	vsub.f32 $3.141592740e+00, v0  }
0x1ee: {  	v6 =	vld.idx.msk [tilespmem:v17+s15+$0x0], $0xffff;
	v58 =	vmul.f32 v50, v50;
	v5 =	vpsel p1, v5, v0;
	v44 =	vsub.f32 v18, v48  }
0x1ef: {  	v7 =	vmul.u32 $0x3, v7;
	v1 =	vmul.f32 @p1 v5, v1;
	v0 =	vsel vm14, v51, v0  }
0x1f0: {  	v10 =	vadd.f32 v58, v59;
	v8 =	vsub.f32 $0.0e+00, v0;
	v12 =	vmul.f32 v44, v44  }
0x1f1: {  	v4 =	vpsel p2, v4, v13;
	v3 =	vadd.s32 $0x2, v52;
	v61 =	vadd.s32 $0x1, v52  }
0x1f2: {  	v1 =	vadd.f32 @p1 v1, v4;
	v0 =	vsel vm15, v8, v0;
	v20 =	vadd.f32 v12, v10  }
0x1f3: {  	v62 =	vadd.s32 $0x1, v7;
	v6 =	vmul.f32 $5.000000000e-01, v6;
	v0 =	vsub.f32 v0, v57  }
0x1f4: {  	v63 =	vadd.s32 $0x2, v7;
	v52 =	vld.idx.msk [tilespmem:v52+s18+$0x0], $0xffff;
	v1 =	vpsel p1, v1, v13;
	p1 =	por $0x1, $0x1;
	v5 =	vmax.f32 v20, $1.000000000e-30  }
.Ltmp7:
0x1f5: {  	v42 =	vld.idx.msk [tilespmem:v7+s18+$0x0], $0xffff;
	v6 =	vmul.f32 v0, v6;
	v7 =	vshrl.u32 v5, $0x1;
	v51 =	vmul.f32 $5.000000000e-01, v5;
	(pc) =	sbr.rel @!p1 .LBB2_16-.Ltmp7, $4  }
0x1f6: {  	v22 =	vld.idx.msk [tilespmem:v3+s18+$0x0], $0xffff;
	v29 =	vsub.s32 $0x5F3759DF, v7  }
0x1f7: {  	v24 =	vld.idx.msk [tilespmem:v61+s18+$0x0], $0xffff;
	v0 =	vmul.f32 v6, v0;
	v3 =	vmul.f32 v29, v51  }
0x1f8: {  	v5 =	vld.idx.msk [tilespmem:v62+s18+$0x0], $0xffff  }
0x1f9: {  	v45 =	vor.u32 s19, v56;
	v31 =	vld.idx.msk [tilespmem:v63+s18+$0x0], $0xffff;
	v57 =	vadd.f32 v0, v1;
	v59 =	vmul.f32 v29, v3  }
0x1fa: {  	s19 =	sadd.s32 $0x10, s8  }
0x1fb: {  	v0 =	vor.u32 s19, v53  }
0x1fc: {  	v1 =	vor.u32 s19, v60;
	_ =	sdelay $0x2  }
0x1fd: {  	v2 =	vld [tilespmem:$0x1FF60]  }
0x1fe: {  	v0 =	vld.idx.msk [tilespmem:v0+s14+$0x0], $0xffff  }
0x1ff: {  	v1 =	vld.idx.msk [tilespmem:v1+s14+$0x0], $0xffff;
	_ =	sdelay $0x3  }
0x200: {  	v2 =	vor.u32 s19, v2;
	v0 =	vmul.u32 $0x3, v0  }
0x201: {  	v1 =	vmul.u32 $0x3, v1;
	_ =	sdelay $0x1  }
0x202: {  	v3 =	vadd.s32 $0x1, v0  }
0x203: {  	v4 =	vadd.s32 $0x1, v1  }
0x204: {  	s18 =	simm.s32 $0x0;
	v2 =	vld.idx.msk [tilespmem:v2+s14+$0x0], $0xffff;
	v6 =	vadd.s32 $0x2, v1  }
0x205: {  	v7 =	vadd.s32 $0x2, v0;
	v17 =	vld.idx.msk [tilespmem:v0+s18+$0x0], $0xffff  }
0x206: {  	v0 =	vor.u32 s19, v54;
	v16 =	vld.idx.msk [tilespmem:v1+s18+$0x0], $0xffff  }
0x207: {  	v13 =	vld.idx.msk [tilespmem:v3+s18+$0x0], $0xffff  }
0x208: {  	v9 =	vld.idx.msk [tilespmem:v4+s18+$0x0], $0xffff  }
0x209: {  	v19 =	vld.idx.msk [tilespmem:v6+s18+$0x0], $0xffff  }
0x20a: {  	v8 =	vld.idx.msk [tilespmem:v7+s18+$0x0], $0xffff  }
0x20b: {  	v0 =	vld.idx.msk [tilespmem:v0+s14+$0x0], $0xffff;
	_ =	sdelay $0x1  }
0x20c: {  	v11 =	vsub.f32 v17, v16;
	v10 =	vsub.f32 v13, v9  }
0x20d: {  	v1 =	vmul.u32 $0x3, v2;
	v2 =	vsub.f32 $1.500000000e+00, v59  }
0x20e: {  	v14 =	vsub.f32 v8, v19;
	v4 =	vmul.f32 v11, v11;
	v3 =	vmul.f32 v10, v10  }
0x20f: {  	v0 =	vmul.u32 $0x3, v0  }
0x210: {  	v6 =	vmul.f32 v29, v2;
	v2 =	vmul.f32 v14, v14;
	v3 =	vadd.f32 v3, v4  }
0x211: {  	v12 =	vadd.s32 $0x1, v1  }
0x212: {  	v58 =	vmov v15;
	v15 =	vadd.f32 v2, v3;
	_ =	sdelay $0x1  }
0x213: {  	v7 =	vmul.f32 v6, v51;
	v26 =	vld.idx.msk [tilespmem:v1+s18+$0x0], $0xffff;
	v4 =	vadd.s32 $0x2, v1;
	v2 =	vmax.f32 v15, $1.000000000e-30  }
0x214: {  	v30 =	vmovc v18;
	v18 =	vadd.s32 $0x1, v0;
	v1 =	vadd.s32 $0x2, v0;
	v28 =	vld.idx.msk [tilespmem:v0+s18+$0x0], $0xffff;
	v0 =	vshrl.u32 v2, $0x1  }
0x215: {  	v29 =	vsub.s32 $0x5F3759DF, v0;
	v0 =	vld.idx.msk [tilespmem:v12+s18+$0x0], $0xffff  }
0x216: {  	v7 =	vmul.f32 v7, v6;
	v3 =	vld.idx.msk [tilespmem:v45+s14+$0x0], $0xffff  }
0x217: {  	p2 =	por $0x1, $0x1  }
.Ltmp8:
0x218: {  	v7 =	vsub.f32 $1.500000000e+00, v7;
	v2 =	vmul.f32 $5.000000000e-01, v2;
	(pc) =	sbr.rel @!p2 .LBB2_18-.Ltmp8, $4  }
0x219: {  	_ = 	snop  }
0x21a: {  	v49 =	vmul.f32 v7, v6;
	v23 =	vld.idx.msk [tilespmem:v4+s18+$0x0], $0xffff;
	[tilespmem:$0x1FF00] =	vst v0;
	v0 =	vmul.f32 v29, v2  }
0x21b: {  	v47 =	vmov v53;
	v45 =	vor.u32 s19, v56;
	v4 =	vadd.s32 $0x50, v3;
	v27 =	vld.idx.msk [tilespmem:v18+s18+$0x0], $0xffff  }
0x21c: {  	p1 =	por $0x1, $0x1;
	v53 =	vadd.s32 $0x40, v3;
	v18 =	vld.idx.msk [tilespmem:v1+s18+$0x0], $0xffff;
	v3 =	vmul.f32 v49, v51;
	[tilespmem:$0x1FF10] =	vst v4;
	v59 =	vmul.f32 v29, v0  }
0x21d: {  	s19 =	sadd.s32 $0x20, s8  }
0x21e: {  	v0 =	vor.u32 s19, v47  }
0x21f: {  	v1 =	vor.u32 s19, v60  }
0x220: {  	v3 =	vmul.f32 v3, v49;
	_ =	sdelay $0x1  }
0x221: {  	v4 =	vld [tilespmem:$0x1FF60];
	v3 =	vsub.f32 $1.500000000e+00, v3  }
0x222: {  	v0 =	vld.idx.msk [tilespmem:v0+s14+$0x0], $0xffff  }
0x223: {  	v3 =	vmul.f32 v3, v49;
	v1 =	vld.idx.msk [tilespmem:v1+s14+$0x0], $0xffff;
	_ =	sdelay $0x1  }
0x224: {  	v3 =	vmul.f32 v3, v20  }
0x225: {  	v6 =	vor.u32 s19, v54  }
0x226: {  	v4 =	vor.u32 s19, v4;
	v3 =	vadd.f32 $9.999999710e-10, v3;
	v0 =	vmul.u32 $0x3, v0  }
0x227: {  	v1 =	vmul.u32 $0x3, v1  }
0x228: {  	(erf) = vrcp.f32 v3  }
0x229: {  	v7 =	vld.idx.msk [tilespmem:v45+s14+$0x0], $0xffff;
	v3 =	vadd.s32 $0x1, v0  }
0x22a: {  	v6 =	vld.idx.msk [tilespmem:v6+s14+$0x0], $0xffff;
	v12 =	vadd.s32 $0x2, v1  }
0x22b: {  	s18 =	simm.s32 $0x0;
	v4 =	vld.idx.msk [tilespmem:v4+s14+$0x0], $0xffff;
	v20 =	vadd.s32 $0x1, v1  }
0x22c: {  	v21 =	vadd.s32 $0x2, v0;
	v32 =	vld.idx.msk [tilespmem:v0+s18+$0x0], $0xffff  }
0x22d: {  	v35 =	vld.idx.msk [tilespmem:v1+s18+$0x0], $0xffff  }
0x22e: {  	v61 =	vsub.f32 v42, v46;
	v33 =	vld.idx.msk [tilespmem:v3+s18+$0x0], $0xffff  }
0x22f: {  	v5 =	vsub.f32 v5, v37;
	v0 =	vsub.f32 v22, v48;
	v48 =	vld.idx.msk [tilespmem:v12+s18+$0x0], $0xffff  }
0x230: {  	v45 =	vor.u32 s19, v56;
	v41 =	vsub.f32 $1.500000000e+00, v59;
	v1 =	vadd.s32 $0x40, v7;
	v36 =	vld.idx.msk [tilespmem:v20+s18+$0x0], $0xffff  }
0x231: {  	v3 =	vadd.s32 $0x50, v7;
	[tilespmem:$0x1FE50] =	vst v1;
	v1 =	vmul.u32 $0x3, v4;
	v34 =	vld.idx.msk [tilespmem:v21+s18+$0x0], $0xffff;
	v12 =	vsub.f32 v24, v58;
	v4 =	vpop (erf)  }
0x232: {  	[tilespmem:$0x1FE40] =	vst v3;
	v3 =	vmul.u32 $0x3, v6;
	v6 =	vsub.f32 v52, v38;
	v20 =	vmul.f32 v4, v55  }
0x233: {  	v21 =	vsub.f32 v31, v30;
	v7 =	vadd.s32 $0x1, v1;
	v62 =	vmul.f32 v4, v50  }
0x234: {  	v63 =	vmul.f32 v4, v44;
	v55 =	vsub.f32 v32, v35;
	v4 =	vmul.f32 v20, v6  }
0x235: {  	v22 =	vmul.f32 v20, v61;
	v24 =	vmul.f32 v62, v5;
	v50 =	vsub.f32 v33, v36  }
0x236: {  	v25 =	vmul.f32 v62, v12;
	v31 =	vmul.f32 v63, v21;
	v44 =	vsub.f32 v34, v48  }
0x237: {  	v42 =	vmul.f32 v55, v55;
	v22 =	vadd.f32 v24, v22;
	v24 =	vmul.f32 v50, v50  }
0x238: {  	v43 =	vmul.f32 v63, v0;
	v4 =	vadd.f32 v25, v4;
	v25 =	vmul.f32 v44, v44  }
0x239: {  	[tilespmem:$0x1FE70] =	vst v36;
	v22 =	vadd.f32 v22, v31;
	v31 =	vmul.f32 v29, v41;
	v24 =	vadd.f32 v24, v42  }
0x23a: {  	[tilespmem:$0x1FE90] =	vst v34;
	v34 =	vadd.s32 $0x2, v1;
	v36 =	vadd.s32 $0x1, v3;
	v4 =	vadd.f32 v4, v43  }
0x23b: {  	v49 =	vmul.f32 v22, v62;
	v29 =	vmul.f32 v31, v2;
	v41 =	vadd.f32 v25, v24  }
0x23c: {  	v24 =	vadd.s32 $0x2, v3;
	v25 =	vmul.f32 v22, v63;
	v46 =	vmul.f32 v4, v62  }
0x23d: {  	v59 =	vmul.f32 v4, v63;
	v39 =	vmul.f32 v29, v31;
	v29 =	vmax.f32 v41, $1.000000000e-30  }
0x23e: {  	p3 =	por $0x1, $0x1;
	[tilespmem:$0x1FE80] =	vst v32;
	v52 =	vld.idx.msk [tilespmem:v1+s18+$0x0], $0xffff;
	v32 =	vmul.f32 v22, v20;
	v1 =	vshrl.u32 v29, $0x1;
	v51 =	vmul.f32 $5.000000000e-01, v29  }
.Ltmp9:
0x23f: {  	v58 =	vmovc v35;
	[tilespmem:$0x1FE60] =	vst v33;
	v40 =	vld.idx.msk [tilespmem:v7+s18+$0x0], $0xffff;
	v43 =	vsub.f32 v12, v46;
	v29 =	vsub.s32 $0x5F3759DF, v1;
	v1 =	vsub.f32 $1.500000000e+00, v39;
	(pc) =	sbr.rel @!p3 .LBB2_20-.Ltmp9, $4  }
0x240: {  	v42 =	vld.idx.msk [tilespmem:v3+s18+$0x0], $0xffff;
	v3 =	vmul.f32 v4, v20;
	v0 =	vsub.f32 v0, v59;
	v12 =	vmul.f32 v29, v51  }
0x241: {  	v35 =	vld.idx.msk [tilespmem:v34+s18+$0x0], $0xffff;
	v34 =	vsub.f32 v5, v49;
	v4 =	vmul.f32 v43, v20;
	v49 =	vmul.f32 v1, v31  }
0x242: {  	v5 =	vld.idx.msk [tilespmem:v36+s18+$0x0], $0xffff;
	v6 =	vsub.f32 v6, v3;
	v59 =	vmul.f32 v29, v12;
	v12 =	vmul.f32 v0, v62  }
0x243: {  	p2 =	por $0x1, $0x1;
	v7 =	vsub.f32 v21, v25;
	v31 =	vld.idx.msk [tilespmem:v24+s18+$0x0], $0xffff;
	v3 =	vmul.f32 v49, v2;
	v2 =	vmul.f32 v0, v20  }
0x244: {  	_ = 	snop  }
0x245: {  	s19 =	sadd.s32 $0x30, s8;
	v3 =	vmul.f32 v3, v49  }
0x246: {  	v25 =	vmul.f32 v6, v62;
	v1 =	vor.u32 s19, v47  }
0x247: {  	v21 =	vmul.f32 v6, v63;
	v20 =	vor.u32 s19, v60;
	v3 =	vsub.f32 $1.500000000e+00, v3  }
0x248: {  	v22 =	vmul.f32 v43, v63;
	v24 =	vsub.f32 v61, v32;
	v4 =	vsub.f32 v4, v25  }
0x249: {  	v0 =	vmul.f32 v7, v0;
	v2 =	vsub.f32 v21, v2;
	v3 =	vmul.f32 v3, v49  }
0x24a: {  	v21 =	vmul.f32 v34, v43;
	v12 =	vsub.f32 v12, v22;
	v4 =	vmul.f32 v4, v7;
	v7 =	vld [tilespmem:$0x1FF60]  }
0x24b: {  	v6 =	vmul.f32 v24, v6;
	v1 =	vld.idx.msk [tilespmem:v1+s14+$0x0], $0xffff;
	v3 =	vmul.f32 v3, v15  }
0x24c: {  	v2 =	vmul.f32 v2, v34;
	v12 =	vmul.f32 v12, v24;
	v20 =	vld.idx.msk [tilespmem:v20+s14+$0x0], $0xffff  }
0x24d: {  	v6 =	vadd.f32 v21, v6;
	v3 =	vadd.f32 $9.999999710e-10, v3  }
0x24e: {  	v2 =	vadd.f32 v2, v12  }
0x24f: {  	v38 =	vadd.f32 v6, v0;
	v0 =	vor.u32 s19, v54;
	(erf) = vrcp.f32 v3  }
0x250: {  	v7 =	vor.u32 s19, v7;
	v1 =	vmul.u32 $0x3, v1  }
0x251: {  	v24 =	vadd.f32 v2, v4;
	v2 =	vmul.u32 $0x3, v20;
	_ =	sdelay $0x1  }
0x252: {  	v4 =	vld.idx.msk [tilespmem:v45+s14+$0x0], $0xffff;
	v12 =	vadd.s32 $0x1, v1  }
0x253: {  	[tilespmem:$0x1FCD0] =	vst v57;
	v57 =	vmovc v31;
	v6 =	vand.u32 $0x7FFFFFFF, v24;
	v3 =	vand.u32 $0x7FFFFFFF, v38;
	v0 =	vld.idx.msk [tilespmem:v0+s14+$0x0], $0xffff;
	v21 =	vadd.s32 $0x2, v2  }
0x254: {  	s18 =	simm.s32 $0x0;
	v15 =	vmax.f32 v3, v6;
	v31 =	vmin.f32 v3, v6;
	vm0 =	vgt.f32 v6, v3;
	v7 =	vld.idx.msk [tilespmem:v7+s14+$0x0], $0xffff  }
0x255: {  	v3 =	vsub.f32 v23, v19;
	v22 =	vadd.s32 $0x2, v1;
	v15 =	vmax.f32 v15, $1.000000000e-30;
	v49 =	vld.idx.msk [tilespmem:v1+s18+$0x0], $0xffff  }
0x256: {  	v19 =	vsub.f32 v28, v17;
	v25 =	vadd.s32 $0x1, v2;
	(erf) = vrcp.f32 v15;
	v28 =	vld.idx.msk [tilespmem:v2+s18+$0x0], $0xffff  }
0x257: {  	v20 =	vld.idx.msk [tilespmem:v12+s18+$0x0], $0xffff;
	v6 =	vpop (erf)  }
0x258: {  	v15 =	vld.idx.msk [tilespmem:v21+s18+$0x0], $0xffff;
	v11 =	vmul.f32 v6, v11  }
0x259: {  	v63 =	vmul.f32 v6, v14;
	v62 =	vmul.f32 v6, v10;
	v6 =	vld [tilespmem:$0x1FF00]  }
0x25a: {  	v33 =	vadd.s32 $0x50, v4;
	v1 =	vld.idx.msk [tilespmem:v22+s18+$0x0], $0xffff  }
0x25b: {  	v36 =	vadd.s32 $0x40, v4;
	v12 =	vsub.f32 v27, v13;
	v13 =	vld.idx.msk [tilespmem:v25+s18+$0x0], $0xffff;
	v4 =	vmul.u32 $0x3, v7  }
0x25c: {  	v8 =	vsub.f32 v18, v8;
	v7 =	vsub.f32 v26, v16  }
0x25d: {  	v0 =	vmul.u32 $0x3, v0;
	v21 =	vadd.s32 $0x1, v4;
	v18 =	vsub.f32 v49, v28  }
0x25e: {  	v2 =	vmul.f32 v11, v7;
	v23 =	vmul.f32 v63, v3;
	v6 =	vsub.f32 v6, v9  }
0x25f: {  	[tilespmem:$0x1FD40] =	vst v24;
	v10 =	vpop (erf);
	v25 =	vmul.f32 v62, v12;
	v17 =	vsub.f32 v1, v15;
	v9 =	vmul.f32 v11, v19  }
0x260: {  	[tilespmem:$0x1FCF0] =	vst v15;
	v16 =	vsub.f32 v20, v13;
	v15 =	vmul.f32 v10, v31;
	v26 =	vmul.f32 v62, v6  }
0x261: {  	[tilespmem:$0x1FD20] =	vst v49;
	v10 =	vmul.f32 v63, v8;
	v27 =	vmul.f32 v18, v18;
	v9 =	vadd.f32 v25, v9  }
0x262: {  	[tilespmem:$0x1FD00] =	vst v20;
	v20 =	vmul.f32 v15, v15;
	v2 =	vadd.f32 v26, v2;
	v26 =	vsub.f32 $1.500000000e+00, v59  }
0x263: {  	[tilespmem:$0x1FD30] =	vst v28;
	v28 =	vmul.f32 v17, v17;
	v25 =	vmul.f32 v16, v16;
	v9 =	vadd.f32 v9, v10  }
0x264: {  	v14 =	vadd.s32 $0x2, v4;
	[tilespmem:$0x1FCE0] =	vst v1;
	v10 =	vmul.f32 $2.866225780e-03, v20;
	v30 =	vmul.f32 v29, v26  }
0x265: {  	[tilespmem:$0x1FD10] =	vst v13;
	v2 =	vadd.f32 v2, v23;
	v23 =	vadd.f32 v25, v27;
	v26 =	vmul.f32 v9, v62  }
0x266: {  	v46 =	vmovc v54;
	[tilespmem:$0x1FD80] =	vst v62;
	v25 =	vadd.s32 $0x2, v0;
	v32 =	vmul.f32 v9, v63;
	v13 =	vmul.f32 v9, v11  }
0x267: {  	[tilespmem:$0x1FD90] =	vst v63;
	v27 =	vmul.f32 v30, v51;
	v29 =	vmul.f32 v2, v62;
	v54 =	vadd.f32 v28, v23  }
0x268: {  	[tilespmem:$0x1FD50] =	vst v15;
	v10 =	vadd.f32 $-1.616573710e-02, v10;
	v28 =	vmul.f32 v2, v63;
	v61 =	vmul.f32 v2, v11  }
0x269: {  	[tilespmem:$0x1FD60] =	vst v20;
	v9 =	vmul.f32 v27, v30;
	v2 =	vmax.f32 v54, $1.000000000e-30;
	v43 =	vsub.f32 v6, v29  }
0x26a: {  	v23 =	vld.idx.msk [tilespmem:v4+s18+$0x0], $0xffff;
	[tilespmem:$0x1FDA0] =	vst v13;
	v4 =	vshrl.u32 v2, $0x1;
	v39 =	vmul.f32 $5.000000000e-01, v2;
	v2 =	vsub.f32 v12, v26  }
0x26b: {  	v22 =	vadd.s32 $0x1, v0;
	v27 =	vld.idx.msk [tilespmem:v0+s18+$0x0], $0xffff;
	v0 =	vmul.f32 v10, v20;
	v12 =	vsub.f32 v3, v28;
	[tilespmem:$0x1FDB0] =	vst v43  }
0x26c: {  	v28 =	vld.idx.msk [tilespmem:v25+s18+$0x0], $0xffff;
	v25 =	vsub.f32 v8, v32;
	[tilespmem:$0x1FDC0] =	vst v2  }
0x26d: {  	p4 =	por $0x1, $0x1;
	v1 =	vadd.f32 $4.290961470e-02, v0;
	[tilespmem:$0x1FDD0] =	vst v12  }
.Ltmp10:
0x26e: {  	v29 =	vsub.s32 $0x5F3759DF, v4;
	v4 =	vsub.f32 $1.500000000e+00, v9;
	v31 =	vmul.f32 v43, v11;
	[tilespmem:$0x1FDF0] =	vst v25;
	(pc) =	sbr.rel @!p4 .LBB2_22-.Ltmp10, $4  }
0x26f: {  	v9 =	vld.idx.msk [tilespmem:v14+s18+$0x0], $0xffff;
	v6 =	vmul.f32 v29, v39;
	v14 =	vmul.f32 v12, v11;
	[tilespmem:$0x1FD70] =	vst v1  }
0x270: {  	v26 =	vld.idx.msk [tilespmem:v21+s18+$0x0], $0xffff;
	v21 =	vmul.f32 v12, v62;
	v49 =	vmul.f32 v4, v30;
	[tilespmem:$0x1FDE0] =	vst v31  }
0x271: {  	v37 =	vsub.f32 v7, v61;
	[tilespmem:$0x1FE00] =	vst v14  }
0x272: {  	p3 =	por $0x1, $0x1;
	v45 =	vor.u32 s19, v56;
	v30 =	vld.idx.msk [tilespmem:v22+s18+$0x0], $0xffff;
	v59 =	vmul.f32 v29, v6;
	[tilespmem:$0x1FE10] =	vst v21;
	v3 =	vmul.f32 v49, v51  }
0x273: {  	s18 =	sadd.s32 $0x40, s8;
	v0 =	vsub.f32 v19, v13;
	v8 =	vmul.f32 v37, v63  }
0x274: {  	v10 =	vmul.f32 v43, v63;
	v3 =	vmul.f32 v3, v49;
	v7 =	vor.u32 s18, v47  }
0x275: {  	v11 =	vmul.f32 v25, v12;
	v12 =	vmul.f32 v1, v20;
	v1 =	vld [tilespmem:$0x1FF60];
	[tilespmem:$0x1FBB0] =	vst v9;
	v9 =	vor.u32 s18, v60  }
0x276: {  	v4 =	vmul.f32 v2, v43;
	v6 =	vmul.f32 v37, v62;
	v3 =	vsub.f32 $1.500000000e+00, v3  }
0x277: {  	v8 =	vsub.f32 v8, v14;
	v14 =	vmul.f32 v0, v37;
	v10 =	vsub.f32 v21, v10  }
0x278: {  	v6 =	vsub.f32 v31, v6;
	v12 =	vadd.f32 $-7.528963680e-02, v12;
	v3 =	vmul.f32 v3, v49  }
0x279: {  	v8 =	vmul.f32 v8, v2;
	v0 =	vmul.f32 v10, v0;
	v4 =	vadd.f32 v4, v14;
	v7 =	vld.idx.msk [tilespmem:v7+s14+$0x0], $0xffff  }
0x27a: {  	v10 =	vmul.f32 v12, v20;
	v12 =	vor.u32 s18, v1;
	v9 =	vld.idx.msk [tilespmem:v9+s14+$0x0], $0xffff;
	v3 =	vmul.f32 v3, v41  }
0x27b: {  	v6 =	vmul.f32 v6, v25;
	v0 =	vadd.f32 v8, v0;
	v1 =	vadd.f32 v4, v11  }
0x27c: {  	v4 =	vor.u32 s18, v46;
	v8 =	vadd.f32 $1.065626370e-01, v10;
	v3 =	vadd.f32 $9.999999710e-10, v3  }
0x27d: {  	v10 =	vadd.f32 v0, v6;
	[tilespmem:$0x1FBD0] =	vst v1;
	v0 =	vand.u32 $0x7FFFFFFF, v1;
	v6 =	vld.idx.msk [tilespmem:v45+s14+$0x0], $0xffff;
	v1 =	vor.u32 s18, v56  }
0x27e: {  	[tilespmem:$0x1FC10] =	vst v1;
	v1 =	vld [tilespmem:$0x1FE80];
	(erf) = vrcp.f32 v3;
	v3 =	vmul.u32 $0x3, v7  }
0x27f: {  	[tilespmem:$0x1FBF0] =	vst v54;
	v11 =	vld.idx.msk [tilespmem:v12+s14+$0x0], $0xffff;
	v14 =	vmul.u32 $0x3, v9  }
0x280: {  	v46 =	vsub.f32 $1.500000000e+00, v59;
	[tilespmem:$0x1FBE0] =	vst v10;
	v7 =	vmul.f32 v8, v20;
	v8 =	vand.u32 $0x7FFFFFFF, v10;
	v10 =	vld.idx.msk [tilespmem:v53+s15+$0x0], $0xffff  }
0x281: {  	v54 =	vmovc v39;
	v9 =	vmax.f32 v0, v8;
	v39 =	vmin.f32 v0, v8;
	vm2 =	vgt.f32 v8, v0;
	v8 =	vld [tilespmem:$0x1FE70]  }
0x282: {  	vm3 =	vlt.f32 v24, $0.0e+00;
	v31 =	vmul.f32 v29, v46;
	v4 =	vld.idx.msk [tilespmem:v4+s14+$0x0], $0xffff;
	v12 =	vadd.s32 $0x1, v3  }
0x283: {  	s18 =	simm.s32 $0x0;
	v9 =	vmax.f32 v9, $1.000000000e-30;
	v34 =	vadd.s32 $0x2, v14;
	v61 =	vsub.f32 v42, v1;
	v1 =	vld [tilespmem:$0x1FE60]  }
0x284: {  	v25 =	vadd.s32 $0x2, v3;
	v7 =	vadd.f32 $-1.420889940e-01, v7;
	(erf) = vrcp.f32 v9;
	v9 =	vld.idx.msk [tilespmem:v3+s18+$0x0], $0xffff  }
0x285: {  	vm4 =	vlt.f32 v38, $0.0e+00;
	v46 =	vmul.f32 v31, v54;
	v32 =	vadd.s32 $0x1, v14;
	v14 =	vld.idx.msk [tilespmem:v14+s18+$0x0], $0xffff  }
0x286: {  	v22 =	vadd.s32 $0x50, v6;
	v0 =	vmul.f32 v7, v20;
	v40 =	vsub.f32 v40, v8;
	v8 =	vld [tilespmem:$0x1FE90]  }
0x287: {  	v21 =	vadd.s32 $0x40, v6;
	v4 =	vmul.u32 $0x3, v4;
	v3 =	vmul.u32 $0x3, v11;
	v11 =	vld.idx.msk [tilespmem:v12+s18+$0x0], $0xffff  }
0x288: {  	v6 =	vsub.f32 v35, v48;
	v41 =	vmul.f32 $5.000000000e-01, v10;
	v0 =	vadd.f32 $1.999355110e-01, v0;
	v42 =	vld.idx.msk [tilespmem:v34+s18+$0x0], $0xffff  }
0x289: {  	v12 =	vsub.f32 v52, v58;
	v13 =	vld.idx.msk [tilespmem:v25+s18+$0x0], $0xffff;
	v52 =	vmov v36;
	v36 =	vadd.s32 $0x1, v4;
	v7 =	vpop (erf)  }
0x28a: {  	v10 =	vld.idx.msk [tilespmem:v32+s18+$0x0], $0xffff;
	v5 =	vsub.f32 v5, v1;
	v0 =	vmul.f32 v0, v20;
	v1 =	vmul.f32 v7, v55  }
0x28b: {  	[tilespmem:$0x1FC00] =	vst v53;
	v53 =	vadd.s32 $0x2, v4;
	v56 =	vadd.s32 $0x1, v3;
	v63 =	vmul.f32 v7, v44  }
0x28c: {  	[tilespmem:$0x1FBA0] =	vst v19;
	v62 =	vmul.f32 v7, v50;
	v0 =	vadd.f32 $-3.333314660e-01, v0;
	v7 =	vmul.f32 v1, v12  }
0x28d: {  	[tilespmem:$0x1FBC0] =	vst v37;
	v58 =	vsub.f32 v57, v8;
	v60 =	vmul.f32 v1, v61;
	v34 =	vmul.f32 v63, v6  }
0x28e: {  	[tilespmem:$0x1FC90] =	vst v38;
	v35 =	vmul.f32 v62, v5;
	v55 =	vmul.f32 v62, v40;
	v19 =	vsub.f32 v13, v42  }
0x28f: {  	v44 =	vld [tilespmem:$0x1FCF0];
	v37 =	vpop (erf);
	[tilespmem:$0x1FC30] =	vst v10;
	v10 =	vsub.f32 v11, v10;
	v0 =	vmul.f32 v0, v20;
	v20 =	vsub.f32 v9, v14  }
0x290: {  	v2 =	vld.idx.msk [tilespmem:v3+s18+$0x0], $0xffff;
	v57 =	vmul.f32 v63, v58;
	v8 =	vmul.f32 v37, v39;
	v32 =	vadd.f32 v35, v60  }
0x291: {  	v38 =	vld.idx.msk [tilespmem:v36+s18+$0x0], $0xffff;
	v7 =	vadd.f32 v55, v7;
	v37 =	vmul.f32 v10, v10;
	v47 =	vmul.f32 v20, v20  }
0x292: {  	v25 =	vadd.s32 $0x2, v3;
	[tilespmem:$0x1FC20] =	vst v13;
	v24 =	vld.idx.msk [tilespmem:v56+s18+$0x0], $0xffff;
	v39 =	vmul.f32 v8, v8;
	v32 =	vadd.f32 v32, v57  }
0x293: {  	v60 =	vmul.f32 v19, v19;
	[tilespmem:$0x1FC60] =	vst v10;
	v10 =	vld [tilespmem:$0x1FCE0];
	v7 =	vadd.f32 v7, v34;
	v57 =	vadd.f32 v37, v47  }
0x294: {  	[tilespmem:$0x1FC40] =	vst v19;
	v0 =	vadd.f32 $1.000000000e+00, v0;
	v19 =	vld [tilespmem:$0x1FD20];
	v55 =	vmul.f32 $2.866225780e-03, v39;
	v29 =	vmul.f32 v32, v62  }
0x295: {  	[tilespmem:$0x1FC70] =	vst v20;
	v20 =	vld [tilespmem:$0x1FD30];
	v37 =	vmul.f32 v32, v63;
	v47 =	vmul.f32 v7, v62;
	v13 =	vadd.f32 v60, v57  }
0x296: {  	[tilespmem:$0x1FC50] =	vst v8;
	v8 =	vld [tilespmem:$0x1FCD0];
	v32 =	vmul.f32 v32, v1;
	v57 =	vmul.f32 v46, v31;
	v59 =	vadd.f32 $-1.616573710e-02, v55  }
0x297: {  	v60 =	vmovc v33;
	v33 =	vld [tilespmem:$0x1FD00];
	v55 =	vmul.f32 v7, v63;
	v7 =	vmul.f32 v7, v1;
	v34 =	vsub.f32 v5, v29  }
0x298: {  	v46 =	vld [tilespmem:$0x1FD10];
	v5 =	vmax.f32 v13, $1.000000000e-30;
	v43 =	vsub.f32 v40, v47;
	v40 =	vmul.f32 v0, v15  }
0x299: {  	p4 =	por $0x1, $0x1;
	v47 =	vld.idx.msk [tilespmem:v4+s18+$0x0], $0xffff;
	v59 =	vmul.f32 v59, v39;
	v3 =	vshrl.u32 v5, $0x1;
	v51 =	vmul.f32 $5.000000000e-01, v5  }
.Ltmp11:
0x29a: {  	v15 =	vld.idx.msk [tilespmem:v25+s18+$0x0], $0xffff;
	v0 =	vsub.f32 v6, v55;
	v29 =	vsub.s32 $0x5F3759DF, v3;
	v3 =	vsub.f32 $1.500000000e+00, v57;
	(pc) =	sbr.rel @!p4 .LBB2_24-.Ltmp11, $4  }
0x29b: {  	[tilespmem:$0x1FC80] =	vst v2;
	v6 =	vsub.f32 v12, v7;
	v7 =	vsub.f32 v58, v37;
	v37 =	vld [tilespmem:$0x1FF10];
	v2 =	vmul.f32 v29, v51  }
0x29c: {  	vm1 =	vmmov vm0;
	v5 =	vld [tilespmem:$0x1FE40];
	v4 =	vmul.f32 v43, v1;
	v49 =	vmul.f32 v3, v31  }
0x29d: {  	v56 =	vsub.f32 $1.570796370e+00, v40;
	v12 =	vmul.f32 v0, v62;
	v31 =	vld.idx.msk [tilespmem:v53+s18+$0x0], $0xffff;
	v35 =	vmul.f32 v29, v2  }
0x29e: {  	s19 =	simm.s32 $0x50;
	p0 =	por $0x1, $0x1;
	v25 =	vadd.f32 $4.290961470e-02, v59;
	v2 =	vmul.f32 v0, v1;
	v3 =	vmul.f32 v49, v54;
	v54 =	vld [tilespmem:$0x1FE50]  }
.LBB2_25:
0x29f: {  	v1 =	vld [tilespmem:$0x1FF70];
	_ =	sdelay $0x3  }
0x2a0: {  	s20 =	sadd.s32 s19, s8  }
0x2a1: {  	v59 =	vor.u32 s20, v1;
	v1 =	vld [tilespmem:$0x1FFA0];
	_ =	sdelay $0x4  }
0x2a2: {  	v57 =	vor.u32 s20, v1;
	v1 =	vmul.f32 v6, v63;
	_ =	sdelay $0x1  }
0x2a3: {  	v1 =	vsub.f32 v1, v2  }
0x2a4: {  	v2 =	vmul.f32 v25, v39  }
0x2a5: {  	v32 =	vsub.f32 v61, v32;
	v50 =	vmul.f32 v34, v43;
	v1 =	vmul.f32 v1, v34;
	v34 =	vld.idx.msk [tilespmem:v37+s15+$0x0], $0xffff  }
0x2a6: {  	v36 =	vmul.f32 v43, v63;
	v3 =	vmul.f32 v3, v49;
	v63 =	vadd.f32 $-7.528963680e-02, v2;
	v2 =	vld [tilespmem:$0x1FBF0]  }
0x2a7: {  	v37 =	vmov v5;
	v5 =	vld [tilespmem:$0x1FF60]  }
0x2a8: {  	v62 =	vmul.f32 v6, v62;
	v3 =	vsub.f32 $1.500000000e+00, v3;
	v6 =	vmul.f32 v32, v6;
	_ =	sdelay $0x1  }
0x2a9: {  	v0 =	vmul.f32 v7, v0;
	v3 =	vmul.f32 v3, v49;
	v6 =	vadd.f32 v50, v6;
	_ =	sdelay $0x1  }
0x2aa: {  	v3 =	vmul.f32 v3, v2;
	v2 =	vadd.f32 v6, v0;
	v6 =	vor.u32 s20, v5;
	v5 =	vmovc v13  }
0x2ab: {  	[tilespmem:$0x1FBF0] =	vst v5;
	v5 =	vld [tilespmem:$0x1FFB0];
	_ =	sdelay $0x3  }
0x2ac: {  	v12 =	vsub.f32 v12, v36;
	v36 =	vld.idx.msk [tilespmem:v59+s14+$0x0], $0xffff  }
0x2ad: {  	v59 =	vmov v60;
	v60 =	vmov v22;
	v22 =	vor.u32 s20, v5;
	v5 =	vld [tilespmem:$0x1FC10]  }
0x2ae: {  	vm5 =	vmmov vm1  }
0x2af: {  	v40 =	vsel vm5, v56, v40;
	v4 =	vsub.f32 v4, v62  }
0x2b0: {  	v12 =	vmul.f32 v12, v32;
	v25 =	vsub.f32 $3.141592740e+00, v40  }
0x2b1: {  	v4 =	vmul.f32 v4, v7  }
0x2b2: {  	v7 =	vsel vm4, v25, v40;
	v1 =	vadd.f32 v1, v12;
	v0 =	vmul.f32 v63, v39  }
0x2b3: {  	v45 =	vld.idx.msk [tilespmem:v57+s14+$0x0], $0xffff;
	v12 =	vsub.f32 $0.0e+00, v7;
	v3 =	vadd.f32 $9.999999710e-10, v3  }
0x2b4: {  	v25 =	vadd.f32 $1.065626370e-01, v0  }
0x2b5: {  	v0 =	vadd.f32 v1, v4;
	v4 =	vsel vm3, v12, v7;
	(erf) = vrcp.f32 v3;
	v12 =	vld.idx.msk [tilespmem:v5+s14+$0x0], $0xffff  }
0x2b6: {  	v5 =	vld [tilespmem:$0x1FFC0];
	_ =	sdelay $0x1  }
0x2b7: {  	vm1 =	vmmov vm2;
	v1 =	vand.u32 $0x7FFFFFFF, v2;
	v7 =	vmul.u32 $0x3, v45;
	v45 =	vld.idx.msk [tilespmem:v54+s15+$0x0], $0xffff  }
0x2b8: {  	v4 =	vsub.f32 v4, v34;
	v3 =	vmul.f32 v25, v39;
	v32 =	vand.u32 $0x7FFFFFFF, v0;
	v63 =	vld.idx.msk [tilespmem:v22+s14+$0x0], $0xffff  }
0x2b9: {  	v54 =	vmovc v52;
	v52 =	vmovc v21;
	v25 =	vmul.u32 $0x3, v36;
	v21 =	vadd.s32 $0x1, v7;
	v61 =	vmax.f32 v1, v32  }
0x2ba: {  	v41 =	vmul.f32 v4, v41;
	v22 =	vmax.f32 v61, $1.000000000e-30;
	v5 =	vor.u32 s20, v5  }
0x2bb: {  	v30 =	vsub.f32 v30, v33;
	v62 =	vadd.s32 $0x2, v25;
	(erf) = vrcp.f32 v22;
	[tilespmem:$0x1FC10] =	vst v5;
	v5 =	vld [tilespmem:$0x1FBB0]  }
0x2bc: {  	v34 =	vadd.s32 $0x2, v7;
	v36 =	vmin.f32 v1, v32;
	v4 =	vmul.f32 v41, v4  }
0x2bd: {  	s18 =	simm.s32 $0x0;
	v6 =	vld.idx.msk [tilespmem:v6+s14+$0x0], $0xffff;
	v41 =	vmul.f32 $5.000000000e-01, v45;
	v61 =	vsub.f32 v27, v19;
	v27 =	vpop (erf);
	v45 =	vmul.u32 $0x3, v63  }
0x2be: {  	vm2 =	vgt.f32 v32, v1;
	v49 =	vadd.s32 $0x1, v25;
	v1 =	vld.idx.msk [tilespmem:v7+s18+$0x0], $0xffff;
	v58 =	vmul.f32 v27, v18  }
0x2bf: {  	v7 =	vld.idx.msk [tilespmem:v21+s18+$0x0], $0xffff;
	v63 =	vmul.f32 v27, v17;
	v17 =	vadd.s32 $0x1, v45;
	v22 =	vadd.s32 $0x50, v12  }
0x2c0: {  	v21 =	vadd.s32 $0x40, v12;
	v12 =	vsub.f32 v5, v44;
	v44 =	vmovc v42;
	v42 =	vld.idx.msk [tilespmem:v62+s18+$0x0], $0xffff;
	v62 =	vmul.f32 v27, v16;
	_ =	sdelay $0x1  }
0x2c1: {  	v48 =	vsub.f32 v28, v10;
	v13 =	vmul.f32 v58, v61;
	v27 =	vmul.f32 v62, v30  }
0x2c2: {  	v57 =	vsub.f32 v23, v20;
	v20 =	vmov v14;
	v8 =	vadd.f32 v4, v8;
	v4 =	vld.idx.msk [tilespmem:v34+s18+$0x0], $0xffff  }
0x2c3: {  	v6 =	vmul.u32 $0x3, v6;
	v34 =	vld.idx.msk [tilespmem:v49+s18+$0x0], $0xffff;
	v40 =	vmul.f32 v63, v48;
	v14 =	vpop (erf);
	v13 =	vadd.f32 v27, v13  }
0x2c4: {  	v19 =	vmovc v9;
	v9 =	vmov v1;
	v1 =	vsub.f32 v26, v46;
	v56 =	vmul.f32 v14, v36;
	v36 =	vld.idx.msk [tilespmem:v17+s18+$0x0], $0xffff  }
0x2c5: {  	v17 =	vsub.f32 $1.500000000e+00, v35;
	v35 =	vadd.f32 v13, v40;
	v13 =	vld [tilespmem:$0x1FC30]  }
0x2c6: {  	v46 =	vmul.f32 v62, v1;
	_ =	sdelay $0x1  }
0x2c7: {  	v16 =	vmul.f32 v58, v57  }
0x2c8: {  	v3 =	vadd.f32 $-1.420889940e-01, v3;
	v25 =	vld.idx.msk [tilespmem:v25+s18+$0x0], $0xffff  }
0x2c9: {  	v23 =	vadd.s32 $0x2, v6;
	v18 =	vadd.s32 $0x1, v6;
	v6 =	vld.idx.msk [tilespmem:v6+s18+$0x0], $0xffff;
	v16 =	vadd.f32 v46, v16;
	v46 =	vmovc v13;
	v13 =	vmovc v34  }
0x2ca: {  	v3 =	vmul.f32 v3, v39;
	[tilespmem:$0x1FC30] =	vst v13;
	v13 =	vld [tilespmem:$0x1FC80];
	_ =	sdelay $0x1  }
0x2cb: {  	v3 =	vadd.f32 $1.999355110e-01, v3;
	v5 =	vmov v15  }
0x2cc: {  	[tilespmem:$0x1FBB0] =	vst v5;
	v5 =	vld [tilespmem:$0x1FC20]  }
0x2cd: {  	v33 =	vmov v11;
	v3 =	vmul.f32 v3, v39;
	v11 =	vmov v7;
	v7 =	vld.idx.msk [tilespmem:v45+s18+$0x0], $0xffff  }
0x2ce: {  	v28 =	vadd.s32 $0x2, v45;
	v45 =	vsub.f32 v9, v25;
	v15 =	vld.idx.msk [tilespmem:v23+s18+$0x0], $0xffff;
	v23 =	vmovc v13;
	v13 =	vmov v6  }
0x2cf: {  	v55 =	vsub.f32 v11, v34;
	[tilespmem:$0x1FC80] =	vst v13;
	v13 =	vld [tilespmem:$0x1FBE0]  }
0x2d0: {  	v3 =	vadd.f32 $-3.333314660e-01, v3;
	v14 =	vmov v25;
	v25 =	vmul.f32 v45, v45  }
0x2d1: {  	v49 =	vsub.f32 v4, v42;
	v10 =	vmovc v5;
	v5 =	vmov v4;
	v4 =	vmul.f32 v55, v55  }
0x2d2: {  	v3 =	vmul.f32 v3, v39;
	v39 =	vmul.f32 v56, v56  }
0x2d3: {  	v26 =	vmul.f32 v63, v12;
	v32 =	vmul.f32 v49, v49;
	v4 =	vadd.f32 v4, v25  }
0x2d4: {  	v40 =	vmul.f32 $2.866225780e-03, v39;
	vm3 =	vlt.f32 v13, $0.0e+00;
	v13 =	vmov v0  }
0x2d5: {  	v16 =	vadd.f32 v16, v26;
	[tilespmem:$0x1FBE0] =	vst v13;
	v13 =	vadd.f32 v32, v4  }
0x2d6: {  	v27 =	vmovc v47;
	v47 =	vmovc v7;
	v7 =	vmov v49;
	v26 =	vmul.f32 v35, v62;
	v25 =	vadd.f32 $-1.616573710e-02, v40  }
0x2d7: {  	v50 =	vmul.f32 v35, v63;
	v32 =	vmul.f32 v35, v58;
	v4 =	vld [tilespmem:$0x1FC40];
	[tilespmem:$0x1FC40] =	vst v7;
	v7 =	vmax.f32 v13, $1.000000000e-30  }
0x2d8: {  	v53 =	vmovc v51;
	v35 =	vmul.f32 v25, v39;
	v25 =	vshrl.u32 v7, $0x1;
	v51 =	vmul.f32 $5.000000000e-01, v7;
	v7 =	vld [tilespmem:$0x1FC50]  }
0x2d9: {  	v3 =	vadd.f32 $1.000000000e+00, v3;
	_ =	sdelay $0x2  }
0x2da: {  	[tilespmem:$0x1FC20] =	vst v5;
	v5 =	vld.idx.msk [tilespmem:v28+s18+$0x0], $0xffff;
	v28 =	vmul.f32 v29, v17;
	v29 =	vmul.f32 v16, v62  }
0x2db: {  	v18 =	vld.idx.msk [tilespmem:v18+s18+$0x0], $0xffff;
	v40 =	vmul.f32 v3, v7;
	v3 =	vmov v56  }
0x2dc: {  	v43 =	vsub.f32 v1, v29;
	v7 =	vmov v55;
	[tilespmem:$0x1FC50] =	vst v3;
	v3 =	vld [tilespmem:$0x1FC60]  }
0x2dd: {  	v1 =	vmov v45;
	v6 =	vmul.f32 v28, v53;
	v0 =	vmul.f32 v16, v63;
	[tilespmem:$0x1FC60] =	vst v7;
	v7 =	vld [tilespmem:$0x1FC70]  }
0x2de: {  	[tilespmem:$0x1FC70] =	vst v1;
	v1 =	vld [tilespmem:$0x1FBD0]  }
0x2df: {  	v0 =	vsub.f32 v12, v0;
	v17 =	vmov v4;
	v4 =	vmul.f32 v6, v28  }
0x2e0: {  	p4 =	sne.s32 s19, $0x70;
	v34 =	vsub.f32 v30, v26;
	v6 =	vmul.f32 v16, v58  }
.Ltmp12:
0x2e1: {  	v26 =	vmovc v24;
	v12 =	vmul.f32 v0, v62;
	v29 =	vsub.s32 $0x5F3759DF, v25;
	v16 =	vmovc v3;
	v3 =	vsub.f32 $1.500000000e+00, v4;
	(pc) =	sbr.rel @p4 .LBB2_25-.Ltmp12, $4  }
0x2e2: {  	v24 =	vmovc v18;
	v25 =	vadd.f32 $4.290961470e-02, v35;
	v6 =	vsub.f32 v57, v6;
	v18 =	vmovc v7;
	v7 =	vmul.f32 v29, v51  }
0x2e3: {  	v30 =	vmovc v38;
	v4 =	vmul.f32 v43, v58;
	vm4 =	vlt.f32 v1, $0.0e+00;
	v1 =	vmovc v2;
	v49 =	vmul.f32 v3, v28  }
0x2e4: {  	v38 =	vmovc v36;
	v56 =	vsub.f32 $1.570796370e+00, v40;
	v2 =	vmul.f32 v0, v58;
	[tilespmem:$0x1FBD0] =	vst v1;
	v35 =	vmul.f32 v29, v7  }
0x2e5: {  	s19 =	sadd.s32 $0x10, s19;
	v28 =	vmovc v31;
	v7 =	vsub.f32 v48, v50;
	v31 =	vmovc v5;
	v5 =	vmov v59;
	v3 =	vmul.f32 v49, v53  }
0x2e6: {  	[tilespmem:$0x1FF20] =	vst v13;
	v13 =	vld [tilespmem:$0x1FBF0]  }
0x2e7: {  	v1 =	vld [tilespmem:$0x1FBB0]  }
0x2e8: {  	v58 =	vmov v21;
	v21 =	vmov v26;
	v26 =	vld [tilespmem:$0x1FC20]  }
0x2e9: {  	[tilespmem:$0x1FEA0] =	vst v22;
	v22 =	vmov v28;
	v28 =	vld [tilespmem:$0x1FC30]  }
0x2ea: {  	v57 =	vld [tilespmem:$0x1FCD0]  }
0x2eb: {  	v45 =	vld [tilespmem:$0x1FC10]  }
0x2ec: {  	v50 =	vld [tilespmem:$0x1FC60]  }
0x2ed: {  	[tilespmem:$0x1FED0] =	vst v17;
	v17 =	vmov v44;
	v44 =	vld [tilespmem:$0x1FC40]  }
0x2ee: {  	[tilespmem:$0x1FCA0] =	vst v5;
	v55 =	vld [tilespmem:$0x1FC70]  }
0x2ef: {  	[tilespmem:$0x1FF30] =	vst v15;
	v53 =	vld [tilespmem:$0x1FC00]  }
0x2f0: {  	[tilespmem:$0x1FE30] =	vst v52;
	v52 =	vld [tilespmem:$0x1FC80]  }
0x2f1: {  	v36 =	vmov v38;
	[tilespmem:$0x1FF40] =	vst v24;
	v38 =	vld [tilespmem:$0x1FC90]  }
0x2f2: {  	[tilespmem:$0x1FE20] =	vst v60;
	v15 =	vmov v46;
	v46 =	vmov v19;
	v19 =	vld [tilespmem:$0x1FBA0]  }
0x2f3: {  	[tilespmem:$0x1FEB0] =	vst v23;
	v48 =	vmov v42;
	v42 =	vmov v47;
	v47 =	vld [tilespmem:$0x1FBE0]  }
0x2f4: {  	v5 =	vmov v27;
	v60 =	vmov v33;
	v33 =	vmov v20;
	[tilespmem:$0x1FEC0] =	vst v18;
	v24 =	vld [tilespmem:$0x1FBD0]  }
0x2f5: {  	v23 =	vmovc v9;
	v27 =	vmovc v11;
	v20 =	vmov v14;
	v14 =	vmov v30;
	v18 =	vmov v10;
	[tilespmem:$0x1FB90] =	vst v37;
	v37 =	vld [tilespmem:$0x1FBC0]  }
0x2f6: {  	[tilespmem:$0x1FEE0] =	vst v16;
	v30 =	vmovc v54;
	v59 =	vmovc v35;
	v35 =	vld [tilespmem:$0x1FC50];
	v54 =	vmov v8;
	v11 =	vmov v5;
	v16 =	vmov v1  }
.LBB2_27:
0x2f7: {  	v1 =	vmul.f32 @p1 v3, v49;
	_ =	sdelay $0x1  }
0x2f8: {  	v1 =	vsub.f32 @p1 $1.500000000e+00, v1;
	_ =	sdelay $0x1  }
0x2f9: {  	v1 =	vmul.f32 @p1 v1, v49;
	_ =	sdelay $0x1  }
0x2fa: {  	v1 =	vmul.f32 @p1 v1, v13;
	_ =	sdelay $0x1  }
0x2fb: {  	v1 =	vadd.f32 @p1 $9.999999710e-10, v1  }
0x2fc: {  	v10 =	vsub.f32 $1.500000000e+00, v59;
	v5 =	vmul.f32 @p2 v6, v63  }
0x2fd: {  	v8 =	vmul.f32 @p2 v43, v63;
	(erf) = vrcp.f32 @p1 v1;
	v1 =	vsub.f32 @p2 v61, v32  }
0x2fe: {  	v9 =	vmul.f32 @p2 v34, v43;
	v3 =	vmul.f32 v29, v10  }
0x2ff: {  	v2 =	vsub.f32 @p2 v5, v2;
	v5 =	vsub.f32 @p2 v12, v8;
	v10 =	vmul.f32 @p2 v1, v6;
	_ =	sdelay $0x1  }
0x300: {  	v1 =	vmul.f32 @p2 v5, v1;
	v8 =	vadd.f32 @p2 v9, v10;
	v10 =	vmul.f32 @p2 v2, v34;
	_ =	sdelay $0x1  }
0x301: {  	v6 =	vmul.f32 @p2 v6, v62;
	v1 =	vadd.f32 @p2 v10, v1;
	v10 =	vld [tilespmem:$0x1FEE0];
	_ =	sdelay $0x1  }
0x302: {  	v0 =	vmul.f32 @p2 v7, v0  }
0x303: {  	v32 =	vmul.f32 v3, v51;
	v9 =	vld [tilespmem:$0x1FEC0]  }
0x304: {  	v4 =	vsub.f32 @p2 v4, v6;
	v2 =	vadd.f32 @p2 v8, v0;
	v8 =	vld [tilespmem:$0x1FEB0];
	v6 =	vpop @p1 (erf)  }
0x305: {  	v5 =	vsub.f32 @p1 v11, v46;
	v34 =	vmul.f32 v32, v3;
	v11 =	vmul.f32 @p1 v6, v10;
	v10 =	vld [tilespmem:$0x1FED0];
	_ =	sdelay $0x1  }
0x306: {  	v4 =	vmul.f32 @p2 v4, v7;
	v7 =	vsub.f32 @p1 v14, v60;
	v0 =	vsub.f32 $1.500000000e+00, v34  }
0x307: {  	v14 =	vsub.f32 @p1 v21, v15;
	v9 =	vmul.f32 @p1 v6, v9  }
0x308: {  	v0 =	vmul.f32 v0, v3;
	v8 =	vsub.f32 @p1 v8, v33;
	v12 =	vmul.f32 @p1 v11, v7  }
0x309: {  	v3 =	vsub.f32 @p1 v22, v18;
	v13 =	vmul.f32 @p1 v6, v10;
	v10 =	vmul.f32 @p1 v9, v5  }
0x30a: {  	v15 =	vsub.f32 @p1 v16, v17;
	v16 =	vmul.f32 @p1 v9, v8;
	v17 =	vmul.f32 @p1 v11, v14  }
0x30b: {  	v6 =	vadd.f32 @p2 v1, v4;
	v1 =	vadd.f32 @p1 v12, v10;
	v4 =	vmul.f32 @p1 v13, v3  }
0x30c: {  	v16 =	vadd.f32 @p1 v17, v16;
	v17 =	vmul.f32 v0, v51;
	v18 =	vmul.f32 @p1 v13, v15  }
0x30d: {  	v10 =	vand.u32 @p2 $0x7FFFFFFF, v2;
	v12 =	vand.u32 @p2 $0x7FFFFFFF, v6;
	v1 =	vadd.f32 @p1 v1, v4  }
0x30e: {  	v51 =	vld [tilespmem:$0x1FD90];
	v4 =	vadd.f32 @p1 v16, v18;
	v16 =	vmul.f32 v17, v0;
	v17 =	vmax.f32 @p2 v10, v12  }
0x30f: {  	v17 =	vmax.f32 @p2 v17, $1.000000000e-30;
	v18 =	vmul.f32 @p1 v1, v11  }
0x310: {  	(erf) = vrcp.f32 @p2 v17;
	v16 =	vsub.f32 $1.500000000e+00, v16;
	v17 =	vmul.f32 @p1 v4, v11  }
0x311: {  	v7 =	vsub.f32 @p1 v7, v18;
	v18 =	vmul.f32 @p1 v4, v13;
	v4 =	vmul.f32 @p1 v4, v9  }
0x312: {  	v0 =	vmul.f32 v16, v0;
	v16 =	vmul.f32 @p1 v1, v13  }
0x313: {  	v4 =	vsub.f32 @p1 v8, v4;
	v8 =	vpsel p1, v13, v51;
	v13 =	vld [tilespmem:$0x1FDB0]  }
0x314: {  	v3 =	vsub.f32 @p1 v3, v16;
	v16 =	vld [tilespmem:$0x1FD80]  }
0x315: {  	v14 =	vsub.f32 @p1 v14, v17;
	v17 =	vld [tilespmem:$0x1FDD0];
	_ =	sdelay $0x2  }
0x316: {  	v1 =	vmul.f32 @p1 v1, v9;
	v15 =	vsub.f32 @p1 v15, v18  }
0x317: {  	v43 =	vld [tilespmem:$0x1FF20];
	v13 =	vpsel p1, v14, v13;
	v14 =	vmul.f32 @p1 v14, v9;
	v16 =	vpsel p1, v11, v16  }
0x318: {  	v11 =	vmul.f32 @p1 v15, v11;
	v9 =	vmul.f32 @p1 v15, v9;
	v15 =	vpsel p1, v15, v17;
	v17 =	vld [tilespmem:$0x1FE00];
	_ =	sdelay $0x2  }
0x319: {  	v46 =	vld [tilespmem:$0x1FDA0]  }
0x31a: {  	v59 =	vld [tilespmem:$0x1FDF0];
	v0 =	vmul.f32 v0, v43  }
0x31b: {  	v9 =	vpsel p1, v9, v17;
	v17 =	vld [tilespmem:$0x1FE10]  }
0x31c: {  	v49 =	vld [tilespmem:$0x1FDC0];
	v0 =	vadd.f32 $9.999999710e-10, v0  }
0x31d: {  	v5 =	vpsel p1, v5, v19  }
0x31e: {  	v1 =	vpsel p1, v1, v46;
	v4 =	vpsel p1, v4, v37;
	(erf) = vrcp.f32 v0  }
0x31f: {  	v0 =	vpsel p1, v3, v59;
	v3 =	vmul.f32 @p1 v4, v8;
	v8 =	vmul.f32 @p1 v13, v8  }
0x320: {  	v1 =	vsub.f32 @p1 v5, v1;
	v11 =	vpsel p1, v11, v17  }
0x321: {  	v7 =	vpsel p1, v7, v49;
	v5 =	vsub.f32 @p1 v11, v8;
	v8 =	vmul.f32 @p1 v4, v16  }
0x322: {  	v11 =	vmul.f32 @p1 v7, v13;
	v4 =	vmul.f32 @p1 v1, v4  }
0x323: {  	v60 =	vld [tilespmem:$0x1FDE0];
	v3 =	vsub.f32 @p1 v3, v9  }
0x324: {  	v33 =	vld [tilespmem:$0x1FF40];
	v4 =	vadd.f32 @p1 v11, v4  }
0x325: {  	v3 =	vmul.f32 @p1 v3, v7  }
0x326: {  	v1 =	vmul.f32 @p1 v5, v1;
	v5 =	vmul.f32 @p1 v0, v15  }
0x327: {  	v63 =	vsub.f32 v36, v27;
	v36 =	vld [tilespmem:$0x1FF30]  }
0x328: {  	v9 =	vpsel p1, v14, v60;
	v1 =	vadd.f32 @p1 v3, v1;
	v3 =	vadd.f32 @p1 v4, v5;
	v4 =	vpop @p2 (erf)  }
0x329: {  	v16 =	vsub.f32 v33, v28;
	v8 =	vsub.f32 @p1 v9, v8;
	v62 =	vpop (erf)  }
0x32a: {  	v15 =	vsub.f32 v52, v20;
	v32 =	vmul.f32 v62, v55;
	v14 =	vmul.f32 v62, v50  }
0x32b: {  	v61 =	vsub.f32 v42, v23;
	v0 =	vmul.f32 @p1 v8, v0;
	v5 =	vmul.f32 v62, v44  }
0x32c: {  	v18 =	vsub.f32 v36, v48;
	v19 =	vmul.f32 v32, v15;
	v20 =	vmul.f32 v14, v16  }
0x32d: {  	v17 =	vsub.f32 v31, v26;
	v34 =	vmul.f32 v32, v61;
	v13 =	vmul.f32 v14, v63  }
0x32e: {  	v0 =	vadd.f32 @p1 v1, v0;
	v22 =	vmul.f32 v5, v18;
	v19 =	vadd.f32 v20, v19  }
0x32f: {  	v9 =	vand.u32 @p1 $0x7FFFFFFF, v3;
	v21 =	vmul.f32 v5, v17;
	v13 =	vadd.f32 v13, v34  }
0x330: {  	v11 =	vand.u32 @p1 $0x7FFFFFFF, v0;
	v20 =	vmin.f32 @p2 v10, v12;
	v19 =	vadd.f32 v19, v22  }
0x331: {  	v23 =	vmax.f32 @p1 v9, v11;
	v21 =	vadd.f32 v13, v21;
	v13 =	vmul.f32 @p2 v4, v20  }
0x332: {  	v4 =	vmax.f32 @p1 v23, $1.000000000e-30;
	v22 =	vmul.f32 v19, v5;
	v23 =	vmul.f32 v19, v32  }
0x333: {  	v19 =	vmul.f32 v19, v14  }
0x334: {  	v18 =	vsub.f32 v18, v22;
	v15 =	vsub.f32 v15, v23;
	v22 =	vmul.f32 v21, v5  }
0x335: {  	v7 =	vmul.f32 @p3 v25, v39;
	v16 =	vsub.f32 v16, v19  }
0x336: {  	v17 =	vsub.f32 v17, v22;
	v19 =	vmul.f32 v18, v32;
	v22 =	vmul.f32 v15, v5  }
0x337: {  	v37 =	vmul.f32 v21, v14;
	v21 =	vmul.f32 v21, v32  }
0x338: {  	v5 =	vmul.f32 v16, v5;
	v19 =	vsub.f32 v22, v19;
	v22 =	vmul.f32 v18, v14  }
0x339: {  	(erf) = vrcp.f32 @p1 v4;
	v4 =	vsub.f32 v63, v37;
	v1 =	vsub.f32 v61, v21  }
0x33a: {  	v8 =	vmul.f32 v16, v32;
	v14 =	vmul.f32 v15, v14;
	v5 =	vsub.f32 v22, v5  }
0x33b: {  	v7 =	vadd.f32 @p3 $-7.528963680e-02, v7;
	v16 =	vmul.f32 v4, v16;
	v15 =	vmul.f32 v1, v15  }
0x33c: {  	v8 =	vsub.f32 v8, v14;
	v4 =	vmul.f32 v19, v4;
	v1 =	vmul.f32 v5, v1;
	_ =	sdelay $0x1  }
0x33d: {  	v7 =	vmul.f32 @p3 v7, v39;
	v8 =	vmul.f32 v8, v17;
	v1 =	vadd.f32 v4, v1;
	_ =	sdelay $0x1  }
0x33e: {  	v7 =	vadd.f32 @p3 $1.065626370e-01, v7;
	v43 =	vadd.f32 v1, v8;
	v1 =	vld [tilespmem:$0x1FB90]  }
0x33f: {  	v21 =	vmul.f32 @p2 v13, v13  }
0x340: {  	v7 =	vmul.f32 @p3 v7, v39  }
0x341: {  	vm1 =	vmmov @p0 vm1;
	v14 =	vadd.f32 v16, v15;
	v15 =	vmul.f32 @p2 $2.866225780e-03, v21  }
0x342: {  	v7 =	vadd.f32 @p3 $-1.420889940e-01, v7;
	v20 =	vsel @p0 vm1, v56, v40  }
0x343: {  	v16 =	vmul.f32 v17, v18;
	v18 =	vld [tilespmem:$0x1FD60];
	v5 =	vsub.f32 @p0 $3.141592740e+00, v20;
	v4 =	vadd.f32 @p2 $-1.616573710e-02, v15  }
0x344: {  	v7 =	vmul.f32 @p3 v7, v39;
	v19 =	vld [tilespmem:$0x1FD70]  }
0x345: {  	v42 =	vadd.f32 v14, v16;
	v15 =	vsel @p0 vm4, v5, v20;
	v17 =	vmul.f32 @p2 v4, v21  }
0x346: {  	v16 =	vadd.f32 @p3 $1.999355110e-01, v7;
	v14 =	vsub.f32 @p0 $0.0e+00, v15;
	v1 =	vld.idx.msk @p0 [tilespmem:v1+s15+$0x0], $0xffff  }
0x347: {  	v44 =	vand.u32 $0x7FFFFFFF, v42;
	v17 =	vadd.f32 @p2 $4.290961470e-02, v17;
	v8 =	vand.u32 $0x7FFFFFFF, v43  }
0x348: {  	v14 =	vsel @p0 vm3, v14, v15;
	v15 =	vmul.f32 @p3 v16, v39;
	v16 =	vmax.f32 v44, v8  }
0x349: {  	v18 =	vpsel p2, v21, v18;
	v17 =	vpsel p2, v17, v19;
	v16 =	vmax.f32 v16, $1.000000000e-30  }
0x34a: {  	v15 =	vadd.f32 @p3 $-3.333314660e-01, v15;
	(erf) = vrcp.f32 v16;
	v16 =	vmul.f32 @p2 v17, v18  }
0x34b: {  	v1 =	vsub.f32 @p0 v14, v1  }
0x34c: {  	v17 =	vpop @p1 (erf);
	v14 =	vmul.f32 @p3 v15, v39;
	v15 =	vadd.f32 @p2 $-7.528963680e-02, v16;
	v16 =	vmin.f32 @p1 v9, v11  }
0x34d: {  	v16 =	vmul.f32 @p1 v17, v16;
	v17 =	vmul.f32 @p0 v1, v41  }
0x34e: {  	v15 =	vmul.f32 @p2 v15, v18  }
0x34f: {  	v1 =	vmul.f32 @p0 v17, v1;
	v17 =	vmul.f32 @p1 v16, v16  }
0x350: {  	vm2 =	vmmov @p3 vm2;
	v23 =	vld [tilespmem:$0x1FF10];
	v15 =	vadd.f32 @p2 $1.065626370e-01, v15  }
0x351: {  	vm1 =	vgt.f32 @p2 v12, v10;
	v21 =	vld [tilespmem:$0x1FE20];
	v14 =	vadd.f32 @p3 $1.000000000e+00, v14;
	v10 =	vmul.f32 @p1 $2.866225780e-03, v17  }
0x352: {  	vm2 =	vmmov @p3 vm2;
	v15 =	vmul.f32 @p2 v15, v18  }
0x353: {  	v46 =	vmin.f32 v44, v8;
	v20 =	vpop (erf);
	v14 =	vmul.f32 @p3 v14, v35;
	v19 =	vadd.f32 @p1 $-1.616573710e-02, v10  }
0x354: {  	vm2 =	vmmov @p3 vm2;
	v10 =	vmul.f32 v20, v46;
	v15 =	vadd.f32 @p2 $-1.420889940e-01, v15  }
0x355: {  	vm4 =	vlt.f32 @p3 v24, $0.0e+00;
	v12 =	vsub.f32 @p3 $1.570796370e+00, v14;
	v20 =	vld [tilespmem:$0x1FCA0];
	v19 =	vmul.f32 @p1 v19, v17  }
0x356: {  	v21 =	vpsel p2, v21, v23;
	v15 =	vmul.f32 @p2 v15, v18;
	v23 =	vmul.f32 v10, v10  }
0x357: {  	v14 =	vpsel p3, v14, v0;
	v12 =	vpsel p3, v12, v0;
	v19 =	vadd.f32 @p1 $4.290961470e-02, v19  }
0x358: {  	v27 =	vld [tilespmem:$0x1FE50];
	v12 =	vsel @p3 vm2, v12, v14;
	v15 =	vadd.f32 @p2 $1.999355110e-01, v15;
	v25 =	vmul.f32 $2.866225780e-03, v23  }
0x359: {  	vm2 =	vmmov @p3 vm4;
	v26 =	vsub.f32 @p3 $3.141592740e+00, v12;
	v19 =	vpsel p1, v19, v0  }
0x35a: {  	v20 =	vpsel p3, v20, v0;
	v15 =	vmul.f32 @p2 v15, v18;
	v25 =	vadd.f32 $-1.616573710e-02, v25  }
0x35b: {  	v17 =	vpsel p1, v17, v0;
	v12 =	vsel @p3 vm2, v26, v12;
	v26 =	vld [tilespmem:$0x1FD40]  }
0x35c: {  	v14 =	vmul.f32 @p1 v19, v17;
	v15 =	vadd.f32 @p2 $-3.333314660e-01, v15;
	v25 =	vmul.f32 v25, v23;
	v19 =	vmovc @p1 v58  }
0x35d: {  	v2 =	vpsel p2, v2, v38;
	v60 =	vlaneseq.u32;
	v19 =	vpsel p1, v19, v27;
	v27 =	vld.idx.msk @p3 [tilespmem:v30+s15+$0x0], $0xffff  }
0x35e: {  	v14 =	vadd.f32 @p1 $-7.528963680e-02, v14;
	v15 =	vmul.f32 @p2 v15, v18;
	v18 =	vadd.f32 $4.290961470e-02, v25;
	v25 =	vld [tilespmem:$0x1FD50]  }
0x35f: {  	v33 =	vor.u32 $0x2300, v60;
	v34 =	vor.u32 $0x2500, v60;
	vm3 =	vlt.f32 @p3 v47, $0.0e+00;
	v20 =	vld.idx.msk @p3 [tilespmem:v20+s15+$0x0], $0xffff  }
0x360: {  	v6 =	vpsel p2, v6, v26;
	v26 =	vsub.f32 @p3 $0.0e+00, v12;
	v14 =	vmul.f32 @p1 v14, v17  }
0x361: {  	vm0 =	vmmov @p2 vm1;
	v22 =	vld [tilespmem:$0x1FEA0];
	vm2 =	vmmov @p3 vm3;
	v18 =	vmul.f32 v18, v23  }
0x362: {  	v24 =	vld [tilespmem:$0x1FE40];
	v12 =	vsel @p3 vm2, v26, v12;
	v15 =	vadd.f32 @p2 $1.000000000e+00, v15;
	v14 =	vadd.f32 @p1 $1.065626370e-01, v14  }
0x363: {  	v18 =	vadd.f32 $-7.528963680e-02, v18;
	v13 =	vpsel p2, v13, v25;
	v25 =	vmul.f32 @p3 $5.000000000e-01, v27  }
0x364: {  	vm1 =	vmmov @p2 vm0;
	v12 =	vsub.f32 @p3 v12, v20;
	v14 =	vmul.f32 @p1 v14, v17  }
0x365: {  	v13 =	vmul.f32 @p2 v15, v13;
	v47 =	vmul.f32 v18, v23;
	v15 =	vpsel p3, v25, v0  }
0x366: {  	vm0 =	vgt.f32 @p1 v11, v9;
	v14 =	vadd.f32 @p1 $-1.420889940e-01, v14;
	v15 =	vmul.f32 @p3 v12, v15  }
0x367: {  	vm1 =	vmmov @p2 vm1;
	v22 =	vpsel p1, v22, v24;
	v48 =	vadd.f32 $1.065626370e-01, v47  }
0x368: {  	v24 =	vld [tilespmem:$0x1FE30];
	v14 =	vmul.f32 @p1 v14, v17;
	v11 =	vmul.f32 @p3 v15, v12;
	v12 =	vsub.f32 @p2 $1.570796370e+00, v13  }
0x369: {  	vm1 =	vmmov @p2 vm1;
	vm2 =	vlt.f32 @p2 v2, $0.0e+00;
	v2 =	vmul.f32 v48, v23  }
0x36a: {  	v13 =	vpsel p2, v13, v0;
	v14 =	vadd.f32 @p1 $1.999355110e-01, v14;
	v12 =	vpsel p2, v12, v0  }
0x36b: {  	s21 =	sadd.s32 s18, s9;
	vm0 =	vmmov @p1 vm0;
	v2 =	vadd.f32 $-1.420889940e-01, v2;
	v12 =	vsel @p2 vm1, v12, v13  }
0x36c: {  	v15 =	vadd.s32 s21, v33;
	v13 =	vmul.f32 @p1 v14, v17;
	v14 =	vsub.f32 @p2 $3.141592740e+00, v12  }
0x36d: {  	v24 =	vpsel p2, v24, v53;
	vm2 =	vmmov @p2 vm2;
	v2 =	vmul.f32 v2, v23  }
0x36e: {  	v9 =	vmovc @p2 v21;
	v13 =	vadd.f32 @p1 $-3.333314660e-01, v13;
	v12 =	vsel @p2 vm2, v14, v12;
	v14 =	vadd.s32 s21, v34  }
0x36f: {  	v9 =	vpsel p2, v9, v0;
	v1 =	vadd.f32 @p0 v1, v54;
	v2 =	vadd.f32 $1.999355110e-01, v2  }
0x370: {  	v18 =	vld.idx.msk [tilespmem:v45+s14+$0x0], $0xffff;
	vm1 =	vlt.f32 @p2 v6, $0.0e+00;
	v13 =	vmul.f32 @p1 v13, v17;
	v17 =	vsub.f32 @p2 $0.0e+00, v12  }
0x371: {  	v1 =	vpsel p0, v1, v57;
	vm1 =	vmmov @p2 vm1;
	v15 =	vld.idx.msk [tilespmem:v15+s14+$0x0], $0xffff;
	v2 =	vmul.f32 v2, v23  }
0x372: {  	v1 =	vadd.f32 @p3 v11, v1;
	v11 =	vsel @p2 vm1, v17, v12;
	v12 =	vmovc @p1 v16;
	v13 =	vadd.f32 @p1 $1.000000000e+00, v13;
	v16 =	vmovc @p1 v22  }
0x373: {  	v12 =	vpsel p1, v12, v0;
	v16 =	vpsel p1, v16, v0;
	v2 =	vadd.f32 $-3.333314660e-01, v2;
	v14 =	vld.idx.msk [tilespmem:v14+s14+$0x0], $0xffff  }
0x374: {  	vm0 =	vmmov @p1 vm0;
	v6 =	vld.idx.msk @p2 [tilespmem:v24+s15+$0x0], $0xffff;
	v12 =	vmul.f32 @p1 v13, v12;
	v16 =	vpsel p1, v16, v0  }
0x375: {  	v13 =	vadd.s32 $0x50, v18;
	v17 =	vmovc @p1 v19;
	v18 =	vadd.s32 $0x40, v18;
	v2 =	vmul.f32 v2, v23  }
0x376: {  	vm0 =	vmmov @p1 vm0;
	v49 =	vmul.u32 $0x3, v15;
	v17 =	vpsel p1, v17, v0  }
0x377: {  	v3 =	vpsel p1, v3, v0;
	vm0 =	vmmov @p1 vm0;
	v2 =	vadd.f32 $1.000000000e+00, v2  }
0x378: {  	v9 =	vld.idx.msk @p2 [tilespmem:v9+s15+$0x0], $0xffff;
	v50 =	vadd.s32 $0x1, v49;
	v15 =	vsub.f32 @p1 $1.570796370e+00, v12;
	v14 =	vmul.u32 $0x3, v14  }
0x379: {  	vm14 =	vgt.f32 v8, v44;
	v6 =	vmul.f32 @p2 $5.000000000e-01, v6;
	v8 =	vld.idx.msk @p1 [tilespmem:v16+s15+$0x0], $0xffff;
	v2 =	vmul.f32 v2, v10  }
0x37a: {  	vm1 =	vmmov vm14;
	v7 =	vpsel p1, v15, v0;
	v15 =	vld.idx.msk [tilespmem:v18+s15+$0x0], $0xffff;
	v16 =	vadd.s32 $0x1, v14  }
0x37b: {  	v21 =	vadd.s32 $0x2, v49;
	v12 =	vpsel p1, v12, v0;
	v19 =	vld.idx.msk @p1 [tilespmem:v17+s15+$0x0], $0xffff;
	v18 =	vsub.f32 $1.570796370e+00, v2  }
0x37c: {  	v7 =	vsel @p1 vm0, v7, v12;
	vm0 =	vmmov vm1;
	v17 =	vld.idx.msk [tilespmem:v49+s18+$0x0], $0xffff;
	v51 =	vadd.s32 $0x2, v14  }
0x37d: {  	vm1 =	vlt.f32 @p1 v3, $0.0e+00;
	v3 =	vsub.f32 @p1 $3.141592740e+00, v7;
	v2 =	vsel vm0, v18, v2;
	v18 =	vld.idx.msk [tilespmem:v50+s18+$0x0], $0xffff  }
0x37e: {  	v6 =	vpsel p2, v6, v0;
	vm0 =	vmmov @p1 vm1;
	v52 =	vsub.f32 $3.141592740e+00, v2;
	v22 =	vld.idx.msk [tilespmem:v14+s18+$0x0], $0xffff  }
0x37f: {  	v0 =	vpsel p1, v0, v0;
	v3 =	vsel @p1 vm0, v3, v7;
	vm0 =	vlt.f32 v42, $0.0e+00;
	v20 =	vld.idx.msk [tilespmem:v16+s18+$0x0], $0xffff  }
0x380: {  	v25 =	vld.idx.msk [tilespmem:v21+s18+$0x0], $0xffff;
	vm1 =	vlt.f32 @p1 v0, $0.0e+00;
	v53 =	vsel vm0, v52, v2;
	v2 =	vsub.f32 @p1 $0.0e+00, v3  }
0x381: {  	vm15 =	vlt.f32 v43, $0.0e+00;
	v9 =	vsub.f32 @p2 v11, v9;
	vm0 =	vmmov @p1 vm1;
	v26 =	vld.idx.msk [tilespmem:v51+s18+$0x0], $0xffff  }
0x382: {  	v1 =	vpsel p3, v1, v57;
	v13 =	vld.idx.msk [tilespmem:v13+s15+$0x0], $0xffff;
	v5 =	vmul.f32 @p1 $5.000000000e-01, v19;
	v2 =	vsel @p1 vm0, v2, v3  }
0x383: {  	v6 =	vmul.f32 @p2 v9, v6;
	v54 =	vsub.f32 $0.0e+00, v53;
	v2 =	vsub.f32 @p1 v2, v8  }
0x384: {  	v5 =	vpsel p1, v5, v53;
	v31 =	vsub.f32 v22, v17;
	v32 =	vsub.f32 v20, v18  }
0x385: {  	v6 =	vmul.f32 @p2 v6, v9;
	v0 =	vsel vm15, v54, v53;
	v3 =	vmul.f32 @p1 v2, v5  }
0x386: {  	v35 =	vsub.f32 v26, v25;
	v56 =	vmul.f32 v31, v31;
	v58 =	vmul.f32 v32, v32  }
0x387: {  	v1 =	vadd.f32 @p2 v6, v1;
	v55 =	vmul.f32 $5.000000000e-01, v15;
	v0 =	vsub.f32 v0, v13  }
0x388: {  	p3 =	sne.s32 s18, $0xF0;
	v2 =	vmul.f32 @p1 v3, v2;
	v62 =	vmul.f32 v35, v35;
	v61 =	vadd.f32 v58, v56  }
.Ltmp13:
0x389: {  	v1 =	vpsel p2, v1, v57;
	v59 =	vmul.f32 v0, v55;
	(pc) =	sbr.rel @!p3 .LBB2_28-.Ltmp13, $4  }
0x38a: {  	v1 =	vadd.f32 @p1 v2, v1;
	v14 =	vadd.f32 v62, v61  }
0x38b: {  	v15 =	vor.u32 $0x2100, v60;
	v0 =	vmul.f32 v59, v0  }
0x38c: {  	s19 =	sadd.s32 $0x10, s18;
	v16 =	vor.u32 $0x2700, v60;
	v1 =	vpsel p1, v1, v57;
	v63 =	vmax.f32 v14, $1.000000000e-30  }
0x38d: {  	p0 =	por $0x0, $0x0;
	p2 =	por $0x0, $0x0;
	p1 =	por $0x0, $0x0;
	v13 =	vadd.f32 v0, v1;
	v12 =	vshrl.u32 v63, $0x1;
	v37 =	vmul.f32 $5.000000000e-01, v63  }
0x38e: {  	s20 =	sadd.s32 s19, s9  }
0x38f: {  	v0 =	vadd.s32 s20, v33  }
0x390: {  	v1 =	vadd.s32 s20, v34;
	_ =	sdelay $0x2  }
0x391: {  	v2 =	vsub.s32 $0x5F3759DF, v12  }
0x392: {  	v3 =	vmul.f32 v2, v37;
	v0 =	vld.idx.msk [tilespmem:v0+s14+$0x0], $0xffff  }
0x393: {  	v1 =	vld.idx.msk [tilespmem:v1+s14+$0x0], $0xffff  }
0x394: {  	v3 =	vmul.f32 v2, v3;
	_ =	sdelay $0x1  }
0x395: {  	v3 =	vsub.f32 $1.500000000e+00, v3  }
0x396: {  	v0 =	vmul.u32 $0x3, v0  }
0x397: {  	v2 =	vmul.f32 v2, v3;
	v1 =	vmul.u32 $0x3, v1;
	_ =	sdelay $0x1  }
0x398: {  	v3 =	vmul.f32 v2, v37;
	v4 =	vadd.s32 $0x1, v0  }
0x399: {  	v5 =	vadd.s32 $0x1, v1  }
0x39a: {  	v3 =	vmul.f32 v3, v2;
	v8 =	vadd.s32 $0x2, v0  }
0x39b: {  	v10 =	vld.idx.msk [tilespmem:v0+s18+$0x0], $0xffff;
	v0 =	vadd.s32 $0x2, v1  }
0x39c: {  	v36 =	vld.idx.msk [tilespmem:v1+s18+$0x0], $0xffff;
	v1 =	vsub.f32 $1.500000000e+00, v3  }
0x39d: {  	v6 =	vld.idx.msk [tilespmem:v4+s18+$0x0], $0xffff  }
0x39e: {  	v7 =	vld.idx.msk [tilespmem:v5+s18+$0x0], $0xffff;
	v1 =	vmul.f32 v1, v2  }
0x39f: {  	v5 =	vld.idx.msk [tilespmem:v8+s18+$0x0], $0xffff;
	v2 =	vadd.s32 s21, v16  }
0x3a0: {  	v3 =	vadd.s32 s21, v15;
	v9 =	vld.idx.msk [tilespmem:v0+s18+$0x0], $0xffff;
	v0 =	vmul.f32 v1, v37;
	_ =	sdelay $0x1  }
0x3a1: {  	v0 =	vmul.f32 v0, v1  }
0x3a2: {  	v11 =	vsub.f32 v36, v10;
	v8 =	vsub.f32 v7, v6  }
0x3a3: {  	v2 =	vld.idx.msk [tilespmem:v2+s14+$0x0], $0xffff;
	v0 =	vsub.f32 $1.500000000e+00, v0  }
0x3a4: {  	v3 =	vld.idx.msk [tilespmem:v3+s14+$0x0], $0xffff;
	v4 =	vmul.f32 v11, v11;
	v12 =	vmul.f32 v8, v8;
	v39 =	vsub.f32 v9, v5  }
0x3a5: {  	v0 =	vmul.f32 v0, v1  }
0x3a6: {  	p3 =	sne.s32 s19, $0xF0;
	v4 =	vadd.f32 v12, v4;
	v12 =	vmul.f32 v39, v39  }
.Ltmp14:
0x3a7: {  	v61 =	vld [tilespmem:$0x1FFD0];
	v0 =	vmul.f32 v0, v14;
	(pc) =	sbr.rel @!p3 .LBB2_30-.Ltmp14, $4  }
0x3a8: {  	v62 =	vld [tilespmem:$0x1FFE0];
	v1 =	vmul.u32 $0x3, v2;
	v14 =	vadd.f32 v12, v4  }
0x3a9: {  	v63 =	vld [tilespmem:$0x1FFF0];
	v56 =	vimm.f32 $-5.000000000e-01;
	v2 =	vmul.u32 $0x3, v3;
	v0 =	vadd.f32 $9.999999710e-10, v0  }
0x3aa: {  	v3 =	vadd.s32 $0x2, v1;
	v4 =	vadd.s32 $0x1, v1;
	v19 =	vmax.f32 v14, $1.000000000e-30  }
0x3ab: {  	s22 =	sadd.s32 $0x10, s19;
	p1 =	por $0x1, $0x1;
	v12 =	vshrl.u32 v19, $0x1;
	v37 =	vmul.f32 $5.000000000e-01, v19;
	(erf) = vrcp.f32 v0  }
0x3ac: {  	_ = 	snop  }
0x3ad: {  	v0 =	vadd.s32 $0x1, v2;
	_ =	sdelay $0x1  }
0x3ae: {  	v19 =	vadd.s32 $0x2, v2  }
0x3af: {  	v1 =	vld.idx.msk [tilespmem:v1+s18+$0x0], $0xffff  }
0x3b0: {  	v2 =	vld.idx.msk [tilespmem:v2+s18+$0x0], $0xffff  }
0x3b1: {  	v0 =	vld.idx.msk [tilespmem:v0+s18+$0x0], $0xffff  }
0x3b2: {  	v4 =	vld.idx.msk [tilespmem:v4+s18+$0x0], $0xffff  }
0x3b3: {  	v19 =	vld.idx.msk [tilespmem:v19+s18+$0x0], $0xffff  }
0x3b4: {  	v12 =	vsub.s32 $0x5F3759DF, v12;
	v3 =	vld.idx.msk [tilespmem:v3+s18+$0x0], $0xffff;
	s23 =	sadd.s32 s22, s9  }
0x3b5: {  	v21 =	vmul.f32 v12, v37;
	v23 =	vadd.s32 s23, v33;
	v2 =	vsub.f32 v2, v17;
	v24 =	vpop (erf)  }
0x3b6: {  	v17 =	vmul.f32 v24, v31;
	v27 =	vmul.f32 v24, v32;
	v0 =	vsub.f32 v0, v18  }
0x3b7: {  	v1 =	vsub.f32 v1, v22;
	v4 =	vsub.f32 v4, v20;
	v18 =	vmul.f32 v24, v35  }
0x3b8: {  	v19 =	vsub.f32 v19, v25;
	v20 =	vmul.f32 v17, v2;
	v22 =	vmul.f32 v27, v0  }
0x3b9: {  	v3 =	vsub.f32 v3, v26;
	v24 =	vadd.s32 s23, v34;
	v25 =	vmul.f32 v17, v1  }
0x3ba: {  	v26 =	vmul.f32 v27, v4;
	v20 =	vadd.f32 v22, v20;
	v22 =	vmul.f32 v18, v19  }
0x3bb: {  	v21 =	vmul.f32 v12, v21  }
0x3bc: {  	v28 =	vmul.f32 v18, v3;
	v25 =	vadd.f32 v26, v25;
	v20 =	vadd.f32 v20, v22  }
0x3bd: {  	v21 =	vsub.f32 $1.500000000e+00, v21;
	v22 =	vld.idx.msk [tilespmem:v23+s14+$0x0], $0xffff  }
0x3be: {  	v23 =	vld.idx.msk [tilespmem:v24+s14+$0x0], $0xffff;
	v24 =	vadd.f32 v25, v28;
	v25 =	vmul.f32 v20, v18;
	v26 =	vmul.f32 v20, v27  }
0x3bf: {  	v12 =	vmul.f32 v12, v21;
	v20 =	vmul.f32 v20, v17  }
0x3c0: {  	v21 =	vmul.f32 v24, v18;
	v19 =	vsub.f32 v19, v25;
	v0 =	vsub.f32 v0, v26  }
0x3c1: {  	v25 =	vmul.f32 v24, v17;
	v2 =	vsub.f32 v2, v20;
	v20 =	vmul.f32 v24, v27  }
0x3c2: {  	v3 =	vsub.f32 v3, v21;
	v24 =	vmul.f32 v19, v27;
	v26 =	vmul.f32 v0, v18  }
0x3c3: {  	v28 =	vmul.u32 $0x3, v23;
	v18 =	vmul.f32 v2, v18;
	v23 =	vmul.f32 v19, v17  }
0x3c4: {  	v1 =	vsub.f32 v1, v25;
	v4 =	vsub.f32 v4, v20;
	v17 =	vmul.f32 v0, v17  }
0x3c5: {  	v20 =	vsub.f32 v24, v26;
	v18 =	vsub.f32 v18, v23;
	v23 =	vmul.f32 v2, v27  }
0x3c6: {  	v22 =	vmul.u32 $0x3, v22;
	v2 =	vmul.f32 v1, v2;
	v0 =	vmul.f32 v4, v0  }
0x3c7: {  	v1 =	vmul.f32 v20, v1;
	v4 =	vmul.f32 v18, v4  }
0x3c8: {  	v19 =	vmul.f32 v3, v19;
	v17 =	vsub.f32 v17, v23;
	v18 =	vmul.f32 v12, v37  }
0x3c9: {  	v20 =	vadd.s32 $0x1, v22;
	v0 =	vadd.f32 v0, v2;
	v1 =	vadd.f32 v4, v1  }
0x3ca: {  	v2 =	vmul.f32 v17, v3;
	v3 =	vmul.f32 v18, v12;
	v4 =	vadd.s32 $0x1, v28  }
0x3cb: {  	v23 =	vadd.f32 v0, v19;
	v0 =	vadd.s32 $0x2, v28  }
0x3cc: {  	v21 =	vadd.s32 $0x2, v22;
	v17 =	vld.idx.msk [tilespmem:v22+s18+$0x0], $0xffff;
	v19 =	vadd.f32 v1, v2;
	v1 =	vsub.f32 $1.500000000e+00, v3  }
0x3cd: {  	v22 =	vld.idx.msk [tilespmem:v28+s18+$0x0], $0xffff  }
0x3ce: {  	v28 =	vand.u32 $0x7FFFFFFF, v23;
	v18 =	vld.idx.msk [tilespmem:v20+s18+$0x0], $0xffff;
	v27 =	vand.u32 $0x7FFFFFFF, v19;
	v1 =	vmul.f32 v1, v12  }
0x3cf: {  	v3 =	vadd.s32 s20, v16;
	v2 =	vmax.f32 v28, v27;
	v20 =	vld.idx.msk [tilespmem:v4+s18+$0x0], $0xffff  }
0x3d0: {  	v26 =	vld.idx.msk [tilespmem:v0+s18+$0x0], $0xffff;
	v2 =	vmax.f32 v2, $1.000000000e-30;
	v0 =	vmul.f32 v1, v37  }
0x3d1: {  	v25 =	vld.idx.msk [tilespmem:v21+s18+$0x0], $0xffff;
	(erf) = vrcp.f32 v2;
	v2 =	vadd.s32 s20, v15  }
0x3d2: {  	v0 =	vmul.f32 v0, v1  }
0x3d3: {  	v31 =	vsub.f32 v22, v17  }
0x3d4: {  	v3 =	vld.idx.msk [tilespmem:v3+s14+$0x0], $0xffff;
	v32 =	vsub.f32 v20, v18;
	v0 =	vsub.f32 $1.500000000e+00, v0  }
0x3d5: {  	v4 =	vmul.f32 v31, v31  }
0x3d6: {  	v35 =	vsub.f32 v26, v25;
	v2 =	vld.idx.msk [tilespmem:v2+s14+$0x0], $0xffff;
	v12 =	vmul.f32 v32, v32;
	v0 =	vmul.f32 v0, v1;
	_ =	sdelay $0x1  }
0x3d7: {  	p3 =	sne.s32 s22, $0xF0;
	v4 =	vadd.f32 v12, v4;
	v12 =	vmul.f32 v35, v35;
	v0 =	vmul.f32 v0, v14  }
.Ltmp15:
0x3d8: {  	v24 =	vor.u32 $0x460, v60;
	v21 =	vor.u32 $0x260, v60;
	v1 =	vmul.u32 $0x3, v3;
	(pc) =	sbr.rel @!p3 .LBB2_32-.Ltmp15, $4  }
0x3d9: {  	v3 =	vmin.f32 v28, v27;
	v29 =	vpop (erf);
	v14 =	vadd.f32 v12, v4;
	v0 =	vadd.f32 $9.999999710e-10, v0  }
0x3da: {  	v4 =	vadd.s32 $0x1, v1;
	v30 =	vmul.f32 v29, v3;
	v2 =	vmul.u32 $0x3, v2  }
0x3db: {  	v3 =	vadd.s32 $0x2, v1;
	v29 =	vmax.f32 v14, $1.000000000e-30;
	(erf) = vrcp.f32 v0  }
0x3dc: {  	s22 =	sadd.s32 $0x10, s22;
	p2 =	por $0x1, $0x1;
	v38 =	vmul.f32 v30, v30;
	v12 =	vshrl.u32 v29, $0x1;
	v37 =	vmul.f32 $5.000000000e-01, v29  }
0x3dd: {  	_ = 	snop  }
0x3de: {  	v0 =	vmul.f32 $2.866225780e-03, v38;
	_ =	sdelay $0x1  }
0x3df: {  	v0 =	vadd.f32 $-1.616573710e-02, v0;
	_ =	sdelay $0x1  }
0x3e0: {  	v29 =	vadd.s32 $0x1, v2;
	v0 =	vmul.f32 v0, v38;
	_ =	sdelay $0x1  }
0x3e1: {  	v40 =	vadd.s32 $0x2, v2;
	v1 =	vld.idx.msk [tilespmem:v1+s18+$0x0], $0xffff;
	v0 =	vadd.f32 $4.290961470e-02, v0  }
0x3e2: {  	v2 =	vld.idx.msk [tilespmem:v2+s18+$0x0], $0xffff  }
0x3e3: {  	v12 =	vsub.s32 $0x5F3759DF, v12;
	v4 =	vld.idx.msk [tilespmem:v4+s18+$0x0], $0xffff;
	v0 =	vmul.f32 v0, v38  }
0x3e4: {  	v41 =	vmul.f32 v12, v37;
	v29 =	vld.idx.msk [tilespmem:v29+s18+$0x0], $0xffff  }
0x3e5: {  	v3 =	vld.idx.msk [tilespmem:v3+s18+$0x0], $0xffff;
	s24 =	sadd.s32 s22, s9;
	v0 =	vadd.f32 $-7.528963680e-02, v0  }
0x3e6: {  	v42 =	vadd.s32 s24, v33;
	v41 =	vmul.f32 v12, v41;
	v40 =	vld.idx.msk [tilespmem:v40+s18+$0x0], $0xffff;
	v1 =	vsub.f32 v1, v36;
	v52 =	vpop (erf)  }
0x3e7: {  	v2 =	vsub.f32 v2, v10;
	v10 =	vmul.f32 v52, v11;
	v0 =	vmul.f32 v0, v38  }
0x3e8: {  	v4 =	vsub.f32 v4, v7;
	v11 =	vmul.f32 v52, v39;
	v7 =	vmul.f32 v52, v8  }
0x3e9: {  	v6 =	vsub.f32 v29, v6;
	v8 =	vmul.f32 v10, v1;
	v0 =	vadd.f32 $1.065626370e-01, v0  }
0x3ea: {  	v3 =	vsub.f32 v3, v9;
	v9 =	vmul.f32 v7, v4;
	v29 =	vmul.f32 v10, v2  }
0x3eb: {  	v5 =	vsub.f32 v40, v5;
	v36 =	vmul.f32 v7, v6;
	v0 =	vmul.f32 v0, v38  }
0x3ec: {  	v53 =	vsub.f32 $1.500000000e+00, v41;
	v54 =	vmul.f32 v11, v3;
	v8 =	vadd.f32 v9, v8  }
0x3ed: {  	v9 =	vadd.f32 v36, v29;
	v29 =	vmul.f32 v11, v5;
	v0 =	vadd.f32 $-1.420889940e-01, v0  }
0x3ee: {  	v55 =	vadd.s32 s24, v34;
	v8 =	vadd.f32 v8, v54  }
0x3ef: {  	v12 =	vmul.f32 v12, v53;
	v9 =	vadd.f32 v9, v29;
	v0 =	vmul.f32 v0, v38  }
0x3f0: {  	v57 =	vadd.s32 s21, v21;
	vm0 =	vgt.f32 v27, v28;
	v59 =	vmul.f32 v8, v11  }
0x3f1: {  	v42 =	vld.idx.msk [tilespmem:v42+s14+$0x0], $0xffff;
	v58 =	vmul.f32 v12, v37;
	v43 =	vmul.f32 v9, v11;
	v0 =	vadd.f32 $1.999355110e-01, v0  }
0x3f2: {  	v44 =	vmul.f32 v8, v10;
	v3 =	vsub.f32 v3, v59;
	v48 =	vmul.f32 v9, v10  }
0x3f3: {  	v36 =	vld.idx.msk [tilespmem:v55+s14+$0x0], $0xffff;
	v9 =	vmul.f32 v9, v7;
	v5 =	vsub.f32 v5, v43;
	v0 =	vmul.f32 v0, v38  }
0x3f4: {  	v8 =	vmul.f32 v8, v7;
	v1 =	vsub.f32 v1, v44;
	v2 =	vsub.f32 v2, v48  }
0x3f5: {  	v6 =	vsub.f32 v6, v9;
	v9 =	vmul.f32 v3, v5;
	v0 =	vadd.f32 $-3.333314660e-01, v0  }
0x3f6: {  	v42 =	vmul.u32 $0x3, v42;
	v41 =	vmul.f32 v1, v2;
	v51 =	vmul.f32 v5, v7  }
0x3f7: {  	v4 =	vsub.f32 v4, v8;
	v45 =	vmul.f32 v6, v11;
	v0 =	vmul.f32 v0, v38  }
0x3f8: {  	v36 =	vmul.u32 $0x3, v36;
	v11 =	vmul.f32 v2, v11;
	v5 =	vmul.f32 v5, v10  }
0x3f9: {  	v8 =	vmul.f32 v6, v10;
	v2 =	vmul.f32 v2, v7;
	v0 =	vadd.f32 $1.000000000e+00, v0  }
0x3fa: {  	v29 =	vadd.s32 s21, v24;
	v10 =	vsub.f32 v51, v45;
	v5 =	vsub.f32 v11, v5  }
0x3fb: {  	v6 =	vmul.f32 v4, v6;
	v2 =	vsub.f32 v8, v2;
	v0 =	vmul.f32 v0, v30  }
0x3fc: {  	v1 =	vmul.f32 v10, v1;
	v4 =	vmul.f32 v5, v4;
	v5 =	vadd.s32 $0x1, v42  }
0x3fd: {  	v49 =	vmul.f32 v58, v12;
	v6 =	vadd.f32 v6, v41;
	v7 =	vsub.f32 $1.570796370e+00, v0  }
0x3fe: {  	v8 =	vld.idx.msk [tilespmem:v36+s18+$0x0], $0xffff;
	v2 =	vmul.f32 v2, v3;
	v3 =	vadd.s32 $0x1, v36;
	v1 =	vadd.f32 v4, v1  }
0x3ff: {  	v11 =	vadd.s32 $0x2, v42;
	v10 =	vld.idx.msk [tilespmem:v57+s15+$0x0], $0xffff;
	v39 =	vadd.f32 v6, v9;
	v0 =	vsel vm0, v7, v0  }
0x400: {  	v4 =	vld.idx.msk [tilespmem:v29+s15+$0x0], $0xffff;
	v29 =	vadd.s32 $0x2, v36;
	v40 =	vadd.f32 v1, v2;
	v1 =	vsub.f32 $3.141592740e+00, v0  }
0x401: {  	v50 =	vadd.s32 s23, v16;
	vm13 =	vlt.f32 v23, $0.0e+00;
	v6 =	vsub.f32 $1.500000000e+00, v49;
	v5 =	vld.idx.msk [tilespmem:v5+s18+$0x0], $0xffff  }
0x402: {  	v41 =	vand.u32 $0x7FFFFFFF, v40;
	v7 =	vld.idx.msk [tilespmem:v42+s18+$0x0], $0xffff;
	v42 =	vand.u32 $0x7FFFFFFF, v39;
	v0 =	vsel vm13, v1, v0  }
0x403: {  	vm14 =	vlt.f32 v19, $0.0e+00;
	v9 =	vld.idx.msk [tilespmem:v3+s18+$0x0], $0xffff;
	v1 =	vmax.f32 v42, v41;
	v53 =	vsub.f32 $0.0e+00, v0  }
0x404: {  	v2 =	vadd.s32 s23, v15;
	v3 =	vmul.f32 v6, v12;
	v6 =	vld.idx.msk [tilespmem:v11+s18+$0x0], $0xffff;
	v1 =	vmax.f32 v1, $1.000000000e-30  }
0x405: {  	v47 =	vld.idx.msk [tilespmem:v29+s18+$0x0], $0xffff;
	(erf) = vrcp.f32 v1;
	v0 =	vsel vm14, v53, v0  }
0x406: {  	v1 =	vmul.f32 v3, v37;
	v0 =	vmul.f32 v0, v4  }
0x407: {  	v52 =	vld.idx.msk [tilespmem:v50+s14+$0x0], $0xffff  }
0x408: {  	v4 =	vmul.f32 v1, v3;
	v45 =	vsub.f32 v0, v10  }
0x409: {  	v29 =	vor.u32 $0x60, v60;
	v2 =	vld.idx.msk [tilespmem:v2+s14+$0x0], $0xffff;
	v46 =	vsub.f32 v8, v7;
	v10 =	vsub.f32 v9, v5  }
0x40a: {  	v11 =	vsub.f32 v47, v6;
	v0 =	vsub.f32 $1.500000000e+00, v4;
	v4 =	vmul.f32 $1.591549370e-01, v45  }
0x40b: {  	v57 =	vmin.f32 v42, v41;
	v12 =	vmul.f32 v46, v46;
	v54 =	vmul.f32 v10, v10  }
0x40c: {  	v1 =	vmul.u32 $0x3, v52;
	v0 =	vmul.f32 v0, v3;
	vm15 =	vge.f32 v4, $0.0e+00  }
0x40d: {  	p4 =	sne.s32 s22, $0xF0;
	v3 =	vadd.f32 v54, v12;
	v12 =	vmul.f32 v11, v11;
	v55 =	vsel vm15, $0x3F000000, v56  }
.Ltmp16:
0x40e: {  	v2 =	vmul.u32 $0x3, v2;
	v0 =	vmul.f32 v0, v14;
	v58 =	vpop (erf);
	v36 =	vadd.f32 v55, v4;
	(pc) =	sbr.rel @!p4 .LBB2_34-.Ltmp16, $4  }
0x40f: {  	v14 =	vadd.f32 v12, v3;
	v3 =	vadd.s32 $0x2, v1;
	v44 =	vmul.f32 v58, v57  }
0x410: {  	v4 =	vadd.s32 $0x1, v1;
	v48 =	vadd.f32 $9.999999710e-10, v0;
	v0 =	vtrunc.f32 v36  }
0x411: {  	v59 =	vmax.f32 v14, $1.000000000e-30;
	v43 =	vmul.f32 v44, v44;
	v0 =	vcvt.f32.s32 v0  }
0x412: {  	s25 =	sadd.s32 $0x10, s22;
	p3 =	por $0x1, $0x1;
	s22 =	smov.u32 s21;
	(erf) = vrcp.f32 v48;
	v12 =	vshrl.u32 v59, $0x1;
	v37 =	vmul.f32 $5.000000000e-01, v59;
	v36 =	vmovc v13  }
.LBB2_35:
0x413: {  	p4 =	sne.s32 s25, $0xF0;
	v12 =	vsub.s32 $0x5F3759DF, v12;
	v48 =	vmul.f32 $2.866225780e-03, v43;
	v0 =	vcvt.s32.f32 v0  }
0x414: {  	v50 =	vadd.s32 $0x2, v2;
	v49 =	vmul.f32 v12, v37;
	v51 =	vld.idx.msk [tilespmem:v1+s18+$0x0], $0xffff  }
0x415: {  	v53 =	vadd.s32 $0x1, v2;
	v52 =	vld.idx.msk [tilespmem:v2+s18+$0x0], $0xffff;
	v1 =	vadd.f32 $-1.616573710e-02, v48;
	v0 =	vmul.f32 $-6.283185480e+00, v0  }
0x416: {  	v2 =	vmul.f32 v12, v49;
	v48 =	vld.idx.msk [tilespmem:v3+s18+$0x0], $0xffff  }
0x417: {  	s26 =	sadd.s32 s25, s9;
	v49 =	vadd.s32 s22, v29;
	s22 =	smov.u32 s20;
	s20 =	smov.u32 s23;
	v3 =	vmul.f32 v1, v43;
	v0 =	vadd.f32 v0, v45  }
0x418: {  	s23 =	smov.u32 s24;
	s24 =	smov.u32 s26;
	v45 =	vadd.s32 s26, v33;
	v54 =	vsub.f32 $1.500000000e+00, v2;
	v4 =	vld.idx.msk [tilespmem:v4+s18+$0x0], $0xffff;
	v2 =	vadd.s32 s22, v21  }
0x419: {  	v1 =	vadd.s32 s22, v24;
	v50 =	vld.idx.msk [tilespmem:v50+s18+$0x0], $0xffff;
	v55 =	vadd.f32 $4.290961470e-02, v3;
	v56 =	vmul.f32 v0, v0  }
0x41a: {  	v57 =	vadd.s32 s24, v34;
	v3 =	vadd.s32 s23, v16;
	v0 =	vmul.f32 v12, v54;
	v12 =	vld.idx.msk [tilespmem:v53+s18+$0x0], $0xffff  }
0x41b: {  	v51 =	vsub.f32 v51, v22;
	v53 =	vpop (erf);
	v58 =	vmul.f32 v55, v43;
	v54 =	vmul.f32 $2.087675590e-09, v56  }
0x41c: {  	v52 =	vsub.f32 v52, v17;
	v17 =	vmovc v7;
	v48 =	vsub.f32 v48, v26;
	v55 =	vmul.f32 v0, v37  }
0x41d: {  	v22 =	vmovc v8;
	v26 =	vmovc v47;
	v7 =	vld.idx.msk [tilespmem:v45+s14+$0x0], $0xffff;
	v45 =	vmul.f32 v53, v35;
	v35 =	vadd.f32 $-7.528963680e-02, v58;
	v54 =	vadd.f32 $-2.755732000e-07, v54  }
0x41e: {  	v8 =	vmul.f32 v53, v31;
	v47 =	vmul.f32 v53, v32;
	v4 =	vsub.f32 v4, v20;
	v20 =	vmovc v9  }
0x41f: {  	v9 =	vld.idx.msk [tilespmem:v57+s14+$0x0], $0xffff;
	v57 =	vmul.f32 v35, v43  }
0x420: {  	v50 =	vsub.f32 v50, v25;
	v58 =	vmul.f32 v54, v56;
	v35 =	vmul.f32 v47, v4  }
0x421: {  	v59 =	vmul.f32 v8, v51;
	v12 =	vsub.f32 v12, v18;
	v18 =	vmov v5  }
0x422: {  	v31 =	vmovc v46;
	v25 =	vmovc v6;
	v5 =	vmul.f32 v45, v48;
	v53 =	vadd.f32 $1.065626370e-01, v57;
	v54 =	vadd.f32 $2.480158760e-05, v58  }
0x423: {  	v32 =	vmovc v10;
	v6 =	vmul.f32 v8, v52;
	v46 =	vmul.f32 v47, v12;
	v57 =	vadd.f32 v35, v59  }
0x424: {  	v7 =	vmul.u32 $0x3, v7;
	v10 =	vmul.f32 v53, v43;
	v53 =	vmul.f32 v54, v56;
	v35 =	vmovc v11  }
0x425: {  	v6 =	vadd.f32 v46, v6;
	v11 =	vmul.f32 v45, v50;
	v5 =	vadd.f32 v57, v5  }
0x426: {  	v9 =	vmul.u32 $0x3, v9;
	v10 =	vadd.f32 $-1.420889940e-01, v10;
	v46 =	vadd.f32 $-1.388888920e-03, v53  }
0x427: {  	v53 =	vmul.f32 v55, v0;
	v6 =	vadd.f32 v6, v11;
	v11 =	vmul.f32 v5, v45  }
0x428: {  	v54 =	vadd.s32 $0x2, v7;
	v10 =	vmul.f32 v10, v43;
	v46 =	vmul.f32 v46, v56  }
0x429: {  	v57 =	vmul.f32 v5, v8;
	v55 =	vmul.f32 v6, v45;
	v11 =	vsub.f32 v48, v11  }
0x42a: {  	v48 =	vmul.f32 v6, v8;
	v10 =	vadd.f32 $1.999355110e-01, v10;
	v46 =	vadd.f32 $4.166666790e-02, v46  }
0x42b: {  	v6 =	vmul.f32 v6, v47;
	v51 =	vsub.f32 v51, v57;
	v50 =	vsub.f32 v50, v55  }
0x42c: {  	v48 =	vsub.f32 v52, v48;
	v10 =	vmul.f32 v10, v43;
	v46 =	vmul.f32 v46, v56  }
0x42d: {  	v5 =	vmul.f32 v5, v47;
	v6 =	vsub.f32 v12, v6;
	v12 =	vmul.f32 v11, v50  }
0x42e: {  	v52 =	vmul.f32 v51, v48;
	v10 =	vadd.f32 $-3.333314660e-01, v10;
	v46 =	vadd.f32 $-5.000000000e-01, v46  }
0x42f: {  	v55 =	vadd.s32 $0x1, v7;
	v57 =	vmul.f32 v50, v47;
	v58 =	vmul.f32 v6, v45  }
0x430: {  	v59 =	vadd.s32 $0x1, v9;
	v10 =	vmul.f32 v10, v43;
	v43 =	vld.idx.msk [tilespmem:v49+s15+$0x0], $0xffff;
	v46 =	vmul.f32 v46, v56  }
0x431: {  	v4 =	vsub.f32 v4, v5;
	v5 =	vmul.f32 v48, v45;
	v45 =	vmul.f32 v50, v8  }
0x432: {  	v8 =	vmul.f32 v6, v8;
	v10 =	vadd.f32 $1.000000000e+00, v10;
	v46 =	vadd.f32 $1.000000000e+00, v46  }
0x433: {  	v5 =	vsub.f32 v5, v45;
	v45 =	vmul.f32 v48, v47;
	v49 =	vsub.f32 v57, v58  }
0x434: {  	v6 =	vmul.f32 v4, v6;
	v10 =	vmul.f32 v10, v44;
	v44 =	vadd.f32 $1.000000000e+00, v46  }
0x435: {  	v8 =	vsub.f32 v8, v45;
	v4 =	vmul.f32 v5, v4;
	v45 =	vmul.f32 v49, v51  }
0x436: {  	v5 =	vadd.f32 v6, v52;
	v2 =	vld.idx.msk [tilespmem:v2+s15+$0x0], $0xffff;
	v6 =	vsub.f32 $1.570796370e+00, v10;
	v43 =	vmul.f32 v44, v43  }
0x437: {  	vm0 =	vgt.f32 v41, v42;
	v8 =	vmul.f32 v8, v11;
	v4 =	vadd.f32 v4, v45;
	v1 =	vld.idx.msk [tilespmem:v1+s15+$0x0], $0xffff  }
0x438: {  	v5 =	vadd.f32 v5, v12;
	v3 =	vld.idx.msk [tilespmem:v3+s14+$0x0], $0xffff;
	v6 =	vsel vm0, v6, v10;
	v36 =	vadd.f32 v43, v36  }
0x439: {  	v4 =	vadd.f32 v4, v8;
	v10 =	vadd.s32 $0x2, v9;
	v7 =	vld.idx.msk [tilespmem:v7+s18+$0x0], $0xffff;
	v11 =	vsub.f32 $3.141592740e+00, v6  }
0x43a: {  	v12 =	vadd.s32 s23, v15;
	v43 =	vsub.f32 $1.500000000e+00, v53;
	vm0 =	vlt.f32 v39, $0.0e+00;
	v39 =	vmovc v5;
	v8 =	vld.idx.msk [tilespmem:v9+s18+$0x0], $0xffff  }
0x43b: {  	v41 =	vand.u32 $0x7FFFFFFF, v4;
	v42 =	vand.u32 $0x7FFFFFFF, v39;
	v5 =	vld.idx.msk [tilespmem:v55+s18+$0x0], $0xffff;
	v11 =	vsel vm0, v11, v6  }
0x43c: {  	v56 =	vimm.f32 $-5.000000000e-01;
	v44 =	vmax.f32 v42, v41;
	v9 =	vld.idx.msk [tilespmem:v59+s18+$0x0], $0xffff;
	v45 =	vsub.f32 $0.0e+00, v11  }
0x43d: {  	v0 =	vmul.f32 v43, v0;
	v43 =	vmax.f32 v44, $1.000000000e-30;
	vm0 =	vlt.f32 v40, $0.0e+00;
	v40 =	vmovc v4;
	v6 =	vld.idx.msk [tilespmem:v54+s18+$0x0], $0xffff  }
0x43e: {  	v47 =	vld.idx.msk [tilespmem:v10+s18+$0x0], $0xffff;
	(erf) = vrcp.f32 v43;
	v4 =	vsel vm0, v45, v11  }
0x43f: {  	v10 =	vmul.f32 v0, v37;
	v12 =	vld.idx.msk [tilespmem:v12+s14+$0x0], $0xffff;
	v1 =	vmul.f32 v4, v1;
	_ =	sdelay $0x1  }
0x440: {  	v4 =	vmul.f32 v10, v0;
	v45 =	vsub.f32 v1, v2  }
0x441: {  	v46 =	vsub.f32 v8, v7;
	v10 =	vsub.f32 v9, v5  }
0x442: {  	v1 =	vmul.u32 $0x3, v3;
	v3 =	vsub.f32 $1.500000000e+00, v4;
	v4 =	vmul.f32 $1.591549370e-01, v45  }
0x443: {  	v37 =	vmul.f32 v46, v46;
	v11 =	vsub.f32 v47, v6;
	v43 =	vmul.f32 v10, v10  }
0x444: {  	v2 =	vmul.u32 $0x3, v12;
	v0 =	vmul.f32 v3, v0;
	vm0 =	vge.f32 v4, $0.0e+00  }
0x445: {  	v3 =	vadd.f32 v43, v37;
	v12 =	vmul.f32 v11, v11;
	v37 =	vsel vm0, $0x3F000000, v56  }
.Ltmp17:
0x446: {  	v43 =	vmin.f32 v42, v41;
	v0 =	vmul.f32 v0, v14;
	v44 =	vpop (erf);
	v37 =	vadd.f32 v37, v4;
	(pc) =	sbr.rel @p4 .LBB2_35-.Ltmp17, $4  }
0x447: {  	v14 =	vadd.f32 v12, v3;
	v3 =	vadd.s32 $0x2, v1;
	v44 =	vmul.f32 v44, v43  }
0x448: {  	v4 =	vadd.s32 $0x1, v1;
	v48 =	vadd.f32 $9.999999710e-10, v0;
	v0 =	vtrunc.f32 v37  }
0x449: {  	v37 =	vmax.f32 v14, $1.000000000e-30;
	v43 =	vmul.f32 v44, v44;
	v0 =	vcvt.f32.s32 v0  }
0x44a: {  	s25 =	sadd.s32 $0x10, s25;
	v12 =	vshrl.u32 v37, $0x1;
	v37 =	vmul.f32 $5.000000000e-01, v37;
	(erf) = vrcp.f32 v48  }
0x44b: {  	v33 =	vmov v22;
	v48 =	vmov v17;
	v34 =	vmov v26  }
0x44c: {  	v49 =	vmovc v35;
	v50 =	vmovc v20;
	v51 =	vmov v31;
	v52 =	vmov v32;
	v53 =	vmov v25  }
0x44d: {  	v54 =	vmovc v18;
	v17 =	vmovc v7;
	v22 =	vmov v8;
	v26 =	vmov v47;
	v20 =	vmov v9  }
0x44e: {  	s26 =	smov.u32 s20;
	s25 =	smov.u32 s23;
	s20 =	smov.u32 s24;
	v18 =	vmovc v5;
	v25 =	vmovc v6;
	v31 =	vmov v46;
	v32 =	vmov v10;
	v35 =	vmov v11  }
.LBB2_37:
0x44f: {  	_ = 	snop  }
0x450: {  	v5 =	vadd.s32 @p1 $0x1, v2;
	v6 =	vsub.s32 $0x5F3759DF, v12  }
0x451: {  	v8 =	vmul.f32 v6, v37  }
0x452: {  	v7 =	vadd.s32 @p1 $0x2, v2  }
0x453: {  	v1 =	vld.idx.msk @p1 [tilespmem:v1+s18+$0x0], $0xffff;
	v8 =	vmul.f32 v6, v8  }
0x454: {  	v2 =	vld.idx.msk @p1 [tilespmem:v2+s18+$0x0], $0xffff  }
0x455: {  	v5 =	vld.idx.msk @p1 [tilespmem:v5+s18+$0x0], $0xffff;
	v8 =	vsub.f32 $1.500000000e+00, v8  }
0x456: {  	v4 =	vld.idx.msk @p1 [tilespmem:v4+s18+$0x0], $0xffff  }
0x457: {  	v7 =	vld.idx.msk @p1 [tilespmem:v7+s18+$0x0], $0xffff  }
0x458: {  	v3 =	vld.idx.msk @p1 [tilespmem:v3+s18+$0x0], $0xffff  }
0x459: {  	v2 =	vsub.f32 @p1 v2, v48;
	v6 =	vmul.f32 v6, v8;
	v8 =	vpop @p1 (erf)  }
0x45a: {  	v9 =	vmul.f32 @p1 v8, v51;
	v10 =	vmul.f32 @p1 v8, v52;
	v5 =	vsub.f32 @p1 v5, v54  }
0x45b: {  	v1 =	vsub.f32 @p1 v1, v33;
	v4 =	vsub.f32 @p1 v4, v50;
	v8 =	vmul.f32 @p1 v8, v49  }
0x45c: {  	v7 =	vsub.f32 @p1 v7, v53;
	v11 =	vmul.f32 @p1 v9, v2;
	v12 =	vmul.f32 @p1 v10, v5  }
0x45d: {  	v3 =	vsub.f32 @p1 v3, v34;
	v33 =	vmul.f32 @p1 v9, v1  }
0x45e: {  	v34 =	vmul.f32 @p1 v10, v4;
	v11 =	vadd.f32 @p1 v12, v11;
	v12 =	vmul.f32 @p1 v8, v7  }
0x45f: {  	v46 =	vmul.f32 v6, v37  }
0x460: {  	v47 =	vmul.f32 @p1 v8, v3;
	v33 =	vadd.f32 @p1 v34, v33;
	v11 =	vadd.f32 @p1 v11, v12  }
0x461: {  	v59 =	vmul.f32 v46, v6  }
0x462: {  	v16 =	vadd.s32 s20, v16;
	v12 =	vadd.f32 @p1 v33, v47;
	v34 =	vmul.f32 @p1 v11, v8  }
0x463: {  	v33 =	vsub.f32 $1.500000000e+00, v59;
	v46 =	vmul.f32 @p1 v11, v10;
	v11 =	vmul.f32 @p1 v11, v9  }
0x464: {  	v47 =	vmul.f32 @p1 v12, v9;
	v48 =	vmul.f32 @p1 v12, v8;
	v7 =	vsub.f32 @p1 v7, v34  }
0x465: {  	v6 =	vmul.f32 v33, v6;
	v5 =	vsub.f32 @p1 v5, v46;
	v2 =	vsub.f32 @p1 v2, v11  }
0x466: {  	v1 =	vsub.f32 @p1 v1, v47;
	v11 =	vmul.f32 @p1 v12, v10;
	v12 =	vmul.f32 @p1 v7, v10  }
0x467: {  	v33 =	vadd.s32 s20, v15;
	v34 =	vmul.f32 @p1 v5, v8;
	v8 =	vmul.f32 @p1 v2, v8  }
0x468: {  	v46 =	vmul.f32 @p1 v7, v9;
	v47 =	vmul.f32 @p1 v1, v2;
	v4 =	vsub.f32 @p1 v4, v11  }
0x469: {  	v9 =	vmul.f32 @p1 v5, v9;
	v2 =	vmul.f32 @p1 v2, v10;
	v11 =	vsub.f32 @p1 v12, v34  }
0x46a: {  	v3 =	vsub.f32 @p1 v3, v48;
	v8 =	vsub.f32 @p1 v8, v46;
	v12 =	vmul.f32 v6, v37  }
0x46b: {  	v5 =	vmul.f32 @p1 v4, v5;
	v2 =	vsub.f32 @p1 v9, v2;
	v1 =	vmul.f32 @p1 v11, v1  }
0x46c: {  	v4 =	vmul.f32 @p1 v8, v4;
	v34 =	vmul.f32 v12, v6  }
0x46d: {  	v7 =	vmul.f32 @p1 v3, v7;
	v5 =	vadd.f32 @p1 v5, v47;
	v2 =	vmul.f32 @p1 v2, v3  }
0x46e: {  	v37 =	vld.idx.msk [tilespmem:v16+s14+$0x0], $0xffff;
	v1 =	vadd.f32 @p1 v4, v1;
	v46 =	vsub.f32 $1.500000000e+00, v34  }
0x46f: {  	v47 =	vld.idx.msk [tilespmem:v33+s14+$0x0], $0xffff;
	v4 =	vadd.f32 @p1 v5, v7  }
0x470: {  	v1 =	vadd.f32 @p1 v1, v2;
	v6 =	vmul.f32 v46, v6  }
0x471: {  	v2 =	vmov @p1 v4  }
0x472: {  	v3 =	vand.u32 @p1 $0x7FFFFFFF, v2;
	v4 =	vand.u32 @p1 $0x7FFFFFFF, v1;
	v6 =	vmul.f32 v6, v14  }
0x473: {  	v48 =	vmul.u32 $0x3, v37;
	v7 =	vmax.f32 @p1 v3, v4  }
0x474: {  	v5 =	vmul.u32 $0x3, v47;
	v7 =	vmax.f32 @p1 v7, $1.000000000e-30;
	v6 =	vadd.f32 $9.999999710e-10, v6  }
0x475: {  	(erf) = vrcp.f32 @p1 v7  }
0x476: {  	v49 =	vadd.s32 $0x1, v5;
	(erf) = vrcp.f32 v6  }
0x477: {  	v50 =	vadd.s32 $0x1, v48  }
0x478: {  	v51 =	vadd.s32 $0x2, v5  }
0x479: {  	v52 =	vadd.s32 $0x2, v48;
	v8 =	vld.idx.msk [tilespmem:v48+s18+$0x0], $0xffff  }
0x47a: {  	v5 =	vld.idx.msk [tilespmem:v5+s18+$0x0], $0xffff  }
0x47b: {  	v6 =	vld.idx.msk [tilespmem:v49+s18+$0x0], $0xffff  }
0x47c: {  	v7 =	vld.idx.msk [tilespmem:v50+s18+$0x0], $0xffff  }
0x47d: {  	v9 =	vld.idx.msk [tilespmem:v51+s18+$0x0], $0xffff  }
0x47e: {  	v10 =	vld.idx.msk [tilespmem:v52+s18+$0x0], $0xffff;
	v11 =	vpop @p1 (erf)  }
0x47f: {  	v5 =	vsub.f32 v5, v17;
	v12 =	vpop (erf)  }
0x480: {  	v6 =	vsub.f32 v6, v18;
	v14 =	vmul.f32 v12, v31;
	v15 =	vmul.f32 v12, v32  }
0x481: {  	v8 =	vsub.f32 v8, v22;
	v7 =	vsub.f32 v7, v20;
	v12 =	vmul.f32 v12, v35  }
0x482: {  	v9 =	vsub.f32 v9, v25;
	v16 =	vmul.f32 v14, v5;
	v17 =	vmul.f32 v15, v6  }
0x483: {  	v10 =	vsub.f32 v10, v26;
	v18 =	vmul.f32 v14, v8  }
0x484: {  	v20 =	vmul.f32 v15, v7;
	v16 =	vadd.f32 v17, v16;
	v17 =	vmul.f32 v12, v9;
	_ =	sdelay $0x1  }
0x485: {  	v22 =	vmul.f32 v12, v10;
	v18 =	vadd.f32 v20, v18;
	v16 =	vadd.f32 v16, v17;
	_ =	sdelay $0x1  }
0x486: {  	v17 =	vadd.f32 v18, v22;
	v18 =	vmul.f32 v16, v12;
	v20 =	vmul.f32 v16, v15  }
0x487: {  	v16 =	vmul.f32 v16, v14  }
0x488: {  	v22 =	vmul.f32 v17, v12;
	v9 =	vsub.f32 v9, v18;
	v6 =	vsub.f32 v6, v20  }
0x489: {  	v18 =	vmul.f32 v17, v14;
	v5 =	vsub.f32 v5, v16;
	v16 =	vmul.f32 v17, v15  }
0x48a: {  	v17 =	vmul.f32 v9, v15;
	v20 =	vmul.f32 v6, v12  }
0x48b: {  	v12 =	vmul.f32 v5, v12;
	v25 =	vmul.f32 v9, v14  }
0x48c: {  	v8 =	vsub.f32 v8, v18;
	v7 =	vsub.f32 v7, v16;
	v14 =	vmul.f32 v6, v14  }
0x48d: {  	v15 =	vmul.f32 v5, v15;
	v16 =	vsub.f32 v17, v20;
	v12 =	vsub.f32 v12, v25  }
0x48e: {  	v10 =	vsub.f32 v10, v22;
	v5 =	vmul.f32 v8, v5;
	v6 =	vmul.f32 v7, v6  }
0x48f: {  	v14 =	vsub.f32 v14, v15;
	v8 =	vmul.f32 v16, v8;
	v7 =	vmul.f32 v12, v7  }
0x490: {  	v9 =	vmul.f32 v10, v9  }
0x491: {  	v5 =	vadd.f32 v6, v5;
	v54 =	vmul.f32 v14, v10;
	v53 =	vadd.f32 v7, v8;
	_ =	sdelay $0x1  }
0x492: {  	v55 =	vadd.f32 v5, v9;
	v57 =	vadd.f32 v53, v54;
	_ =	sdelay $0x1  }
0x493: {  	v58 =	vand.u32 $0x7FFFFFFF, v55;
	v59 =	vand.u32 $0x7FFFFFFF, v57  }
0x494: {  	v32 =	vmax.f32 v58, v59  }
0x495: {  	v10 =	vmax.f32 v32, $1.000000000e-30  }
0x496: {  	v6 =	vmul.f32 @p2 $2.866225780e-03, v43;
	(erf) = vrcp.f32 v10;
	_ =	sdelay $0x1  }
0x497: {  	v6 =	vadd.f32 @p2 $-1.616573710e-02, v6;
	_ =	sdelay $0x1  }
0x498: {  	v6 =	vmul.f32 @p2 v6, v43;
	v10 =	vmin.f32 @p1 v3, v4  }
0x499: {  	v10 =	vmul.f32 @p1 v11, v10  }
0x49a: {  	v6 =	vadd.f32 @p2 $4.290961470e-02, v6  }
0x49b: {  	v11 =	vmul.f32 @p1 v10, v10  }
0x49c: {  	v6 =	vmul.f32 @p2 v6, v43  }
0x49d: {  	v12 =	vmin.f32 v58, v59;
	v11 =	vpsel p1, v11, v38;
	v14 =	vpop (erf)  }
0x49e: {  	v6 =	vadd.f32 @p2 $-7.528963680e-02, v6;
	v15 =	vmul.f32 @p1 $2.866225780e-03, v11;
	v12 =	vmul.f32 v14, v12;
	_ =	sdelay $0x1  }
0x49f: {  	v6 =	vmul.f32 @p2 v6, v43;
	v14 =	vadd.f32 @p1 $-1.616573710e-02, v15;
	v15 =	vmul.f32 v12, v12;
	_ =	sdelay $0x1  }
0x4a0: {  	v6 =	vadd.f32 @p2 $1.065626370e-01, v6;
	v14 =	vmul.f32 @p1 v14, v11;
	v16 =	vmul.f32 $2.866225780e-03, v15;
	_ =	sdelay $0x1  }
0x4a1: {  	v6 =	vmul.f32 @p2 v6, v43;
	v14 =	vadd.f32 @p1 $4.290961470e-02, v14;
	v16 =	vadd.f32 $-1.616573710e-02, v16;
	_ =	sdelay $0x1  }
0x4a2: {  	v6 =	vadd.f32 @p2 $-1.420889940e-01, v6;
	v14 =	vmul.f32 @p1 v14, v11;
	v16 =	vmul.f32 v16, v15;
	_ =	sdelay $0x1  }
0x4a3: {  	v6 =	vmul.f32 @p2 v6, v43;
	v14 =	vadd.f32 @p1 $-7.528963680e-02, v14;
	v16 =	vadd.f32 $4.290961470e-02, v16;
	_ =	sdelay $0x1  }
0x4a4: {  	v6 =	vadd.f32 @p2 $1.999355110e-01, v6;
	v14 =	vmul.f32 @p1 v14, v11;
	v16 =	vmul.f32 v16, v15;
	_ =	sdelay $0x1  }
0x4a5: {  	v6 =	vmul.f32 @p2 v6, v43;
	v14 =	vadd.f32 @p1 $1.065626370e-01, v14;
	v16 =	vadd.f32 $-7.528963680e-02, v16;
	_ =	sdelay $0x1  }
0x4a6: {  	v6 =	vadd.f32 @p2 $-3.333314660e-01, v6;
	v14 =	vmul.f32 @p1 v14, v11;
	v16 =	vmul.f32 v16, v15;
	_ =	sdelay $0x1  }
0x4a7: {  	v6 =	vmul.f32 @p2 v6, v43;
	v14 =	vadd.f32 @p1 $-1.420889940e-01, v14;
	v16 =	vadd.f32 $1.065626370e-01, v16;
	_ =	sdelay $0x1  }
0x4a8: {  	v6 =	vadd.f32 @p2 $1.000000000e+00, v6;
	v14 =	vmul.f32 @p1 v14, v11;
	v16 =	vmul.f32 v16, v15;
	_ =	sdelay $0x1  }
0x4a9: {  	s23 =	smov.u32 @p2 s26;
	v6 =	vmul.f32 @p2 v6, v44;
	v14 =	vadd.f32 @p1 $1.999355110e-01, v14;
	v16 =	vadd.f32 $-1.420889940e-01, v16  }
0x4aa: {  	v0 =	vcvt.s32.f32 @p3 v0;
	v17 =	vadd.s32 @p2 s23, v24  }
0x4ab: {  	v18 =	vsub.f32 @p2 $1.570796370e+00, v6;
	v14 =	vmul.f32 @p1 v14, v11;
	v16 =	vmul.f32 v16, v15  }
0x4ac: {  	vm0 =	vgt.f32 @p2 v41, v42;
	v0 =	vmul.f32 @p3 $-6.283185480e+00, v0;
	v20 =	vadd.s32 @p2 s23, v21  }
0x4ad: {  	v6 =	vsel @p2 vm0, v18, v6;
	v14 =	vadd.f32 @p1 $-3.333314660e-01, v14;
	v16 =	vadd.f32 $1.999355110e-01, v16  }
0x4ae: {  	v0 =	vadd.f32 @p3 v0, v45;
	v18 =	vsub.f32 @p2 $3.141592740e+00, v6  }
0x4af: {  	v17 =	vld.idx.msk @p2 [tilespmem:v17+s15+$0x0], $0xffff;
	vm0 =	vlt.f32 @p2 v39, $0.0e+00;
	v11 =	vmul.f32 @p1 v14, v11;
	v14 =	vmul.f32 v16, v15  }
0x4b0: {  	v34 =	vor.u32 $0x460, v60;
	v4 =	vpsel p1, v4, v27;
	v6 =	vsel @p2 vm0, v18, v6  }
0x4b1: {  	v3 =	vpsel p1, v3, v28;
	v18 =	vsub.f32 @p2 $0.0e+00, v6;
	v14 =	vadd.f32 $-3.333314660e-01, v14  }
0x4b2: {  	s24 =	smov.u32 @p1 s25;
	v10 =	vpsel p1, v10, v30;
	vm0 =	vlt.f32 @p2 v40, $0.0e+00;
	v16 =	vld.idx.msk @p2 [tilespmem:v20+s15+$0x0], $0xffff;
	v11 =	vadd.f32 @p1 $1.000000000e+00, v11  }
0x4b3: {  	s21 =	smov.u32 @p1 s24;
	v6 =	vsel @p2 vm0, v18, v6;
	v18 =	vor.u32 @p1 $0x460, v60;
	v33 =	vmul.f32 v14, v15  }
0x4b4: {  	s24 =	smov.u32 @p1 s21;
	v6 =	vmul.f32 @p2 v6, v17;
	v10 =	vmul.f32 @p1 v11, v10;
	v14 =	vpsel p1, v18, v24  }
0x4b5: {  	v17 =	vor.u32 @p1 $0x260, v60;
	v14 =	vadd.s32 @p1 s24, v14;
	v11 =	vadd.f32 $1.000000000e+00, v33  }
0x4b6: {  	vm0 =	vgt.f32 @p1 v4, v3;
	v17 =	vpsel p1, v17, v21;
	v15 =	vsub.f32 @p1 $1.570796370e+00, v10  }
0x4b7: {  	v6 =	vsub.f32 @p2 v6, v16;
	v16 =	vadd.s32 @p1 s24, v17;
	v35 =	vmul.f32 v11, v12  }
0x4b8: {  	v37 =	vor.u32 $0x260, v60;
	v4 =	vadd.s32 s20, v34;
	v3 =	vsel @p1 vm0, v15, v10  }
0x4b9: {  	v2 =	vpsel p1, v2, v23;
	v11 =	vsub.f32 @p1 $3.141592740e+00, v3;
	v12 =	vsub.f32 $1.570796370e+00, v35  }
0x4ba: {  	vm12 =	vgt.f32 v59, v58;
	vm0 =	vlt.f32 @p1 v2, $0.0e+00;
	v2 =	vadd.s32 s20, v37;
	v14 =	vld.idx.msk @p1 [tilespmem:v14+s15+$0x0], $0xffff  }
0x4bb: {  	v1 =	vpsel p1, v1, v19;
	v3 =	vsel @p1 vm0, v11, v3;
	v9 =	vsel vm12, v12, v35  }
0x4bc: {  	v10 =	vmul.f32 @p2 $1.591549370e-01, v6;
	v11 =	vld.idx.msk @p1 [tilespmem:v16+s15+$0x0], $0xffff;
	v7 =	vsub.f32 @p1 $0.0e+00, v3;
	v38 =	vsub.f32 $3.141592740e+00, v9  }
0x4bd: {  	v0 =	vmul.f32 @p3 v0, v0;
	vm13 =	vlt.f32 v55, $0.0e+00;
	v4 =	vld.idx.msk [tilespmem:v4+s15+$0x0], $0xffff;
	vm0 =	vlt.f32 @p1 v1, $0.0e+00  }
0x4be: {  	v3 =	vsel @p1 vm0, v7, v3;
	vm0 =	vge.f32 @p2 v10, $0.0e+00;
	v1 =	vsel vm13, v38, v9  }
0x4bf: {  	v2 =	vld.idx.msk [tilespmem:v2+s15+$0x0], $0xffff;
	v7 =	vsel @p2 vm0, $0x3F000000, v56;
	v3 =	vmul.f32 @p1 v3, v14;
	v39 =	vsub.f32 $0.0e+00, v1  }
0x4c0: {  	vm14 =	vlt.f32 v57, $0.0e+00;
	v7 =	vadd.f32 @p2 v7, v10  }
0x4c1: {  	v5 =	vmul.f32 @p3 $2.087675590e-09, v0;
	v3 =	vsub.f32 @p1 v3, v11;
	v1 =	vsel vm14, v39, v1  }
0x4c2: {  	v7 =	vtrunc.f32 @p2 v7;
	v1 =	vmul.f32 v1, v4  }
0x4c3: {  	v4 =	vadd.f32 @p3 $-2.755732000e-07, v5;
	v5 =	vcvt.f32.s32 @p2 v7;
	v7 =	vmul.f32 @p1 $1.591549370e-01, v3  }
0x4c4: {  	v1 =	vsub.f32 v1, v2  }
0x4c5: {  	v2 =	vmul.f32 @p3 v4, v0;
	v4 =	vpsel p2, v5, v0;
	vm0 =	vge.f32 @p1 v7, $0.0e+00  }
0x4c6: {  	v4 =	vcvt.s32.f32 @p2 v4;
	v5 =	vsel @p1 vm0, $0x3F000000, v56  }
0x4c7: {  	v40 =	vmul.f32 $1.591549370e-01, v1;
	v5 =	vadd.f32 @p1 v5, v7  }
0x4c8: {  	v4 =	vmul.f32 @p2 $-6.283185480e+00, v4  }
0x4c9: {  	v6 =	vpsel p2, v6, v0;
	vm15 =	vge.f32 v40, $0.0e+00;
	v5 =	vtrunc.f32 @p1 v5  }
0x4ca: {  	v41 =	vsel vm15, $0x3F000000, v56;
	v4 =	vadd.f32 @p2 v4, v6;
	v5 =	vcvt.f32.s32 @p1 v5  }
0x4cb: {  	v42 =	vadd.f32 v41, v40  }
0x4cc: {  	v2 =	vadd.f32 @p3 $2.480158760e-05, v2;
	v4 =	vmul.f32 @p2 v4, v4;
	v5 =	vpsel p1, v5, v0  }
0x4cd: {  	v6 =	vtrunc.f32 v42;
	v5 =	vcvt.s32.f32 @p1 v5  }
0x4ce: {  	v2 =	vmul.f32 @p3 v2, v0;
	v6 =	vcvt.f32.s32 v6  }
0x4cf: {  	v7 =	vmul.f32 @p2 $2.087675590e-09, v4;
	v5 =	vmul.f32 @p1 $-6.283185480e+00, v5  }
0x4d0: {  	v3 =	vpsel p1, v3, v0;
	v2 =	vadd.f32 @p3 $-1.388888920e-03, v2;
	v6 =	vcvt.s32.f32 v6  }
0x4d1: {  	v7 =	vadd.f32 @p2 $-2.755732000e-07, v7;
	v3 =	vadd.f32 @p1 v5, v3  }
0x4d2: {  	v2 =	vmul.f32 @p3 v2, v0;
	v43 =	vmul.f32 $-6.283185480e+00, v6  }
0x4d3: {  	s21 =	sadd.s32 s18, s8;
	v34 =	vor.u32 $0x2A00, v60;
	v6 =	vmul.f32 @p2 v7, v4;
	v3 =	vmul.f32 @p1 v3, v3  }
0x4d4: {  	v44 =	vor.u32 s21, v34;
	v2 =	vadd.f32 @p3 $4.166666790e-02, v2  }
0x4d5: {  	v35 =	vor.u32 $0x2B00, v60;
	v5 =	vadd.f32 @p2 $2.480158760e-05, v6;
	v7 =	vmul.f32 @p1 $2.087675590e-09, v3  }
0x4d6: {  	v45 =	vor.u32 s21, v35;
	v2 =	vmul.f32 @p3 v2, v0  }
0x4d7: {  	v5 =	vmul.f32 @p2 v5, v4;
	v7 =	vadd.f32 @p1 $-2.755732000e-07, v7  }
0x4d8: {  	v2 =	vadd.f32 @p3 $-5.000000000e-01, v2;
	v1 =	vadd.f32 v43, v1  }
0x4d9: {  	v6 =	vld.idx.msk [tilespmem:v44+s14+$0x0], $0xffff;
	v5 =	vadd.f32 @p2 $-1.388888920e-03, v5;
	v7 =	vmul.f32 @p1 v7, v3  }
0x4da: {  	v0 =	vmul.f32 @p3 v2, v0;
	v1 =	vmul.f32 v1, v1  }
0x4db: {  	v47 =	vld.idx.msk [tilespmem:v45+s14+$0x0], $0xffff;
	v2 =	vmul.f32 @p2 v5, v4;
	v7 =	vadd.f32 @p1 $2.480158760e-05, v7  }
0x4dc: {  	v8 =	vadd.s32 @p3 s22, v29;
	v0 =	vadd.f32 @p3 $1.000000000e+00, v0;
	v46 =	vmul.f32 $2.087675590e-09, v1  }
0x4dd: {  	v10 =	vor.u32 @p2 $0x60, v60;
	v2 =	vadd.f32 @p2 $4.166666790e-02, v2;
	v7 =	vmul.f32 @p1 v7, v3  }
0x4de: {  	s22 =	smov.u32 @p2 s23;
	v10 =	vpsel p2, v10, v0;
	v6 =	vmul.u32 $0x3, v6;
	v9 =	vadd.f32 $-2.755732000e-07, v46  }
0x4df: {  	v10 =	vadd.s32 @p2 s22, v10;
	v2 =	vmul.f32 @p2 v2, v4;
	v7 =	vadd.f32 @p1 $-1.388888920e-03, v7  }
0x4e0: {  	v5 =	vmul.u32 $0x3, v47;
	v9 =	vmul.f32 v9, v1  }
0x4e1: {  	v8 =	vld.idx.msk @p3 [tilespmem:v8+s15+$0x0], $0xffff;
	v0 =	vadd.f32 @p3 $1.000000000e+00, v0;
	v2 =	vadd.f32 @p2 $-5.000000000e-01, v2;
	v7 =	vmul.f32 @p1 v7, v3  }
0x4e2: {  	v48 =	vadd.s32 $0x1, v6;
	v14 =	vadd.s32 $0x2, v6;
	v9 =	vadd.f32 $2.480158760e-05, v9  }
0x4e3: {  	v2 =	vmul.f32 @p2 v2, v4;
	v4 =	vor.u32 @p1 $0x60, v60;
	v7 =	vadd.f32 @p1 $4.166666790e-02, v7  }
0x4e4: {  	s22 =	smov.u32 @p1 s24;
	v12 =	vadd.s32 $0x1, v5;
	v10 =	vld.idx.msk @p2 [tilespmem:v10+s15+$0x0], $0xffff;
	v9 =	vmul.f32 v9, v1;
	v4 =	vpsel p1, v4, v0  }
0x4e5: {  	v17 =	vld.idx.msk [tilespmem:v6+s2+$0x0], $0xffff;
	v2 =	vadd.f32 @p2 $1.000000000e+00, v2;
	v4 =	vadd.s32 @p1 s22, v4;
	v7 =	vmul.f32 @p1 v7, v3  }
0x4e6: {  	v49 =	vadd.s32 $0x2, v5;
	v23 =	vld.idx.msk [tilespmem:v5+s2+$0x0], $0xffff;
	v9 =	vadd.f32 $-1.388888920e-03, v9;
	v0 =	vmul.f32 @p3 v0, v8  }
0x4e7: {  	v18 =	vld.idx.msk [tilespmem:v48+s2+$0x0], $0xffff;
	v2 =	vadd.f32 @p2 $1.000000000e+00, v2;
	v5 =	vadd.f32 @p1 $-5.000000000e-01, v7  }
0x4e8: {  	v24 =	vld.idx.msk [tilespmem:v14+s2+$0x0], $0xffff;
	v9 =	vmul.f32 v9, v1;
	v0 =	vadd.f32 @p3 v0, v36  }
0x4e9: {  	v21 =	vld.idx.msk [tilespmem:v12+s2+$0x0], $0xffff;
	v2 =	vmul.f32 @p2 v2, v10;
	v3 =	vmul.f32 @p1 v5, v3  }
0x4ea: {  	v9 =	vadd.f32 $4.166666790e-02, v9;
	v0 =	vpsel p3, v0, v13;
	v4 =	vld.idx.msk @p1 [tilespmem:v4+s15+$0x0], $0xffff  }
0x4eb: {  	v50 =	vor.u32 $0x60, v60;
	v26 =	vld.idx.msk [tilespmem:v49+s2+$0x0], $0xffff;
	v0 =	vadd.f32 @p2 v2, v0;
	v2 =	vadd.f32 @p1 $1.000000000e+00, v3  }
0x4ec: {  	v7 =	vadd.s32 s20, v50;
	v51 =	vmul.f32 v9, v1  }
0x4ed: {  	v2 =	vadd.f32 @p1 $1.000000000e+00, v2  }
0x4ee: {  	v52 =	vadd.f32 $-5.000000000e-01, v51  }
0x4ef: {  	v31 =	vsub.f32 v23, v17;
	v32 =	vsub.f32 v21, v18;
	v2 =	vmul.f32 @p1 v2, v4  }
0x4f0: {  	v33 =	vsub.f32 v26, v24;
	v1 =	vmul.f32 v52, v1;
	v0 =	vpsel p2, v0, v13  }
0x4f1: {  	v54 =	vmul.f32 v31, v31;
	v55 =	vmul.f32 v32, v32;
	v53 =	vld.idx.msk [tilespmem:v7+s15+$0x0], $0xffff;
	v0 =	vadd.f32 @p1 v2, v0  }
0x4f2: {  	v1 =	vadd.f32 $1.000000000e+00, v1  }
0x4f3: {  	v58 =	vmul.f32 v33, v33;
	v57 =	vadd.f32 v55, v54;
	v0 =	vpsel p1, v0, v13;
	p1 =	sne.s32 s18, $0x70  }
.Ltmp18:
0x4f4: {  	v1 =	vadd.f32 $1.000000000e+00, v1;
	(pc) =	sbr.rel @!p1 .LBB2_38-.Ltmp18, $4  }
0x4f5: {  	v14 =	vadd.f32 v58, v57  }
0x4f6: {  	v1 =	vmul.f32 v1, v53  }
0x4f7: {  	v15 =	vor.u32 $0x2900, v60;
	v16 =	vor.u32 $0x2C00, v60;
	v59 =	vmax.f32 v14, $1.000000000e-30  }
0x4f8: {  	v47 =	vshrl.u32 v59, $0x1;
	v36 =	vmul.f32 $5.000000000e-01, v59;
	v13 =	vadd.f32 v1, v0  }
0x4f9: {  	s18 =	sadd.s32 s19, s8  }
0x4fa: {  	v0 =	vor.u32 s18, v34  }
0x4fb: {  	v1 =	vor.u32 s18, v35;
	_ =	sdelay $0x2  }
0x4fc: {  	v2 =	vsub.s32 $0x5F3759DF, v47  }
0x4fd: {  	v3 =	vmul.f32 v2, v36;
	v0 =	vld.idx.msk [tilespmem:v0+s14+$0x0], $0xffff  }
0x4fe: {  	v1 =	vld.idx.msk [tilespmem:v1+s14+$0x0], $0xffff  }
0x4ff: {  	v3 =	vmul.f32 v2, v3;
	_ =	sdelay $0x1  }
0x500: {  	v3 =	vsub.f32 $1.500000000e+00, v3  }
0x501: {  	v0 =	vmul.u32 $0x3, v0  }
0x502: {  	v2 =	vmul.f32 v2, v3;
	v1 =	vmul.u32 $0x3, v1;
	_ =	sdelay $0x1  }
0x503: {  	v3 =	vmul.f32 v2, v36;
	v4 =	vadd.s32 $0x1, v0  }
0x504: {  	v6 =	vadd.s32 $0x1, v1  }
0x505: {  	v3 =	vmul.f32 v3, v2;
	v7 =	vadd.s32 $0x2, v0  }
0x506: {  	v9 =	vld.idx.msk [tilespmem:v0+s2+$0x0], $0xffff;
	v0 =	vadd.s32 $0x2, v1  }
0x507: {  	v11 =	vld.idx.msk [tilespmem:v1+s2+$0x0], $0xffff;
	v1 =	vsub.f32 $1.500000000e+00, v3  }
0x508: {  	v5 =	vld.idx.msk [tilespmem:v4+s2+$0x0], $0xffff  }
0x509: {  	v6 =	vld.idx.msk [tilespmem:v6+s2+$0x0], $0xffff;
	v1 =	vmul.f32 v1, v2  }
0x50a: {  	v4 =	vld.idx.msk [tilespmem:v7+s2+$0x0], $0xffff;
	v2 =	vor.u32 s21, v16  }
0x50b: {  	v3 =	vor.u32 s21, v15;
	v8 =	vld.idx.msk [tilespmem:v0+s2+$0x0], $0xffff;
	v0 =	vmul.f32 v1, v36;
	_ =	sdelay $0x1  }
0x50c: {  	v0 =	vmul.f32 v0, v1  }
0x50d: {  	v10 =	vsub.f32 v11, v9;
	v7 =	vsub.f32 v6, v5  }
0x50e: {  	v2 =	vld.idx.msk [tilespmem:v2+s14+$0x0], $0xffff;
	v0 =	vsub.f32 $1.500000000e+00, v0  }
0x50f: {  	v3 =	vld.idx.msk [tilespmem:v3+s14+$0x0], $0xffff;
	v19 =	vmul.f32 v10, v10;
	v20 =	vmul.f32 v7, v7;
	v12 =	vsub.f32 v8, v4  }
0x510: {  	v0 =	vmul.f32 v0, v1  }
0x511: {  	p2 =	sne.s32 s19, $0x70;
	v1 =	vadd.f32 v20, v19;
	v19 =	vmul.f32 v12, v12  }
.Ltmp19:
0x512: {  	v20 =	vmul.f32 v0, v14;
	(pc) =	sbr.rel @!p2 .LBB2_40-.Ltmp19, $4  }
0x513: {  	v0 =	vmul.u32 $0x3, v2;
	v14 =	vadd.f32 v19, v1  }
0x514: {  	v1 =	vmul.u32 $0x3, v3;
	v19 =	vadd.f32 $9.999999710e-10, v20  }
0x515: {  	v2 =	vadd.s32 $0x2, v0;
	v3 =	vadd.s32 $0x1, v0;
	v20 =	vmax.f32 v14, $1.000000000e-30  }
0x516: {  	s19 =	sadd.s32 $0x10, s19;
	p1 =	por $0x1, $0x1;
	v47 =	vshrl.u32 v20, $0x1;
	v36 =	vmul.f32 $5.000000000e-01, v20;
	(erf) = vrcp.f32 v19  }
0x517: {  	_ =	sdelay $0x1  }
0x518: {  	v19 =	vadd.s32 $0x1, v1  }
0x519: {  	v20 =	vadd.s32 $0x2, v1  }
0x51a: {  	v0 =	vld.idx.msk [tilespmem:v0+s2+$0x0], $0xffff  }
0x51b: {  	v1 =	vld.idx.msk [tilespmem:v1+s2+$0x0], $0xffff  }
0x51c: {  	v3 =	vld.idx.msk [tilespmem:v3+s2+$0x0], $0xffff  }
0x51d: {  	v19 =	vld.idx.msk [tilespmem:v19+s2+$0x0], $0xffff  }
0x51e: {  	v20 =	vld.idx.msk [tilespmem:v20+s2+$0x0], $0xffff;
	_ =	sdelay $0x1  }
0x51f: {  	v22 =	vsub.s32 $0x5F3759DF, v47;
	v2 =	vld.idx.msk [tilespmem:v2+s2+$0x0], $0xffff  }
0x520: {  	v25 =	vmul.f32 v22, v36;
	v1 =	vsub.f32 v1, v17;
	v0 =	vsub.f32 v0, v23;
	v28 =	vpop (erf)  }
0x521: {  	v17 =	vmul.f32 v28, v31;
	v29 =	vmul.f32 v28, v32;
	v18 =	vsub.f32 v19, v18  }
0x522: {  	s20 =	sadd.s32 s19, s8;
	v3 =	vsub.f32 v3, v21;
	v19 =	vmul.f32 v28, v33;
	v20 =	vsub.f32 v20, v24  }
0x523: {  	v24 =	vor.u32 s20, v35;
	v21 =	vmul.f32 v17, v1;
	v23 =	vmul.f32 v29, v18  }
0x524: {  	v27 =	vor.u32 s20, v34;
	v2 =	vsub.f32 v2, v26;
	v26 =	vmul.f32 v17, v0  }
0x525: {  	v28 =	vmul.f32 v29, v3;
	v21 =	vadd.f32 v23, v21;
	v23 =	vmul.f32 v19, v20  }
0x526: {  	v25 =	vmul.f32 v22, v25  }
0x527: {  	v30 =	vmul.f32 v19, v2;
	v26 =	vadd.f32 v28, v26;
	v21 =	vadd.f32 v21, v23  }
0x528: {  	v24 =	vld.idx.msk [tilespmem:v24+s14+$0x0], $0xffff;
	v23 =	vsub.f32 $1.500000000e+00, v25  }
0x529: {  	v26 =	vadd.f32 v26, v30;
	v25 =	vld.idx.msk [tilespmem:v27+s14+$0x0], $0xffff;
	v27 =	vmul.f32 v21, v19;
	v28 =	vmul.f32 v21, v29  }
0x52a: {  	v30 =	vmul.f32 v22, v23;
	v21 =	vmul.f32 v21, v17  }
0x52b: {  	v22 =	vmul.f32 v26, v19;
	v20 =	vsub.f32 v20, v27;
	v18 =	vsub.f32 v18, v28  }
0x52c: {  	v23 =	vmul.f32 v26, v17;
	v1 =	vsub.f32 v1, v21;
	v21 =	vmul.f32 v26, v29  }
0x52d: {  	v24 =	vmul.u32 $0x3, v24;
	v26 =	vmul.f32 v20, v29;
	v27 =	vmul.f32 v18, v19  }
0x52e: {  	v0 =	vsub.f32 v0, v23;
	v19 =	vmul.f32 v1, v19;
	v28 =	vmul.f32 v20, v17  }
0x52f: {  	v2 =	vsub.f32 v2, v22;
	v3 =	vsub.f32 v3, v21;
	v17 =	vmul.f32 v18, v17  }
0x530: {  	v23 =	vmul.f32 v1, v29;
	v21 =	vsub.f32 v26, v27;
	v19 =	vsub.f32 v19, v28  }
0x531: {  	v25 =	vmul.u32 $0x3, v25;
	v1 =	vmul.f32 v0, v1;
	v18 =	vmul.f32 v3, v18  }
0x532: {  	v17 =	vsub.f32 v17, v23;
	v0 =	vmul.f32 v21, v0;
	v3 =	vmul.f32 v19, v3  }
0x533: {  	v20 =	vmul.f32 v2, v20;
	v19 =	vmul.f32 v30, v36;
	v21 =	vadd.s32 $0x1, v25  }
0x534: {  	v1 =	vadd.f32 v18, v1;
	v2 =	vmul.f32 v17, v2;
	v0 =	vadd.f32 v3, v0  }
0x535: {  	v29 =	vadd.s32 $0x2, v25;
	v26 =	vadd.s32 $0x1, v24  }
0x536: {  	v3 =	vmul.f32 v19, v30;
	v22 =	vadd.f32 v1, v20;
	v19 =	vadd.f32 v0, v2  }
0x537: {  	v23 =	vld.idx.msk [tilespmem:v24+s2+$0x0], $0xffff;
	v0 =	vadd.s32 $0x2, v24  }
0x538: {  	v17 =	vld.idx.msk [tilespmem:v25+s2+$0x0], $0xffff;
	v1 =	vsub.f32 $1.500000000e+00, v3;
	v27 =	vand.u32 $0x7FFFFFFF, v22;
	v28 =	vand.u32 $0x7FFFFFFF, v19  }
0x539: {  	v18 =	vld.idx.msk [tilespmem:v21+s2+$0x0], $0xffff;
	v2 =	vmax.f32 v27, v28  }
0x53a: {  	v3 =	vor.u32 s18, v16;
	v21 =	vld.idx.msk [tilespmem:v26+s2+$0x0], $0xffff;
	v1 =	vmul.f32 v1, v30;
	v2 =	vmax.f32 v2, $1.000000000e-30  }
0x53b: {  	v24 =	vld.idx.msk [tilespmem:v29+s2+$0x0], $0xffff;
	(erf) = vrcp.f32 v2  }
0x53c: {  	v2 =	vor.u32 s18, v15;
	v26 =	vld.idx.msk [tilespmem:v0+s2+$0x0], $0xffff;
	v0 =	vmul.f32 v1, v36;
	_ =	sdelay $0x1  }
0x53d: {  	v0 =	vmul.f32 v0, v1  }
0x53e: {  	v31 =	vsub.f32 v23, v17;
	v3 =	vld.idx.msk [tilespmem:v3+s14+$0x0], $0xffff;
	v32 =	vsub.f32 v21, v18  }
0x53f: {  	v0 =	vsub.f32 $1.500000000e+00, v0  }
0x540: {  	v25 =	vmul.f32 v31, v31;
	v29 =	vmul.f32 v32, v32;
	v2 =	vld.idx.msk [tilespmem:v2+s14+$0x0], $0xffff;
	v33 =	vsub.f32 v26, v24  }
0x541: {  	v1 =	vmul.f32 v0, v1  }
0x542: {  	p3 =	sne.s32 s19, $0x70;
	v20 =	vor.u32 $0x760, v60;
	v29 =	vadd.f32 v29, v25;
	v30 =	vmul.f32 v33, v33  }
.Ltmp20:
0x543: {  	v0 =	vmul.u32 $0x3, v3;
	v3 =	vmul.f32 v1, v14;
	v1 =	vmin.f32 v27, v28;
	v58 =	vpop (erf);
	(pc) =	sbr.rel @!p3 .LBB2_42-.Ltmp20, $4  }
0x544: {  	v25 =	vor.u32 $0x860, v60;
	v14 =	vadd.f32 v30, v29;
	v30 =	vmul.f32 v58, v1  }
0x545: {  	v1 =	vmul.u32 $0x3, v2;
	v2 =	vadd.s32 $0x2, v0;
	v29 =	vadd.f32 $9.999999710e-10, v3  }
0x546: {  	v3 =	vadd.s32 $0x1, v0;
	v59 =	vmax.f32 v14, $1.000000000e-30;
	v38 =	vmul.f32 v30, v30  }
0x547: {  	s19 =	sadd.s32 $0x10, s19;
	p2 =	por $0x1, $0x1;
	v47 =	vshrl.u32 v59, $0x1;
	v36 =	vmul.f32 $5.000000000e-01, v59;
	(erf) = vrcp.f32 v29  }
0x548: {  	_ = 	snop  }
0x549: {  	v29 =	vmul.f32 $2.866225780e-03, v38  }
0x54a: {  	v37 =	vadd.s32 $0x1, v1  }
0x54b: {  	v29 =	vadd.f32 $-1.616573710e-02, v29  }
0x54c: {  	v39 =	vadd.s32 $0x2, v1;
	v0 =	vld.idx.msk [tilespmem:v0+s2+$0x0], $0xffff  }
0x54d: {  	v1 =	vld.idx.msk [tilespmem:v1+s2+$0x0], $0xffff;
	v29 =	vmul.f32 v29, v38  }
0x54e: {  	v3 =	vld.idx.msk [tilespmem:v3+s2+$0x0], $0xffff  }
0x54f: {  	v37 =	vld.idx.msk [tilespmem:v37+s2+$0x0], $0xffff;
	v29 =	vadd.f32 $4.290961470e-02, v29  }
0x550: {  	v2 =	vld.idx.msk [tilespmem:v2+s2+$0x0], $0xffff  }
0x551: {  	v39 =	vld.idx.msk [tilespmem:v39+s2+$0x0], $0xffff;
	v0 =	vsub.f32 v0, v11;
	v29 =	vmul.f32 v29, v38;
	v11 =	vpop (erf)  }
0x552: {  	v1 =	vsub.f32 v1, v9;
	v9 =	vmul.f32 v11, v10  }
0x553: {  	v3 =	vsub.f32 v3, v6;
	v6 =	vmul.f32 v11, v7;
	v29 =	vadd.f32 $-7.528963680e-02, v29  }
0x554: {  	v12 =	vmul.f32 v11, v12;
	v5 =	vsub.f32 v37, v5;
	v7 =	vmul.f32 v9, v0  }
0x555: {  	v2 =	vsub.f32 v2, v8;
	v8 =	vmul.f32 v6, v3;
	v10 =	vmul.f32 v29, v38  }
0x556: {  	v4 =	vsub.f32 v39, v4;
	v11 =	vmul.f32 v9, v1;
	v29 =	vmul.f32 v6, v5  }
0x557: {  	v53 =	vmul.f32 v12, v2;
	v7 =	vadd.f32 v8, v7;
	v10 =	vadd.f32 $1.065626370e-01, v10  }
0x558: {  	v8 =	vadd.f32 v29, v11;
	v11 =	vmul.f32 v12, v4  }
0x559: {  	v40 =	vsub.s32 $0x5F3759DF, v47;
	v7 =	vadd.f32 v7, v53;
	v10 =	vmul.f32 v10, v38  }
0x55a: {  	s22 =	sadd.s32 s19, s8;
	v41 =	vmul.f32 v40, v36;
	v8 =	vadd.f32 v8, v11  }
0x55b: {  	v42 =	vor.u32 s22, v34;
	v55 =	vmul.f32 v7, v12;
	v10 =	vadd.f32 $-1.420889940e-01, v10  }
0x55c: {  	v29 =	vor.u32 s22, v35;
	v44 =	vmul.f32 v7, v9;
	v43 =	vmul.f32 v8, v12  }
0x55d: {  	v57 =	vmul.f32 v8, v9;
	v2 =	vsub.f32 v2, v55;
	v10 =	vmul.f32 v10, v38  }
0x55e: {  	v8 =	vmul.f32 v8, v6;
	v0 =	vsub.f32 v0, v44;
	v4 =	vsub.f32 v4, v43  }
0x55f: {  	v41 =	vmul.f32 v40, v41;
	v1 =	vsub.f32 v1, v57;
	v10 =	vadd.f32 $1.999355110e-01, v10  }
0x560: {  	v42 =	vld.idx.msk [tilespmem:v42+s14+$0x0], $0xffff;
	v7 =	vmul.f32 v7, v6;
	v5 =	vsub.f32 v5, v8;
	v8 =	vmul.f32 v2, v4  }
0x561: {  	v29 =	vld.idx.msk [tilespmem:v29+s14+$0x0], $0xffff;
	v48 =	vmul.f32 v0, v1;
	v10 =	vmul.f32 v10, v38  }
0x562: {  	v52 =	vsub.f32 $1.500000000e+00, v41;
	v49 =	vmul.f32 v4, v6;
	v45 =	vmul.f32 v5, v12  }
0x563: {  	v12 =	vmul.f32 v1, v12;
	v4 =	vmul.f32 v4, v9;
	v10 =	vadd.f32 $-3.333314660e-01, v10  }
0x564: {  	v3 =	vsub.f32 v3, v7;
	v7 =	vmul.f32 v5, v9;
	v1 =	vmul.f32 v1, v6  }
0x565: {  	v42 =	vmul.u32 $0x3, v42;
	v4 =	vsub.f32 v12, v4;
	v10 =	vmul.f32 v10, v38  }
0x566: {  	v5 =	vmul.f32 v3, v5;
	v29 =	vmul.u32 $0x3, v29;
	v1 =	vsub.f32 v7, v1  }
0x567: {  	v3 =	vmul.f32 v4, v3;
	v4 =	vadd.s32 $0x1, v42;
	v9 =	vadd.f32 $1.000000000e+00, v10  }
0x568: {  	v1 =	vmul.f32 v1, v2;
	v2 =	vadd.s32 $0x1, v29;
	v10 =	vsub.f32 v49, v45  }
0x569: {  	v54 =	vadd.s32 s21, v20;
	v37 =	vmul.f32 v40, v52;
	v6 =	vmul.f32 v9, v30  }
0x56a: {  	v11 =	vadd.s32 s21, v25;
	v0 =	vmul.f32 v10, v0  }
0x56b: {  	v40 =	vmul.f32 v37, v36;
	v5 =	vadd.f32 v5, v48;
	v7 =	vsub.f32 $1.570796370e+00, v6  }
0x56c: {  	v59 =	vor.u32 s20, v16;
	vm0 =	vgt.f32 v28, v27;
	v4 =	vld.idx.msk [tilespmem:v4+s2+$0x0], $0xffff;
	v0 =	vadd.f32 v3, v0  }
0x56d: {  	v58 =	vmul.f32 v40, v37;
	v40 =	vadd.f32 v5, v8;
	v8 =	vld.idx.msk [tilespmem:v2+s2+$0x0], $0xffff;
	v5 =	vsel vm0, v7, v6  }
0x56e: {  	v12 =	vadd.s32 $0x2, v42;
	v9 =	vld.idx.msk [tilespmem:v54+s15+$0x0], $0xffff;
	v39 =	vadd.f32 v0, v1;
	v0 =	vsub.f32 $3.141592740e+00, v5  }
0x56f: {  	vm13 =	vlt.f32 v22, $0.0e+00;
	v43 =	vsub.f32 $1.500000000e+00, v58;
	v3 =	vld.idx.msk [tilespmem:v11+s15+$0x0], $0xffff;
	v11 =	vadd.s32 $0x2, v29  }
0x570: {  	v6 =	vld.idx.msk [tilespmem:v42+s2+$0x0], $0xffff;
	v42 =	vand.u32 $0x7FFFFFFF, v40;
	v41 =	vand.u32 $0x7FFFFFFF, v39;
	v0 =	vsel vm13, v0, v5  }
0x571: {  	vm14 =	vlt.f32 v19, $0.0e+00;
	v7 =	vld.idx.msk [tilespmem:v29+s2+$0x0], $0xffff;
	v5 =	vmax.f32 v42, v41;
	v29 =	vsub.f32 $0.0e+00, v0  }
0x572: {  	v2 =	vmul.f32 v43, v37;
	v10 =	vld.idx.msk [tilespmem:v59+s14+$0x0], $0xffff;
	v1 =	vor.u32 s20, v15;
	v50 =	vmax.f32 v5, $1.000000000e-30  }
0x573: {  	v5 =	vld.idx.msk [tilespmem:v12+s2+$0x0], $0xffff;
	(erf) = vrcp.f32 v50;
	v0 =	vsel vm14, v29, v0  }
0x574: {  	v12 =	vld.idx.msk [tilespmem:v11+s2+$0x0], $0xffff;
	v11 =	vmul.f32 v2, v36;
	v0 =	vmul.f32 v0, v3;
	_ =	sdelay $0x1  }
0x575: {  	v3 =	vmul.f32 v11, v2;
	v43 =	vsub.f32 v0, v9  }
0x576: {  	v57 =	vmin.f32 v42, v41;
	v1 =	vld.idx.msk [tilespmem:v1+s14+$0x0], $0xffff;
	v11 =	vsub.f32 v7, v6;
	v9 =	vsub.f32 v8, v4  }
0x577: {  	v0 =	vmul.u32 $0x3, v10;
	v3 =	vsub.f32 $1.500000000e+00, v3;
	v51 =	vmul.f32 $1.591549370e-01, v43  }
0x578: {  	v10 =	vsub.f32 v12, v5;
	v52 =	vmul.f32 v11, v11;
	v53 =	vmul.f32 v9, v9  }
0x579: {  	v29 =	vor.u32 $0x660, v60;
	v2 =	vmul.f32 v3, v2;
	vm15 =	vge.f32 v51, $0.0e+00  }
0x57a: {  	p3 =	sne.s32 s19, $0x70;
	v54 =	vmul.f32 v10, v10;
	v3 =	vadd.f32 v53, v52;
	v55 =	vsel vm15, $0x3F000000, v56  }
.Ltmp21:
0x57b: {  	v1 =	vmul.u32 $0x3, v1;
	v46 =	vmul.f32 v2, v14;
	v58 =	vpop (erf);
	v36 =	vadd.f32 v55, v51;
	(pc) =	sbr.rel @!p3 .LBB2_44-.Ltmp21, $4  }
0x57c: {  	v2 =	vadd.s32 $0x2, v0;
	v14 =	vadd.f32 v54, v3;
	v45 =	vmul.f32 v58, v57  }
0x57d: {  	v3 =	vadd.s32 $0x1, v0;
	v59 =	vadd.f32 $9.999999710e-10, v46;
	v36 =	vtrunc.f32 v36  }
0x57e: {  	v48 =	vmax.f32 v14, $1.000000000e-30;
	v44 =	vmul.f32 v45, v45;
	v46 =	vcvt.f32.s32 v36  }
0x57f: {  	s23 =	sadd.s32 $0x10, s19;
	p0 =	por $0x1, $0x1;
	s19 =	smov.u32 s21;
	v37 =	vmovc v13;
	(erf) = vrcp.f32 v59;
	v47 =	vshrl.u32 v48, $0x1;
	v36 =	vmul.f32 $5.000000000e-01, v48  }
.LBB2_45:
0x580: {  	p3 =	sne.s32 s23, $0x70;
	v47 =	vsub.s32 $0x5F3759DF, v47;
	v48 =	vmul.f32 $2.866225780e-03, v44;
	v46 =	vcvt.s32.f32 v46  }
0x581: {  	v50 =	vadd.s32 $0x2, v1;
	v49 =	vmul.f32 v47, v36;
	v51 =	vld.idx.msk [tilespmem:v0+s2+$0x0], $0xffff  }
0x582: {  	v53 =	vadd.s32 $0x1, v1;
	v52 =	vld.idx.msk [tilespmem:v1+s2+$0x0], $0xffff;
	v0 =	vadd.f32 $-1.616573710e-02, v48;
	v1 =	vmul.f32 $-6.283185480e+00, v46  }
0x583: {  	v46 =	vmul.f32 v47, v49;
	v48 =	vld.idx.msk [tilespmem:v2+s2+$0x0], $0xffff  }
0x584: {  	s24 =	sadd.s32 s23, s8;
	v49 =	vadd.s32 s19, v29;
	s19 =	smov.u32 s18;
	s18 =	smov.u32 s20;
	v0 =	vmul.f32 v0, v44;
	v43 =	vadd.f32 v1, v43  }
0x585: {  	v54 =	vor.u32 s24, v34;
	s20 =	smov.u32 s22;
	s22 =	smov.u32 s24;
	v2 =	vadd.s32 s19, v20;
	v46 =	vsub.f32 $1.500000000e+00, v46;
	v55 =	vld.idx.msk [tilespmem:v3+s2+$0x0], $0xffff  }
0x586: {  	v1 =	vadd.s32 s19, v25;
	v50 =	vld.idx.msk [tilespmem:v50+s2+$0x0], $0xffff;
	v56 =	vadd.f32 $4.290961470e-02, v0;
	v43 =	vmul.f32 v43, v43  }
0x587: {  	v57 =	vor.u32 s22, v35;
	v3 =	vor.u32 s20, v16;
	v0 =	vmul.f32 v47, v46;
	v46 =	vld.idx.msk [tilespmem:v53+s2+$0x0], $0xffff  }
0x588: {  	v47 =	vsub.f32 v51, v23;
	v51 =	vpop (erf);
	v58 =	vmul.f32 v56, v44;
	v53 =	vmul.f32 $2.087675590e-09, v43  }
0x589: {  	v52 =	vsub.f32 v52, v17;
	v17 =	vmovc v6;
	v48 =	vsub.f32 v48, v26;
	v56 =	vmul.f32 v0, v36  }
0x58a: {  	v23 =	vmovc v7;
	v26 =	vmovc v12;
	v6 =	vld.idx.msk [tilespmem:v54+s14+$0x0], $0xffff;
	v54 =	vmul.f32 v51, v33;
	v33 =	vadd.f32 $-7.528963680e-02, v58;
	v53 =	vadd.f32 $-2.755732000e-07, v53  }
0x58b: {  	v12 =	vmul.f32 v51, v31;
	v7 =	vsub.f32 v55, v21;
	v51 =	vmul.f32 v51, v32;
	v21 =	vmovc v8  }
0x58c: {  	v8 =	vld.idx.msk [tilespmem:v57+s14+$0x0], $0xffff;
	v57 =	vmul.f32 v33, v44  }
0x58d: {  	v50 =	vsub.f32 v50, v24;
	v58 =	vmul.f32 v53, v43;
	v33 =	vmul.f32 v51, v7  }
0x58e: {  	v59 =	vmul.f32 v12, v47;
	v46 =	vsub.f32 v46, v18;
	v18 =	vmov v4  }
0x58f: {  	v31 =	vmovc v11;
	v24 =	vmovc v5;
	v4 =	vmul.f32 v54, v48;
	v53 =	vadd.f32 $1.065626370e-01, v57;
	v55 =	vadd.f32 $2.480158760e-05, v58  }
0x590: {  	v32 =	vmovc v9;
	v5 =	vmul.f32 v12, v52;
	v11 =	vmul.f32 v51, v46;
	v57 =	vadd.f32 v33, v59  }
0x591: {  	v6 =	vmul.u32 $0x3, v6;
	v9 =	vmul.f32 v53, v44;
	v53 =	vmul.f32 v55, v43;
	v33 =	vmovc v10  }
0x592: {  	v5 =	vadd.f32 v11, v5;
	v10 =	vmul.f32 v54, v50;
	v4 =	vadd.f32 v57, v4  }
0x593: {  	v8 =	vmul.u32 $0x3, v8;
	v9 =	vadd.f32 $-1.420889940e-01, v9;
	v11 =	vadd.f32 $-1.388888920e-03, v53  }
0x594: {  	v53 =	vmul.f32 v56, v0;
	v5 =	vadd.f32 v5, v10;
	v10 =	vmul.f32 v4, v54  }
0x595: {  	v55 =	vadd.s32 $0x2, v6;
	v9 =	vmul.f32 v9, v44;
	v11 =	vmul.f32 v11, v43  }
0x596: {  	v57 =	vmul.f32 v4, v12;
	v56 =	vmul.f32 v5, v54;
	v10 =	vsub.f32 v48, v10  }
0x597: {  	v48 =	vmul.f32 v5, v12;
	v9 =	vadd.f32 $1.999355110e-01, v9;
	v11 =	vadd.f32 $4.166666790e-02, v11  }
0x598: {  	v5 =	vmul.f32 v5, v51;
	v47 =	vsub.f32 v47, v57;
	v50 =	vsub.f32 v50, v56  }
0x599: {  	v48 =	vsub.f32 v52, v48;
	v9 =	vmul.f32 v9, v44;
	v11 =	vmul.f32 v11, v43  }
0x59a: {  	v4 =	vmul.f32 v4, v51;
	v5 =	vsub.f32 v46, v5;
	v46 =	vmul.f32 v10, v50  }
0x59b: {  	v52 =	vmul.f32 v47, v48;
	v9 =	vadd.f32 $-3.333314660e-01, v9;
	v11 =	vadd.f32 $-5.000000000e-01, v11  }
0x59c: {  	v56 =	vadd.s32 $0x1, v6;
	v57 =	vmul.f32 v50, v51;
	v58 =	vmul.f32 v5, v54  }
0x59d: {  	v59 =	vadd.s32 $0x1, v8;
	v9 =	vmul.f32 v9, v44;
	v44 =	vld.idx.msk [tilespmem:v49+s15+$0x0], $0xffff;
	v11 =	vmul.f32 v11, v43  }
0x59e: {  	v4 =	vsub.f32 v7, v4;
	v7 =	vmul.f32 v48, v54;
	v43 =	vmul.f32 v50, v12  }
0x59f: {  	v12 =	vmul.f32 v5, v12;
	v9 =	vadd.f32 $1.000000000e+00, v9;
	v11 =	vadd.f32 $1.000000000e+00, v11  }
0x5a0: {  	v49 =	vsub.f32 v57, v58;
	v7 =	vsub.f32 v7, v43;
	v43 =	vmul.f32 v48, v51  }
0x5a1: {  	v5 =	vmul.f32 v4, v5;
	v9 =	vmul.f32 v9, v45;
	v11 =	vadd.f32 $1.000000000e+00, v11  }
0x5a2: {  	v12 =	vsub.f32 v12, v43;
	v43 =	vmul.f32 v49, v47;
	v4 =	vmul.f32 v7, v4  }
0x5a3: {  	v5 =	vadd.f32 v5, v52;
	v2 =	vld.idx.msk [tilespmem:v2+s15+$0x0], $0xffff;
	v7 =	vsub.f32 $1.570796370e+00, v9;
	v11 =	vmul.f32 v11, v44  }
0x5a4: {  	vm0 =	vgt.f32 v41, v42;
	v4 =	vadd.f32 v4, v43;
	v10 =	vmul.f32 v12, v10;
	v1 =	vld.idx.msk [tilespmem:v1+s15+$0x0], $0xffff  }
0x5a5: {  	v5 =	vadd.f32 v5, v46;
	v3 =	vld.idx.msk [tilespmem:v3+s14+$0x0], $0xffff;
	v9 =	vsel vm0, v7, v9;
	v37 =	vadd.f32 v11, v37  }
0x5a6: {  	v11 =	vadd.s32 $0x2, v8;
	v10 =	vadd.f32 v4, v10;
	v6 =	vld.idx.msk [tilespmem:v6+s2+$0x0], $0xffff;
	v12 =	vsub.f32 $3.141592740e+00, v9  }
0x5a7: {  	v43 =	vor.u32 s20, v15;
	v44 =	vsub.f32 $1.500000000e+00, v53;
	vm0 =	vlt.f32 v40, $0.0e+00;
	v40 =	vmovc v5;
	v7 =	vld.idx.msk [tilespmem:v8+s2+$0x0], $0xffff  }
0x5a8: {  	v42 =	vand.u32 $0x7FFFFFFF, v40;
	v41 =	vand.u32 $0x7FFFFFFF, v10;
	v4 =	vld.idx.msk [tilespmem:v56+s2+$0x0], $0xffff;
	v9 =	vsel vm0, v12, v9  }
0x5a9: {  	v56 =	vimm.f32 $-5.000000000e-01;
	v12 =	vmax.f32 v42, v41;
	v8 =	vld.idx.msk [tilespmem:v59+s2+$0x0], $0xffff;
	v45 =	vsub.f32 $0.0e+00, v9  }
0x5aa: {  	v44 =	vmul.f32 v44, v0;
	vm0 =	vlt.f32 v39, $0.0e+00;
	v39 =	vmovc v10;
	v0 =	vmax.f32 v12, $1.000000000e-30;
	v5 =	vld.idx.msk [tilespmem:v55+s2+$0x0], $0xffff  }
0x5ab: {  	v12 =	vld.idx.msk [tilespmem:v11+s2+$0x0], $0xffff;
	(erf) = vrcp.f32 v0;
	v0 =	vsel vm0, v45, v9  }
0x5ac: {  	v9 =	vmul.f32 v44, v36;
	v45 =	vld.idx.msk [tilespmem:v43+s14+$0x0], $0xffff;
	v0 =	vmul.f32 v0, v1;
	_ =	sdelay $0x1  }
0x5ad: {  	v1 =	vmul.f32 v9, v44;
	v43 =	vsub.f32 v0, v2  }
0x5ae: {  	v11 =	vsub.f32 v7, v6;
	v9 =	vsub.f32 v8, v4  }
0x5af: {  	v0 =	vmul.u32 $0x3, v3;
	v2 =	vsub.f32 $1.500000000e+00, v1;
	v3 =	vmul.f32 $1.591549370e-01, v43  }
0x5b0: {  	v36 =	vmul.f32 v11, v11;
	v10 =	vsub.f32 v12, v5;
	v46 =	vmul.f32 v9, v9  }
0x5b1: {  	v1 =	vmul.u32 $0x3, v45;
	v2 =	vmul.f32 v2, v44;
	vm0 =	vge.f32 v3, $0.0e+00  }
0x5b2: {  	v36 =	vadd.f32 v46, v36;
	v44 =	vmul.f32 v10, v10;
	v45 =	vsel vm0, $0x3F000000, v56  }
.Ltmp22:
0x5b3: {  	v47 =	vmin.f32 v42, v41;
	v46 =	vmul.f32 v2, v14;
	v48 =	vpop (erf);
	v49 =	vadd.f32 v45, v3;
	(pc) =	sbr.rel @p3 .LBB2_45-.Ltmp22, $4  }
0x5b4: {  	v2 =	vadd.s32 $0x2, v0;
	v14 =	vadd.f32 v44, v36;
	v45 =	vmul.f32 v48, v47  }
0x5b5: {  	v3 =	vadd.s32 $0x1, v0;
	v48 =	vadd.f32 $9.999999710e-10, v46;
	v36 =	vtrunc.f32 v49  }
0x5b6: {  	v49 =	vmax.f32 v14, $1.000000000e-30;
	v44 =	vmul.f32 v45, v45;
	v46 =	vcvt.f32.s32 v36  }
0x5b7: {  	s23 =	sadd.s32 $0x10, s23;
	v47 =	vshrl.u32 v49, $0x1;
	v36 =	vmul.f32 $5.000000000e-01, v49;
	(erf) = vrcp.f32 v48  }
0x5b8: {  	v34 =	vmov v23;
	v48 =	vmov v17;
	v35 =	vmov v26  }
0x5b9: {  	v49 =	vmovc v33;
	v50 =	vmovc v21;
	v51 =	vmov v31;
	v52 =	vmov v32;
	v53 =	vmov v24  }
0x5ba: {  	v54 =	vmovc v18;
	v17 =	vmovc v6;
	v23 =	vmov v7;
	v26 =	vmov v12;
	v21 =	vmov v8  }
0x5bb: {  	s24 =	smov.u32 s18;
	s23 =	smov.u32 s20;
	s18 =	smov.u32 s22;
	v18 =	vmovc v4;
	v24 =	vmovc v5;
	v31 =	vmov v11;
	v32 =	vmov v9;
	v33 =	vmov v10  }
.LBB2_47:
0x5bc: {  	_ = 	snop  }
0x5bd: {  	v4 =	vadd.s32 @p1 $0x1, v1;
	v5 =	vsub.s32 $0x5F3759DF, v47  }
0x5be: {  	v7 =	vmul.f32 v5, v36  }
0x5bf: {  	v6 =	vadd.s32 @p1 $0x2, v1  }
0x5c0: {  	v0 =	vld.idx.msk @p1 [tilespmem:v0+s2+$0x0], $0xffff;
	v7 =	vmul.f32 v5, v7  }
0x5c1: {  	v1 =	vld.idx.msk @p1 [tilespmem:v1+s2+$0x0], $0xffff  }
0x5c2: {  	v4 =	vld.idx.msk @p1 [tilespmem:v4+s2+$0x0], $0xffff;
	v7 =	vsub.f32 $1.500000000e+00, v7  }
0x5c3: {  	v3 =	vld.idx.msk @p1 [tilespmem:v3+s2+$0x0], $0xffff  }
0x5c4: {  	v6 =	vld.idx.msk @p1 [tilespmem:v6+s2+$0x0], $0xffff  }
0x5c5: {  	v2 =	vld.idx.msk @p1 [tilespmem:v2+s2+$0x0], $0xffff  }
0x5c6: {  	v1 =	vsub.f32 @p1 v1, v48;
	v5 =	vmul.f32 v5, v7;
	v7 =	vpop @p1 (erf)  }
0x5c7: {  	v8 =	vmul.f32 @p1 v7, v51;
	v9 =	vmul.f32 @p1 v7, v52;
	v4 =	vsub.f32 @p1 v4, v54  }
0x5c8: {  	v0 =	vsub.f32 @p1 v0, v34;
	v3 =	vsub.f32 @p1 v3, v50;
	v7 =	vmul.f32 @p1 v7, v49  }
0x5c9: {  	v6 =	vsub.f32 @p1 v6, v53;
	v10 =	vmul.f32 @p1 v8, v1;
	v11 =	vmul.f32 @p1 v9, v4  }
0x5ca: {  	v2 =	vsub.f32 @p1 v2, v35;
	v12 =	vmul.f32 @p1 v8, v0;
	v34 =	vmul.f32 @p1 v9, v3  }
0x5cb: {  	v58 =	vmul.f32 v5, v36;
	v10 =	vadd.f32 @p1 v11, v10;
	v11 =	vmul.f32 @p1 v7, v6  }
0x5cc: {  	v47 =	vmul.f32 @p1 v7, v2;
	v12 =	vadd.f32 @p1 v34, v12  }
0x5cd: {  	v59 =	vmul.f32 v58, v5;
	v10 =	vadd.f32 @p1 v10, v11  }
0x5ce: {  	v11 =	vadd.f32 @p1 v12, v47  }
0x5cf: {  	v12 =	vsub.f32 $1.500000000e+00, v59;
	v34 =	vmul.f32 @p1 v10, v7;
	v35 =	vmul.f32 @p1 v10, v9  }
0x5d0: {  	v47 =	vmul.f32 @p1 v11, v8;
	v10 =	vmul.f32 @p1 v10, v8  }
0x5d1: {  	v48 =	vmul.f32 @p1 v11, v7;
	v5 =	vmul.f32 v12, v5;
	v6 =	vsub.f32 @p1 v6, v34  }
0x5d2: {  	v4 =	vsub.f32 @p1 v4, v35;
	v1 =	vsub.f32 @p1 v1, v10;
	v10 =	vmul.f32 @p1 v11, v9  }
0x5d3: {  	v0 =	vsub.f32 @p1 v0, v47;
	v52 =	vmul.f32 v5, v36;
	v11 =	vmul.f32 @p1 v6, v9  }
0x5d4: {  	v16 =	vor.u32 s18, v16;
	v34 =	vmul.f32 @p1 v4, v7;
	v7 =	vmul.f32 @p1 v1, v7  }
0x5d5: {  	v2 =	vsub.f32 @p1 v2, v48;
	v35 =	vmul.f32 @p1 v6, v8;
	v47 =	vmul.f32 @p1 v0, v1  }
0x5d6: {  	v3 =	vsub.f32 @p1 v3, v10;
	v8 =	vmul.f32 @p1 v4, v8;
	v1 =	vmul.f32 @p1 v1, v9  }
0x5d7: {  	v51 =	vor.u32 s18, v15;
	v10 =	vsub.f32 @p1 v11, v34;
	v7 =	vsub.f32 @p1 v7, v35  }
0x5d8: {  	v53 =	vmul.f32 v52, v5;
	v4 =	vmul.f32 @p1 v3, v4;
	v1 =	vsub.f32 @p1 v8, v1  }
0x5d9: {  	v0 =	vmul.f32 @p1 v10, v0;
	v3 =	vmul.f32 @p1 v7, v3  }
0x5da: {  	v6 =	vmul.f32 @p1 v2, v6;
	v4 =	vadd.f32 @p1 v4, v47;
	v1 =	vmul.f32 @p1 v1, v2  }
0x5db: {  	v54 =	vld.idx.msk [tilespmem:v16+s14+$0x0], $0xffff;
	v55 =	vsub.f32 $1.500000000e+00, v53;
	v0 =	vadd.f32 @p1 v3, v0  }
0x5dc: {  	v57 =	vld.idx.msk [tilespmem:v51+s14+$0x0], $0xffff;
	v3 =	vadd.f32 @p1 v4, v6  }
0x5dd: {  	v5 =	vmul.f32 v55, v5;
	v0 =	vadd.f32 @p1 v0, v1  }
0x5de: {  	v1 =	vmov @p1 v3  }
0x5df: {  	v5 =	vmul.f32 v5, v14;
	v2 =	vand.u32 @p1 $0x7FFFFFFF, v1;
	v3 =	vand.u32 @p1 $0x7FFFFFFF, v0  }
0x5e0: {  	v58 =	vmul.u32 $0x3, v54;
	v6 =	vmax.f32 @p1 v2, v3  }
0x5e1: {  	v4 =	vmul.u32 $0x3, v57;
	v5 =	vadd.f32 $9.999999710e-10, v5;
	v6 =	vmax.f32 @p1 v6, $1.000000000e-30  }
0x5e2: {  	(erf) = vrcp.f32 @p1 v6  }
0x5e3: {  	v59 =	vadd.s32 $0x1, v4;
	(erf) = vrcp.f32 v5  }
0x5e4: {  	v12 =	vadd.s32 $0x1, v58  }
0x5e5: {  	v14 =	vadd.s32 $0x2, v4  }
0x5e6: {  	v15 =	vadd.s32 $0x2, v58;
	v7 =	vld.idx.msk [tilespmem:v58+s2+$0x0], $0xffff  }
0x5e7: {  	v4 =	vld.idx.msk [tilespmem:v4+s2+$0x0], $0xffff  }
0x5e8: {  	v5 =	vld.idx.msk [tilespmem:v59+s2+$0x0], $0xffff  }
0x5e9: {  	v6 =	vld.idx.msk [tilespmem:v12+s2+$0x0], $0xffff  }
0x5ea: {  	v8 =	vld.idx.msk [tilespmem:v14+s2+$0x0], $0xffff  }
0x5eb: {  	v9 =	vld.idx.msk [tilespmem:v15+s2+$0x0], $0xffff;
	v10 =	vpop @p1 (erf)  }
0x5ec: {  	v4 =	vsub.f32 v4, v17;
	v16 =	vpop (erf)  }
0x5ed: {  	v5 =	vsub.f32 v5, v18;
	v34 =	vmul.f32 v16, v31;
	v35 =	vmul.f32 v16, v32  }
0x5ee: {  	v7 =	vsub.f32 v7, v23;
	v6 =	vsub.f32 v6, v21;
	v11 =	vmul.f32 v16, v33  }
0x5ef: {  	v8 =	vsub.f32 v8, v24;
	v36 =	vmul.f32 v34, v4;
	v47 =	vmul.f32 v35, v5  }
0x5f0: {  	v9 =	vsub.f32 v9, v26;
	v48 =	vmul.f32 v34, v7  }
0x5f1: {  	v49 =	vmul.f32 v35, v6;
	v50 =	vmul.f32 v11, v8;
	v15 =	vadd.f32 v47, v36;
	_ =	sdelay $0x1  }
0x5f2: {  	v51 =	vmul.f32 v11, v9;
	v17 =	vadd.f32 v49, v48;
	v15 =	vadd.f32 v15, v50;
	_ =	sdelay $0x1  }
0x5f3: {  	v52 =	vadd.f32 v17, v51;
	v53 =	vmul.f32 v15, v11;
	v54 =	vmul.f32 v15, v35  }
0x5f4: {  	v15 =	vmul.f32 v15, v34  }
0x5f5: {  	v21 =	vmul.f32 v52, v11;
	v8 =	vsub.f32 v8, v53;
	v5 =	vsub.f32 v5, v54  }
0x5f6: {  	v55 =	vmul.f32 v52, v34;
	v57 =	vmul.f32 v52, v35;
	v4 =	vsub.f32 v4, v15  }
0x5f7: {  	v58 =	vmul.f32 v8, v35;
	v18 =	vmul.f32 v5, v11  }
0x5f8: {  	v11 =	vmul.f32 v4, v11;
	v59 =	vmul.f32 v8, v34  }
0x5f9: {  	v7 =	vsub.f32 v7, v55;
	v6 =	vsub.f32 v6, v57;
	v12 =	vmul.f32 v5, v34  }
0x5fa: {  	v14 =	vmul.f32 v4, v35;
	v18 =	vsub.f32 v58, v18;
	v11 =	vsub.f32 v11, v59  }
0x5fb: {  	v9 =	vsub.f32 v9, v21;
	v4 =	vmul.f32 v7, v4;
	v5 =	vmul.f32 v6, v5  }
0x5fc: {  	v12 =	vsub.f32 v12, v14;
	v7 =	vmul.f32 v18, v7;
	v6 =	vmul.f32 v11, v6  }
0x5fd: {  	v8 =	vmul.f32 v9, v8  }
0x5fe: {  	v4 =	vadd.f32 v5, v4;
	v23 =	vmul.f32 v12, v9;
	v21 =	vadd.f32 v6, v7;
	_ =	sdelay $0x1  }
0x5ff: {  	v4 =	vadd.f32 v4, v8;
	v5 =	vadd.f32 v21, v23;
	_ =	sdelay $0x1  }
0x600: {  	v31 =	vand.u32 $0x7FFFFFFF, v4;
	v32 =	vand.u32 $0x7FFFFFFF, v5  }
0x601: {  	v33 =	vmax.f32 v31, v32  }
0x602: {  	v9 =	vmax.f32 v33, $1.000000000e-30  }
0x603: {  	(erf) = vrcp.f32 v9  }
0x604: {  	v6 =	vmul.f32 @p2 $2.866225780e-03, v44;
	_ =	sdelay $0x1  }
0x605: {  	v6 =	vadd.f32 @p2 $-1.616573710e-02, v6  }
0x606: {  	v9 =	vmin.f32 @p1 v2, v3  }
0x607: {  	v6 =	vmul.f32 @p2 v6, v44;
	v9 =	vmul.f32 @p1 v10, v9;
	_ =	sdelay $0x1  }
0x608: {  	v6 =	vadd.f32 @p2 $4.290961470e-02, v6;
	v10 =	vmul.f32 @p1 v9, v9;
	_ =	sdelay $0x1  }
0x609: {  	v34 =	vmin.f32 v31, v32;
	v6 =	vmul.f32 @p2 v6, v44;
	v10 =	vpsel p1, v10, v38;
	v35 =	vpop (erf)  }
0x60a: {  	v14 =	vmul.f32 @p1 $2.866225780e-03, v10;
	v11 =	vmul.f32 v35, v34  }
0x60b: {  	v6 =	vadd.f32 @p2 $-7.528963680e-02, v6  }
0x60c: {  	v12 =	vadd.f32 @p1 $-1.616573710e-02, v14;
	v36 =	vmul.f32 v11, v11  }
0x60d: {  	v6 =	vmul.f32 @p2 v6, v44  }
0x60e: {  	v12 =	vmul.f32 @p1 v12, v10;
	v38 =	vmul.f32 $2.866225780e-03, v36  }
0x60f: {  	v6 =	vadd.f32 @p2 $1.065626370e-01, v6  }
0x610: {  	v12 =	vadd.f32 @p1 $4.290961470e-02, v12;
	v15 =	vadd.f32 $-1.616573710e-02, v38  }
0x611: {  	v6 =	vmul.f32 @p2 v6, v44  }
0x612: {  	v12 =	vmul.f32 @p1 v12, v10;
	v15 =	vmul.f32 v15, v36  }
0x613: {  	v6 =	vadd.f32 @p2 $-1.420889940e-01, v6  }
0x614: {  	v12 =	vadd.f32 @p1 $-7.528963680e-02, v12;
	v15 =	vadd.f32 $4.290961470e-02, v15  }
0x615: {  	v6 =	vmul.f32 @p2 v6, v44  }
0x616: {  	v12 =	vmul.f32 @p1 v12, v10;
	v15 =	vmul.f32 v15, v36  }
0x617: {  	v6 =	vadd.f32 @p2 $1.999355110e-01, v6  }
0x618: {  	v12 =	vadd.f32 @p1 $1.065626370e-01, v12;
	v15 =	vadd.f32 $-7.528963680e-02, v15  }
0x619: {  	v6 =	vmul.f32 @p2 v6, v44  }
0x61a: {  	v12 =	vmul.f32 @p1 v12, v10;
	v15 =	vmul.f32 v15, v36  }
0x61b: {  	v6 =	vadd.f32 @p2 $-3.333314660e-01, v6  }
0x61c: {  	v12 =	vadd.f32 @p1 $-1.420889940e-01, v12;
	v15 =	vadd.f32 $1.065626370e-01, v15  }
0x61d: {  	v6 =	vmul.f32 @p2 v6, v44  }
0x61e: {  	v12 =	vmul.f32 @p1 v12, v10;
	v15 =	vmul.f32 v15, v36  }
0x61f: {  	v6 =	vadd.f32 @p2 $1.000000000e+00, v6  }
0x620: {  	v12 =	vadd.f32 @p1 $1.999355110e-01, v12;
	v15 =	vadd.f32 $-1.420889940e-01, v15  }
0x621: {  	v6 =	vmul.f32 @p2 v6, v45  }
0x622: {  	v12 =	vmul.f32 @p1 v12, v10;
	v15 =	vmul.f32 v15, v36  }
0x623: {  	vm0 =	vgt.f32 @p2 v41, v42;
	v16 =	vsub.f32 @p2 $1.570796370e+00, v6  }
0x624: {  	v18 =	vor.u32 @p1 $0x860, v60;
	v12 =	vadd.f32 @p1 $-3.333314660e-01, v12;
	v15 =	vadd.f32 $1.999355110e-01, v15  }
0x625: {  	v18 =	vpsel p1, v18, v25;
	v3 =	vpsel p1, v3, v28;
	v6 =	vsel @p2 vm0, v16, v6  }
0x626: {  	s20 =	smov.u32 @p2 s24;
	v17 =	vsub.f32 @p2 $3.141592740e+00, v6;
	v10 =	vmul.f32 @p1 v12, v10;
	v45 =	vmul.f32 v15, v36  }
0x627: {  	v2 =	vpsel p1, v2, v27;
	v16 =	vadd.s32 @p2 s20, v25;
	vm0 =	vlt.f32 @p2 v40, $0.0e+00  }
0x628: {  	v6 =	vsel @p2 vm0, v17, v6;
	v10 =	vadd.f32 @p1 $1.000000000e+00, v10;
	v12 =	vadd.f32 $-3.333314660e-01, v45  }
0x629: {  	s22 =	smov.u32 @p1 s23;
	v9 =	vpsel p1, v9, v30;
	vm0 =	vlt.f32 @p2 v39, $0.0e+00;
	v17 =	vsub.f32 @p2 $0.0e+00, v6  }
0x62a: {  	s21 =	smov.u32 @p1 s22;
	v15 =	vadd.s32 @p2 s20, v20;
	v9 =	vmul.f32 @p1 v10, v9;
	v47 =	vmul.f32 v12, v36  }
0x62b: {  	v14 =	vadd.s32 @p1 s21, v18;
	v6 =	vsel @p2 vm0, v17, v6;
	v17 =	vor.u32 @p1 $0x760, v60  }
0x62c: {  	v12 =	vpsel p1, v17, v20;
	v17 =	vsub.f32 @p1 $1.570796370e+00, v9;
	v10 =	vadd.f32 $1.000000000e+00, v47  }
0x62d: {  	v1 =	vpsel p1, v1, v22;
	v16 =	vld.idx.msk @p2 [tilespmem:v16+s15+$0x0], $0xffff;
	vm0 =	vgt.f32 @p1 v3, v2;
	v12 =	vadd.s32 @p1 s21, v12  }
0x62e: {  	v48 =	vor.u32 $0x860, v60;
	v2 =	vsel @p1 vm0, v17, v9;
	v49 =	vmul.f32 v10, v11  }
0x62f: {  	v0 =	vpsel p1, v0, v19;
	v3 =	vadd.s32 s18, v48;
	v10 =	vld.idx.msk @p2 [tilespmem:v15+s15+$0x0], $0xffff;
	v11 =	vsub.f32 @p1 $3.141592740e+00, v2  }
0x630: {  	v50 =	vor.u32 $0x760, v60;
	v14 =	vld.idx.msk @p1 [tilespmem:v14+s15+$0x0], $0xffff;
	vm0 =	vlt.f32 @p1 v1, $0.0e+00;
	v51 =	vsub.f32 $1.570796370e+00, v49  }
0x631: {  	vm12 =	vgt.f32 v32, v31;
	v1 =	vadd.s32 s18, v50;
	v2 =	vsel @p1 vm0, v11, v2  }
0x632: {  	v6 =	vmul.f32 @p2 v6, v16;
	v7 =	vld.idx.msk @p1 [tilespmem:v12+s15+$0x0], $0xffff;
	v8 =	vsub.f32 @p1 $0.0e+00, v2;
	v9 =	vsel vm12, v51, v49  }
0x633: {  	vm0 =	vlt.f32 @p1 v0, $0.0e+00;
	v52 =	vsub.f32 $3.141592740e+00, v9  }
0x634: {  	vm13 =	vlt.f32 v4, $0.0e+00;
	v3 =	vld.idx.msk [tilespmem:v3+s15+$0x0], $0xffff;
	v6 =	vsub.f32 @p2 v6, v10;
	v2 =	vsel @p1 vm0, v8, v2  }
0x635: {  	v2 =	vmul.f32 @p1 v2, v14;
	v0 =	vsel vm13, v52, v9  }
0x636: {  	v1 =	vld.idx.msk [tilespmem:v1+s15+$0x0], $0xffff;
	v4 =	vmul.f32 @p2 $1.591549370e-01, v6;
	v53 =	vsub.f32 $0.0e+00, v0  }
0x637: {  	vm14 =	vlt.f32 v5, $0.0e+00;
	v2 =	vsub.f32 @p1 v2, v7  }
0x638: {  	vm0 =	vge.f32 @p2 v4, $0.0e+00;
	v0 =	vsel vm14, v53, v0  }
0x639: {  	v5 =	vsel @p2 vm0, $0x3F000000, v56;
	v7 =	vmul.f32 @p1 $1.591549370e-01, v2;
	v0 =	vmul.f32 v0, v3  }
0x63a: {  	v3 =	vcvt.s32.f32 @p0 v46;
	v4 =	vadd.f32 @p2 v5, v4  }
0x63b: {  	vm0 =	vge.f32 @p1 v7, $0.0e+00;
	v0 =	vsub.f32 v0, v1  }
0x63c: {  	v1 =	vmul.f32 @p0 $-6.283185480e+00, v3;
	v3 =	vtrunc.f32 @p2 v4;
	v4 =	vsel @p1 vm0, $0x3F000000, v56  }
0x63d: {  	v3 =	vcvt.f32.s32 @p2 v3;
	v4 =	vadd.f32 @p1 v4, v7;
	v54 =	vmul.f32 $1.591549370e-01, v0  }
0x63e: {  	v1 =	vadd.f32 @p0 v1, v43  }
0x63f: {  	v3 =	vpsel p2, v3, v0;
	v4 =	vtrunc.f32 @p1 v4;
	vm15 =	vge.f32 v54, $0.0e+00  }
0x640: {  	v3 =	vcvt.s32.f32 @p2 v3;
	v4 =	vcvt.f32.s32 @p1 v4;
	v55 =	vsel vm15, $0x3F000000, v56  }
0x641: {  	v5 =	vadd.f32 v55, v54  }
0x642: {  	v1 =	vmul.f32 @p0 v1, v1;
	v3 =	vmul.f32 @p2 $-6.283185480e+00, v3;
	v4 =	vpsel p1, v4, v0  }
0x643: {  	v6 =	vpsel p2, v6, v0;
	v4 =	vcvt.s32.f32 @p1 v4;
	v5 =	vtrunc.f32 v5  }
0x644: {  	v3 =	vadd.f32 @p2 v3, v6;
	v5 =	vcvt.f32.s32 v5  }
0x645: {  	v6 =	vmul.f32 @p0 $2.087675590e-09, v1;
	v4 =	vmul.f32 @p1 $-6.283185480e+00, v4  }
0x646: {  	v2 =	vpsel p1, v2, v0;
	v3 =	vmul.f32 @p2 v3, v3;
	v5 =	vcvt.s32.f32 v5  }
0x647: {  	v6 =	vadd.f32 @p0 $-2.755732000e-07, v6;
	v2 =	vadd.f32 @p1 v4, v2  }
0x648: {  	v4 =	vmul.f32 @p2 $2.087675590e-09, v3;
	v5 =	vmul.f32 $-6.283185480e+00, v5  }
0x649: {  	v6 =	vmul.f32 @p0 v6, v1;
	v2 =	vmul.f32 @p1 v2, v2  }
0x64a: {  	v4 =	vadd.f32 @p2 $-2.755732000e-07, v4;
	v0 =	vadd.f32 v5, v0  }
0x64b: {  	v5 =	vadd.f32 @p0 $2.480158760e-05, v6;
	v6 =	vmul.f32 @p1 $2.087675590e-09, v2  }
0x64c: {  	v4 =	vmul.f32 @p2 v4, v3;
	v0 =	vmul.f32 v0, v0  }
0x64d: {  	v5 =	vmul.f32 @p0 v5, v1;
	v6 =	vadd.f32 @p1 $-2.755732000e-07, v6  }
0x64e: {  	v4 =	vadd.f32 @p2 $2.480158760e-05, v4;
	v56 =	vmul.f32 $2.087675590e-09, v0  }
0x64f: {  	v5 =	vadd.f32 @p0 $-1.388888920e-03, v5;
	v6 =	vmul.f32 @p1 v6, v2  }
0x650: {  	v4 =	vmul.f32 @p2 v4, v3;
	v7 =	vadd.f32 $-2.755732000e-07, v56  }
0x651: {  	v5 =	vmul.f32 @p0 v5, v1;
	v6 =	vadd.f32 @p1 $2.480158760e-05, v6  }
0x652: {  	v4 =	vadd.f32 @p2 $-1.388888920e-03, v4;
	v7 =	vmul.f32 v7, v0  }
0x653: {  	v5 =	vadd.f32 @p0 $4.166666790e-02, v5;
	v6 =	vmul.f32 @p1 v6, v2  }
0x654: {  	v4 =	vmul.f32 @p2 v4, v3;
	v7 =	vadd.f32 $2.480158760e-05, v7  }
0x655: {  	v8 =	vadd.s32 @p0 s19, v29;
	v5 =	vmul.f32 @p0 v5, v1;
	v6 =	vadd.f32 @p1 $-1.388888920e-03, v6  }
0x656: {  	v9 =	vor.u32 @p2 $0x660, v60;
	v4 =	vadd.f32 @p2 $4.166666790e-02, v4;
	v7 =	vmul.f32 v7, v0  }
0x657: {  	s19 =	smov.u32 @p2 s20;
	v9 =	vpsel p2, v9, v0;
	v5 =	vadd.f32 @p0 $-5.000000000e-01, v5;
	v6 =	vmul.f32 @p1 v6, v2  }
0x658: {  	v9 =	vadd.s32 @p2 s19, v9;
	v4 =	vmul.f32 @p2 v4, v3;
	v7 =	vadd.f32 $-1.388888920e-03, v7  }
0x659: {  	v1 =	vmul.f32 @p0 v5, v1;
	v5 =	vor.u32 @p1 $0x660, v60;
	v6 =	vadd.f32 @p1 $4.166666790e-02, v6  }
0x65a: {  	v8 =	vld.idx.msk @p0 [tilespmem:v8+s15+$0x0], $0xffff;
	s19 =	smov.u32 @p1 s21;
	v4 =	vadd.f32 @p2 $-5.000000000e-01, v4;
	v5 =	vpsel p1, v5, v0;
	v7 =	vmul.f32 v7, v0  }
0x65b: {  	v1 =	vadd.f32 @p0 $1.000000000e+00, v1;
	v5 =	vadd.s32 @p1 s19, v5;
	v6 =	vmul.f32 @p1 v6, v2  }
0x65c: {  	v3 =	vmul.f32 @p2 v4, v3;
	v57 =	vadd.f32 $4.166666790e-02, v7  }
0x65d: {  	v58 =	vor.u32 $0x660, v60;
	v1 =	vadd.f32 @p0 $1.000000000e+00, v1;
	v7 =	vld.idx.msk @p2 [tilespmem:v9+s15+$0x0], $0xffff;
	v6 =	vadd.f32 @p1 $-5.000000000e-01, v6  }
0x65e: {  	v9 =	vadd.s32 s18, v58;
	v3 =	vadd.f32 @p2 $1.000000000e+00, v3;
	v4 =	vmul.f32 v57, v0  }
0x65f: {  	v1 =	vmul.f32 @p0 v1, v8;
	v2 =	vmul.f32 @p1 v6, v2  }
0x660: {  	v3 =	vadd.f32 @p2 $1.000000000e+00, v3;
	v5 =	vld.idx.msk @p1 [tilespmem:v5+s15+$0x0], $0xffff;
	v4 =	vadd.f32 $-5.000000000e-01, v4  }
0x661: {  	v1 =	vadd.f32 @p0 v1, v37;
	v2 =	vadd.f32 @p1 $1.000000000e+00, v2  }
0x662: {  	v3 =	vmul.f32 @p2 v3, v7;
	v0 =	vmul.f32 v4, v0  }
0x663: {  	v59 =	vld.idx.msk [tilespmem:v9+s15+$0x0], $0xffff;
	v1 =	vpsel p0, v1, v13;
	v2 =	vadd.f32 @p1 $1.000000000e+00, v2  }
0x664: {  	v1 =	vadd.f32 @p2 v3, v1;
	v0 =	vadd.f32 $1.000000000e+00, v0  }
0x665: {  	v2 =	vmul.f32 @p1 v2, v5  }
0x666: {  	v1 =	vpsel p2, v1, v13;
	v0 =	vadd.f32 $1.000000000e+00, v0  }
0x667: {  	v1 =	vadd.f32 @p1 v2, v1  }
0x668: {  	v0 =	vmul.f32 v0, v59  }
0x669: {  	v1 =	vpsel p1, v1, v13  }
0x66a: {  	v0 =	vadd.f32 v0, v1;
	_ =	sdelay $0x1  }
0x66b: {  	s17 =	sadd.s32 $0x1, s17;
	[tilespmem:$0x4280] =	vst v0  }
0x66c: {  	[hbm4b:s10+s2] =	stream.linear.scatter [tilespmem:s16], [sflag:$0x1], $0x80, $0x38;
	[tilespmem:$0x4300] =	vst v63  }
0x66d: {  	p0 =	sne.s32 s17, s11;
	_ =	swait.ge [sflag:s3], $0x80  }
.Ltmp23:
0x66e: {  	v26 =	vld [tilespmem:$0x1FF80];
	(pc) =	sbr.rel @p0 .LBB2_1-.Ltmp23, $4  }
.Ltmp24:
0x66f: {  	v27 =	vld [tilespmem:$0x1FF90];
	(pc) =	sbr.rel @!p0 .LBB2_48-.Ltmp24, $4  }
0x670: {  	v47 =	vld [tilespmem:$0x1FFA0]  }
0x671: {  	[sflag:s3] =	ssyncset.done $0x0;
	v54 =	vld [tilespmem:$0x1FFB0]  }
0x672: {  	v56 =	vld [tilespmem:$0x1FFC0];
	[sflag:s3] =	ssyncadd.s32 $0xFFFFFF80  }
0x673: {  	_ = 	snop  }
.LBB2_4:
.Ltmp25:
0x674: {  	(pc) =	sbr.rel .LBB2_15-.Ltmp25, $2  }
0x675: {  	_ =	sdelay $0x2  }
0x676: {  	v17 =	vmovc v15;
	v19 =	vmov v14;
	v40 =	vmov v13;
	v53 =	vmov v47;
	p4 =	por $0x0, $0x0;
	v60 =	vld [tilespmem:$0x1FF70]  }
.LBB2_16:
0x677: {  	_ = 	snop  }
0x678: {  	_ = 	snop  }
0x679: {  	_ = 	snop  }
0x67a: {  	_ = 	snop  }
0x67b: {  	_ = 	snop  }
0x67c: {  	_ = 	snop  }
0x67d: {  	_ = 	snop  }
0x67e: {  	_ = 	snop  }
0x67f: {  	_ = 	snop  }
0x680: {  	_ = 	snop  }
0x681: {  	_ = 	snop  }
0x682: {  	_ = 	snop  }
0x683: {  	_ = 	snop  }
0x684: {  	_ = 	snop  }
0x685: {  	_ = 	snop  }
0x686: {  	_ = 	snop  }
0x687: {  	_ = 	snop  }
0x688: {  	_ = 	snop  }
0x689: {  	_ = 	snop  }
0x68a: {  	_ = 	snop  }
0x68b: {  	_ = 	snop  }
.Ltmp26:
0x68c: {  	(pc) =	sbr.rel .LBB2_27-.Ltmp26, $4  }
0x68d: {  	_ = 	snop  }
0x68e: {  	[tilespmem:$0x1FF20] =	vst v20  }
0x68f: {  	v23 =	vmovc v46;
	v27 =	vmov v37;
	v20 =	vmov v38;
	v26 =	vmov v18;
	[tilespmem:$0x1FF30] =	vst v22  }
0x690: {  	v28 =	vmovc v15;
	p1 =	por $0x0, $0x0;
	p2 =	por $0x0, $0x0;
	p3 =	por $0x0, $0x0;
	v60 =	vmovc v37;
	v33 =	vmov v38;
	v54 =	vmov v57;
	[tilespmem:$0x1FF40] =	vst v24;
	v36 =	vmov v5  }
.LBB2_28:
.Ltmp27:
0x691: {  	v61 =	vld [tilespmem:$0x1FFD0];
	(pc) =	sbr.rel .LBB2_37-.Ltmp27, $3  }
0x692: {  	v62 =	vld [tilespmem:$0x1FFE0]  }
0x693: {  	v63 =	vld [tilespmem:$0x1FFF0];
	_ =	sdelay $0x1  }
0x694: {  	s20 =	smov.u32 s21;
	p3 =	por $0x0, $0x0;
	v56 =	vimm.f32 $-5.000000000e-01;
	v36 =	vmov v13  }
.LBB2_38:
.Ltmp28:
0x695: {  	(pc) =	sbr.rel .LBB2_47-.Ltmp28, $2  }
0x696: {  	_ =	sdelay $0x2  }
0x697: {  	s18 =	smov.u32 s21;
	p1 =	por $0x0, $0x0;
	p2 =	por $0x0, $0x0;
	v37 =	vmov v13  }
.LBB2_6:
.Ltmp29:
0x698: {  	(pc) =	sbr.rel .LBB2_15-.Ltmp29, $3  }
0x699: {  	_ =	sdelay $0x1  }
0x69a: {  	v6 =	vmov v15  }
0x69b: {  	v17 =	vmovc v18;
	v1 =	vmovc v14;
	v19 =	vmov v16;
	v40 =	vmov v13;
	v53 =	vmov v47;
	p4 =	por $0x0, $0x0  }
.LBB2_18:
0x69c: {  	_ = 	snop  }
0x69d: {  	_ = 	snop  }
0x69e: {  	_ = 	snop  }
0x69f: {  	_ = 	snop  }
0x6a0: {  	v1 =	vld [tilespmem:$0x1FF00];
	_ =	sdelay $0x4  }
0x6a1: {  	[tilespmem:$0x1FF40] =	vst v1  }
0x6a2: {  	_ = 	snop  }
0x6a3: {  	_ = 	snop  }
0x6a4: {  	_ = 	snop  }
0x6a5: {  	_ = 	snop  }
0x6a6: {  	_ = 	snop  }
0x6a7: {  	_ = 	snop  }
0x6a8: {  	_ = 	snop  }
0x6a9: {  	_ = 	snop  }
0x6aa: {  	[tilespmem:$0x1FEF0] =	vst v53  }
0x6ab: {  	[tilespmem:$0x1FEB0] =	vst v52  }
0x6ac: {  	v60 =	vmovc v20;
	v0 =	vld [tilespmem:$0x1FF10];
	v33 =	vmovc v22;
	v35 =	vmov v48;
	v36 =	vmov v42;
	[tilespmem:$0x1FEC0] =	vst v55;
	v21 =	vmov v24  }
.Ltmp30:
0x6ad: {  	[tilespmem:$0x1FED0] =	vst v44;
	v22 =	vmovc v31;
	v51 =	vmovc v2;
	v48 =	vmov v19;
	v54 =	vmov v57;
	v20 =	vmov v16;
	(pc) =	sbr.rel .LBB2_27-.Ltmp30, $4  }
0x6ae: {  	[tilespmem:$0x1FEE0] =	vst v50;
	v52 =	vmovc v26;
	v26 =	vmovc v8;
	v42 =	vmov v28;
	v28 =	vmov v9;
	v44 =	vmov v14  }
0x6af: {  	[tilespmem:$0x1FF20] =	vst v15;
	v14 =	vmovc v5;
	v50 =	vmovc v10;
	v55 =	vmov v11;
	v15 =	vmov v58;
	v16 =	vmov v33  }
0x6b0: {  	v11 =	vmovc v36;
	[tilespmem:$0x1FF30] =	vst v23;
	v23 =	vmovc v17;
	v17 =	vmov v35;
	v36 =	vmov v27;
	v27 =	vmov v13  }
0x6b1: {  	p2 =	por $0x0, $0x0;
	p3 =	por $0x0, $0x0;
	v58 =	vld [tilespmem:$0x1FEF0];
	v13 =	vmovc v60;
	v60 =	vmovc v37;
	v33 =	vmov v38;
	v31 =	vmov v18;
	v18 =	vmov v30;
	[tilespmem:$0x1FEA0] =	vst v0  }
.LBB2_30:
.Ltmp31:
0x6b2: {  	(pc) =	sbr.rel .LBB2_37-.Ltmp31, $4  }
0x6b3: {  	v33 =	vmovc v22;
	v48 =	vmov v17;
	v34 =	vmov v26;
	v49 =	vmov v35  }
0x6b4: {  	v50 =	vmovc v20;
	v51 =	vmovc v31;
	v52 =	vmov v32;
	v53 =	vmov v25;
	v54 =	vmov v18  }
0x6b5: {  	v17 =	vmovc v10;
	v22 =	vmovc v36;
	v26 =	vmov v9;
	v20 =	vmov v7;
	v18 =	vmov v6  }
0x6b6: {  	s25 =	smov.u32 s21;
	v25 =	vmovc v5;
	v31 =	vmovc v11;
	v32 =	vmov v8;
	v35 =	vmov v39;
	v36 =	vmov v13;
	p3 =	por $0x0, $0x0  }
.LBB2_40:
.Ltmp32:
0x6b7: {  	(pc) =	sbr.rel .LBB2_47-.Ltmp32, $4  }
0x6b8: {  	v34 =	vmovc v23;
	v48 =	vmov v17;
	v35 =	vmov v26;
	v49 =	vmov v33  }
0x6b9: {  	v50 =	vmovc v21;
	v51 =	vmovc v31;
	v52 =	vmov v32;
	v53 =	vmov v24;
	v54 =	vmov v18  }
0x6ba: {  	v17 =	vmovc v9;
	v23 =	vmovc v11;
	v26 =	vmov v8;
	v21 =	vmov v6;
	v18 =	vmov v5  }
0x6bb: {  	s23 =	smov.u32 s21;
	v24 =	vmovc v4;
	v31 =	vmovc v10;
	v32 =	vmov v7;
	v33 =	vmov v12;
	v37 =	vmov v13;
	p2 =	por $0x0, $0x0  }
.LBB2_8:
.Ltmp33:
0x6bc: {  	(pc) =	sbr.rel .LBB2_15-.Ltmp33, $3  }
0x6bd: {  	_ =	sdelay $0x1  }
0x6be: {  	v7 =	vmov v15;
	v6 =	vmov v18;
	v30 =	vmov v20  }
0x6bf: {  	v41 =	vmovc v22;
	v8 =	vmovc v14;
	v1 =	vmov v16;
	v40 =	vmov v13;
	v53 =	vmov v47;
	p4 =	por $0x0, $0x0  }
.LBB2_20:
0x6c0: {  	v1 =	vld [tilespmem:$0x1FF10];
	_ =	sdelay $0x4  }
0x6c1: {  	[tilespmem:$0x1FE20] =	vst v1;
	v1 =	vld [tilespmem:$0x1FE40];
	_ =	sdelay $0x4  }
0x6c2: {  	[tilespmem:$0x1FEA0] =	vst v1  }
0x6c3: {  	_ = 	snop  }
0x6c4: {  	_ = 	snop  }
0x6c5: {  	_ = 	snop  }
0x6c6: {  	_ = 	snop  }
0x6c7: {  	_ = 	snop  }
0x6c8: {  	_ = 	snop  }
0x6c9: {  	_ = 	snop  }
0x6ca: {  	_ = 	snop  }
0x6cb: {  	_ = 	snop  }
0x6cc: {  	_ = 	snop  }
0x6cd: {  	[tilespmem:$0x1FF20] =	vst v41  }
0x6ce: {  	[tilespmem:$0x1FF40] =	vst v40  }
0x6cf: {  	[tilespmem:$0x1FE30] =	vst v53;
	v36 =	vmov v5;
	v5 =	vld [tilespmem:$0x1FE50]  }
.Ltmp34:
0x6d0: {  	[tilespmem:$0x1FEB0] =	vst v26;
	v21 =	vld [tilespmem:$0x1FF00];
	(pc) =	sbr.rel .LBB2_27-.Ltmp34, $4  }
0x6d1: {  	v33 =	vmov v16;
	v16 =	vmov v23;
	[tilespmem:$0x1FEC0] =	vst v11;
	v23 =	vld [tilespmem:$0x1FE80]  }
0x6d2: {  	v54 =	vmov v57;
	[tilespmem:$0x1FED0] =	vst v14;
	v14 =	vmov v27;
	v27 =	vld [tilespmem:$0x1FE60]  }
0x6d3: {  	v46 =	vmovc v17;
	v17 =	vmovc v19;
	v60 =	vmov v13;
	v13 =	vmov v15;
	v11 =	vmov v28;
	[tilespmem:$0x1FEE0] =	vst v10;
	v26 =	vld [tilespmem:$0x1FE90]  }
0x6d4: {  	v15 =	vmovc v9;
	v22 =	vmovc v18;
	v18 =	vmov v8;
	v20 =	vmov v58;
	p3 =	por $0x0, $0x0;
	v28 =	vld [tilespmem:$0x1FE70];
	[tilespmem:$0x1FF30] =	vst v35;
	v58 =	vmov v5  }
.LBB2_32:
.Ltmp35:
0x6d5: {  	(pc) =	sbr.rel .LBB2_37-.Ltmp35, $4  }
0x6d6: {  	v33 =	vmov v36  }
0x6d7: {  	v48 =	vmovc v10;
	v34 =	vmovc v9;
	v49 =	vmov v39;
	v50 =	vmov v7;
	v51 =	vmov v11  }
0x6d8: {  	s25 =	smov.u32 s20;
	v52 =	vmovc v8;
	v53 =	vmovc v5;
	v54 =	vmov v6;
	v44 =	vmov v30;
	v41 =	vmov v27  }
0x6d9: {  	s26 =	smov.u32 s21;
	s20 =	smov.u32 s23;
	v42 =	vmovc v28;
	v36 =	vmovc v13;
	v39 =	vmov v23;
	v40 =	vmov v19;
	p3 =	por $0x0, $0x0;
	v43 =	vmov v38  }
.LBB2_42:
.Ltmp36:
0x6da: {  	(pc) =	sbr.rel .LBB2_47-.Ltmp36, $4  }
0x6db: {  	v44 =	vmov v38  }
0x6dc: {  	v34 =	vmovc v11;
	v48 =	vmovc v9;
	v35 =	vmov v8;
	v49 =	vmov v12;
	v50 =	vmov v6  }
0x6dd: {  	v51 =	vmovc v10;
	v52 =	vmovc v7;
	v53 =	vmov v4;
	v54 =	vmov v5;
	v45 =	vmov v30  }
0x6de: {  	s23 =	smov.u32 s18;
	s24 =	smov.u32 s21;
	s18 =	smov.u32 s20;
	v41 =	vmovc v28;
	v42 =	vmovc v27;
	v37 =	vmov v13;
	v40 =	vmov v22;
	v39 =	vmov v19  }
.LBB2_10:
.Ltmp37:
0x6df: {  	v6 =	vmov v17;
	v1 =	vmov v19;
	(pc) =	sbr.rel .LBB2_15-.Ltmp37, $4  }
0x6e0: {  	v51 =	vmovc v35;
	v9 =	vmovc v31;
	v37 =	vmov v26;
	v48 =	vmov v29;
	v45 =	vmov v28  }
0x6e1: {  	v40 =	vmovc v13;
	vm1 =	vmmov vm0;
	v5 =	vmovc v36;
	v43 =	vmov v15;
	v7 =	vmov v18  }
0x6e2: {  	v17 =	vmovc v42;
	v38 =	vmovc v25;
	v46 =	vmov v20;
	v30 =	vmov v23;
	v53 =	vmov v47  }
0x6e3: {  	v47 =	vmovc v22;
	v41 =	vmovc v27;
	v49 =	vmov v14;
	v8 =	vmov v16;
	v19 =	vmov v44;
	p4 =	por $0x0, $0x0  }
.LBB2_22:
0x6e4: {  	v46 =	vld [tilespmem:$0x1FE80]  }
0x6e5: {  	[tilespmem:$0x1FEE0] =	vst v50;
	v50 =	vld [tilespmem:$0x1FE70]  }
0x6e6: {  	[tilespmem:$0x1FEA0] =	vst v33;
	v33 =	vmov v58;
	v58 =	vld [tilespmem:$0x1FE90]  }
0x6e7: {  	v34 =	vmov v2;
	v2 =	vmov v14;
	v14 =	vmov v5;
	v5 =	vld [tilespmem:$0x1FE50]  }
0x6e8: {  	v7 =	vmov v25;
	v25 =	vmov v1;
	v8 =	vld [tilespmem:$0x1FCD0]  }
0x6e9: {  	[tilespmem:$0x1FCC0] =	vst v35;
	v1 =	vld [tilespmem:$0x1FF10]  }
0x6ea: {  	[tilespmem:$0x1FCB0] =	vst v42;
	v10 =	vld [tilespmem:$0x1FD00]  }
0x6eb: {  	[tilespmem:$0x1FEB0] =	vst v52;
	v11 =	vld [tilespmem:$0x1FCE0]  }
0x6ec: {  	[tilespmem:$0x1FF30] =	vst v9;
	v9 =	vld [tilespmem:$0x1FD20]  }
0x6ed: {  	v35 =	vmovc v48;
	v4 =	vmovc v21;
	v22 =	vmov v57;
	[tilespmem:$0x1FF20] =	vst v54;
	v54 =	vmov v8;
	v57 =	vmov v8;
	v8 =	vld [tilespmem:$0x1FD10]  }
0x6ee: {  	v21 =	vmovc v40;
	v61 =	vmovc v19;
	v32 =	vmov v13;
	v13 =	vmov v41;
	v6 =	vmov v37;
	[tilespmem:$0x1FCA0] =	vst v1;
	v1 =	vld [tilespmem:$0x1FE40]  }
.Ltmp38:
0x6ef: {  	v60 =	vld [tilespmem:$0x1FE60];
	[tilespmem:$0x1FEC0] =	vst v55;
	v51 =	vmovc v39;
	vm2 =	vmmov vm0;
	v0 =	vmovc v12;
	v39 =	vmov v20;
	v52 =	vmov v23;
	(pc) =	sbr.rel .LBB2_27-.Ltmp38, $4  }
0x6f0: {  	[tilespmem:$0x1FED0] =	vst v44;
	v48 =	vld [tilespmem:$0x1FCF0];
	v42 =	vmovc v27;
	v47 =	vmovc v24;
	v44 =	vmov v17;
	v55 =	vmov v18;
	v24 =	vmov v38  }
0x6f1: {  	v20 =	vld [tilespmem:$0x1FD30];
	v12 =	vmovc v4;
	v17 =	vmovc v35;
	[tilespmem:$0x1FF40] =	vst v26;
	v4 =	vmov v31;
	v35 =	vmov v15;
	v31 =	vmov v28  }
0x6f2: {  	[tilespmem:$0x1FE30] =	vst v5;
	v27 =	vmovc v10;
	v26 =	vmovc v11;
	v11 =	vld [tilespmem:$0x1FCB0];
	v15 =	vmov v50;
	v50 =	vmov v16;
	v18 =	vmov v58  }
0x6f3: {  	v16 =	vld [tilespmem:$0x1FCC0];
	v58 =	vmovc v36;
	v36 =	vmovc v30;
	v30 =	vmov v53;
	v23 =	vmov v9;
	v28 =	vmov v8;
	[tilespmem:$0x1FE20] =	vst v1  }
.LBB2_34:
.Ltmp39:
0x6f4: {  	(pc) =	sbr.rel .LBB2_37-.Ltmp39, $4  }
0x6f5: {  	v33 =	vmovc v22;
	v48 =	vmov v17;
	v34 =	vmov v26;
	v49 =	vmov v35  }
0x6f6: {  	v50 =	vmovc v20;
	v51 =	vmovc v31;
	v52 =	vmov v32;
	v53 =	vmov v25;
	v54 =	vmov v18  }
0x6f7: {  	s26 =	smov.u32 s20;
	v17 =	vmovc v7;
	v22 =	vmovc v8;
	v26 =	vmov v47;
	v20 =	vmov v9;
	v18 =	vmov v5  }
0x6f8: {  	s22 =	smov.u32 s21;
	s25 =	smov.u32 s23;
	s20 =	smov.u32 s24;
	v25 =	vmovc v6;
	v31 =	vmovc v46;
	v32 =	vmov v10;
	v35 =	vmov v11;
	v36 =	vmov v13  }
.LBB2_44:
.Ltmp40:
0x6f9: {  	(pc) =	sbr.rel .LBB2_47-.Ltmp40, $4  }
0x6fa: {  	v34 =	vmovc v23;
	v48 =	vmov v17;
	v35 =	vmov v26;
	v49 =	vmov v33  }
0x6fb: {  	v50 =	vmovc v21;
	v51 =	vmovc v31;
	v52 =	vmov v32;
	v53 =	vmov v24;
	v54 =	vmov v18  }
0x6fc: {  	s24 =	smov.u32 s18;
	v17 =	vmovc v6;
	v23 =	vmovc v7;
	v26 =	vmov v12;
	v21 =	vmov v8;
	v18 =	vmov v4  }
0x6fd: {  	s19 =	smov.u32 s21;
	s23 =	smov.u32 s20;
	s18 =	smov.u32 s22;
	v24 =	vmovc v5;
	v31 =	vmovc v11;
	v32 =	vmov v9;
	v33 =	vmov v10;
	v37 =	vmov v13  }
.LBB2_12:
.Ltmp41:
0x6fe: {  	(pc) =	sbr.rel .LBB2_15-.Ltmp41, $4  }
0x6ff: {  	_ = 	snop  }
0x700: {  	v7 =	vmov v17;
	v53 =	vld [tilespmem:$0x1FFA0]  }
0x701: {  	v8 =	vmovc v19;
	v40 =	vmovc v13;
	v43 =	vmov v18;
	v6 =	vmov v42;
	v17 =	vmov v1;
	v54 =	vld [tilespmem:$0x1FFB0]  }
0x702: {  	v46 =	vmovc v23;
	v47 =	vmovc v27;
	v49 =	vmov v16;
	v1 =	vmov v44;
	v19 =	vmov v2;
	v56 =	vld [tilespmem:$0x1FFC0]  }
.LBB2_24:
0x703: {  	v1 =	vld [tilespmem:$0x1FF10]  }
0x704: {  	[tilespmem:$0x1FF20] =	vst v13;
	v13 =	vld [tilespmem:$0x1FBF0]  }
0x705: {  	v8 =	vld [tilespmem:$0x1FE50]  }
0x706: {  	v5 =	vld [tilespmem:$0x1FBB0]  }
0x707: {  	v57 =	vld [tilespmem:$0x1FCD0]  }
0x708: {  	[tilespmem:$0x1FEA0] =	vst v22;
	v22 =	vmov v28;
	v28 =	vld [tilespmem:$0x1FC30]  }
0x709: {  	v45 =	vld [tilespmem:$0x1FC10]  }
0x70a: {  	v50 =	vld [tilespmem:$0x1FC60]  }
0x70b: {  	[tilespmem:$0x1FED0] =	vst v17;
	v17 =	vmov v44;
	v44 =	vld [tilespmem:$0x1FC40]  }
0x70c: {  	v55 =	vld [tilespmem:$0x1FC70]  }
0x70d: {  	v53 =	vld [tilespmem:$0x1FC00]  }
0x70e: {  	[tilespmem:$0x1FE30] =	vst v52;
	v52 =	vld [tilespmem:$0x1FC80]  }
0x70f: {  	[tilespmem:$0x1FF30] =	vst v15;
	v36 =	vmov v38;
	v38 =	vld [tilespmem:$0x1FC90]  }
0x710: {  	[tilespmem:$0x1FF40] =	vst v24;
	v48 =	vmov v42;
	v42 =	vmov v47;
	v47 =	vld [tilespmem:$0x1FBE0]  }
0x711: {  	[tilespmem:$0x1FB90] =	vst v1;
	v1 =	vld [tilespmem:$0x1FE40]  }
.Ltmp42:
0x712: {  	[tilespmem:$0x1FE20] =	vst v60;
	v58 =	vmov v21;
	v21 =	vmov v30;
	v24 =	vld [tilespmem:$0x1FBD0];
	(pc) =	sbr.rel .LBB2_27-.Ltmp42, $4  }
0x713: {  	v15 =	vmov v27;
	[tilespmem:$0x1FEB0] =	vst v23;
	v37 =	vld [tilespmem:$0x1FBC0]  }
0x714: {  	v60 =	vmovc v33;
	v33 =	vmovc v20;
	[tilespmem:$0x1FEC0] =	vst v18;
	v23 =	vmov v9;
	v27 =	vmov v11;
	v59 =	vmov v35;
	v35 =	vld [tilespmem:$0x1FC50]  }
0x715: {  	[tilespmem:$0x1FEE0] =	vst v16;
	v20 =	vmovc v14;
	v18 =	vmovc v10;
	v11 =	vmov v15;
	v14 =	vmov v21;
	v21 =	vmov v26;
	v26 =	vld [tilespmem:$0x1FC20]  }
0x716: {  	v15 =	vmovc v46;
	v46 =	vmovc v19;
	v19 =	vld [tilespmem:$0x1FBA0];
	v54 =	vmov v57;
	v30 =	vmov v8;
	v16 =	vmov v5;
	[tilespmem:$0x1FCA0] =	vst v1  }
.LBB2_48:
0x717: {  	_ =	sfence.sel $0x180000  }
0x718: {  	[bflag:$0x0] =	sbarrier.arrive $0xFFFF  }
0x719: {  	p0 =	sne.s32 s0, $0x0;
	_ =	strace $0x90000047  }
0x71a: {  	s0 =	sadd.s32 @!p0 $0x100000, s1;
	[bflag:$0x2] =	sbarrier.arrive $0xFFFF  }
0x71b: {  	[sflag:s0] =	ssyncadd.tile.s32 @!p0 $0x1;
	_ =	shalt  }
.Lfunc_end2:
_tile_overlayer_lowered:
.L_overlay_start_2:
0x71c: {  	(tag) =	ssettag $0x2  }
0x71d: {  	s0 =	rddreg [dreg:$0x0];
	s2 =	stileid.u32  }
0x71e: {  	s1 =	rddreg [dreg:$0x1];
	p0 =	sne.s32 s2, $0x0  }
0x71f: {  	s3 =	rddreg [dreg:$0x2];
	[bflag:$0x3] =	sbarrier.arrive $0xFFFF;
	s2 =	simm.s32 @!p0 $0x1C01  }
0x720: {  	[timem:s3], [sflag:s2] =	dma.local @!p0 [hbm:s0], s1  }
0x721: {  	s0 =	simm.s32 @!p0 $0x1  }
0x722: {  	_ =	swait.ge @!p0 [sflag:s0], s1  }
0x723: {  	s1 =	ssub.s32 @!p0 $0x0, s1;
	[sflag:s0] =	ssyncset.done @!p0 $0x0  }
0x724: {  	[sflag:s0] =	ssyncadd.s32 @!p0 s1  }
0x725: {  	[bflag:$0x3] =	sbarrier.arrive $0xFFFF  }
0x726: {  	_ =	shalt  }

</sc_bundles>
